<compile_context>
chip_gen: v7x
topology: tpu7x:2x2x1
jax: 0.10.2.dev20260603
libtpu: 0.0.44.dev20260713+nightly
codegen_flags: <defaults>
</compile_context>

<pallas_src>
import jax
import jax.numpy as jnp
from jax import lax
from jax.experimental import pallas as pl
from jax.experimental.pallas import tpu as pltpu
from jax.experimental.pallas import tpu_sc as plsc

_N = 10000
_E = 320000
_F = 67
_H = 128
_DP = 128
_CHUNK = 128
_EPS = 80 * 4096
_NW = 32
_PW = _EPS // _NW
_KW = _PW // _CHUNK
_TR = 2 * _N
_ZCH = (_N // 16 + 8) // 8 * 8
_NACC = 16 * _ZCH
_EB = 2048
_NB = 2000



def _sc_gather_body(zzs, zzt, srcg, tgtg, gs_out, gt_out,
                    idxs_v, idxt_v, bs0, bs1, bt0, bt1,
                    gss0, gss1, gst0, gst1, wss0, wss1, wst0, wst1):
    c = lax.axis_index("c")
    s = lax.axis_index("s")
    wid = c * 16 + s
    pltpu.sync_copy(srcg.at[wid], idxs_v)
    pltpu.sync_copy(tgtg.at[wid], idxt_v)
    base = wid * _PW
    bufs = ((bs0, bt0, gss0, gst0, wss0, wst0),
            (bs1, bt1, gss1, gst1, wss1, wst1))

    def fire_gather(ch, b):
        bs, bt, gss, gst, _, _ = bufs[b]
        pltpu.async_copy(zzs.at[idxs_v.at[ch]], bs, gss)
        pltpu.async_copy(zzt.at[idxt_v.at[ch]], bt, gst)

    def wait_gather(ch, b):
        bs, bt, gss, gst, _, _ = bufs[b]
        pltpu.make_async_copy(zzs.at[idxs_v.at[ch]], bs, gss).wait()
        pltpu.make_async_copy(zzt.at[idxt_v.at[ch]], bt, gst).wait()

    def fire_write(ch, b):
        bs, bt, _, _, wss, wst = bufs[b]
        row = base + ch * _CHUNK
        pltpu.async_copy(bs, gs_out.at[pl.ds(row, _CHUNK)], wss)
        pltpu.async_copy(bt, gt_out.at[pl.ds(row, _CHUNK)], wst)

    def wait_write(ch, b):
        bs, bt, _, _, wss, wst = bufs[b]
        row = base + ch * _CHUNK
        pltpu.make_async_copy(bs, gs_out.at[pl.ds(row, _CHUNK)], wss).wait()
        pltpu.make_async_copy(bt, gt_out.at[pl.ds(row, _CHUNK)], wst).wait()

    fire_gather(0, 0)
    fire_gather(1, 1)

    @pl.loop(0, _KW - 2, step=2)
    def _(j):
        for b in range(2):
            ch = j + b
            wait_gather(ch, b)
            fire_write(ch, b)
            wait_write(ch, b)
            fire_gather(ch + 2, b)

    for b in range(2):
        ch = _KW - 2 + b
        wait_gather(ch, b)
        fire_write(ch, b)
        wait_write(ch, b)


def _sc_scatter_body(msg, tgtl, zeros, agg_out, acc, idx_v, m0, m1, r0, r1):
    c = lax.axis_index("c")
    s = lax.axis_index("s")
    wid = c * 16 + s
    pltpu.sync_copy(zeros, acc.at[pl.ds(s * _ZCH, _ZCH)])
    plsc.subcore_barrier()
    pltpu.sync_copy(tgtl.at[wid], idx_v)
    base = wid * _PW
    bufs = ((m0, r0), (m1, r1))

    def fire_read(ch, b):
        mb, rb = bufs[b]
        pltpu.async_copy(msg.at[pl.ds(base + ch * _CHUNK, _CHUNK)], mb, rb)

    def wait_read(ch, b):
        mb, rb = bufs[b]
        pltpu.make_async_copy(
            msg.at[pl.ds(base + ch * _CHUNK, _CHUNK)], mb, rb).wait()

    fire_read(0, 0)
    fire_read(1, 1)

    @pl.loop(0, _KW - 2, step=2)
    def _(j):
        for b in range(2):
            ch = j + b
            wait_read(ch, b)
            pltpu.sync_copy(bufs[b][0], acc.at[idx_v.at[ch]], add=True)
            fire_read(ch + 2, b)

    for b in range(2):
        ch = _KW - 2 + b
        wait_read(ch, b)
        pltpu.sync_copy(bufs[b][0], acc.at[idx_v.at[ch]], add=True)

    plsc.subcore_barrier()
    pltpu.sync_copy(acc.at[pl.ds(s * _ZCH, _ZCH)],
                    agg_out.at[c, pl.ds(s * _ZCH, _ZCH)])


def _sc_gather(zzs, zzt, srcg, tgtg):
    mesh = plsc.VectorSubcoreMesh(core_axis_name="c", subcore_axis_name="s",
                                  num_cores=2, num_subcores=16)
    f32 = jnp.float32
    buf = pltpu.MemorySpace.VMEM((_CHUNK, _DP), f32)
    return pl.kernel(
        _sc_gather_body,
        out_type=[jax.ShapeDtypeStruct((_EPS, _DP), f32),
                  jax.ShapeDtypeStruct((_EPS, _DP), f32)],
        mesh=mesh,
        scratch_types=[
            pltpu.MemorySpace.VMEM((_KW, _CHUNK), jnp.int32),
            pltpu.MemorySpace.VMEM((_KW, _CHUNK), jnp.int32),
            buf, buf, buf, buf,
        ] + [pltpu.SemaphoreType.DMA] * 8,
    )(zzs, zzt, srcg, tgtg)


def _sc_scatter(msg, tgtl, zeros):
    mesh = plsc.VectorSubcoreMesh(core_axis_name="c", subcore_axis_name="s",
                                  num_cores=2, num_subcores=16)
    f32 = jnp.float32
    buf = pltpu.MemorySpace.VMEM((_CHUNK, _DP), f32)
    return pl.kernel(
        _sc_scatter_body,
        out_type=jax.ShapeDtypeStruct((2, _NACC, _DP), f32),
        mesh=mesh,
        scratch_types=[
            pltpu.MemorySpace.VMEM_SHARED((_NACC, _DP), f32),
            pltpu.MemorySpace.VMEM((_KW, _CHUNK), jnp.int32),
            buf, buf,
            pltpu.SemaphoreType.DMA,
            pltpu.SemaphoreType.DMA,
        ],
    )(msg, tgtl, zeros)



def _tc_edge_body(gs_ref, gt_ref, asrc_ref, atgt_ref, wp_ref, b1_ref,
                  sel_ref, w7_ref, w2e_ref, b2e_ref, w2w_ref, b2w_ref,
                  out_ref):
    bf16 = jnp.bfloat16
    gs = gs_ref[...]
    gt = gt_ref[...]
    p = gs * gt
    h = (jnp.dot(gs.astype(bf16), asrc_ref[...].astype(bf16),
                 preferred_element_type=jnp.float32)
         + jnp.dot(gt.astype(bf16), atgt_ref[...].astype(bf16),
                   preferred_element_type=jnp.float32)
         + jnp.dot(p.astype(bf16), wp_ref[...].astype(bf16),
                   preferred_element_type=jnp.float32)
         + b1_ref[...])
    acr2 = jnp.dot(p, sel_ref[...], preferred_element_type=jnp.float32)
    acr = jnp.sqrt(jnp.maximum(acr2, 0.0))
    h = h + jnp.dot(acr, w7_ref[...], preferred_element_type=jnp.float32)
    h = jnp.maximum(h, 0.0)
    he = h[:, :_H]
    hw = h[:, _H:]
    m = (jnp.dot(he.astype(bf16), w2e_ref[...].astype(bf16),
                 preferred_element_type=jnp.float32)
         + b2e_ref[...])
    wl = (jnp.dot(hw, w2w_ref[...], preferred_element_type=jnp.float32)
          + b2w_ref[...])
    sig = jax.nn.sigmoid(wl)
    out_ref[...] = m * sig[:, 0:1]


def _tc_world_body(z_ref, aw_ref, b1_ref, w2_ref, b2n_ref, out_ref):
    hrows = jnp.maximum(
        jnp.dot(z_ref[...], aw_ref[0], preferred_element_type=jnp.float32)
        + b1_ref[0], 0.0)
    hsum = jnp.sum(hrows, axis=0, keepdims=True)
    out_ref[0] = (jnp.dot(hsum, w2_ref[0], preferred_element_type=jnp.float32)
                  + b2n_ref[0])


def _tc_node_body(zh_ref, zl_ref, a0_ref, a1_ref, a2_ref, a3_ref, sv_ref,
                  wzs_ref, wms_ref, b1s_ref, w2s_ref, b2s_ref,
                  wzc_ref, wmc_ref, b1c_ref, w2c_ref, b2c_ref, out_ref):
    f32 = jnp.float32
    zs = (zh_ref[...], zl_ref[...])
    ag = (a0_ref, a1_ref, a2_ref, a3_ref)
    for k in range(2):
        z = zs[k]
        ags = ag[2 * k][0] + ag[2 * k][1]
        agc = ag[2 * k + 1][0] + ag[2 * k + 1][1]
        sm = sv_ref[k]
        h1 = jnp.maximum(
            jnp.dot(z, wzs_ref[k], preferred_element_type=f32)
            + jnp.dot(ags, wms_ref[k], preferred_element_type=f32)
            + jnp.dot(sm, wms_ref[k], preferred_element_type=f32)
            + b1s_ref[k], 0.0)
        o = jnp.dot(h1, w2s_ref[k], preferred_element_type=f32) + b2s_ref[k]
        h2 = jnp.maximum(
            jnp.dot(z, wzc_ref[k], preferred_element_type=f32)
            + jnp.dot(agc, wmc_ref[k], preferred_element_type=f32)
            + b1c_ref[k], 0.0)
        out_ref[k] = (o + jnp.dot(h2, w2c_ref[k], preferred_element_type=f32)
                      + b2c_ref[k])



_LX = _F
_NLANES = _F + 19


def _edge_weights(p):
    W1e, b1e = p["edge"]["W1"], p["edge"]["b1"]
    W2e, b2e = p["edge"]["W2"], p["edge"]["b2"]
    W1w, b1w = p["weight"]["W1"], p["weight"]["b1"]
    W2w, b2w = p["weight"]["W2"], p["weight"]["b2"]
    a_src = jnp.concatenate([W1e[:_F], W1w[:_F]], axis=1)
    a_tgt = jnp.concatenate([W1e[_F:2 * _F], W1w[_F:2 * _F]], axis=1)
    wc = jnp.concatenate([W1e[2 * _F:], W1w[2 * _F:]], axis=1)
    a_src = a_src.at[0:3].add(wc[0:3])
    a_tgt = a_tgt.at[0:3].add(-wc[0:3])
    a_src = jnp.pad(a_src, ((0, _DP - _F), (0, 0)))
    a_tgt = jnp.pad(a_tgt, ((0, _DP - _F), (0, 0)))
    a_src = a_src.at[_LX + 18].set(wc[3])
    a_tgt = a_tgt.at[_LX + 18].set(wc[3])
    wp = jnp.zeros((_DP, 2 * _H), W1e.dtype)
    wp = wp.at[_LX + 0:_LX + 3].set(-2.0 * wc[3][None])
    wp = wp.at[_LX + 3].set(wc[4])
    wp = wp.at[_LX + 4].set(-wc[4])
    wp = wp.at[_LX + 5].set(wc[5])
    wp = wp.at[_LX + 6].set(-wc[5])
    wp = wp.at[_LX + 7].set(wc[6])
    wp = wp.at[_LX + 8].set(-wc[6])
    w7 = jnp.zeros((8, 2 * _H), W1e.dtype).at[0].set(wc[7])
    b1 = jnp.concatenate([b1e, b1w])[None]
    w2e = jnp.pad(W2e, ((0, 0), (0, _DP - _F)))
    b2e_p = jnp.pad(b2e, (0, _DP - _F))[None]
    w2w_c = jnp.zeros((_H, 8), W1e.dtype).at[:, 0].set(W2w[:, 0])
    b2w_p = jnp.broadcast_to(b2w, (8,))[None]
    return a_src, a_tgt, wp, b1, w7, w2e, b2e_p, w2w_c, b2w_p


def _table_consts():
    import numpy as np
    sa = np.zeros((_F, 16), np.float32)
    sb = np.zeros((_F, 16), np.float32)
    for j, (ia, ib) in enumerate([(0, 0), (1, 1), (2, 2), (3, 3), (4, 4),
                                  (5, 5), (3, 4), (4, 5), (5, 3)]):
        sa[ia, j] = 1.0
        sb[ib, j] = 1.0
    ls = np.zeros((_F, _DP), np.float32)
    lt = np.zeros((_F, _DP), np.float32)
    for i in range(_F):
        ls[i, i] = 1.0
        lt[i, i] = 1.0
    for j, i in enumerate([0, 1, 2, 4, 5, 5, 3, 3, 4]):
        ls[i, _LX + j] = 1.0
    for j, i in enumerate([0, 1, 2, 5, 4, 3, 5, 4, 3]):
        lt[i, _LX + j] = 1.0
    qs = np.zeros((16, _DP), np.float32)
    qt = np.zeros((16, _DP), np.float32)
    for j, (q, w) in enumerate([(4, 1.0), (7, -2.0), (5, 1.0),
                                (5, 1.0), (8, -2.0), (3, 1.0),
                                (3, 1.0), (6, -2.0), (4, 1.0)]):
        qs[q, _LX + 9 + j] = w
    for j, q in enumerate([5, 7, 4, 3, 8, 5, 4, 6, 3]):
        qt[q, _LX + 9 + j] = 1.0
    for q in (0, 1, 2):
        qs[q, _LX + 18] = 1.0
        qt[q, _LX + 18] = 1.0
    return sa, sb, ls, qs, lt, qt


def _tc_table_body(z_ref, sa_ref, sb_ref, ls_ref, qs_ref, lt_ref, qt_ref,
                   zzs_ref, zzt_ref):
    hi = jax.lax.Precision.HIGHEST
    z = z_ref[...]
    a = jnp.dot(z, sa_ref[...], precision=hi,
                preferred_element_type=jnp.float32)
    b = jnp.dot(z, sb_ref[...], precision=hi,
                preferred_element_type=jnp.float32)
    q = a * b
    zzs_ref[...] = (jnp.dot(z, ls_ref[...], precision=hi,
                            preferred_element_type=jnp.float32)
                    + jnp.dot(q, qs_ref[...], precision=hi,
                              preferred_element_type=jnp.float32))
    zzt_ref[...] = (jnp.dot(z, lt_ref[...], precision=hi,
                            preferred_element_type=jnp.float32)
                    + jnp.dot(q, qt_ref[...], precision=hi,
                              preferred_element_type=jnp.float32))


def _build_tables(zcat):
    f32 = jnp.float32
    consts = [jnp.asarray(x) for x in _table_consts()]
    wspec = [pl.BlockSpec(x.shape, lambda k: (0, 0)) for x in consts]
    return pl.pallas_call(
        _tc_table_body,
        grid=(_TR // _NB,),
        in_specs=[pl.BlockSpec((_NB, _F), lambda k: (k, 0))] + wspec,
        out_specs=[pl.BlockSpec((_NB, _DP), lambda k: (k, 0)),
                   pl.BlockSpec((_NB, _DP), lambda k: (k, 0))],
        out_shape=[jax.ShapeDtypeStruct((_TR, _DP), f32),
                   jax.ShapeDtypeStruct((_TR, _DP), f32)],
    )(zcat, *consts)


def _world_weights(p, pos_world):
    W1, b1 = p["world"]["W1"], p["world"]["b1"]
    W2, b2 = p["world"]["W2"], p["world"]["b2"]
    aw = W1[:_F].at[0:3].add(W1[_F:_F + 3])
    aw = jnp.pad(aw, ((0, _DP - _F), (0, 0)))
    b1e = (b1 - pos_world @ W1[_F:_F + 3])[None]
    w2 = jnp.pad(W2, ((0, 0), (0, _DP - _F)))
    b2n = (float(_N) * jnp.pad(b2, (0, _DP - _F)))[None]
    return aw, b1e, w2, b2n


def _node_weights(p):
    W1, b1 = p["node"]["W1"], p["node"]["b1"]
    W2, b2 = p["node"]["W2"], p["node"]["b2"]
    wz = jnp.pad(W1[:_F], ((0, _DP - _F), (0, 0)))
    wm = jnp.pad(W1[_F:2 * _F], ((0, _DP - _F), (0, 0)))
    w2 = jnp.pad(W2, ((0, 0), (0, _DP - _F)))
    return wz, wm, b1[None], w2, jnp.pad(b2, (0, _DP - _F))[None]


def _prep_indices(edges, soff, toff):
    pad_src = jnp.arange(_EPS - _E, dtype=jnp.int32) % _N
    src = jnp.concatenate([edges[0] + soff, pad_src]).reshape(_NW, _KW, _CHUNK)
    tgtg = jnp.concatenate([edges[1] + toff, pad_src]).reshape(_NW, _KW, _CHUNK)
    pad_tgt = jnp.full((_EPS - _E,), _N, jnp.int32)
    tgtl = jnp.concatenate([edges[1], pad_tgt]).reshape(_NW, _KW, _CHUNK)
    return src, tgtg, tgtl



def kernel(z_h, z_l, edge_index_h_h, edge_index_h_l, edge_index_l_h,
           edge_index_l_l, pos_world, params):
    f32 = jnp.float32

    zzs, zzt = _build_tables(jnp.concatenate([z_h, z_l], axis=0))

    sets = [
        (edge_index_h_h, 0, 0, params["h"]),
        (edge_index_l_h, _N, 0, params["lh"]),
        (edge_index_l_l, _N, _N, params["l"]),
        (edge_index_h_l, 0, _N, params["hl"]),
    ]
    sel = jnp.zeros((_DP, 8), f32).at[_LX + 9:_LX + 18, 0].set(1.0)
    zeros = jnp.zeros((_ZCH, _DP), f32)

    nblk = _EPS // _EB
    espec = [
        pl.BlockSpec((_EB, _DP), lambda b: (b, 0)),
        pl.BlockSpec((_EB, _DP), lambda b: (b, 0)),
        pl.BlockSpec((_DP, 2 * _H), lambda b: (0, 0)),
        pl.BlockSpec((_DP, 2 * _H), lambda b: (0, 0)),
        pl.BlockSpec((_DP, 2 * _H), lambda b: (0, 0)),
        pl.BlockSpec((1, 2 * _H), lambda b: (0, 0)),
        pl.BlockSpec((_DP, 8), lambda b: (0, 0)),
        pl.BlockSpec((8, 2 * _H), lambda b: (0, 0)),
        pl.BlockSpec((_H, _DP), lambda b: (0, 0)),
        pl.BlockSpec((1, _DP), lambda b: (0, 0)),
        pl.BlockSpec((_H, 8), lambda b: (0, 0)),
        pl.BlockSpec((1, 8), lambda b: (0, 0)),
    ]
    aggs = []
    for (e, soff, toff, p) in sets:
        srcg, tgtg, tgtl = _prep_indices(e, soff, toff)
        gsq, gtq = _sc_gather(zzs, zzt, srcg, tgtg)
        asrc, atgt, wp, b1, w7, w2e, b2e, w2w, b2w = _edge_weights(p)
        msg = pl.pallas_call(
            _tc_edge_body,
            grid=(nblk,),
            in_specs=espec,
            out_specs=pl.BlockSpec((_EB, _DP), lambda b: (b, 0)),
            out_shape=jax.ShapeDtypeStruct((_EPS, _DP), f32),
        )(gsq, gtq, asrc, atgt, wp, b1, sel, w7, w2e, b2e, w2w, b2w)
        aggs.append(_sc_scatter(msg, tgtl, zeros))

    ww = [_world_weights(params["h"], pos_world),
          _world_weights(params["l"], pos_world)]
    aw = jnp.stack([w[0] for w in ww])
    b1w = jnp.stack([w[1] for w in ww])
    w2w_w = jnp.stack([w[2] for w in ww])
    b2nw = jnp.stack([w[3] for w in ww])
    svec = pl.pallas_call(
        _tc_world_body,
        grid=(2,),
        in_specs=[
            pl.BlockSpec((_N, _DP), lambda k: (k, 0)),
            pl.BlockSpec((1, _DP, _H), lambda k: (k, 0, 0)),
            pl.BlockSpec((1, 1, _H), lambda k: (k, 0, 0)),
            pl.BlockSpec((1, _H, _DP), lambda k: (k, 0, 0)),
            pl.BlockSpec((1, 1, _DP), lambda k: (k, 0, 0)),
        ],
        out_specs=pl.BlockSpec((1, 1, _DP), lambda k: (k, 0, 0)),
        out_shape=jax.ShapeDtypeStruct((2, 1, _DP), f32),
    )(zzs, aw, b1w, w2w_w, b2nw)

    nw = [_node_weights(params[k]) for k in ("h", "lh", "l", "hl")]
    wzs = jnp.stack([nw[0][0], nw[2][0]])
    wms = jnp.stack([nw[0][1], nw[2][1]])
    b1s = jnp.stack([nw[0][2], nw[2][2]])
    w2s = jnp.stack([nw[0][3], nw[2][3]])
    b2s = jnp.stack([nw[0][4], nw[2][4]])
    wzc = jnp.stack([nw[1][0], nw[3][0]])
    wmc = jnp.stack([nw[1][1], nw[3][1]])
    b1c = jnp.stack([nw[1][2], nw[3][2]])
    w2c = jnp.stack([nw[1][3], nw[3][3]])
    b2c = jnp.stack([nw[1][4], nw[3][4]])
    nb = _N // _NB
    aspec = pl.BlockSpec((2, _NB, _DP), lambda b: (0, b, 0))
    wspec = [
        pl.BlockSpec((2, _DP, _H), lambda b: (0, 0, 0)),
        pl.BlockSpec((2, _DP, _H), lambda b: (0, 0, 0)),
        pl.BlockSpec((2, 1, _H), lambda b: (0, 0, 0)),
        pl.BlockSpec((2, _H, _DP), lambda b: (0, 0, 0)),
        pl.BlockSpec((2, 1, _DP), lambda b: (0, 0, 0)),
    ]
    dz = pl.pallas_call(
        _tc_node_body,
        grid=(nb,),
        in_specs=[
            pl.BlockSpec((_NB, _DP), lambda b: (b, 0)),
            pl.BlockSpec((_NB, _DP), lambda b: (b + _N // _NB, 0)),
            aspec, aspec, aspec, aspec,
            pl.BlockSpec((2, 1, _DP), lambda b: (0, 0, 0)),
        ] + wspec + wspec,
        out_specs=pl.BlockSpec((2, _NB, _DP), lambda b: (0, b, 0)),
        out_shape=jax.ShapeDtypeStruct((2, _N, _DP), f32),
    )(zzs, zzs, aggs[0], aggs[1], aggs[2], aggs[3], svec,
      wzs, wms, b1s, w2s, b2s, wzc, wmc, b1c, w2c, b2c)

    return dz[0, :, :_F], dz[1, :, :_F]

# --- scband reference (transcript-rebuilt; emitter-appended) ---
"""Pipeline reference for scband-odefunc-46428596469879 (READ-ONLY COPY).

The authoritative reference and input builder live on the scoring server;
editing this copy changes nothing except your own understanding.
"""

import jax, jax.numpy as jnp
import numpy as np

N = 10000
E = 320000
F = 67
M = 67
H = 128
ED = 8

def _mlp_params(key, din, dh, dout):
    k1, k2 = jax.random.split(key)
    return {"W1": jax.random.normal(k1, (din, dh), dtype=jnp.float32) * 0.05,
            "b1": jnp.zeros((dh,), jnp.float32),
            "W2": jax.random.normal(k2, (dh, dout), dtype=jnp.float32) * 0.05,
            "b2": jnp.zeros((dout,), jnp.float32)}

def _mlp(p, x):
    h = jax.nn.relu(x @ p["W1"] + p["b1"])
    return h @ p["W2"] + p["b2"]

def _edge_feats(z_s, z_t, edges):
    src, tgt = edges[0], edges[1]
    diff = z_s[src, 0:3] - z_t[tgt, 0:3]
    dist = (diff ** 2).sum(-1, keepdims=True)
    cr = jnp.cross(z_s[src, 3:6], z_t[tgt, 3:6])
    acr = jnp.linalg.norm(cr, axis=-1, keepdims=True)
    return jnp.concatenate([diff, dist, cr, acr], axis=-1)

def _gnn_self(p, z, edges, pos_world):
    e = _edge_feats(z, z, edges)
    src, tgt = edges[0], edges[1]
    inp = jnp.concatenate([z[src], z[tgt], e], axis=-1)
    m = _mlp(p["edge"], inp)
    w = jax.nn.sigmoid(_mlp(p["weight"], inp))
    m_agg = jnp.zeros_like(z).at[tgt].add(w * m)
    diffw = z[:, 0:3] - pos_world[None, :]
    mw = _mlp(p["world"], jnp.concatenate([z, diffw], axis=-1))
    m_agg_w = jnp.broadcast_to(mw.sum(0, keepdims=True), z.shape)
    return _mlp(p["node"], jnp.concatenate([z, m_agg + m_agg_w], axis=-1))

def _gnn_cross(p, z_s, z_t, edges):
    e = _edge_feats(z_s, z_t, edges)
    src, tgt = edges[0], edges[1]
    inp = jnp.concatenate([z_s[src], z_t[tgt], e], axis=-1)
    m = _mlp(p["edge"], inp)
    w = jax.nn.sigmoid(_mlp(p["weight"], inp))
    m_agg = jnp.zeros_like(z_t).at[tgt].add(w * m)
    return _mlp(p["node"], jnp.concatenate([z_t, m_agg], axis=-1))

def setup_inputs(seed: int = 0):
    key = jax.random.key(seed)
    ks = [jax.random.fold_in(key, i) for i in range(22)]
    z_h = jax.random.normal(ks[0], (N, F), jnp.float32)
    z_l = jax.random.normal(ks[1], (N, F), jnp.float32)
    pos_world = jax.random.normal(ks[2], (3,), jnp.float32)
    e_hh = jax.random.randint(ks[3], (2, E), 0, N, dtype=jnp.int32)
    e_hl = jax.random.randint(ks[4], (2, E), 0, N, dtype=jnp.int32)
    e_lh = jax.random.randint(ks[5], (2, E), 0, N, dtype=jnp.int32)
    e_ll = jax.random.randint(ks[6], (2, E), 0, N, dtype=jnp.int32)
    params = {
        "h": {"edge": _mlp_params(ks[7], 2 * F + ED, H, M),
               "weight": _mlp_params(ks[8], 2 * F + ED, H, 1),
               "node": _mlp_params(ks[9], F + M, H, F),
               "world": _mlp_params(ks[10], F + 3, H, M)},
        "l": {"edge": _mlp_params(ks[11], 2 * F + ED, H, M),
               "weight": _mlp_params(ks[12], 2 * F + ED, H, 1),
               "node": _mlp_params(ks[13], F + M, H, F),
               "world": _mlp_params(ks[14], F + 3, H, M)},
        "hl": {"edge": _mlp_params(ks[15], 2 * F + ED, H, M),
                "weight": _mlp_params(ks[16], 2 * F + ED, H, 1),
                "node": _mlp_params(ks[17], F + M, H, F)},
        "lh": {"edge": _mlp_params(ks[18], 2 * F + ED, H, M),
                "weight": _mlp_params(ks[19], 2 * F + ED, H, 1),
                "node": _mlp_params(ks[20], F + M, H, F)},
    }
    return {"z_h": z_h, "z_l": z_l,
            "edge_index_h_h": e_hh, "edge_index_h_l": e_hl,
            "edge_index_l_h": e_lh, "edge_index_l_l": e_ll,
            "pos_world": pos_world, "params": params}

def reference(z_h, z_l, edge_index_h_h, edge_index_h_l, edge_index_l_h, edge_index_l_l, pos_world, params):
    dz_h = _gnn_self(params["h"], z_h, edge_index_h_h, pos_world) + _gnn_cross(params["lh"], z_l, z_h, edge_index_l_h)
    dz_l = _gnn_self(params["l"], z_l, edge_index_l_l, pos_world) + _gnn_cross(params["hl"], z_h, z_l, edge_index_h_l)
    return dz_h, dz_l

if __name__ == "__main__":
    import jax
    _d = setup_inputs()
    print(jax.jit(kernel)(*tuple(_d.values())))

</pallas_src>

<mosaic_0001>
#map = affine_map<(d0, d1) -> (0, 0)>
#map1 = affine_map<(d0, d1) -> (0, 0, 0)>
module attributes {stable_mosaic.version = 14 : i64} {
  func.func @_sc_gather_body(%arg0: i32, %arg1: i32, %arg2: memref<20000x128xf32, #tpu.memory_space<hbm>>, %arg3: memref<20000x128xf32, #tpu.memory_space<hbm>>, %arg4: memref<32x80x128xi32, #tpu.memory_space<hbm>>, %arg5: memref<32x80x128xi32, #tpu.memory_space<hbm>>, %arg6: memref<327680x128xf32, #tpu.memory_space<hbm>>, %arg7: memref<327680x128xf32, #tpu.memory_space<hbm>>, %arg8: memref<80x128xi32, #tpu.memory_space<vmem>>, %arg9: memref<80x128xi32, #tpu.memory_space<vmem>>, %arg10: memref<128x128xf32, #tpu.memory_space<vmem>>, %arg11: memref<128x128xf32, #tpu.memory_space<vmem>>, %arg12: memref<128x128xf32, #tpu.memory_space<vmem>>, %arg13: memref<128x128xf32, #tpu.memory_space<vmem>>, %arg14: memref<!tpu.dma_semaphore, #tpu.memory_space<semaphore_mem>>, %arg15: memref<!tpu.dma_semaphore, #tpu.memory_space<semaphore_mem>>, %arg16: memref<!tpu.dma_semaphore, #tpu.memory_space<semaphore_mem>>, %arg17: memref<!tpu.dma_semaphore, #tpu.memory_space<semaphore_mem>>, %arg18: memref<!tpu.dma_semaphore, #tpu.memory_space<semaphore_mem>>, %arg19: memref<!tpu.dma_semaphore, #tpu.memory_space<semaphore_mem>>, %arg20: memref<!tpu.dma_semaphore, #tpu.memory_space<semaphore_mem>>, %arg21: memref<!tpu.dma_semaphore, #tpu.memory_space<semaphore_mem>>) attributes {dimension_semantics = [#tpu.dimension_semantics<core_parallel>, #tpu.dimension_semantics<subcore_parallel>], iteration_bounds = array<i64: 2, 16>, scalar_prefetch = 0 : i64, scratch_operands = 14 : i64, tpu.core_type = #tpu.core_type<sc_vector_subcore>, window_params = [{transform_indices = #map}, {transform_indices = #map}, {transform_indices = #map1}, {transform_indices = #map1}, {transform_indices = #map}, {transform_indices = #map}]} {
    %mul3A = arith.constant 16 : i32
    %mul3A_0 = arith.muli %arg0, %mul3A : i32
    %add3A = arith.addi %mul3A_0, %arg1 : i32
    "tpu.region"() ({
      %run_scoped3A = tpu.sem_alloc : memref<!tpu.dma_semaphore, #tpu.memory_space<semaphore_mem>>
      %dma_start3A_101 = arith.constant 0 : i32
      %dma_start3A_102 = arith.constant 0 : i32
      %dma_start3A_103 = tpu.memref_slice %arg4[%add3A, %dma_start3A_101, %dma_start3A_102] : memref<32x80x128xi32, #tpu.memory_space<hbm>> -> memref<1x80x128xi32, #tpu.memory_space<hbm>>
      %dma_start3A_104 = tpu.memref_squeeze %dma_start3A_103 : memref<1x80x128xi32, #tpu.memory_space<hbm>> -> memref<80x128xi32, #tpu.memory_space<hbm>>
      %dma_start3A_105 = arith.constant 0 : i32
      %dma_start3A_106 = arith.constant 0 : i32
      %dma_start3A_107 = tpu.memref_slice %arg4[%add3A, %dma_start3A_105, %dma_start3A_106] : memref<32x80x128xi32, #tpu.memory_space<hbm>> -> memref<1x80x128xi32, #tpu.memory_space<hbm>>
      %dma_start3A_108 = tpu.memref_squeeze %dma_start3A_107 : memref<1x80x128xi32, #tpu.memory_space<hbm>> -> memref<80x128xi32, #tpu.memory_space<hbm>>
      tpu.enqueue_dma source(%dma_start3A_108 : memref<80x128xi32, #tpu.memory_space<hbm>>) target(%arg8 : memref<80x128xi32, #tpu.memory_space<vmem>>) target_semaphore(%run_scoped3A : memref<!tpu.dma_semaphore, #tpu.memory_space<semaphore_mem>>)
      %dma_wait3A_109 = arith.constant 0 : i32
      %dma_wait3A_110 = arith.constant 0 : i32
      %dma_wait3A_111 = tpu.memref_slice %arg4[%add3A, %dma_wait3A_109, %dma_wait3A_110] : memref<32x80x128xi32, #tpu.memory_space<hbm>> -> memref<1x80x128xi32, #tpu.memory_space<hbm>>
      %dma_wait3A_112 = tpu.memref_squeeze %dma_wait3A_111 : memref<1x80x128xi32, #tpu.memory_space<hbm>> -> memref<80x128xi32, #tpu.memory_space<hbm>>
      %dma_wait3A_113 = arith.constant 0 : i32
      %dma_wait3A_114 = arith.constant 0 : i32
      %dma_wait3A_115 = tpu.memref_slice %arg4[%add3A, %dma_wait3A_113, %dma_wait3A_114] : memref<32x80x128xi32, #tpu.memory_space<hbm>> -> memref<1x80x128xi32, #tpu.memory_space<hbm>>
      %dma_wait3A_116 = tpu.memref_squeeze %dma_wait3A_115 : memref<1x80x128xi32, #tpu.memory_space<hbm>> -> memref<80x128xi32, #tpu.memory_space<hbm>>
      tpu.wait_dma2 semaphore(%run_scoped3A : memref<!tpu.dma_semaphore, #tpu.memory_space<semaphore_mem>>) src(%dma_wait3A_116 : memref<80x128xi32, #tpu.memory_space<hbm>>) dst(%arg8 : memref<80x128xi32, #tpu.memory_space<vmem>>)
      tpu.yield
    }) : () -> ()
    "tpu.region"() ({
      %run_scoped3A = tpu.sem_alloc : memref<!tpu.dma_semaphore, #tpu.memory_space<semaphore_mem>>
      %dma_start3A_101 = arith.constant 0 : i32
      %dma_start3A_102 = arith.constant 0 : i32
      %dma_start3A_103 = tpu.memref_slice %arg5[%add3A, %dma_start3A_101, %dma_start3A_102] : memref<32x80x128xi32, #tpu.memory_space<hbm>> -> memref<1x80x128xi32, #tpu.memory_space<hbm>>
      %dma_start3A_104 = tpu.memref_squeeze %dma_start3A_103 : memref<1x80x128xi32, #tpu.memory_space<hbm>> -> memref<80x128xi32, #tpu.memory_space<hbm>>
      %dma_start3A_105 = arith.constant 0 : i32
      %dma_start3A_106 = arith.constant 0 : i32
      %dma_start3A_107 = tpu.memref_slice %arg5[%add3A, %dma_start3A_105, %dma_start3A_106] : memref<32x80x128xi32, #tpu.memory_space<hbm>> -> memref<1x80x128xi32, #tpu.memory_space<hbm>>
      %dma_start3A_108 = tpu.memref_squeeze %dma_start3A_107 : memref<1x80x128xi32, #tpu.memory_space<hbm>> -> memref<80x128xi32, #tpu.memory_space<hbm>>
      tpu.enqueue_dma source(%dma_start3A_108 : memref<80x128xi32, #tpu.memory_space<hbm>>) target(%arg9 : memref<80x128xi32, #tpu.memory_space<vmem>>) target_semaphore(%run_scoped3A : memref<!tpu.dma_semaphore, #tpu.memory_space<semaphore_mem>>)
      %dma_wait3A_109 = arith.constant 0 : i32
      %dma_wait3A_110 = arith.constant 0 : i32
      %dma_wait3A_111 = tpu.memref_slice %arg5[%add3A, %dma_wait3A_109, %dma_wait3A_110] : memref<32x80x128xi32, #tpu.memory_space<hbm>> -> memref<1x80x128xi32, #tpu.memory_space<hbm>>
      %dma_wait3A_112 = tpu.memref_squeeze %dma_wait3A_111 : memref<1x80x128xi32, #tpu.memory_space<hbm>> -> memref<80x128xi32, #tpu.memory_space<hbm>>
      %dma_wait3A_113 = arith.constant 0 : i32
      %dma_wait3A_114 = arith.constant 0 : i32
      %dma_wait3A_115 = tpu.memref_slice %arg5[%add3A, %dma_wait3A_113, %dma_wait3A_114] : memref<32x80x128xi32, #tpu.memory_space<hbm>> -> memref<1x80x128xi32, #tpu.memory_space<hbm>>
      %dma_wait3A_116 = tpu.memref_squeeze %dma_wait3A_115 : memref<1x80x128xi32, #tpu.memory_space<hbm>> -> memref<80x128xi32, #tpu.memory_space<hbm>>
      tpu.wait_dma2 semaphore(%run_scoped3A : memref<!tpu.dma_semaphore, #tpu.memory_space<semaphore_mem>>) src(%dma_wait3A_116 : memref<80x128xi32, #tpu.memory_space<hbm>>) dst(%arg9 : memref<80x128xi32, #tpu.memory_space<vmem>>)
      tpu.yield
    }) : () -> ()
    %mul3A_1 = arith.constant 10240 : i32
    %mul3A_2 = arith.muli %add3A, %mul3A_1 : i32
    %dma_start3A = arith.constant 0 : i32
    %dma_start3A_3 = arith.constant 0 : i32
    %dma_start3A_4 = tpu.memref_slice %arg8[%dma_start3A, %dma_start3A_3] : memref<80x128xi32, #tpu.memory_space<vmem>> -> memref<1x128xi32, #tpu.memory_space<vmem>>
    %dma_start3A_5 = tpu.memref_squeeze %dma_start3A_4 : memref<1x128xi32, #tpu.memory_space<vmem>> -> memref<128xi32, #tpu.memory_space<vmem>>
    %dma_start3A_6 = arith.constant 0 : i32
    %dma_start3A_7 = arith.constant 0 : i32
    %dma_start3A_8 = tpu.memref_slice %arg2[%dma_start3A_6, %dma_start3A_7] : memref<20000x128xf32, #tpu.memory_space<hbm>> -> memref<20000x128xf32, #tpu.memory_space<hbm>>
    tpu.enqueue_indirect_dma source(%dma_start3A_8 : memref<20000x128xf32, #tpu.memory_space<hbm>>) target(%arg10 : memref<128x128xf32, #tpu.memory_space<vmem>>) offsets(%dma_start3A_5 : memref<128xi32, #tpu.memory_space<vmem>>) semaphore(%arg14 : memref<!tpu.dma_semaphore, #tpu.memory_space<semaphore_mem>>)
    %dma_start3A_9 = arith.constant 0 : i32
    %dma_start3A_10 = arith.constant 0 : i32
    %dma_start3A_11 = tpu.memref_slice %arg9[%dma_start3A_9, %dma_start3A_10] : memref<80x128xi32, #tpu.memory_space<vmem>> -> memref<1x128xi32, #tpu.memory_space<vmem>>
    %dma_start3A_12 = tpu.memref_squeeze %dma_start3A_11 : memref<1x128xi32, #tpu.memory_space<vmem>> -> memref<128xi32, #tpu.memory_space<vmem>>
    %dma_start3A_13 = arith.constant 0 : i32
    %dma_start3A_14 = arith.constant 0 : i32
    %dma_start3A_15 = tpu.memref_slice %arg3[%dma_start3A_13, %dma_start3A_14] : memref<20000x128xf32, #tpu.memory_space<hbm>> -> memref<20000x128xf32, #tpu.memory_space<hbm>>
    tpu.enqueue_indirect_dma source(%dma_start3A_15 : memref<20000x128xf32, #tpu.memory_space<hbm>>) target(%arg12 : memref<128x128xf32, #tpu.memory_space<vmem>>) offsets(%dma_start3A_12 : memref<128xi32, #tpu.memory_space<vmem>>) semaphore(%arg16 : memref<!tpu.dma_semaphore, #tpu.memory_space<semaphore_mem>>)
    %dma_start3A_16 = arith.constant 1 : i32
    %dma_start3A_17 = arith.constant 0 : i32
    %dma_start3A_18 = tpu.memref_slice %arg8[%dma_start3A_16, %dma_start3A_17] : memref<80x128xi32, #tpu.memory_space<vmem>> -> memref<1x128xi32, #tpu.memory_space<vmem>>
    %dma_start3A_19 = tpu.memref_squeeze %dma_start3A_18 : memref<1x128xi32, #tpu.memory_space<vmem>> -> memref<128xi32, #tpu.memory_space<vmem>>
    %dma_start3A_20 = arith.constant 0 : i32
    %dma_start3A_21 = arith.constant 0 : i32
    %dma_start3A_22 = tpu.memref_slice %arg2[%dma_start3A_20, %dma_start3A_21] : memref<20000x128xf32, #tpu.memory_space<hbm>> -> memref<20000x128xf32, #tpu.memory_space<hbm>>
    tpu.enqueue_indirect_dma source(%dma_start3A_22 : memref<20000x128xf32, #tpu.memory_space<hbm>>) target(%arg11 : memref<128x128xf32, #tpu.memory_space<vmem>>) offsets(%dma_start3A_19 : memref<128xi32, #tpu.memory_space<vmem>>) semaphore(%arg15 : memref<!tpu.dma_semaphore, #tpu.memory_space<semaphore_mem>>)
    %dma_start3A_23 = arith.constant 1 : i32
    %dma_start3A_24 = arith.constant 0 : i32
    %dma_start3A_25 = tpu.memref_slice %arg9[%dma_start3A_23, %dma_start3A_24] : memref<80x128xi32, #tpu.memory_space<vmem>> -> memref<1x128xi32, #tpu.memory_space<vmem>>
    %dma_start3A_26 = tpu.memref_squeeze %dma_start3A_25 : memref<1x128xi32, #tpu.memory_space<vmem>> -> memref<128xi32, #tpu.memory_space<vmem>>
    %dma_start3A_27 = arith.constant 0 : i32
    %dma_start3A_28 = arith.constant 0 : i32
    %dma_start3A_29 = tpu.memref_slice %arg3[%dma_start3A_27, %dma_start3A_28] : memref<20000x128xf32, #tpu.memory_space<hbm>> -> memref<20000x128xf32, #tpu.memory_space<hbm>>
    tpu.enqueue_indirect_dma source(%dma_start3A_29 : memref<20000x128xf32, #tpu.memory_space<hbm>>) target(%arg13 : memref<128x128xf32, #tpu.memory_space<vmem>>) offsets(%dma_start3A_26 : memref<128xi32, #tpu.memory_space<vmem>>) semaphore(%arg17 : memref<!tpu.dma_semaphore, #tpu.memory_space<semaphore_mem>>)
    %scan3A = arith.constant 0 : i32
    %scan3A_30 = arith.constant 39 : i32
    %scan3A_31 = arith.addi %scan3A, %scan3A_30 : i32
    %scan3A_32 = arith.constant 1 : i32
    scf.for %scan3A_101 = %scan3A to %scan3A_31 step %scan3A_32  : i32 {
      %mul3A_102 = arith.constant 2 : i32
      %mul3A_103 = arith.muli %scan3A_101, %mul3A_102 : i32
      %add3A_104 = arith.constant 0 : i32
      %add3A_105 = arith.addi %add3A_104, %mul3A_103 : i32
      %add3A_106 = arith.constant 0 : i32
      %add3A_107 = arith.addi %add3A_105, %add3A_106 : i32
      %dma_wait3A_108 = arith.constant 0 : i32
      %dma_wait3A_109 = tpu.memref_slice %arg8[%add3A_107, %dma_wait3A_108] : memref<80x128xi32, #tpu.memory_space<vmem>> -> memref<1x128xi32, #tpu.memory_space<vmem>>
      %dma_wait3A_110 = tpu.memref_squeeze %dma_wait3A_109 : memref<1x128xi32, #tpu.memory_space<vmem>> -> memref<128xi32, #tpu.memory_space<vmem>>
      %dma_wait3A_111 = arith.constant 0 : i32
      %dma_wait3A_112 = arith.constant 0 : i32
      %dma_wait3A_113 = tpu.memref_slice %arg2[%dma_wait3A_111, %dma_wait3A_112] : memref<20000x128xf32, #tpu.memory_space<hbm>> -> memref<20000x128xf32, #tpu.memory_space<hbm>>
      tpu.wait_indirect_dma semaphore(%arg14 : memref<!tpu.dma_semaphore, #tpu.memory_space<semaphore_mem>>) src(%dma_wait3A_113 : memref<20000x128xf32, #tpu.memory_space<hbm>>) dst(%arg10 : memref<128x128xf32, #tpu.memory_space<vmem>>)
      %dma_wait3A_114 = arith.constant 0 : i32
      %dma_wait3A_115 = tpu.memref_slice %arg9[%add3A_107, %dma_wait3A_114] : memref<80x128xi32, #tpu.memory_space<vmem>> -> memref<1x128xi32, #tpu.memory_space<vmem>>
      %dma_wait3A_116 = tpu.memref_squeeze %dma_wait3A_115 : memref<1x128xi32, #tpu.memory_space<vmem>> -> memref<128xi32, #tpu.memory_space<vmem>>
      %dma_wait3A_117 = arith.constant 0 : i32
      %dma_wait3A_118 = arith.constant 0 : i32
      %dma_wait3A_119 = tpu.memref_slice %arg3[%dma_wait3A_117, %dma_wait3A_118] : memref<20000x128xf32, #tpu.memory_space<hbm>> -> memref<20000x128xf32, #tpu.memory_space<hbm>>
      tpu.wait_indirect_dma semaphore(%arg16 : memref<!tpu.dma_semaphore, #tpu.memory_space<semaphore_mem>>) src(%dma_wait3A_119 : memref<20000x128xf32, #tpu.memory_space<hbm>>) dst(%arg12 : memref<128x128xf32, #tpu.memory_space<vmem>>)
      %mul3A_120 = arith.constant 128 : i32
      %mul3A_121 = arith.muli %add3A_107, %mul3A_120 : i32
      %add3A_122 = arith.addi %mul3A_2, %mul3A_121 : i32
      %dma_start3A_123 = arith.constant 0 : i32
      %dma_start3A_124 = tpu.memref_slice %arg6[%add3A_122, %dma_start3A_123] : memref<327680x128xf32, #tpu.memory_space<hbm>> -> memref<128x128xf32, #tpu.memory_space<hbm>>
      %dma_start3A_125 = arith.constant 0 : i32
      %dma_start3A_126 = tpu.memref_slice %arg6[%add3A_122, %dma_start3A_125] : memref<327680x128xf32, #tpu.memory_space<hbm>> -> memref<128x128xf32, #tpu.memory_space<hbm>>
      tpu.enqueue_dma source(%arg10 : memref<128x128xf32, #tpu.memory_space<vmem>>) target(%dma_start3A_126 : memref<128x128xf32, #tpu.memory_space<hbm>>) target_semaphore(%arg18 : memref<!tpu.dma_semaphore, #tpu.memory_space<semaphore_mem>>)
      %dma_start3A_127 = arith.constant 0 : i32
      %dma_start3A_128 = tpu.memref_slice %arg7[%add3A_122, %dma_start3A_127] : memref<327680x128xf32, #tpu.memory_space<hbm>> -> memref<128x128xf32, #tpu.memory_space<hbm>>
      %dma_start3A_129 = arith.constant 0 : i32
      %dma_start3A_130 = tpu.memref_slice %arg7[%add3A_122, %dma_start3A_129] : memref<327680x128xf32, #tpu.memory_space<hbm>> -> memref<128x128xf32, #tpu.memory_space<hbm>>
      tpu.enqueue_dma source(%arg12 : memref<128x128xf32, #tpu.memory_space<vmem>>) target(%dma_start3A_130 : memref<128x128xf32, #tpu.memory_space<hbm>>) target_semaphore(%arg20 : memref<!tpu.dma_semaphore, #tpu.memory_space<semaphore_mem>>)
      %mul3A_131 = arith.constant 128 : i32
      %mul3A_132 = arith.muli %add3A_107, %mul3A_131 : i32
      %add3A_133 = arith.addi %mul3A_2, %mul3A_132 : i32
      %dma_wait3A_134 = arith.constant 0 : i32
      %dma_wait3A_135 = tpu.memref_slice %arg6[%add3A_133, %dma_wait3A_134] : memref<327680x128xf32, #tpu.memory_space<hbm>> -> memref<128x128xf32, #tpu.memory_space<hbm>>
      %dma_wait3A_136 = arith.constant 0 : i32
      %dma_wait3A_137 = tpu.memref_slice %arg6[%add3A_133, %dma_wait3A_136] : memref<327680x128xf32, #tpu.memory_space<hbm>> -> memref<128x128xf32, #tpu.memory_space<hbm>>
      tpu.wait_dma2 semaphore(%arg18 : memref<!tpu.dma_semaphore, #tpu.memory_space<semaphore_mem>>) src(%arg10 : memref<128x128xf32, #tpu.memory_space<vmem>>) dst(%dma_wait3A_137 : memref<128x128xf32, #tpu.memory_space<hbm>>)
      %dma_wait3A_138 = arith.constant 0 : i32
      %dma_wait3A_139 = tpu.memref_slice %arg7[%add3A_133, %dma_wait3A_138] : memref<327680x128xf32, #tpu.memory_space<hbm>> -> memref<128x128xf32, #tpu.memory_space<hbm>>
      %dma_wait3A_140 = arith.constant 0 : i32
      %dma_wait3A_141 = tpu.memref_slice %arg7[%add3A_133, %dma_wait3A_140] : memref<327680x128xf32, #tpu.memory_space<hbm>> -> memref<128x128xf32, #tpu.memory_space<hbm>>
      tpu.wait_dma2 semaphore(%arg20 : memref<!tpu.dma_semaphore, #tpu.memory_space<semaphore_mem>>) src(%arg12 : memref<128x128xf32, #tpu.memory_space<vmem>>) dst(%dma_wait3A_141 : memref<128x128xf32, #tpu.memory_space<hbm>>)
      %add3A_142 = arith.constant 2 : i32
      %add3A_143 = arith.addi %add3A_107, %add3A_142 : i32
      %dma_start3A_144 = arith.constant 0 : i32
      %dma_start3A_145 = tpu.memref_slice %arg8[%add3A_143, %dma_start3A_144] : memref<80x128xi32, #tpu.memory_space<vmem>> -> memref<1x128xi32, #tpu.memory_space<vmem>>
      %dma_start3A_146 = tpu.memref_squeeze %dma_start3A_145 : memref<1x128xi32, #tpu.memory_space<vmem>> -> memref<128xi32, #tpu.memory_space<vmem>>
      %dma_start3A_147 = arith.constant 0 : i32
      %dma_start3A_148 = arith.constant 0 : i32
      %dma_start3A_149 = tpu.memref_slice %arg2[%dma_start3A_147, %dma_start3A_148] : memref<20000x128xf32, #tpu.memory_space<hbm>> -> memref<20000x128xf32, #tpu.memory_space<hbm>>
      tpu.enqueue_indirect_dma source(%dma_start3A_149 : memref<20000x128xf32, #tpu.memory_space<hbm>>) target(%arg10 : memref<128x128xf32, #tpu.memory_space<vmem>>) offsets(%dma_start3A_146 : memref<128xi32, #tpu.memory_space<vmem>>) semaphore(%arg14 : memref<!tpu.dma_semaphore, #tpu.memory_space<semaphore_mem>>)
      %dma_start3A_150 = arith.constant 0 : i32
      %dma_start3A_151 = tpu.memref_slice %arg9[%add3A_143, %dma_start3A_150] : memref<80x128xi32, #tpu.memory_space<vmem>> -> memref<1x128xi32, #tpu.memory_space<vmem>>
      %dma_start3A_152 = tpu.memref_squeeze %dma_start3A_151 : memref<1x128xi32, #tpu.memory_space<vmem>> -> memref<128xi32, #tpu.memory_space<vmem>>
      %dma_start3A_153 = arith.constant 0 : i32
      %dma_start3A_154 = arith.constant 0 : i32
      %dma_start3A_155 = tpu.memref_slice %arg3[%dma_start3A_153, %dma_start3A_154] : memref<20000x128xf32, #tpu.memory_space<hbm>> -> memref<20000x128xf32, #tpu.memory_space<hbm>>
      tpu.enqueue_indirect_dma source(%dma_start3A_155 : memref<20000x128xf32, #tpu.memory_space<hbm>>) target(%arg12 : memref<128x128xf32, #tpu.memory_space<vmem>>) offsets(%dma_start3A_152 : memref<128xi32, #tpu.memory_space<vmem>>) semaphore(%arg16 : memref<!tpu.dma_semaphore, #tpu.memory_space<semaphore_mem>>)
      %add3A_156 = arith.constant 1 : i32
      %add3A_157 = arith.addi %add3A_105, %add3A_156 : i32
      %dma_wait3A_158 = arith.constant 0 : i32
      %dma_wait3A_159 = tpu.memref_slice %arg8[%add3A_157, %dma_wait3A_158] : memref<80x128xi32, #tpu.memory_space<vmem>> -> memref<1x128xi32, #tpu.memory_space<vmem>>
      %dma_wait3A_160 = tpu.memref_squeeze %dma_wait3A_159 : memref<1x128xi32, #tpu.memory_space<vmem>> -> memref<128xi32, #tpu.memory_space<vmem>>
      %dma_wait3A_161 = arith.constant 0 : i32
      %dma_wait3A_162 = arith.constant 0 : i32
      %dma_wait3A_163 = tpu.memref_slice %arg2[%dma_wait3A_161, %dma_wait3A_162] : memref<20000x128xf32, #tpu.memory_space<hbm>> -> memref<20000x128xf32, #tpu.memory_space<hbm>>
      tpu.wait_indirect_dma semaphore(%arg15 : memref<!tpu.dma_semaphore, #tpu.memory_space<semaphore_mem>>) src(%dma_wait3A_163 : memref<20000x128xf32, #tpu.memory_space<hbm>>) dst(%arg11 : memref<128x128xf32, #tpu.memory_space<vmem>>)
      %dma_wait3A_164 = arith.constant 0 : i32
      %dma_wait3A_165 = tpu.memref_slice %arg9[%add3A_157, %dma_wait3A_164] : memref<80x128xi32, #tpu.memory_space<vmem>> -> memref<1x128xi32, #tpu.memory_space<vmem>>
      %dma_wait3A_166 = tpu.memref_squeeze %dma_wait3A_165 : memref<1x128xi32, #tpu.memory_space<vmem>> -> memref<128xi32, #tpu.memory_space<vmem>>
      %dma_wait3A_167 = arith.constant 0 : i32
      %dma_wait3A_168 = arith.constant 0 : i32
      %dma_wait3A_169 = tpu.memref_slice %arg3[%dma_wait3A_167, %dma_wait3A_168] : memref<20000x128xf32, #tpu.memory_space<hbm>> -> memref<20000x128xf32, #tpu.memory_space<hbm>>
      tpu.wait_indirect_dma semaphore(%arg17 : memref<!tpu.dma_semaphore, #tpu.memory_space<semaphore_mem>>) src(%dma_wait3A_169 : memref<20000x128xf32, #tpu.memory_space<hbm>>) dst(%arg13 : memref<128x128xf32, #tpu.memory_space<vmem>>)
      %mul3A_170 = arith.constant 128 : i32
      %mul3A_171 = arith.muli %add3A_157, %mul3A_170 : i32
      %add3A_172 = arith.addi %mul3A_2, %mul3A_171 : i32
      %dma_start3A_173 = arith.constant 0 : i32
      %dma_start3A_174 = tpu.memref_slice %arg6[%add3A_172, %dma_start3A_173] : memref<327680x128xf32, #tpu.memory_space<hbm>> -> memref<128x128xf32, #tpu.memory_space<hbm>>
      %dma_start3A_175 = arith.constant 0 : i32
      %dma_start3A_176 = tpu.memref_slice %arg6[%add3A_172, %dma_start3A_175] : memref<327680x128xf32, #tpu.memory_space<hbm>> -> memref<128x128xf32, #tpu.memory_space<hbm>>
      tpu.enqueue_dma source(%arg11 : memref<128x128xf32, #tpu.memory_space<vmem>>) target(%dma_start3A_176 : memref<128x128xf32, #tpu.memory_space<hbm>>) target_semaphore(%arg19 : memref<!tpu.dma_semaphore, #tpu.memory_space<semaphore_mem>>)
      %dma_start3A_177 = arith.constant 0 : i32
      %dma_start3A_178 = tpu.memref_slice %arg7[%add3A_172, %dma_start3A_177] : memref<327680x128xf32, #tpu.memory_space<hbm>> -> memref<128x128xf32, #tpu.memory_space<hbm>>
      %dma_start3A_179 = arith.constant 0 : i32
      %dma_start3A_180 = tpu.memref_slice %arg7[%add3A_172, %dma_start3A_179] : memref<327680x128xf32, #tpu.memory_space<hbm>> -> memref<128x128xf32, #tpu.memory_space<hbm>>
      tpu.enqueue_dma source(%arg13 : memref<128x128xf32, #tpu.memory_space<vmem>>) target(%dma_start3A_180 : memref<128x128xf32, #tpu.memory_space<hbm>>) target_semaphore(%arg21 : memref<!tpu.dma_semaphore, #tpu.memory_space<semaphore_mem>>)
      %mul3A_181 = arith.constant 128 : i32
      %mul3A_182 = arith.muli %add3A_157, %mul3A_181 : i32
      %add3A_183 = arith.addi %mul3A_2, %mul3A_182 : i32
      %dma_wait3A_184 = arith.constant 0 : i32
      %dma_wait3A_185 = tpu.memref_slice %arg6[%add3A_183, %dma_wait3A_184] : memref<327680x128xf32, #tpu.memory_space<hbm>> -> memref<128x128xf32, #tpu.memory_space<hbm>>
      %dma_wait3A_186 = arith.constant 0 : i32
      %dma_wait3A_187 = tpu.memref_slice %arg6[%add3A_183, %dma_wait3A_186] : memref<327680x128xf32, #tpu.memory_space<hbm>> -> memref<128x128xf32, #tpu.memory_space<hbm>>
      tpu.wait_dma2 semaphore(%arg19 : memref<!tpu.dma_semaphore, #tpu.memory_space<semaphore_mem>>) src(%arg11 : memref<128x128xf32, #tpu.memory_space<vmem>>) dst(%dma_wait3A_187 : memref<128x128xf32, #tpu.memory_space<hbm>>)
      %dma_wait3A_188 = arith.constant 0 : i32
      %dma_wait3A_189 = tpu.memref_slice %arg7[%add3A_183, %dma_wait3A_188] : memref<327680x128xf32, #tpu.memory_space<hbm>> -> memref<128x128xf32, #tpu.memory_space<hbm>>
      %dma_wait3A_190 = arith.constant 0 : i32
      %dma_wait3A_191 = tpu.memref_slice %arg7[%add3A_183, %dma_wait3A_190] : memref<327680x128xf32, #tpu.memory_space<hbm>> -> memref<128x128xf32, #tpu.memory_space<hbm>>
      tpu.wait_dma2 semaphore(%arg21 : memref<!tpu.dma_semaphore, #tpu.memory_space<semaphore_mem>>) src(%arg13 : memref<128x128xf32, #tpu.memory_space<vmem>>) dst(%dma_wait3A_191 : memref<128x128xf32, #tpu.memory_space<hbm>>)
      %add3A_192 = arith.constant 2 : i32
      %add3A_193 = arith.addi %add3A_157, %add3A_192 : i32
      %dma_start3A_194 = arith.constant 0 : i32
      %dma_start3A_195 = tpu.memref_slice %arg8[%add3A_193, %dma_start3A_194] : memref<80x128xi32, #tpu.memory_space<vmem>> -> memref<1x128xi32, #tpu.memory_space<vmem>>
      %dma_start3A_196 = tpu.memref_squeeze %dma_start3A_195 : memref<1x128xi32, #tpu.memory_space<vmem>> -> memref<128xi32, #tpu.memory_space<vmem>>
      %dma_start3A_197 = arith.constant 0 : i32
      %dma_start3A_198 = arith.constant 0 : i32
      %dma_start3A_199 = tpu.memref_slice %arg2[%dma_start3A_197, %dma_start3A_198] : memref<20000x128xf32, #tpu.memory_space<hbm>> -> memref<20000x128xf32, #tpu.memory_space<hbm>>
      tpu.enqueue_indirect_dma source(%dma_start3A_199 : memref<20000x128xf32, #tpu.memory_space<hbm>>) target(%arg11 : memref<128x128xf32, #tpu.memory_space<vmem>>) offsets(%dma_start3A_196 : memref<128xi32, #tpu.memory_space<vmem>>) semaphore(%arg15 : memref<!tpu.dma_semaphore, #tpu.memory_space<semaphore_mem>>)
      %dma_start3A_200 = arith.constant 0 : i32
      %dma_start3A_201 = tpu.memref_slice %arg9[%add3A_193, %dma_start3A_200] : memref<80x128xi32, #tpu.memory_space<vmem>> -> memref<1x128xi32, #tpu.memory_space<vmem>>
      %dma_start3A_202 = tpu.memref_squeeze %dma_start3A_201 : memref<1x128xi32, #tpu.memory_space<vmem>> -> memref<128xi32, #tpu.memory_space<vmem>>
      %dma_start3A_203 = arith.constant 0 : i32
      %dma_start3A_204 = arith.constant 0 : i32
      %dma_start3A_205 = tpu.memref_slice %arg3[%dma_start3A_203, %dma_start3A_204] : memref<20000x128xf32, #tpu.memory_space<hbm>> -> memref<20000x128xf32, #tpu.memory_space<hbm>>
      tpu.enqueue_indirect_dma source(%dma_start3A_205 : memref<20000x128xf32, #tpu.memory_space<hbm>>) target(%arg13 : memref<128x128xf32, #tpu.memory_space<vmem>>) offsets(%dma_start3A_202 : memref<128xi32, #tpu.memory_space<vmem>>) semaphore(%arg17 : memref<!tpu.dma_semaphore, #tpu.memory_space<semaphore_mem>>)
    }
    %scan3A_33 = arith.constant 39 : i32
    %dma_wait3A = arith.constant 78 : i32
    %dma_wait3A_34 = arith.constant 0 : i32
    %dma_wait3A_35 = tpu.memref_slice %arg8[%dma_wait3A, %dma_wait3A_34] : memref<80x128xi32, #tpu.memory_space<vmem>> -> memref<1x128xi32, #tpu.memory_space<vmem>>
    %dma_wait3A_36 = tpu.memref_squeeze %dma_wait3A_35 : memref<1x128xi32, #tpu.memory_space<vmem>> -> memref<128xi32, #tpu.memory_space<vmem>>
    %dma_wait3A_37 = arith.constant 0 : i32
    %dma_wait3A_38 = arith.constant 0 : i32
    %dma_wait3A_39 = tpu.memref_slice %arg2[%dma_wait3A_37, %dma_wait3A_38] : memref<20000x128xf32, #tpu.memory_space<hbm>> -> memref<20000x128xf32, #tpu.memory_space<hbm>>
    tpu.wait_indirect_dma semaphore(%arg14 : memref<!tpu.dma_semaphore, #tpu.memory_space<semaphore_mem>>) src(%dma_wait3A_39 : memref<20000x128xf32, #tpu.memory_space<hbm>>) dst(%arg10 : memref<128x128xf32, #tpu.memory_space<vmem>>)
    %dma_wait3A_40 = arith.constant 78 : i32
    %dma_wait3A_41 = arith.constant 0 : i32
    %dma_wait3A_42 = tpu.memref_slice %arg9[%dma_wait3A_40, %dma_wait3A_41] : memref<80x128xi32, #tpu.memory_space<vmem>> -> memref<1x128xi32, #tpu.memory_space<vmem>>
    %dma_wait3A_43 = tpu.memref_squeeze %dma_wait3A_42 : memref<1x128xi32, #tpu.memory_space<vmem>> -> memref<128xi32, #tpu.memory_space<vmem>>
    %dma_wait3A_44 = arith.constant 0 : i32
    %dma_wait3A_45 = arith.constant 0 : i32
    %dma_wait3A_46 = tpu.memref_slice %arg3[%dma_wait3A_44, %dma_wait3A_45] : memref<20000x128xf32, #tpu.memory_space<hbm>> -> memref<20000x128xf32, #tpu.memory_space<hbm>>
    tpu.wait_indirect_dma semaphore(%arg16 : memref<!tpu.dma_semaphore, #tpu.memory_space<semaphore_mem>>) src(%dma_wait3A_46 : memref<20000x128xf32, #tpu.memory_space<hbm>>) dst(%arg12 : memref<128x128xf32, #tpu.memory_space<vmem>>)
    %add3A_47 = arith.constant 9984 : i32
    %add3A_48 = arith.addi %mul3A_2, %add3A_47 : i32
    %dma_start3A_49 = arith.constant 0 : i32
    %dma_start3A_50 = tpu.memref_slice %arg6[%add3A_48, %dma_start3A_49] : memref<327680x128xf32, #tpu.memory_space<hbm>> -> memref<128x128xf32, #tpu.memory_space<hbm>>
    %dma_start3A_51 = arith.constant 0 : i32
    %dma_start3A_52 = tpu.memref_slice %arg6[%add3A_48, %dma_start3A_51] : memref<327680x128xf32, #tpu.memory_space<hbm>> -> memref<128x128xf32, #tpu.memory_space<hbm>>
    tpu.enqueue_dma source(%arg10 : memref<128x128xf32, #tpu.memory_space<vmem>>) target(%dma_start3A_52 : memref<128x128xf32, #tpu.memory_space<hbm>>) target_semaphore(%arg18 : memref<!tpu.dma_semaphore, #tpu.memory_space<semaphore_mem>>)
    %dma_start3A_53 = arith.constant 0 : i32
    %dma_start3A_54 = tpu.memref_slice %arg7[%add3A_48, %dma_start3A_53] : memref<327680x128xf32, #tpu.memory_space<hbm>> -> memref<128x128xf32, #tpu.memory_space<hbm>>
    %dma_start3A_55 = arith.constant 0 : i32
    %dma_start3A_56 = tpu.memref_slice %arg7[%add3A_48, %dma_start3A_55] : memref<327680x128xf32, #tpu.memory_space<hbm>> -> memref<128x128xf32, #tpu.memory_space<hbm>>
    tpu.enqueue_dma source(%arg12 : memref<128x128xf32, #tpu.memory_space<vmem>>) target(%dma_start3A_56 : memref<128x128xf32, #tpu.memory_space<hbm>>) target_semaphore(%arg20 : memref<!tpu.dma_semaphore, #tpu.memory_space<semaphore_mem>>)
    %add3A_57 = arith.constant 9984 : i32
    %add3A_58 = arith.addi %mul3A_2, %add3A_57 : i32
    %dma_wait3A_59 = arith.constant 0 : i32
    %dma_wait3A_60 = tpu.memref_slice %arg6[%add3A_58, %dma_wait3A_59] : memref<327680x128xf32, #tpu.memory_space<hbm>> -> memref<128x128xf32, #tpu.memory_space<hbm>>
    %dma_wait3A_61 = arith.constant 0 : i32
    %dma_wait3A_62 = tpu.memref_slice %arg6[%add3A_58, %dma_wait3A_61] : memref<327680x128xf32, #tpu.memory_space<hbm>> -> memref<128x128xf32, #tpu.memory_space<hbm>>
    tpu.wait_dma2 semaphore(%arg18 : memref<!tpu.dma_semaphore, #tpu.memory_space<semaphore_mem>>) src(%arg10 : memref<128x128xf32, #tpu.memory_space<vmem>>) dst(%dma_wait3A_62 : memref<128x128xf32, #tpu.memory_space<hbm>>)
    %dma_wait3A_63 = arith.constant 0 : i32
    %dma_wait3A_64 = tpu.memref_slice %arg7[%add3A_58, %dma_wait3A_63] : memref<327680x128xf32, #tpu.memory_space<hbm>> -> memref<128x128xf32, #tpu.memory_space<hbm>>
    %dma_wait3A_65 = arith.constant 0 : i32
    %dma_wait3A_66 = tpu.memref_slice %arg7[%add3A_58, %dma_wait3A_65] : memref<327680x128xf32, #tpu.memory_space<hbm>> -> memref<128x128xf32, #tpu.memory_space<hbm>>
    tpu.wait_dma2 semaphore(%arg20 : memref<!tpu.dma_semaphore, #tpu.memory_space<semaphore_mem>>) src(%arg12 : memref<128x128xf32, #tpu.memory_space<vmem>>) dst(%dma_wait3A_66 : memref<128x128xf32, #tpu.memory_space<hbm>>)
    %dma_wait3A_67 = arith.constant 79 : i32
    %dma_wait3A_68 = arith.constant 0 : i32
    %dma_wait3A_69 = tpu.memref_slice %arg8[%dma_wait3A_67, %dma_wait3A_68] : memref<80x128xi32, #tpu.memory_space<vmem>> -> memref<1x128xi32, #tpu.memory_space<vmem>>
    %dma_wait3A_70 = tpu.memref_squeeze %dma_wait3A_69 : memref<1x128xi32, #tpu.memory_space<vmem>> -> memref<128xi32, #tpu.memory_space<vmem>>
    %dma_wait3A_71 = arith.constant 0 : i32
    %dma_wait3A_72 = arith.constant 0 : i32
    %dma_wait3A_73 = tpu.memref_slice %arg2[%dma_wait3A_71, %dma_wait3A_72] : memref<20000x128xf32, #tpu.memory_space<hbm>> -> memref<20000x128xf32, #tpu.memory_space<hbm>>
    tpu.wait_indirect_dma semaphore(%arg15 : memref<!tpu.dma_semaphore, #tpu.memory_space<semaphore_mem>>) src(%dma_wait3A_73 : memref<20000x128xf32, #tpu.memory_space<hbm>>) dst(%arg11 : memref<128x128xf32, #tpu.memory_space<vmem>>)
    %dma_wait3A_74 = arith.constant 79 : i32
    %dma_wait3A_75 = arith.constant 0 : i32
    %dma_wait3A_76 = tpu.memref_slice %arg9[%dma_wait3A_74, %dma_wait3A_75] : memref<80x128xi32, #tpu.memory_space<vmem>> -> memref<1x128xi32, #tpu.memory_space<vmem>>
    %dma_wait3A_77 = tpu.memref_squeeze %dma_wait3A_76 : memref<1x128xi32, #tpu.memory_space<vmem>> -> memref<128xi32, #tpu.memory_space<vmem>>
    %dma_wait3A_78 = arith.constant 0 : i32
    %dma_wait3A_79 = arith.constant 0 : i32
    %dma_wait3A_80 = tpu.memref_slice %arg3[%dma_wait3A_78, %dma_wait3A_79] : memref<20000x128xf32, #tpu.memory_space<hbm>> -> memref<20000x128xf32, #tpu.memory_space<hbm>>
    tpu.wait_indirect_dma semaphore(%arg17 : memref<!tpu.dma_semaphore, #tpu.memory_space<semaphore_mem>>) src(%dma_wait3A_80 : memref<20000x128xf32, #tpu.memory_space<hbm>>) dst(%arg13 : memref<128x128xf32, #tpu.memory_space<vmem>>)
    %add3A_81 = arith.constant 10112 : i32
    %add3A_82 = arith.addi %mul3A_2, %add3A_81 : i32
    %dma_start3A_83 = arith.constant 0 : i32
    %dma_start3A_84 = tpu.memref_slice %arg6[%add3A_82, %dma_start3A_83] : memref<327680x128xf32, #tpu.memory_space<hbm>> -> memref<128x128xf32, #tpu.memory_space<hbm>>
    %dma_start3A_85 = arith.constant 0 : i32
    %dma_start3A_86 = tpu.memref_slice %arg6[%add3A_82, %dma_start3A_85] : memref<327680x128xf32, #tpu.memory_space<hbm>> -> memref<128x128xf32, #tpu.memory_space<hbm>>
    tpu.enqueue_dma source(%arg11 : memref<128x128xf32, #tpu.memory_space<vmem>>) target(%dma_start3A_86 : memref<128x128xf32, #tpu.memory_space<hbm>>) target_semaphore(%arg19 : memref<!tpu.dma_semaphore, #tpu.memory_space<semaphore_mem>>)
    %dma_start3A_87 = arith.constant 0 : i32
    %dma_start3A_88 = tpu.memref_slice %arg7[%add3A_82, %dma_start3A_87] : memref<327680x128xf32, #tpu.memory_space<hbm>> -> memref<128x128xf32, #tpu.memory_space<hbm>>
    %dma_start3A_89 = arith.constant 0 : i32
    %dma_start3A_90 = tpu.memref_slice %arg7[%add3A_82, %dma_start3A_89] : memref<327680x128xf32, #tpu.memory_space<hbm>> -> memref<128x128xf32, #tpu.memory_space<hbm>>
    tpu.enqueue_dma source(%arg13 : memref<128x128xf32, #tpu.memory_space<vmem>>) target(%dma_start3A_90 : memref<128x128xf32, #tpu.memory_space<hbm>>) target_semaphore(%arg21 : memref<!tpu.dma_semaphore, #tpu.memory_space<semaphore_mem>>)
    %add3A_91 = arith.constant 10112 : i32
    %add3A_92 = arith.addi %mul3A_2, %add3A_91 : i32
    %dma_wait3A_93 = arith.constant 0 : i32
    %dma_wait3A_94 = tpu.memref_slice %arg6[%add3A_92, %dma_wait3A_93] : memref<327680x128xf32, #tpu.memory_space<hbm>> -> memref<128x128xf32, #tpu.memory_space<hbm>>
    %dma_wait3A_95 = arith.constant 0 : i32
    %dma_wait3A_96 = tpu.memref_slice %arg6[%add3A_92, %dma_wait3A_95] : memref<327680x128xf32, #tpu.memory_space<hbm>> -> memref<128x128xf32, #tpu.memory_space<hbm>>
    tpu.wait_dma2 semaphore(%arg19 : memref<!tpu.dma_semaphore, #tpu.memory_space<semaphore_mem>>) src(%arg11 : memref<128x128xf32, #tpu.memory_space<vmem>>) dst(%dma_wait3A_96 : memref<128x128xf32, #tpu.memory_space<hbm>>)
    %dma_wait3A_97 = arith.constant 0 : i32
    %dma_wait3A_98 = tpu.memref_slice %arg7[%add3A_92, %dma_wait3A_97] : memref<327680x128xf32, #tpu.memory_space<hbm>> -> memref<128x128xf32, #tpu.memory_space<hbm>>
    %dma_wait3A_99 = arith.constant 0 : i32
    %dma_wait3A_100 = tpu.memref_slice %arg7[%add3A_92, %dma_wait3A_99] : memref<327680x128xf32, #tpu.memory_space<hbm>> -> memref<128x128xf32, #tpu.memory_space<hbm>>
    tpu.wait_dma2 semaphore(%arg21 : memref<!tpu.dma_semaphore, #tpu.memory_space<semaphore_mem>>) src(%arg13 : memref<128x128xf32, #tpu.memory_space<vmem>>) dst(%dma_wait3A_100 : memref<128x128xf32, #tpu.memory_space<hbm>>)
    return
  }
}

#map = affine_map<(d0, d1) -> (0, 0)>
#map1 = affine_map<(d0, d1) -> (0, 0, 0)>
module attributes {stable_mosaic.version = 14 : i64} {
  func.func @_sc_gather_body(%arg0: i32, %arg1: i32, %arg2: memref<20000x128xf32, #tpu.memory_space<hbm>>, %arg3: memref<20000x128xf32, #tpu.memory_space<hbm>>, %arg4: memref<32x80x128xi32, #tpu.memory_space<hbm>>, %arg5: memref<32x80x128xi32, #tpu.memory_space<hbm>>, %arg6: memref<327680x128xf32, #tpu.memory_space<hbm>>, %arg7: memref<327680x128xf32, #tpu.memory_space<hbm>>, %arg8: memref<80x128xi32, #tpu.memory_space<vmem>>, %arg9: memref<80x128xi32, #tpu.memory_space<vmem>>, %arg10: memref<128x128xf32, #tpu.memory_space<vmem>>, %arg11: memref<128x128xf32, #tpu.memory_space<vmem>>, %arg12: memref<128x128xf32, #tpu.memory_space<vmem>>, %arg13: memref<128x128xf32, #tpu.memory_space<vmem>>, %arg14: memref<!tpu.dma_semaphore, #tpu.memory_space<semaphore_mem>>, %arg15: memref<!tpu.dma_semaphore, #tpu.memory_space<semaphore_mem>>, %arg16: memref<!tpu.dma_semaphore, #tpu.memory_space<semaphore_mem>>, %arg17: memref<!tpu.dma_semaphore, #tpu.memory_space<semaphore_mem>>, %arg18: memref<!tpu.dma_semaphore, #tpu.memory_space<semaphore_mem>>, %arg19: memref<!tpu.dma_semaphore, #tpu.memory_space<semaphore_mem>>, %arg20: memref<!tpu.dma_semaphore, #tpu.memory_space<semaphore_mem>>, %arg21: memref<!tpu.dma_semaphore, #tpu.memory_space<semaphore_mem>>) attributes {dimension_semantics = [#tpu.dimension_semantics<core_parallel>, #tpu.dimension_semantics<subcore_parallel>], iteration_bounds = array<i64: 2, 16>, scalar_prefetch = 0 : i64, scratch_operands = 14 : i64, tpu.core_type = #tpu.core_type<sc_vector_subcore>, window_params = [{transform_indices = #map}, {transform_indices = #map}, {transform_indices = #map1}, {transform_indices = #map1}, {transform_indices = #map}, {transform_indices = #map}]} {
    %mul3A = arith.constant 16 : i32
    %mul3A_0 = arith.muli %arg0, %mul3A : i32
    %add3A = arith.addi %mul3A_0, %arg1 : i32
    "tpu.region"() ({
      %run_scoped3A = tpu.sem_alloc : memref<!tpu.dma_semaphore, #tpu.memory_space<semaphore_mem>>
      %dma_start3A_101 = arith.constant 0 : i32
      %dma_start3A_102 = arith.constant 0 : i32
      %dma_start3A_103 = tpu.memref_slice %arg4[%add3A, %dma_start3A_101, %dma_start3A_102] : memref<32x80x128xi32, #tpu.memory_space<hbm>> -> memref<1x80x128xi32, #tpu.memory_space<hbm>>
      %dma_start3A_104 = tpu.memref_squeeze %dma_start3A_103 : memref<1x80x128xi32, #tpu.memory_space<hbm>> -> memref<80x128xi32, #tpu.memory_space<hbm>>
      %dma_start3A_105 = arith.constant 0 : i32
      %dma_start3A_106 = arith.constant 0 : i32
      %dma_start3A_107 = tpu.memref_slice %arg4[%add3A, %dma_start3A_105, %dma_start3A_106] : memref<32x80x128xi32, #tpu.memory_space<hbm>> -> memref<1x80x128xi32, #tpu.memory_space<hbm>>
      %dma_start3A_108 = tpu.memref_squeeze %dma_start3A_107 : memref<1x80x128xi32, #tpu.memory_space<hbm>> -> memref<80x128xi32, #tpu.memory_space<hbm>>
      tpu.enqueue_dma source(%dma_start3A_108 : memref<80x128xi32, #tpu.memory_space<hbm>>) target(%arg8 : memref<80x128xi32, #tpu.memory_space<vmem>>) target_semaphore(%run_scoped3A : memref<!tpu.dma_semaphore, #tpu.memory_space<semaphore_mem>>)
      %dma_wait3A_109 = arith.constant 0 : i32
      %dma_wait3A_110 = arith.constant 0 : i32
      %dma_wait3A_111 = tpu.memref_slice %arg4[%add3A, %dma_wait3A_109, %dma_wait3A_110] : memref<32x80x128xi32, #tpu.memory_space<hbm>> -> memref<1x80x128xi32, #tpu.memory_space<hbm>>
      %dma_wait3A_112 = tpu.memref_squeeze %dma_wait3A_111 : memref<1x80x128xi32, #tpu.memory_space<hbm>> -> memref<80x128xi32, #tpu.memory_space<hbm>>
      %dma_wait3A_113 = arith.constant 0 : i32
      %dma_wait3A_114 = arith.constant 0 : i32
      %dma_wait3A_115 = tpu.memref_slice %arg4[%add3A, %dma_wait3A_113, %dma_wait3A_114] : memref<32x80x128xi32, #tpu.memory_space<hbm>> -> memref<1x80x128xi32, #tpu.memory_space<hbm>>
      %dma_wait3A_116 = tpu.memref_squeeze %dma_wait3A_115 : memref<1x80x128xi32, #tpu.memory_space<hbm>> -> memref<80x128xi32, #tpu.memory_space<hbm>>
      tpu.wait_dma2 semaphore(%run_scoped3A : memref<!tpu.dma_semaphore, #tpu.memory_space<semaphore_mem>>) src(%dma_wait3A_116 : memref<80x128xi32, #tpu.memory_space<hbm>>) dst(%arg8 : memref<80x128xi32, #tpu.memory_space<vmem>>)
      tpu.yield
    }) : () -> ()
    "tpu.region"() ({
      %run_scoped3A = tpu.sem_alloc : memref<!tpu.dma_semaphore, #tpu.memory_space<semaphore_mem>>
      %dma_start3A_101 = arith.constant 0 : i32
      %dma_start3A_102 = arith.constant 0 : i32
      %dma_start3A_103 = tpu.memref_slice %arg5[%add3A, %dma_start3A_101, %dma_start3A_102] : memref<32x80x128xi32, #tpu.memory_space<hbm>> -> memref<1x80x128xi32, #tpu.memory_space<hbm>>
      %dma_start3A_104 = tpu.memref_squeeze %dma_start3A_103 : memref<1x80x128xi32, #tpu.memory_space<hbm>> -> memref<80x128xi32, #tpu.memory_space<hbm>>
      %dma_start3A_105 = arith.constant 0 : i32
      %dma_start3A_106 = arith.constant 0 : i32
      %dma_start3A_107 = tpu.memref_slice %arg5[%add3A, %dma_start3A_105, %dma_start3A_106] : memref<32x80x128xi32, #tpu.memory_space<hbm>> -> memref<1x80x128xi32, #tpu.memory_space<hbm>>
      %dma_start3A_108 = tpu.memref_squeeze %dma_start3A_107 : memref<1x80x128xi32, #tpu.memory_space<hbm>> -> memref<80x128xi32, #tpu.memory_space<hbm>>
      tpu.enqueue_dma source(%dma_start3A_108 : memref<80x128xi32, #tpu.memory_space<hbm>>) target(%arg9 : memref<80x128xi32, #tpu.memory_space<vmem>>) target_semaphore(%run_scoped3A : memref<!tpu.dma_semaphore, #tpu.memory_space<semaphore_mem>>)
      %dma_wait3A_109 = arith.constant 0 : i32
      %dma_wait3A_110 = arith.constant 0 : i32
      %dma_wait3A_111 = tpu.memref_slice %arg5[%add3A, %dma_wait3A_109, %dma_wait3A_110] : memref<32x80x128xi32, #tpu.memory_space<hbm>> -> memref<1x80x128xi32, #tpu.memory_space<hbm>>
      %dma_wait3A_112 = tpu.memref_squeeze %dma_wait3A_111 : memref<1x80x128xi32, #tpu.memory_space<hbm>> -> memref<80x128xi32, #tpu.memory_space<hbm>>
      %dma_wait3A_113 = arith.constant 0 : i32
      %dma_wait3A_114 = arith.constant 0 : i32
      %dma_wait3A_115 = tpu.memref_slice %arg5[%add3A, %dma_wait3A_113, %dma_wait3A_114] : memref<32x80x128xi32, #tpu.memory_space<hbm>> -> memref<1x80x128xi32, #tpu.memory_space<hbm>>
      %dma_wait3A_116 = tpu.memref_squeeze %dma_wait3A_115 : memref<1x80x128xi32, #tpu.memory_space<hbm>> -> memref<80x128xi32, #tpu.memory_space<hbm>>
      tpu.wait_dma2 semaphore(%run_scoped3A : memref<!tpu.dma_semaphore, #tpu.memory_space<semaphore_mem>>) src(%dma_wait3A_116 : memref<80x128xi32, #tpu.memory_space<hbm>>) dst(%arg9 : memref<80x128xi32, #tpu.memory_space<vmem>>)
      tpu.yield
    }) : () -> ()
    %mul3A_1 = arith.constant 10240 : i32
    %mul3A_2 = arith.muli %add3A, %mul3A_1 : i32
    %dma_start3A = arith.constant 0 : i32
    %dma_start3A_3 = arith.constant 0 : i32
    %dma_start3A_4 = tpu.memref_slice %arg8[%dma_start3A, %dma_start3A_3] : memref<80x128xi32, #tpu.memory_space<vmem>> -> memref<1x128xi32, #tpu.memory_space<vmem>>
    %dma_start3A_5 = tpu.memref_squeeze %dma_start3A_4 : memref<1x128xi32, #tpu.memory_space<vmem>> -> memref<128xi32, #tpu.memory_space<vmem>>
    %dma_start3A_6 = arith.constant 0 : i32
    %dma_start3A_7 = arith.constant 0 : i32
    %dma_start3A_8 = tpu.memref_slice %arg2[%dma_start3A_6, %dma_start3A_7] : memref<20000x128xf32, #tpu.memory_space<hbm>> -> memref<20000x128xf32, #tpu.memory_space<hbm>>
    tpu.enqueue_indirect_dma source(%dma_start3A_8 : memref<20000x128xf32, #tpu.memory_space<hbm>>) target(%arg10 : memref<128x128xf32, #tpu.memory_space<vmem>>) offsets(%dma_start3A_5 : memref<128xi32, #tpu.memory_space<vmem>>) semaphore(%arg14 : memref<!tpu.dma_semaphore, #tpu.memory_space<semaphore_mem>>)
    %dma_start3A_9 = arith.constant 0 : i32
    %dma_start3A_10 = arith.constant 0 : i32
    %dma_start3A_11 = tpu.memref_slice %arg9[%dma_start3A_9, %dma_start3A_10] : memref<80x128xi32, #tpu.memory_space<vmem>> -> memref<1x128xi32, #tpu.memory_space<vmem>>
    %dma_start3A_12 = tpu.memref_squeeze %dma_start3A_11 : memref<1x128xi32, #tpu.memory_space<vmem>> -> memref<128xi32, #tpu.memory_space<vmem>>
    %dma_start3A_13 = arith.constant 0 : i32
    %dma_start3A_14 = arith.constant 0 : i32
    %dma_start3A_15 = tpu.memref_slice %arg3[%dma_start3A_13, %dma_start3A_14] : memref<20000x128xf32, #tpu.memory_space<hbm>> -> memref<20000x128xf32, #tpu.memory_space<hbm>>
    tpu.enqueue_indirect_dma source(%dma_start3A_15 : memref<20000x128xf32, #tpu.memory_space<hbm>>) target(%arg12 : memref<128x128xf32, #tpu.memory_space<vmem>>) offsets(%dma_start3A_12 : memref<128xi32, #tpu.memory_space<vmem>>) semaphore(%arg16 : memref<!tpu.dma_semaphore, #tpu.memory_space<semaphore_mem>>)
    %dma_start3A_16 = arith.constant 1 : i32
    %dma_start3A_17 = arith.constant 0 : i32
    %dma_start3A_18 = tpu.memref_slice %arg8[%dma_start3A_16, %dma_start3A_17] : memref<80x128xi32, #tpu.memory_space<vmem>> -> memref<1x128xi32, #tpu.memory_space<vmem>>
    %dma_start3A_19 = tpu.memref_squeeze %dma_start3A_18 : memref<1x128xi32, #tpu.memory_space<vmem>> -> memref<128xi32, #tpu.memory_space<vmem>>
    %dma_start3A_20 = arith.constant 0 : i32
    %dma_start3A_21 = arith.constant 0 : i32
    %dma_start3A_22 = tpu.memref_slice %arg2[%dma_start3A_20, %dma_start3A_21] : memref<20000x128xf32, #tpu.memory_space<hbm>> -> memref<20000x128xf32, #tpu.memory_space<hbm>>
    tpu.enqueue_indirect_dma source(%dma_start3A_22 : memref<20000x128xf32, #tpu.memory_space<hbm>>) target(%arg11 : memref<128x128xf32, #tpu.memory_space<vmem>>) offsets(%dma_start3A_19 : memref<128xi32, #tpu.memory_space<vmem>>) semaphore(%arg15 : memref<!tpu.dma_semaphore, #tpu.memory_space<semaphore_mem>>)
    %dma_start3A_23 = arith.constant 1 : i32
    %dma_start3A_24 = arith.constant 0 : i32
    %dma_start3A_25 = tpu.memref_slice %arg9[%dma_start3A_23, %dma_start3A_24] : memref<80x128xi32, #tpu.memory_space<vmem>> -> memref<1x128xi32, #tpu.memory_space<vmem>>
    %dma_start3A_26 = tpu.memref_squeeze %dma_start3A_25 : memref<1x128xi32, #tpu.memory_space<vmem>> -> memref<128xi32, #tpu.memory_space<vmem>>
    %dma_start3A_27 = arith.constant 0 : i32
    %dma_start3A_28 = arith.constant 0 : i32
    %dma_start3A_29 = tpu.memref_slice %arg3[%dma_start3A_27, %dma_start3A_28] : memref<20000x128xf32, #tpu.memory_space<hbm>> -> memref<20000x128xf32, #tpu.memory_space<hbm>>
    tpu.enqueue_indirect_dma source(%dma_start3A_29 : memref<20000x128xf32, #tpu.memory_space<hbm>>) target(%arg13 : memref<128x128xf32, #tpu.memory_space<vmem>>) offsets(%dma_start3A_26 : memref<128xi32, #tpu.memory_space<vmem>>) semaphore(%arg17 : memref<!tpu.dma_semaphore, #tpu.memory_space<semaphore_mem>>)
    %scan3A = arith.constant 0 : i32
    %scan3A_30 = arith.constant 39 : i32
    %scan3A_31 = arith.addi %scan3A, %scan3A_30 : i32
    %scan3A_32 = arith.constant 1 : i32
    scf.for %scan3A_101 = %scan3A to %scan3A_31 step %scan3A_32  : i32 {
      %mul3A_102 = arith.constant 2 : i32
      %mul3A_103 = arith.muli %scan3A_101, %mul3A_102 : i32
      %add3A_104 = arith.constant 0 : i32
      %add3A_105 = arith.addi %add3A_104, %mul3A_103 : i32
      %add3A_106 = arith.constant 0 : i32
      %add3A_107 = arith.addi %add3A_105, %add3A_106 : i32
      %dma_wait3A_108 = arith.constant 0 : i32
      %dma_wait3A_109 = tpu.memref_slice %arg8[%add3A_107, %dma_wait3A_108] : memref<80x128xi32, #tpu.memory_space<vmem>> -> memref<1x128xi32, #tpu.memory_space<vmem>>
      %dma_wait3A_110 = tpu.memref_squeeze %dma_wait3A_109 : memref<1x128xi32, #tpu.memory_space<vmem>> -> memref<128xi32, #tpu.memory_space<vmem>>
      %dma_wait3A_111 = arith.constant 0 : i32
      %dma_wait3A_112 = arith.constant 0 : i32
      %dma_wait3A_113 = tpu.memref_slice %arg2[%dma_wait3A_111, %dma_wait3A_112] : memref<20000x128xf32, #tpu.memory_space<hbm>> -> memref<20000x128xf32, #tpu.memory_space<hbm>>
      tpu.wait_indirect_dma semaphore(%arg14 : memref<!tpu.dma_semaphore, #tpu.memory_space<semaphore_mem>>) src(%dma_wait3A_113 : memref<20000x128xf32, #tpu.memory_space<hbm>>) dst(%arg10 : memref<128x128xf32, #tpu.memory_space<vmem>>)
      %dma_wait3A_114 = arith.constant 0 : i32
      %dma_wait3A_115 = tpu.memref_slice %arg9[%add3A_107, %dma_wait3A_114] : memref<80x128xi32, #tpu.memory_space<vmem>> -> memref<1x128xi32, #tpu.memory_space<vmem>>
      %dma_wait3A_116 = tpu.memref_squeeze %dma_wait3A_115 : memref<1x128xi32, #tpu.memory_space<vmem>> -> memref<128xi32, #tpu.memory_space<vmem>>
      %dma_wait3A_117 = arith.constant 0 : i32
      %dma_wait3A_118 = arith.constant 0 : i32
      %dma_wait3A_119 = tpu.memref_slice %arg3[%dma_wait3A_117, %dma_wait3A_118] : memref<20000x128xf32, #tpu.memory_space<hbm>> -> memref<20000x128xf32, #tpu.memory_space<hbm>>
      tpu.wait_indirect_dma semaphore(%arg16 : memref<!tpu.dma_semaphore, #tpu.memory_space<semaphore_mem>>) src(%dma_wait3A_119 : memref<20000x128xf32, #tpu.memory_space<hbm>>) dst(%arg12 : memref<128x128xf32, #tpu.memory_space<vmem>>)
      %mul3A_120 = arith.constant 128 : i32
      %mul3A_121 = arith.muli %add3A_107, %mul3A_120 : i32
      %add3A_122 = arith.addi %mul3A_2, %mul3A_121 : i32
      %dma_start3A_123 = arith.constant 0 : i32
      %dma_start3A_124 = tpu.memref_slice %arg6[%add3A_122, %dma_start3A_123] : memref<327680x128xf32, #tpu.memory_space<hbm>> -> memref<128x128xf32, #tpu.memory_space<hbm>>
      %dma_start3A_125 = arith.constant 0 : i32
      %dma_start3A_126 = tpu.memref_slice %arg6[%add3A_122, %dma_start3A_125] : memref<327680x128xf32, #tpu.memory_space<hbm>> -> memref<128x128xf32, #tpu.memory_space<hbm>>
      tpu.enqueue_dma source(%arg10 : memref<128x128xf32, #tpu.memory_space<vmem>>) target(%dma_start3A_126 : memref<128x128xf32, #tpu.memory_space<hbm>>) target_semaphore(%arg18 : memref<!tpu.dma_semaphore, #tpu.memory_space<semaphore_mem>>)
      %dma_start3A_127 = arith.constant 0 : i32
      %dma_start3A_128 = tpu.memref_slice %arg7[%add3A_122, %dma_start3A_127] : memref<327680x128xf32, #tpu.memory_space<hbm>> -> memref<128x128xf32, #tpu.memory_space<hbm>>
      %dma_start3A_129 = arith.constant 0 : i32
      %dma_start3A_130 = tpu.memref_slice %arg7[%add3A_122, %dma_start3A_129] : memref<327680x128xf32, #tpu.memory_space<hbm>> -> memref<128x128xf32, #tpu.memory_space<hbm>>
      tpu.enqueue_dma source(%arg12 : memref<128x128xf32, #tpu.memory_space<vmem>>) target(%dma_start3A_130 : memref<128x128xf32, #tpu.memory_space<hbm>>) target_semaphore(%arg20 : memref<!tpu.dma_semaphore, #tpu.memory_space<semaphore_mem>>)
      %mul3A_131 = arith.constant 128 : i32
      %mul3A_132 = arith.muli %add3A_107, %mul3A_131 : i32
      %add3A_133 = arith.addi %mul3A_2, %mul3A_132 : i32
      %dma_wait3A_134 = arith.constant 0 : i32
      %dma_wait3A_135 = tpu.memref_slice %arg6[%add3A_133, %dma_wait3A_134] : memref<327680x128xf32, #tpu.memory_space<hbm>> -> memref<128x128xf32, #tpu.memory_space<hbm>>
      %dma_wait3A_136 = arith.constant 0 : i32
      %dma_wait3A_137 = tpu.memref_slice %arg6[%add3A_133, %dma_wait3A_136] : memref<327680x128xf32, #tpu.memory_space<hbm>> -> memref<128x128xf32, #tpu.memory_space<hbm>>
      tpu.wait_dma2 semaphore(%arg18 : memref<!tpu.dma_semaphore, #tpu.memory_space<semaphore_mem>>) src(%arg10 : memref<128x128xf32, #tpu.memory_space<vmem>>) dst(%dma_wait3A_137 : memref<128x128xf32, #tpu.memory_space<hbm>>)
      %dma_wait3A_138 = arith.constant 0 : i32
      %dma_wait3A_139 = tpu.memref_slice %arg7[%add3A_133, %dma_wait3A_138] : memref<327680x128xf32, #tpu.memory_space<hbm>> -> memref<128x128xf32, #tpu.memory_space<hbm>>
      %dma_wait3A_140 = arith.constant 0 : i32
      %dma_wait3A_141 = tpu.memref_slice %arg7[%add3A_133, %dma_wait3A_140] : memref<327680x128xf32, #tpu.memory_space<hbm>> -> memref<128x128xf32, #tpu.memory_space<hbm>>
      tpu.wait_dma2 semaphore(%arg20 : memref<!tpu.dma_semaphore, #tpu.memory_space<semaphore_mem>>) src(%arg12 : memref<128x128xf32, #tpu.memory_space<vmem>>) dst(%dma_wait3A_141 : memref<128x128xf32, #tpu.memory_space<hbm>>)
      %add3A_142 = arith.constant 2 : i32
      %add3A_143 = arith.addi %add3A_107, %add3A_142 : i32
      %dma_start3A_144 = arith.constant 0 : i32
      %dma_start3A_145 = tpu.memref_slice %arg8[%add3A_143, %dma_start3A_144] : memref<80x128xi32, #tpu.memory_space<vmem>> -> memref<1x128xi32, #tpu.memory_space<vmem>>
      %dma_start3A_146 = tpu.memref_squeeze %dma_start3A_145 : memref<1x128xi32, #tpu.memory_space<vmem>> -> memref<128xi32, #tpu.memory_space<vmem>>
      %dma_start3A_147 = arith.constant 0 : i32
      %dma_start3A_148 = arith.constant 0 : i32
      %dma_start3A_149 = tpu.memref_slice %arg2[%dma_start3A_147, %dma_start3A_148] : memref<20000x128xf32, #tpu.memory_space<hbm>> -> memref<20000x128xf32, #tpu.memory_space<hbm>>
      tpu.enqueue_indirect_dma source(%dma_start3A_149 : memref<20000x128xf32, #tpu.memory_space<hbm>>) target(%arg10 : memref<128x128xf32, #tpu.memory_space<vmem>>) offsets(%dma_start3A_146 : memref<128xi32, #tpu.memory_space<vmem>>) semaphore(%arg14 : memref<!tpu.dma_semaphore, #tpu.memory_space<semaphore_mem>>)
      %dma_start3A_150 = arith.constant 0 : i32
      %dma_start3A_151 = tpu.memref_slice %arg9[%add3A_143, %dma_start3A_150] : memref<80x128xi32, #tpu.memory_space<vmem>> -> memref<1x128xi32, #tpu.memory_space<vmem>>
      %dma_start3A_152 = tpu.memref_squeeze %dma_start3A_151 : memref<1x128xi32, #tpu.memory_space<vmem>> -> memref<128xi32, #tpu.memory_space<vmem>>
      %dma_start3A_153 = arith.constant 0 : i32
      %dma_start3A_154 = arith.constant 0 : i32
      %dma_start3A_155 = tpu.memref_slice %arg3[%dma_start3A_153, %dma_start3A_154] : memref<20000x128xf32, #tpu.memory_space<hbm>> -> memref<20000x128xf32, #tpu.memory_space<hbm>>
      tpu.enqueue_indirect_dma source(%dma_start3A_155 : memref<20000x128xf32, #tpu.memory_space<hbm>>) target(%arg12 : memref<128x128xf32, #tpu.memory_space<vmem>>) offsets(%dma_start3A_152 : memref<128xi32, #tpu.memory_space<vmem>>) semaphore(%arg16 : memref<!tpu.dma_semaphore, #tpu.memory_space<semaphore_mem>>)
      %add3A_156 = arith.constant 1 : i32
      %add3A_157 = arith.addi %add3A_105, %add3A_156 : i32
      %dma_wait3A_158 = arith.constant 0 : i32
      %dma_wait3A_159 = tpu.memref_slice %arg8[%add3A_157, %dma_wait3A_158] : memref<80x128xi32, #tpu.memory_space<vmem>> -> memref<1x128xi32, #tpu.memory_space<vmem>>
      %dma_wait3A_160 = tpu.memref_squeeze %dma_wait3A_159 : memref<1x128xi32, #tpu.memory_space<vmem>> -> memref<128xi32, #tpu.memory_space<vmem>>
      %dma_wait3A_161 = arith.constant 0 : i32
      %dma_wait3A_162 = arith.constant 0 : i32
      %dma_wait3A_163 = tpu.memref_slice %arg2[%dma_wait3A_161, %dma_wait3A_162] : memref<20000x128xf32, #tpu.memory_space<hbm>> -> memref<20000x128xf32, #tpu.memory_space<hbm>>
      tpu.wait_indirect_dma semaphore(%arg15 : memref<!tpu.dma_semaphore, #tpu.memory_space<semaphore_mem>>) src(%dma_wait3A_163 : memref<20000x128xf32, #tpu.memory_space<hbm>>) dst(%arg11 : memref<128x128xf32, #tpu.memory_space<vmem>>)
      %dma_wait3A_164 = arith.constant 0 : i32
      %dma_wait3A_165 = tpu.memref_slice %arg9[%add3A_157, %dma_wait3A_164] : memref<80x128xi32, #tpu.memory_space<vmem>> -> memref<1x128xi32, #tpu.memory_space<vmem>>
      %dma_wait3A_166 = tpu.memref_squeeze %dma_wait3A_165 : memref<1x128xi32, #tpu.memory_space<vmem>> -> memref<128xi32, #tpu.memory_space<vmem>>
      %dma_wait3A_167 = arith.constant 0 : i32
      %dma_wait3A_168 = arith.constant 0 : i32
      %dma_wait3A_169 = tpu.memref_slice %arg3[%dma_wait3A_167, %dma_wait3A_168] : memref<20000x128xf32, #tpu.memory_space<hbm>> -> memref<20000x128xf32, #tpu.memory_space<hbm>>
      tpu.wait_indirect_dma semaphore(%arg17 : memref<!tpu.dma_semaphore, #tpu.memory_space<semaphore_mem>>) src(%dma_wait3A_169 : memref<20000x128xf32, #tpu.memory_space<hbm>>) dst(%arg13 : memref<128x128xf32, #tpu.memory_space<vmem>>)
      %mul3A_170 = arith.constant 128 : i32
      %mul3A_171 = arith.muli %add3A_157, %mul3A_170 : i32
      %add3A_172 = arith.addi %mul3A_2, %mul3A_171 : i32
      %dma_start3A_173 = arith.constant 0 : i32
      %dma_start3A_174 = tpu.memref_slice %arg6[%add3A_172, %dma_start3A_173] : memref<327680x128xf32, #tpu.memory_space<hbm>> -> memref<128x128xf32, #tpu.memory_space<hbm>>
      %dma_start3A_175 = arith.constant 0 : i32
      %dma_start3A_176 = tpu.memref_slice %arg6[%add3A_172, %dma_start3A_175] : memref<327680x128xf32, #tpu.memory_space<hbm>> -> memref<128x128xf32, #tpu.memory_space<hbm>>
      tpu.enqueue_dma source(%arg11 : memref<128x128xf32, #tpu.memory_space<vmem>>) target(%dma_start3A_176 : memref<128x128xf32, #tpu.memory_space<hbm>>) target_semaphore(%arg19 : memref<!tpu.dma_semaphore, #tpu.memory_space<semaphore_mem>>)
      %dma_start3A_177 = arith.constant 0 : i32
      %dma_start3A_178 = tpu.memref_slice %arg7[%add3A_172, %dma_start3A_177] : memref<327680x128xf32, #tpu.memory_space<hbm>> -> memref<128x128xf32, #tpu.memory_space<hbm>>
      %dma_start3A_179 = arith.constant 0 : i32
      %dma_start3A_180 = tpu.memref_slice %arg7[%add3A_172, %dma_start3A_179] : memref<327680x128xf32, #tpu.memory_space<hbm>> -> memref<128x128xf32, #tpu.memory_space<hbm>>
      tpu.enqueue_dma source(%arg13 : memref<128x128xf32, #tpu.memory_space<vmem>>) target(%dma_start3A_180 : memref<128x128xf32, #tpu.memory_space<hbm>>) target_semaphore(%arg21 : memref<!tpu.dma_semaphore, #tpu.memory_space<semaphore_mem>>)
      %mul3A_181 = arith.constant 128 : i32
      %mul3A_182 = arith.muli %add3A_157, %mul3A_181 : i32
      %add3A_183 = arith.addi %mul3A_2, %mul3A_182 : i32
      %dma_wait3A_184 = arith.constant 0 : i32
      %dma_wait3A_185 = tpu.memref_slice %arg6[%add3A_183, %dma_wait3A_184] : memref<327680x128xf32, #tpu.memory_space<hbm>> -> memref<128x128xf32, #tpu.memory_space<hbm>>
      %dma_wait3A_186 = arith.constant 0 : i32
      %dma_wait3A_187 = tpu.memref_slice %arg6[%add3A_183, %dma_wait3A_186] : memref<327680x128xf32, #tpu.memory_space<hbm>> -> memref<128x128xf32, #tpu.memory_space<hbm>>
      tpu.wait_dma2 semaphore(%arg19 : memref<!tpu.dma_semaphore, #tpu.memory_space<semaphore_mem>>) src(%arg11 : memref<128x128xf32, #tpu.memory_space<vmem>>) dst(%dma_wait3A_187 : memref<128x128xf32, #tpu.memory_space<hbm>>)
      %dma_wait3A_188 = arith.constant 0 : i32
      %dma_wait3A_189 = tpu.memref_slice %arg7[%add3A_183, %dma_wait3A_188] : memref<327680x128xf32, #tpu.memory_space<hbm>> -> memref<128x128xf32, #tpu.memory_space<hbm>>
      %dma_wait3A_190 = arith.constant 0 : i32
      %dma_wait3A_191 = tpu.memref_slice %arg7[%add3A_183, %dma_wait3A_190] : memref<327680x128xf32, #tpu.memory_space<hbm>> -> memref<128x128xf32, #tpu.memory_space<hbm>>
      tpu.wait_dma2 semaphore(%arg21 : memref<!tpu.dma_semaphore, #tpu.memory_space<semaphore_mem>>) src(%arg13 : memref<128x128xf32, #tpu.memory_space<vmem>>) dst(%dma_wait3A_191 : memref<128x128xf32, #tpu.memory_space<hbm>>)
      %add3A_192 = arith.constant 2 : i32
      %add3A_193 = arith.addi %add3A_157, %add3A_192 : i32
      %dma_start3A_194 = arith.constant 0 : i32
      %dma_start3A_195 = tpu.memref_slice %arg8[%add3A_193, %dma_start3A_194] : memref<80x128xi32, #tpu.memory_space<vmem>> -> memref<1x128xi32, #tpu.memory_space<vmem>>
      %dma_start3A_196 = tpu.memref_squeeze %dma_start3A_195 : memref<1x128xi32, #tpu.memory_space<vmem>> -> memref<128xi32, #tpu.memory_space<vmem>>
      %dma_start3A_197 = arith.constant 0 : i32
      %dma_start3A_198 = arith.constant 0 : i32
      %dma_start3A_199 = tpu.memref_slice %arg2[%dma_start3A_197, %dma_start3A_198] : memref<20000x128xf32, #tpu.memory_space<hbm>> -> memref<20000x128xf32, #tpu.memory_space<hbm>>
      tpu.enqueue_indirect_dma source(%dma_start3A_199 : memref<20000x128xf32, #tpu.memory_space<hbm>>) target(%arg11 : memref<128x128xf32, #tpu.memory_space<vmem>>) offsets(%dma_start3A_196 : memref<128xi32, #tpu.memory_space<vmem>>) semaphore(%arg15 : memref<!tpu.dma_semaphore, #tpu.memory_space<semaphore_mem>>)
      %dma_start3A_200 = arith.constant 0 : i32
      %dma_start3A_201 = tpu.memref_slice %arg9[%add3A_193, %dma_start3A_200] : memref<80x128xi32, #tpu.memory_space<vmem>> -> memref<1x128xi32, #tpu.memory_space<vmem>>
      %dma_start3A_202 = tpu.memref_squeeze %dma_start3A_201 : memref<1x128xi32, #tpu.memory_space<vmem>> -> memref<128xi32, #tpu.memory_space<vmem>>
      %dma_start3A_203 = arith.constant 0 : i32
      %dma_start3A_204 = arith.constant 0 : i32
      %dma_start3A_205 = tpu.memref_slice %arg3[%dma_start3A_203, %dma_start3A_204] : memref<20000x128xf32, #tpu.memory_space<hbm>> -> memref<20000x128xf32, #tpu.memory_space<hbm>>
      tpu.enqueue_indirect_dma source(%dma_start3A_205 : memref<20000x128xf32, #tpu.memory_space<hbm>>) target(%arg13 : memref<128x128xf32, #tpu.memory_space<vmem>>) offsets(%dma_start3A_202 : memref<128xi32, #tpu.memory_space<vmem>>) semaphore(%arg17 : memref<!tpu.dma_semaphore, #tpu.memory_space<semaphore_mem>>)
    }
    %scan3A_33 = arith.constant 39 : i32
    %dma_wait3A = arith.constant 78 : i32
    %dma_wait3A_34 = arith.constant 0 : i32
    %dma_wait3A_35 = tpu.memref_slice %arg8[%dma_wait3A, %dma_wait3A_34] : memref<80x128xi32, #tpu.memory_space<vmem>> -> memref<1x128xi32, #tpu.memory_space<vmem>>
    %dma_wait3A_36 = tpu.memref_squeeze %dma_wait3A_35 : memref<1x128xi32, #tpu.memory_space<vmem>> -> memref<128xi32, #tpu.memory_space<vmem>>
    %dma_wait3A_37 = arith.constant 0 : i32
    %dma_wait3A_38 = arith.constant 0 : i32
    %dma_wait3A_39 = tpu.memref_slice %arg2[%dma_wait3A_37, %dma_wait3A_38] : memref<20000x128xf32, #tpu.memory_space<hbm>> -> memref<20000x128xf32, #tpu.memory_space<hbm>>
    tpu.wait_indirect_dma semaphore(%arg14 : memref<!tpu.dma_semaphore, #tpu.memory_space<semaphore_mem>>) src(%dma_wait3A_39 : memref<20000x128xf32, #tpu.memory_space<hbm>>) dst(%arg10 : memref<128x128xf32, #tpu.memory_space<vmem>>)
    %dma_wait3A_40 = arith.constant 78 : i32
    %dma_wait3A_41 = arith.constant 0 : i32
    %dma_wait3A_42 = tpu.memref_slice %arg9[%dma_wait3A_40, %dma_wait3A_41] : memref<80x128xi32, #tpu.memory_space<vmem>> -> memref<1x128xi32, #tpu.memory_space<vmem>>
    %dma_wait3A_43 = tpu.memref_squeeze %dma_wait3A_42 : memref<1x128xi32, #tpu.memory_space<vmem>> -> memref<128xi32, #tpu.memory_space<vmem>>
    %dma_wait3A_44 = arith.constant 0 : i32
    %dma_wait3A_45 = arith.constant 0 : i32
    %dma_wait3A_46 = tpu.memref_slice %arg3[%dma_wait3A_44, %dma_wait3A_45] : memref<20000x128xf32, #tpu.memory_space<hbm>> -> memref<20000x128xf32, #tpu.memory_space<hbm>>
    tpu.wait_indirect_dma semaphore(%arg16 : memref<!tpu.dma_semaphore, #tpu.memory_space<semaphore_mem>>) src(%dma_wait3A_46 : memref<20000x128xf32, #tpu.memory_space<hbm>>) dst(%arg12 : memref<128x128xf32, #tpu.memory_space<vmem>>)
    %add3A_47 = arith.constant 9984 : i32
    %add3A_48 = arith.addi %mul3A_2, %add3A_47 : i32
    %dma_start3A_49 = arith.constant 0 : i32
    %dma_start3A_50 = tpu.memref_slice %arg6[%add3A_48, %dma_start3A_49] : memref<327680x128xf32, #tpu.memory_space<hbm>> -> memref<128x128xf32, #tpu.memory_space<hbm>>
    %dma_start3A_51 = arith.constant 0 : i32
    %dma_start3A_52 = tpu.memref_slice %arg6[%add3A_48, %dma_start3A_51] : memref<327680x128xf32, #tpu.memory_space<hbm>> -> memref<128x128xf32, #tpu.memory_space<hbm>>
    tpu.enqueue_dma source(%arg10 : memref<128x128xf32, #tpu.memory_space<vmem>>) target(%dma_start3A_52 : memref<128x128xf32, #tpu.memory_space<hbm>>) target_semaphore(%arg18 : memref<!tpu.dma_semaphore, #tpu.memory_space<semaphore_mem>>)
    %dma_start3A_53 = arith.constant 0 : i32
    %dma_start3A_54 = tpu.memref_slice %arg7[%add3A_48, %dma_start3A_53] : memref<327680x128xf32, #tpu.memory_space<hbm>> -> memref<128x128xf32, #tpu.memory_space<hbm>>
    %dma_start3A_55 = arith.constant 0 : i32
    %dma_start3A_56 = tpu.memref_slice %arg7[%add3A_48, %dma_start3A_55] : memref<327680x128xf32, #tpu.memory_space<hbm>> -> memref<128x128xf32, #tpu.memory_space<hbm>>
    tpu.enqueue_dma source(%arg12 : memref<128x128xf32, #tpu.memory_space<vmem>>) target(%dma_start3A_56 : memref<128x128xf32, #tpu.memory_space<hbm>>) target_semaphore(%arg20 : memref<!tpu.dma_semaphore, #tpu.memory_space<semaphore_mem>>)
    %add3A_57 = arith.constant 9984 : i32
    %add3A_58 = arith.addi %mul3A_2, %add3A_57 : i32
    %dma_wait3A_59 = arith.constant 0 : i32
    %dma_wait3A_60 = tpu.memref_slice %arg6[%add3A_58, %dma_wait3A_59] : memref<327680x128xf32, #tpu.memory_space<hbm>> -> memref<128x128xf32, #tpu.memory_space<hbm>>
    %dma_wait3A_61 = arith.constant 0 : i32
    %dma_wait3A_62 = tpu.memref_slice %arg6[%add3A_58, %dma_wait3A_61] : memref<327680x128xf32, #tpu.memory_space<hbm>> -> memref<128x128xf32, #tpu.memory_space<hbm>>
    tpu.wait_dma2 semaphore(%arg18 : memref<!tpu.dma_semaphore, #tpu.memory_space<semaphore_mem>>) src(%arg10 : memref<128x128xf32, #tpu.memory_space<vmem>>) dst(%dma_wait3A_62 : memref<128x128xf32, #tpu.memory_space<hbm>>)
    %dma_wait3A_63 = arith.constant 0 : i32
    %dma_wait3A_64 = tpu.memref_slice %arg7[%add3A_58, %dma_wait3A_63] : memref<327680x128xf32, #tpu.memory_space<hbm>> -> memref<128x128xf32, #tpu.memory_space<hbm>>
    %dma_wait3A_65 = arith.constant 0 : i32
    %dma_wait3A_66 = tpu.memref_slice %arg7[%add3A_58, %dma_wait3A_65] : memref<327680x128xf32, #tpu.memory_space<hbm>> -> memref<128x128xf32, #tpu.memory_space<hbm>>
    tpu.wait_dma2 semaphore(%arg20 : memref<!tpu.dma_semaphore, #tpu.memory_space<semaphore_mem>>) src(%arg12 : memref<128x128xf32, #tpu.memory_space<vmem>>) dst(%dma_wait3A_66 : memref<128x128xf32, #tpu.memory_space<hbm>>)
    %dma_wait3A_67 = arith.constant 79 : i32
    %dma_wait3A_68 = arith.constant 0 : i32
    %dma_wait3A_69 = tpu.memref_slice %arg8[%dma_wait3A_67, %dma_wait3A_68] : memref<80x128xi32, #tpu.memory_space<vmem>> -> memref<1x128xi32, #tpu.memory_space<vmem>>
    %dma_wait3A_70 = tpu.memref_squeeze %dma_wait3A_69 : memref<1x128xi32, #tpu.memory_space<vmem>> -> memref<128xi32, #tpu.memory_space<vmem>>
    %dma_wait3A_71 = arith.constant 0 : i32
    %dma_wait3A_72 = arith.constant 0 : i32
    %dma_wait3A_73 = tpu.memref_slice %arg2[%dma_wait3A_71, %dma_wait3A_72] : memref<20000x128xf32, #tpu.memory_space<hbm>> -> memref<20000x128xf32, #tpu.memory_space<hbm>>
    tpu.wait_indirect_dma semaphore(%arg15 : memref<!tpu.dma_semaphore, #tpu.memory_space<semaphore_mem>>) src(%dma_wait3A_73 : memref<20000x128xf32, #tpu.memory_space<hbm>>) dst(%arg11 : memref<128x128xf32, #tpu.memory_space<vmem>>)
    %dma_wait3A_74 = arith.constant 79 : i32
    %dma_wait3A_75 = arith.constant 0 : i32
    %dma_wait3A_76 = tpu.memref_slice %arg9[%dma_wait3A_74, %dma_wait3A_75] : memref<80x128xi32, #tpu.memory_space<vmem>> -> memref<1x128xi32, #tpu.memory_space<vmem>>
    %dma_wait3A_77 = tpu.memref_squeeze %dma_wait3A_76 : memref<1x128xi32, #tpu.memory_space<vmem>> -> memref<128xi32, #tpu.memory_space<vmem>>
    %dma_wait3A_78 = arith.constant 0 : i32
    %dma_wait3A_79 = arith.constant 0 : i32
    %dma_wait3A_80 = tpu.memref_slice %arg3[%dma_wait3A_78, %dma_wait3A_79] : memref<20000x128xf32, #tpu.memory_space<hbm>> -> memref<20000x128xf32, #tpu.memory_space<hbm>>
    tpu.wait_indirect_dma semaphore(%arg17 : memref<!tpu.dma_semaphore, #tpu.memory_space<semaphore_mem>>) src(%dma_wait3A_80 : memref<20000x128xf32, #tpu.memory_space<hbm>>) dst(%arg13 : memref<128x128xf32, #tpu.memory_space<vmem>>)
    %add3A_81 = arith.constant 10112 : i32
    %add3A_82 = arith.addi %mul3A_2, %add3A_81 : i32
    %dma_start3A_83 = arith.constant 0 : i32
    %dma_start3A_84 = tpu.memref_slice %arg6[%add3A_82, %dma_start3A_83] : memref<327680x128xf32, #tpu.memory_space<hbm>> -> memref<128x128xf32, #tpu.memory_space<hbm>>
    %dma_start3A_85 = arith.constant 0 : i32
    %dma_start3A_86 = tpu.memref_slice %arg6[%add3A_82, %dma_start3A_85] : memref<327680x128xf32, #tpu.memory_space<hbm>> -> memref<128x128xf32, #tpu.memory_space<hbm>>
    tpu.enqueue_dma source(%arg11 : memref<128x128xf32, #tpu.memory_space<vmem>>) target(%dma_start3A_86 : memref<128x128xf32, #tpu.memory_space<hbm>>) target_semaphore(%arg19 : memref<!tpu.dma_semaphore, #tpu.memory_space<semaphore_mem>>)
    %dma_start3A_87 = arith.constant 0 : i32
    %dma_start3A_88 = tpu.memref_slice %arg7[%add3A_82, %dma_start3A_87] : memref<327680x128xf32, #tpu.memory_space<hbm>> -> memref<128x128xf32, #tpu.memory_space<hbm>>
    %dma_start3A_89 = arith.constant 0 : i32
    %dma_start3A_90 = tpu.memref_slice %arg7[%add3A_82, %dma_start3A_89] : memref<327680x128xf32, #tpu.memory_space<hbm>> -> memref<128x128xf32, #tpu.memory_space<hbm>>
    tpu.enqueue_dma source(%arg13 : memref<128x128xf32, #tpu.memory_space<vmem>>) target(%dma_start3A_90 : memref<128x128xf32, #tpu.memory_space<hbm>>) target_semaphore(%arg21 : memref<!tpu.dma_semaphore, #tpu.memory_space<semaphore_mem>>)
    %add3A_91 = arith.constant 10112 : i32
    %add3A_92 = arith.addi %mul3A_2, %add3A_91 : i32
    %dma_wait3A_93 = arith.constant 0 : i32
    %dma_wait3A_94 = tpu.memref_slice %arg6[%add3A_92, %dma_wait3A_93] : memref<327680x128xf32, #tpu.memory_space<hbm>> -> memref<128x128xf32, #tpu.memory_space<hbm>>
    %dma_wait3A_95 = arith.constant 0 : i32
    %dma_wait3A_96 = tpu.memref_slice %arg6[%add3A_92, %dma_wait3A_95] : memref<327680x128xf32, #tpu.memory_space<hbm>> -> memref<128x128xf32, #tpu.memory_space<hbm>>
    tpu.wait_dma2 semaphore(%arg19 : memref<!tpu.dma_semaphore, #tpu.memory_space<semaphore_mem>>) src(%arg11 : memref<128x128xf32, #tpu.memory_space<vmem>>) dst(%dma_wait3A_96 : memref<128x128xf32, #tpu.memory_space<hbm>>)
    %dma_wait3A_97 = arith.constant 0 : i32
    %dma_wait3A_98 = tpu.memref_slice %arg7[%add3A_92, %dma_wait3A_97] : memref<327680x128xf32, #tpu.memory_space<hbm>> -> memref<128x128xf32, #tpu.memory_space<hbm>>
    %dma_wait3A_99 = arith.constant 0 : i32
    %dma_wait3A_100 = tpu.memref_slice %arg7[%add3A_92, %dma_wait3A_99] : memref<327680x128xf32, #tpu.memory_space<hbm>> -> memref<128x128xf32, #tpu.memory_space<hbm>>
    tpu.wait_dma2 semaphore(%arg21 : memref<!tpu.dma_semaphore, #tpu.memory_space<semaphore_mem>>) src(%arg13 : memref<128x128xf32, #tpu.memory_space<vmem>>) dst(%dma_wait3A_100 : memref<128x128xf32, #tpu.memory_space<hbm>>)
    return
  }
}

#map = affine_map<(d0, d1) -> (0, 0)>
#map1 = affine_map<(d0, d1) -> (0, 0, 0)>
module attributes {stable_mosaic.version = 14 : i64} {
  func.func @_sc_gather_body(%arg0: i32, %arg1: i32, %arg2: memref<20000x128xf32, #tpu.memory_space<hbm>>, %arg3: memref<20000x128xf32, #tpu.memory_space<hbm>>, %arg4: memref<32x80x128xi32, #tpu.memory_space<hbm>>, %arg5: memref<32x80x128xi32, #tpu.memory_space<hbm>>, %arg6: memref<327680x128xf32, #tpu.memory_space<hbm>>, %arg7: memref<327680x128xf32, #tpu.memory_space<hbm>>, %arg8: memref<80x128xi32, #tpu.memory_space<vmem>>, %arg9: memref<80x128xi32, #tpu.memory_space<vmem>>, %arg10: memref<128x128xf32, #tpu.memory_space<vmem>>, %arg11: memref<128x128xf32, #tpu.memory_space<vmem>>, %arg12: memref<128x128xf32, #tpu.memory_space<vmem>>, %arg13: memref<128x128xf32, #tpu.memory_space<vmem>>, %arg14: memref<!tpu.dma_semaphore, #tpu.memory_space<semaphore_mem>>, %arg15: memref<!tpu.dma_semaphore, #tpu.memory_space<semaphore_mem>>, %arg16: memref<!tpu.dma_semaphore, #tpu.memory_space<semaphore_mem>>, %arg17: memref<!tpu.dma_semaphore, #tpu.memory_space<semaphore_mem>>, %arg18: memref<!tpu.dma_semaphore, #tpu.memory_space<semaphore_mem>>, %arg19: memref<!tpu.dma_semaphore, #tpu.memory_space<semaphore_mem>>, %arg20: memref<!tpu.dma_semaphore, #tpu.memory_space<semaphore_mem>>, %arg21: memref<!tpu.dma_semaphore, #tpu.memory_space<semaphore_mem>>) attributes {dimension_semantics = [#tpu.dimension_semantics<core_parallel>, #tpu.dimension_semantics<subcore_parallel>], iteration_bounds = array<i64: 2, 16>, scalar_prefetch = 0 : i64, scratch_operands = 14 : i64, tpu.core_type = #tpu.core_type<sc_vector_subcore>, window_params = [{transform_indices = #map}, {transform_indices = #map}, {transform_indices = #map1}, {transform_indices = #map1}, {transform_indices = #map}, {transform_indices = #map}]} {
    %mul3A = arith.constant 16 : i32
    %mul3A_0 = arith.muli %arg0, %mul3A : i32
    %add3A = arith.addi %mul3A_0, %arg1 : i32
    "tpu.region"() ({
      %run_scoped3A = tpu.sem_alloc : memref<!tpu.dma_semaphore, #tpu.memory_space<semaphore_mem>>
      %dma_start3A_101 = arith.constant 0 : i32
      %dma_start3A_102 = arith.constant 0 : i32
      %dma_start3A_103 = tpu.memref_slice %arg4[%add3A, %dma_start3A_101, %dma_start3A_102] : memref<32x80x128xi32, #tpu.memory_space<hbm>> -> memref<1x80x128xi32, #tpu.memory_space<hbm>>
      %dma_start3A_104 = tpu.memref_squeeze %dma_start3A_103 : memref<1x80x128xi32, #tpu.memory_space<hbm>> -> memref<80x128xi32, #tpu.memory_space<hbm>>
      %dma_start3A_105 = arith.constant 0 : i32
      %dma_start3A_106 = arith.constant 0 : i32
      %dma_start3A_107 = tpu.memref_slice %arg4[%add3A, %dma_start3A_105, %dma_start3A_106] : memref<32x80x128xi32, #tpu.memory_space<hbm>> -> memref<1x80x128xi32, #tpu.memory_space<hbm>>
      %dma_start3A_108 = tpu.memref_squeeze %dma_start3A_107 : memref<1x80x128xi32, #tpu.memory_space<hbm>> -> memref<80x128xi32, #tpu.memory_space<hbm>>
      tpu.enqueue_dma source(%dma_start3A_108 : memref<80x128xi32, #tpu.memory_space<hbm>>) target(%arg8 : memref<80x128xi32, #tpu.memory_space<vmem>>) target_semaphore(%run_scoped3A : memref<!tpu.dma_semaphore, #tpu.memory_space<semaphore_mem>>)
      %dma_wait3A_109 = arith.constant 0 : i32
      %dma_wait3A_110 = arith.constant 0 : i32
      %dma_wait3A_111 = tpu.memref_slice %arg4[%add3A, %dma_wait3A_109, %dma_wait3A_110] : memref<32x80x128xi32, #tpu.memory_space<hbm>> -> memref<1x80x128xi32, #tpu.memory_space<hbm>>
      %dma_wait3A_112 = tpu.memref_squeeze %dma_wait3A_111 : memref<1x80x128xi32, #tpu.memory_space<hbm>> -> memref<80x128xi32, #tpu.memory_space<hbm>>
      %dma_wait3A_113 = arith.constant 0 : i32
      %dma_wait3A_114 = arith.constant 0 : i32
      %dma_wait3A_115 = tpu.memref_slice %arg4[%add3A, %dma_wait3A_113, %dma_wait3A_114] : memref<32x80x128xi32, #tpu.memory_space<hbm>> -> memref<1x80x128xi32, #tpu.memory_space<hbm>>
      %dma_wait3A_116 = tpu.memref_squeeze %dma_wait3A_115 : memref<1x80x128xi32, #tpu.memory_space<hbm>> -> memref<80x128xi32, #tpu.memory_space<hbm>>
      tpu.wait_dma2 semaphore(%run_scoped3A : memref<!tpu.dma_semaphore, #tpu.memory_space<semaphore_mem>>) src(%dma_wait3A_116 : memref<80x128xi32, #tpu.memory_space<hbm>>) dst(%arg8 : memref<80x128xi32, #tpu.memory_space<vmem>>)
      tpu.yield
    }) : () -> ()
    "tpu.region"() ({
      %run_scoped3A = tpu.sem_alloc : memref<!tpu.dma_semaphore, #tpu.memory_space<semaphore_mem>>
      %dma_start3A_101 = arith.constant 0 : i32
      %dma_start3A_102 = arith.constant 0 : i32
      %dma_start3A_103 = tpu.memref_slice %arg5[%add3A, %dma_start3A_101, %dma_start3A_102] : memref<32x80x128xi32, #tpu.memory_space<hbm>> -> memref<1x80x128xi32, #tpu.memory_space<hbm>>
      %dma_start3A_104 = tpu.memref_squeeze %dma_start3A_103 : memref<1x80x128xi32, #tpu.memory_space<hbm>> -> memref<80x128xi32, #tpu.memory_space<hbm>>
      %dma_start3A_105 = arith.constant 0 : i32
      %dma_start3A_106 = arith.constant 0 : i32
      %dma_start3A_107 = tpu.memref_slice %arg5[%add3A, %dma_start3A_105, %dma_start3A_106] : memref<32x80x128xi32, #tpu.memory_space<hbm>> -> memref<1x80x128xi32, #tpu.memory_space<hbm>>
      %dma_start3A_108 = tpu.memref_squeeze %dma_start3A_107 : memref<1x80x128xi32, #tpu.memory_space<hbm>> -> memref<80x128xi32, #tpu.memory_space<hbm>>
      tpu.enqueue_dma source(%dma_start3A_108 : memref<80x128xi32, #tpu.memory_space<hbm>>) target(%arg9 : memref<80x128xi32, #tpu.memory_space<vmem>>) target_semaphore(%run_scoped3A : memref<!tpu.dma_semaphore, #tpu.memory_space<semaphore_mem>>)
      %dma_wait3A_109 = arith.constant 0 : i32
      %dma_wait3A_110 = arith.constant 0 : i32
      %dma_wait3A_111 = tpu.memref_slice %arg5[%add3A, %dma_wait3A_109, %dma_wait3A_110] : memref<32x80x128xi32, #tpu.memory_space<hbm>> -> memref<1x80x128xi32, #tpu.memory_space<hbm>>
      %dma_wait3A_112 = tpu.memref_squeeze %dma_wait3A_111 : memref<1x80x128xi32, #tpu.memory_space<hbm>> -> memref<80x128xi32, #tpu.memory_space<hbm>>
      %dma_wait3A_113 = arith.constant 0 : i32
      %dma_wait3A_114 = arith.constant 0 : i32
      %dma_wait3A_115 = tpu.memref_slice %arg5[%add3A, %dma_wait3A_113, %dma_wait3A_114] : memref<32x80x128xi32, #tpu.memory_space<hbm>> -> memref<1x80x128xi32, #tpu.memory_space<hbm>>
      %dma_wait3A_116 = tpu.memref_squeeze %dma_wait3A_115 : memref<1x80x128xi32, #tpu.memory_space<hbm>> -> memref<80x128xi32, #tpu.memory_space<hbm>>
      tpu.wait_dma2 semaphore(%run_scoped3A : memref<!tpu.dma_semaphore, #tpu.memory_space<semaphore_mem>>) src(%dma_wait3A_116 : memref<80x128xi32, #tpu.memory_space<hbm>>) dst(%arg9 : memref<80x128xi32, #tpu.memory_space<vmem>>)
      tpu.yield
    }) : () -> ()
    %mul3A_1 = arith.constant 10240 : i32
    %mul3A_2 = arith.muli %add3A, %mul3A_1 : i32
    %dma_start3A = arith.constant 0 : i32
    %dma_start3A_3 = arith.constant 0 : i32
    %dma_start3A_4 = tpu.memref_slice %arg8[%dma_start3A, %dma_start3A_3] : memref<80x128xi32, #tpu.memory_space<vmem>> -> memref<1x128xi32, #tpu.memory_space<vmem>>
    %dma_start3A_5 = tpu.memref_squeeze %dma_start3A_4 : memref<1x128xi32, #tpu.memory_space<vmem>> -> memref<128xi32, #tpu.memory_space<vmem>>
    %dma_start3A_6 = arith.constant 0 : i32
    %dma_start3A_7 = arith.constant 0 : i32
    %dma_start3A_8 = tpu.memref_slice %arg2[%dma_start3A_6, %dma_start3A_7] : memref<20000x128xf32, #tpu.memory_space<hbm>> -> memref<20000x128xf32, #tpu.memory_space<hbm>>
    tpu.enqueue_indirect_dma source(%dma_start3A_8 : memref<20000x128xf32, #tpu.memory_space<hbm>>) target(%arg10 : memref<128x128xf32, #tpu.memory_space<vmem>>) offsets(%dma_start3A_5 : memref<128xi32, #tpu.memory_space<vmem>>) semaphore(%arg14 : memref<!tpu.dma_semaphore, #tpu.memory_space<semaphore_mem>>)
    %dma_start3A_9 = arith.constant 0 : i32
    %dma_start3A_10 = arith.constant 0 : i32
    %dma_start3A_11 = tpu.memref_slice %arg9[%dma_start3A_9, %dma_start3A_10] : memref<80x128xi32, #tpu.memory_space<vmem>> -> memref<1x128xi32, #tpu.memory_space<vmem>>
    %dma_start3A_12 = tpu.memref_squeeze %dma_start3A_11 : memref<1x128xi32, #tpu.memory_space<vmem>> -> memref<128xi32, #tpu.memory_space<vmem>>
    %dma_start3A_13 = arith.constant 0 : i32
    %dma_start3A_14 = arith.constant 0 : i32
    %dma_start3A_15 = tpu.memref_slice %arg3[%dma_start3A_13, %dma_start3A_14] : memref<20000x128xf32, #tpu.memory_space<hbm>> -> memref<20000x128xf32, #tpu.memory_space<hbm>>
    tpu.enqueue_indirect_dma source(%dma_start3A_15 : memref<20000x128xf32, #tpu.memory_space<hbm>>) target(%arg12 : memref<128x128xf32, #tpu.memory_space<vmem>>) offsets(%dma_start3A_12 : memref<128xi32, #tpu.memory_space<vmem>>) semaphore(%arg16 : memref<!tpu.dma_semaphore, #tpu.memory_space<semaphore_mem>>)
    %dma_start3A_16 = arith.constant 1 : i32
    %dma_start3A_17 = arith.constant 0 : i32
    %dma_start3A_18 = tpu.memref_slice %arg8[%dma_start3A_16, %dma_start3A_17] : memref<80x128xi32, #tpu.memory_space<vmem>> -> memref<1x128xi32, #tpu.memory_space<vmem>>
    %dma_start3A_19 = tpu.memref_squeeze %dma_start3A_18 : memref<1x128xi32, #tpu.memory_space<vmem>> -> memref<128xi32, #tpu.memory_space<vmem>>
    %dma_start3A_20 = arith.constant 0 : i32
    %dma_start3A_21 = arith.constant 0 : i32
    %dma_start3A_22 = tpu.memref_slice %arg2[%dma_start3A_20, %dma_start3A_21] : memref<20000x128xf32, #tpu.memory_space<hbm>> -> memref<20000x128xf32, #tpu.memory_space<hbm>>
    tpu.enqueue_indirect_dma source(%dma_start3A_22 : memref<20000x128xf32, #tpu.memory_space<hbm>>) target(%arg11 : memref<128x128xf32, #tpu.memory_space<vmem>>) offsets(%dma_start3A_19 : memref<128xi32, #tpu.memory_space<vmem>>) semaphore(%arg15 : memref<!tpu.dma_semaphore, #tpu.memory_space<semaphore_mem>>)
    %dma_start3A_23 = arith.constant 1 : i32
    %dma_start3A_24 = arith.constant 0 : i32
    %dma_start3A_25 = tpu.memref_slice %arg9[%dma_start3A_23, %dma_start3A_24] : memref<80x128xi32, #tpu.memory_space<vmem>> -> memref<1x128xi32, #tpu.memory_space<vmem>>
    %dma_start3A_26 = tpu.memref_squeeze %dma_start3A_25 : memref<1x128xi32, #tpu.memory_space<vmem>> -> memref<128xi32, #tpu.memory_space<vmem>>
    %dma_start3A_27 = arith.constant 0 : i32
    %dma_start3A_28 = arith.constant 0 : i32
    %dma_start3A_29 = tpu.memref_slice %arg3[%dma_start3A_27, %dma_start3A_28] : memref<20000x128xf32, #tpu.memory_space<hbm>> -> memref<20000x128xf32, #tpu.memory_space<hbm>>
    tpu.enqueue_indirect_dma source(%dma_start3A_29 : memref<20000x128xf32, #tpu.memory_space<hbm>>) target(%arg13 : memref<128x128xf32, #tpu.memory_space<vmem>>) offsets(%dma_start3A_26 : memref<128xi32, #tpu.memory_space<vmem>>) semaphore(%arg17 : memref<!tpu.dma_semaphore, #tpu.memory_space<semaphore_mem>>)
    %scan3A = arith.constant 0 : i32
    %scan3A_30 = arith.constant 39 : i32
    %scan3A_31 = arith.addi %scan3A, %scan3A_30 : i32
    %scan3A_32 = arith.constant 1 : i32
    scf.for %scan3A_101 = %scan3A to %scan3A_31 step %scan3A_32  : i32 {
      %mul3A_102 = arith.constant 2 : i32
      %mul3A_103 = arith.muli %scan3A_101, %mul3A_102 : i32
      %add3A_104 = arith.constant 0 : i32
      %add3A_105 = arith.addi %add3A_104, %mul3A_103 : i32
      %add3A_106 = arith.constant 0 : i32
      %add3A_107 = arith.addi %add3A_105, %add3A_106 : i32
      %dma_wait3A_108 = arith.constant 0 : i32
      %dma_wait3A_109 = tpu.memref_slice %arg8[%add3A_107, %dma_wait3A_108] : memref<80x128xi32, #tpu.memory_space<vmem>> -> memref<1x128xi32, #tpu.memory_space<vmem>>
      %dma_wait3A_110 = tpu.memref_squeeze %dma_wait3A_109 : memref<1x128xi32, #tpu.memory_space<vmem>> -> memref<128xi32, #tpu.memory_space<vmem>>
      %dma_wait3A_111 = arith.constant 0 : i32
      %dma_wait3A_112 = arith.constant 0 : i32
      %dma_wait3A_113 = tpu.memref_slice %arg2[%dma_wait3A_111, %dma_wait3A_112] : memref<20000x128xf32, #tpu.memory_space<hbm>> -> memref<20000x128xf32, #tpu.memory_space<hbm>>
      tpu.wait_indirect_dma semaphore(%arg14 : memref<!tpu.dma_semaphore, #tpu.memory_space<semaphore_mem>>) src(%dma_wait3A_113 : memref<20000x128xf32, #tpu.memory_space<hbm>>) dst(%arg10 : memref<128x128xf32, #tpu.memory_space<vmem>>)
      %dma_wait3A_114 = arith.constant 0 : i32
      %dma_wait3A_115 = tpu.memref_slice %arg9[%add3A_107, %dma_wait3A_114] : memref<80x128xi32, #tpu.memory_space<vmem>> -> memref<1x128xi32, #tpu.memory_space<vmem>>
      %dma_wait3A_116 = tpu.memref_squeeze %dma_wait3A_115 : memref<1x128xi32, #tpu.memory_space<vmem>> -> memref<128xi32, #tpu.memory_space<vmem>>
      %dma_wait3A_117 = arith.constant 0 : i32
      %dma_wait3A_118 = arith.constant 0 : i32
      %dma_wait3A_119 = tpu.memref_slice %arg3[%dma_wait3A_117, %dma_wait3A_118] : memref<20000x128xf32, #tpu.memory_space<hbm>> -> memref<20000x128xf32, #tpu.memory_space<hbm>>
      tpu.wait_indirect_dma semaphore(%arg16 : memref<!tpu.dma_semaphore, #tpu.memory_space<semaphore_mem>>) src(%dma_wait3A_119 : memref<20000x128xf32, #tpu.memory_space<hbm>>) dst(%arg12 : memref<128x128xf32, #tpu.memory_space<vmem>>)
      %mul3A_120 = arith.constant 128 : i32
      %mul3A_121 = arith.muli %add3A_107, %mul3A_120 : i32
      %add3A_122 = arith.addi %mul3A_2, %mul3A_121 : i32
      %dma_start3A_123 = arith.constant 0 : i32
      %dma_start3A_124 = tpu.memref_slice %arg6[%add3A_122, %dma_start3A_123] : memref<327680x128xf32, #tpu.memory_space<hbm>> -> memref<128x128xf32, #tpu.memory_space<hbm>>
      %dma_start3A_125 = arith.constant 0 : i32
      %dma_start3A_126 = tpu.memref_slice %arg6[%add3A_122, %dma_start3A_125] : memref<327680x128xf32, #tpu.memory_space<hbm>> -> memref<128x128xf32, #tpu.memory_space<hbm>>
      tpu.enqueue_dma source(%arg10 : memref<128x128xf32, #tpu.memory_space<vmem>>) target(%dma_start3A_126 : memref<128x128xf32, #tpu.memory_space<hbm>>) target_semaphore(%arg18 : memref<!tpu.dma_semaphore, #tpu.memory_space<semaphore_mem>>)
      %dma_start3A_127 = arith.constant 0 : i32
      %dma_start3A_128 = tpu.memref_slice %arg7[%add3A_122, %dma_start3A_127] : memref<327680x128xf32, #tpu.memory_space<hbm>> -> memref<128x128xf32, #tpu.memory_space<hbm>>
      %dma_start3A_129 = arith.constant 0 : i32
      %dma_start3A_130 = tpu.memref_slice %arg7[%add3A_122, %dma_start3A_129] : memref<327680x128xf32, #tpu.memory_space<hbm>> -> memref<128x128xf32, #tpu.memory_space<hbm>>
      tpu.enqueue_dma source(%arg12 : memref<128x128xf32, #tpu.memory_space<vmem>>) target(%dma_start3A_130 : memref<128x128xf32, #tpu.memory_space<hbm>>) target_semaphore(%arg20 : memref<!tpu.dma_semaphore, #tpu.memory_space<semaphore_mem>>)
      %mul3A_131 = arith.constant 128 : i32
      %mul3A_132 = arith.muli %add3A_107, %mul3A_131 : i32
      %add3A_133 = arith.addi %mul3A_2, %mul3A_132 : i32
      %dma_wait3A_134 = arith.constant 0 : i32
      %dma_wait3A_135 = tpu.memref_slice %arg6[%add3A_133, %dma_wait3A_134] : memref<327680x128xf32, #tpu.memory_space<hbm>> -> memref<128x128xf32, #tpu.memory_space<hbm>>
      %dma_wait3A_136 = arith.constant 0 : i32
      %dma_wait3A_137 = tpu.memref_slice %arg6[%add3A_133, %dma_wait3A_136] : memref<327680x128xf32, #tpu.memory_space<hbm>> -> memref<128x128xf32, #tpu.memory_space<hbm>>
      tpu.wait_dma2 semaphore(%arg18 : memref<!tpu.dma_semaphore, #tpu.memory_space<semaphore_mem>>) src(%arg10 : memref<128x128xf32, #tpu.memory_space<vmem>>) dst(%dma_wait3A_137 : memref<128x128xf32, #tpu.memory_space<hbm>>)
      %dma_wait3A_138 = arith.constant 0 : i32
      %dma_wait3A_139 = tpu.memref_slice %arg7[%add3A_133, %dma_wait3A_138] : memref<327680x128xf32, #tpu.memory_space<hbm>> -> memref<128x128xf32, #tpu.memory_space<hbm>>
      %dma_wait3A_140 = arith.constant 0 : i32
      %dma_wait3A_141 = tpu.memref_slice %arg7[%add3A_133, %dma_wait3A_140] : memref<327680x128xf32, #tpu.memory_space<hbm>> -> memref<128x128xf32, #tpu.memory_space<hbm>>
      tpu.wait_dma2 semaphore(%arg20 : memref<!tpu.dma_semaphore, #tpu.memory_space<semaphore_mem>>) src(%arg12 : memref<128x128xf32, #tpu.memory_space<vmem>>) dst(%dma_wait3A_141 : memref<128x128xf32, #tpu.memory_space<hbm>>)
      %add3A_142 = arith.constant 2 : i32
      %add3A_143 = arith.addi %add3A_107, %add3A_142 : i32
      %dma_start3A_144 = arith.constant 0 : i32
      %dma_start3A_145 = tpu.memref_slice %arg8[%add3A_143, %dma_start3A_144] : memref<80x128xi32, #tpu.memory_space<vmem>> -> memref<1x128xi32, #tpu.memory_space<vmem>>
      %dma_start3A_146 = tpu.memref_squeeze %dma_start3A_145 : memref<1x128xi32, #tpu.memory_space<vmem>> -> memref<128xi32, #tpu.memory_space<vmem>>
      %dma_start3A_147 = arith.constant 0 : i32
      %dma_start3A_148 = arith.constant 0 : i32
      %dma_start3A_149 = tpu.memref_slice %arg2[%dma_start3A_147, %dma_start3A_148] : memref<20000x128xf32, #tpu.memory_space<hbm>> -> memref<20000x128xf32, #tpu.memory_space<hbm>>
      tpu.enqueue_indirect_dma source(%dma_start3A_149 : memref<20000x128xf32, #tpu.memory_space<hbm>>) target(%arg10 : memref<128x128xf32, #tpu.memory_space<vmem>>) offsets(%dma_start3A_146 : memref<128xi32, #tpu.memory_space<vmem>>) semaphore(%arg14 : memref<!tpu.dma_semaphore, #tpu.memory_space<semaphore_mem>>)
      %dma_start3A_150 = arith.constant 0 : i32
      %dma_start3A_151 = tpu.memref_slice %arg9[%add3A_143, %dma_start3A_150] : memref<80x128xi32, #tpu.memory_space<vmem>> -> memref<1x128xi32, #tpu.memory_space<vmem>>
      %dma_start3A_152 = tpu.memref_squeeze %dma_start3A_151 : memref<1x128xi32, #tpu.memory_space<vmem>> -> memref<128xi32, #tpu.memory_space<vmem>>
      %dma_start3A_153 = arith.constant 0 : i32
      %dma_start3A_154 = arith.constant 0 : i32
      %dma_start3A_155 = tpu.memref_slice %arg3[%dma_start3A_153, %dma_start3A_154] : memref<20000x128xf32, #tpu.memory_space<hbm>> -> memref<20000x128xf32, #tpu.memory_space<hbm>>
      tpu.enqueue_indirect_dma source(%dma_start3A_155 : memref<20000x128xf32, #tpu.memory_space<hbm>>) target(%arg12 : memref<128x128xf32, #tpu.memory_space<vmem>>) offsets(%dma_start3A_152 : memref<128xi32, #tpu.memory_space<vmem>>) semaphore(%arg16 : memref<!tpu.dma_semaphore, #tpu.memory_space<semaphore_mem>>)
      %add3A_156 = arith.constant 1 : i32
      %add3A_157 = arith.addi %add3A_105, %add3A_156 : i32
      %dma_wait3A_158 = arith.constant 0 : i32
      %dma_wait3A_159 = tpu.memref_slice %arg8[%add3A_157, %dma_wait3A_158] : memref<80x128xi32, #tpu.memory_space<vmem>> -> memref<1x128xi32, #tpu.memory_space<vmem>>
      %dma_wait3A_160 = tpu.memref_squeeze %dma_wait3A_159 : memref<1x128xi32, #tpu.memory_space<vmem>> -> memref<128xi32, #tpu.memory_space<vmem>>
      %dma_wait3A_161 = arith.constant 0 : i32
      %dma_wait3A_162 = arith.constant 0 : i32
      %dma_wait3A_163 = tpu.memref_slice %arg2[%dma_wait3A_161, %dma_wait3A_162] : memref<20000x128xf32, #tpu.memory_space<hbm>> -> memref<20000x128xf32, #tpu.memory_space<hbm>>
      tpu.wait_indirect_dma semaphore(%arg15 : memref<!tpu.dma_semaphore, #tpu.memory_space<semaphore_mem>>) src(%dma_wait3A_163 : memref<20000x128xf32, #tpu.memory_space<hbm>>) dst(%arg11 : memref<128x128xf32, #tpu.memory_space<vmem>>)
      %dma_wait3A_164 = arith.constant 0 : i32
      %dma_wait3A_165 = tpu.memref_slice %arg9[%add3A_157, %dma_wait3A_164] : memref<80x128xi32, #tpu.memory_space<vmem>> -> memref<1x128xi32, #tpu.memory_space<vmem>>
      %dma_wait3A_166 = tpu.memref_squeeze %dma_wait3A_165 : memref<1x128xi32, #tpu.memory_space<vmem>> -> memref<128xi32, #tpu.memory_space<vmem>>
      %dma_wait3A_167 = arith.constant 0 : i32
      %dma_wait3A_168 = arith.constant 0 : i32
      %dma_wait3A_169 = tpu.memref_slice %arg3[%dma_wait3A_167, %dma_wait3A_168] : memref<20000x128xf32, #tpu.memory_space<hbm>> -> memref<20000x128xf32, #tpu.memory_space<hbm>>
      tpu.wait_indirect_dma semaphore(%arg17 : memref<!tpu.dma_semaphore, #tpu.memory_space<semaphore_mem>>) src(%dma_wait3A_169 : memref<20000x128xf32, #tpu.memory_space<hbm>>) dst(%arg13 : memref<128x128xf32, #tpu.memory_space<vmem>>)
      %mul3A_170 = arith.constant 128 : i32
      %mul3A_171 = arith.muli %add3A_157, %mul3A_170 : i32
      %add3A_172 = arith.addi %mul3A_2, %mul3A_171 : i32
      %dma_start3A_173 = arith.constant 0 : i32
      %dma_start3A_174 = tpu.memref_slice %arg6[%add3A_172, %dma_start3A_173] : memref<327680x128xf32, #tpu.memory_space<hbm>> -> memref<128x128xf32, #tpu.memory_space<hbm>>
      %dma_start3A_175 = arith.constant 0 : i32
      %dma_start3A_176 = tpu.memref_slice %arg6[%add3A_172, %dma_start3A_175] : memref<327680x128xf32, #tpu.memory_space<hbm>> -> memref<128x128xf32, #tpu.memory_space<hbm>>
      tpu.enqueue_dma source(%arg11 : memref<128x128xf32, #tpu.memory_space<vmem>>) target(%dma_start3A_176 : memref<128x128xf32, #tpu.memory_space<hbm>>) target_semaphore(%arg19 : memref<!tpu.dma_semaphore, #tpu.memory_space<semaphore_mem>>)
      %dma_start3A_177 = arith.constant 0 : i32
      %dma_start3A_178 = tpu.memref_slice %arg7[%add3A_172, %dma_start3A_177] : memref<327680x128xf32, #tpu.memory_space<hbm>> -> memref<128x128xf32, #tpu.memory_space<hbm>>
      %dma_start3A_179 = arith.constant 0 : i32
      %dma_start3A_180 = tpu.memref_slice %arg7[%add3A_172, %dma_start3A_179] : memref<327680x128xf32, #tpu.memory_space<hbm>> -> memref<128x128xf32, #tpu.memory_space<hbm>>
      tpu.enqueue_dma source(%arg13 : memref<128x128xf32, #tpu.memory_space<vmem>>) target(%dma_start3A_180 : memref<128x128xf32, #tpu.memory_space<hbm>>) target_semaphore(%arg21 : memref<!tpu.dma_semaphore, #tpu.memory_space<semaphore_mem>>)
      %mul3A_181 = arith.constant 128 : i32
      %mul3A_182 = arith.muli %add3A_157, %mul3A_181 : i32
      %add3A_183 = arith.addi %mul3A_2, %mul3A_182 : i32
      %dma_wait3A_184 = arith.constant 0 : i32
      %dma_wait3A_185 = tpu.memref_slice %arg6[%add3A_183, %dma_wait3A_184] : memref<327680x128xf32, #tpu.memory_space<hbm>> -> memref<128x128xf32, #tpu.memory_space<hbm>>
      %dma_wait3A_186 = arith.constant 0 : i32
      %dma_wait3A_187 = tpu.memref_slice %arg6[%add3A_183, %dma_wait3A_186] : memref<327680x128xf32, #tpu.memory_space<hbm>> -> memref<128x128xf32, #tpu.memory_space<hbm>>
      tpu.wait_dma2 semaphore(%arg19 : memref<!tpu.dma_semaphore, #tpu.memory_space<semaphore_mem>>) src(%arg11 : memref<128x128xf32, #tpu.memory_space<vmem>>) dst(%dma_wait3A_187 : memref<128x128xf32, #tpu.memory_space<hbm>>)
      %dma_wait3A_188 = arith.constant 0 : i32
      %dma_wait3A_189 = tpu.memref_slice %arg7[%add3A_183, %dma_wait3A_188] : memref<327680x128xf32, #tpu.memory_space<hbm>> -> memref<128x128xf32, #tpu.memory_space<hbm>>
      %dma_wait3A_190 = arith.constant 0 : i32
      %dma_wait3A_191 = tpu.memref_slice %arg7[%add3A_183, %dma_wait3A_190] : memref<327680x128xf32, #tpu.memory_space<hbm>> -> memref<128x128xf32, #tpu.memory_space<hbm>>
      tpu.wait_dma2 semaphore(%arg21 : memref<!tpu.dma_semaphore, #tpu.memory_space<semaphore_mem>>) src(%arg13 : memref<128x128xf32, #tpu.memory_space<vmem>>) dst(%dma_wait3A_191 : memref<128x128xf32, #tpu.memory_space<hbm>>)
      %add3A_192 = arith.constant 2 : i32
      %add3A_193 = arith.addi %add3A_157, %add3A_192 : i32
      %dma_start3A_194 = arith.constant 0 : i32
      %dma_start3A_195 = tpu.memref_slice %arg8[%add3A_193, %dma_start3A_194] : memref<80x128xi32, #tpu.memory_space<vmem>> -> memref<1x128xi32, #tpu.memory_space<vmem>>
      %dma_start3A_196 = tpu.memref_squeeze %dma_start3A_195 : memref<1x128xi32, #tpu.memory_space<vmem>> -> memref<128xi32, #tpu.memory_space<vmem>>
      %dma_start3A_197 = arith.constant 0 : i32
      %dma_start3A_198 = arith.constant 0 : i32
      %dma_start3A_199 = tpu.memref_slice %arg2[%dma_start3A_197, %dma_start3A_198] : memref<20000x128xf32, #tpu.memory_space<hbm>> -> memref<20000x128xf32, #tpu.memory_space<hbm>>
      tpu.enqueue_indirect_dma source(%dma_start3A_199 : memref<20000x128xf32, #tpu.memory_space<hbm>>) target(%arg11 : memref<128x128xf32, #tpu.memory_space<vmem>>) offsets(%dma_start3A_196 : memref<128xi32, #tpu.memory_space<vmem>>) semaphore(%arg15 : memref<!tpu.dma_semaphore, #tpu.memory_space<semaphore_mem>>)
      %dma_start3A_200 = arith.constant 0 : i32
      %dma_start3A_201 = tpu.memref_slice %arg9[%add3A_193, %dma_start3A_200] : memref<80x128xi32, #tpu.memory_space<vmem>> -> memref<1x128xi32, #tpu.memory_space<vmem>>
      %dma_start3A_202 = tpu.memref_squeeze %dma_start3A_201 : memref<1x128xi32, #tpu.memory_space<vmem>> -> memref<128xi32, #tpu.memory_space<vmem>>
      %dma_start3A_203 = arith.constant 0 : i32
      %dma_start3A_204 = arith.constant 0 : i32
      %dma_start3A_205 = tpu.memref_slice %arg3[%dma_start3A_203, %dma_start3A_204] : memref<20000x128xf32, #tpu.memory_space<hbm>> -> memref<20000x128xf32, #tpu.memory_space<hbm>>
      tpu.enqueue_indirect_dma source(%dma_start3A_205 : memref<20000x128xf32, #tpu.memory_space<hbm>>) target(%arg13 : memref<128x128xf32, #tpu.memory_space<vmem>>) offsets(%dma_start3A_202 : memref<128xi32, #tpu.memory_space<vmem>>) semaphore(%arg17 : memref<!tpu.dma_semaphore, #tpu.memory_space<semaphore_mem>>)
    }
    %scan3A_33 = arith.constant 39 : i32
    %dma_wait3A = arith.constant 78 : i32
    %dma_wait3A_34 = arith.constant 0 : i32
    %dma_wait3A_35 = tpu.memref_slice %arg8[%dma_wait3A, %dma_wait3A_34] : memref<80x128xi32, #tpu.memory_space<vmem>> -> memref<1x128xi32, #tpu.memory_space<vmem>>
    %dma_wait3A_36 = tpu.memref_squeeze %dma_wait3A_35 : memref<1x128xi32, #tpu.memory_space<vmem>> -> memref<128xi32, #tpu.memory_space<vmem>>
    %dma_wait3A_37 = arith.constant 0 : i32
    %dma_wait3A_38 = arith.constant 0 : i32
    %dma_wait3A_39 = tpu.memref_slice %arg2[%dma_wait3A_37, %dma_wait3A_38] : memref<20000x128xf32, #tpu.memory_space<hbm>> -> memref<20000x128xf32, #tpu.memory_space<hbm>>
    tpu.wait_indirect_dma semaphore(%arg14 : memref<!tpu.dma_semaphore, #tpu.memory_space<semaphore_mem>>) src(%dma_wait3A_39 : memref<20000x128xf32, #tpu.memory_space<hbm>>) dst(%arg10 : memref<128x128xf32, #tpu.memory_space<vmem>>)
    %dma_wait3A_40 = arith.constant 78 : i32
    %dma_wait3A_41 = arith.constant 0 : i32
    %dma_wait3A_42 = tpu.memref_slice %arg9[%dma_wait3A_40, %dma_wait3A_41] : memref<80x128xi32, #tpu.memory_space<vmem>> -> memref<1x128xi32, #tpu.memory_space<vmem>>
    %dma_wait3A_43 = tpu.memref_squeeze %dma_wait3A_42 : memref<1x128xi32, #tpu.memory_space<vmem>> -> memref<128xi32, #tpu.memory_space<vmem>>
    %dma_wait3A_44 = arith.constant 0 : i32
    %dma_wait3A_45 = arith.constant 0 : i32
    %dma_wait3A_46 = tpu.memref_slice %arg3[%dma_wait3A_44, %dma_wait3A_45] : memref<20000x128xf32, #tpu.memory_space<hbm>> -> memref<20000x128xf32, #tpu.memory_space<hbm>>
    tpu.wait_indirect_dma semaphore(%arg16 : memref<!tpu.dma_semaphore, #tpu.memory_space<semaphore_mem>>) src(%dma_wait3A_46 : memref<20000x128xf32, #tpu.memory_space<hbm>>) dst(%arg12 : memref<128x128xf32, #tpu.memory_space<vmem>>)
    %add3A_47 = arith.constant 9984 : i32
    %add3A_48 = arith.addi %mul3A_2, %add3A_47 : i32
    %dma_start3A_49 = arith.constant 0 : i32
    %dma_start3A_50 = tpu.memref_slice %arg6[%add3A_48, %dma_start3A_49] : memref<327680x128xf32, #tpu.memory_space<hbm>> -> memref<128x128xf32, #tpu.memory_space<hbm>>
    %dma_start3A_51 = arith.constant 0 : i32
    %dma_start3A_52 = tpu.memref_slice %arg6[%add3A_48, %dma_start3A_51] : memref<327680x128xf32, #tpu.memory_space<hbm>> -> memref<128x128xf32, #tpu.memory_space<hbm>>
    tpu.enqueue_dma source(%arg10 : memref<128x128xf32, #tpu.memory_space<vmem>>) target(%dma_start3A_52 : memref<128x128xf32, #tpu.memory_space<hbm>>) target_semaphore(%arg18 : memref<!tpu.dma_semaphore, #tpu.memory_space<semaphore_mem>>)
    %dma_start3A_53 = arith.constant 0 : i32
    %dma_start3A_54 = tpu.memref_slice %arg7[%add3A_48, %dma_start3A_53] : memref<327680x128xf32, #tpu.memory_space<hbm>> -> memref<128x128xf32, #tpu.memory_space<hbm>>
    %dma_start3A_55 = arith.constant 0 : i32
    %dma_start3A_56 = tpu.memref_slice %arg7[%add3A_48, %dma_start3A_55] : memref<327680x128xf32, #tpu.memory_space<hbm>> -> memref<128x128xf32, #tpu.memory_space<hbm>>
    tpu.enqueue_dma source(%arg12 : memref<128x128xf32, #tpu.memory_space<vmem>>) target(%dma_start3A_56 : memref<128x128xf32, #tpu.memory_space<hbm>>) target_semaphore(%arg20 : memref<!tpu.dma_semaphore, #tpu.memory_space<semaphore_mem>>)
    %add3A_57 = arith.constant 9984 : i32
    %add3A_58 = arith.addi %mul3A_2, %add3A_57 : i32
    %dma_wait3A_59 = arith.constant 0 : i32
    %dma_wait3A_60 = tpu.memref_slice %arg6[%add3A_58, %dma_wait3A_59] : memref<327680x128xf32, #tpu.memory_space<hbm>> -> memref<128x128xf32, #tpu.memory_space<hbm>>
    %dma_wait3A_61 = arith.constant 0 : i32
    %dma_wait3A_62 = tpu.memref_slice %arg6[%add3A_58, %dma_wait3A_61] : memref<327680x128xf32, #tpu.memory_space<hbm>> -> memref<128x128xf32, #tpu.memory_space<hbm>>
    tpu.wait_dma2 semaphore(%arg18 : memref<!tpu.dma_semaphore, #tpu.memory_space<semaphore_mem>>) src(%arg10 : memref<128x128xf32, #tpu.memory_space<vmem>>) dst(%dma_wait3A_62 : memref<128x128xf32, #tpu.memory_space<hbm>>)
    %dma_wait3A_63 = arith.constant 0 : i32
    %dma_wait3A_64 = tpu.memref_slice %arg7[%add3A_58, %dma_wait3A_63] : memref<327680x128xf32, #tpu.memory_space<hbm>> -> memref<128x128xf32, #tpu.memory_space<hbm>>
    %dma_wait3A_65 = arith.constant 0 : i32
    %dma_wait3A_66 = tpu.memref_slice %arg7[%add3A_58, %dma_wait3A_65] : memref<327680x128xf32, #tpu.memory_space<hbm>> -> memref<128x128xf32, #tpu.memory_space<hbm>>
    tpu.wait_dma2 semaphore(%arg20 : memref<!tpu.dma_semaphore, #tpu.memory_space<semaphore_mem>>) src(%arg12 : memref<128x128xf32, #tpu.memory_space<vmem>>) dst(%dma_wait3A_66 : memref<128x128xf32, #tpu.memory_space<hbm>>)
    %dma_wait3A_67 = arith.constant 79 : i32
    %dma_wait3A_68 = arith.constant 0 : i32
    %dma_wait3A_69 = tpu.memref_slice %arg8[%dma_wait3A_67, %dma_wait3A_68] : memref<80x128xi32, #tpu.memory_space<vmem>> -> memref<1x128xi32, #tpu.memory_space<vmem>>
    %dma_wait3A_70 = tpu.memref_squeeze %dma_wait3A_69 : memref<1x128xi32, #tpu.memory_space<vmem>> -> memref<128xi32, #tpu.memory_space<vmem>>
    %dma_wait3A_71 = arith.constant 0 : i32
    %dma_wait3A_72 = arith.constant 0 : i32
    %dma_wait3A_73 = tpu.memref_slice %arg2[%dma_wait3A_71, %dma_wait3A_72] : memref<20000x128xf32, #tpu.memory_space<hbm>> -> memref<20000x128xf32, #tpu.memory_space<hbm>>
    tpu.wait_indirect_dma semaphore(%arg15 : memref<!tpu.dma_semaphore, #tpu.memory_space<semaphore_mem>>) src(%dma_wait3A_73 : memref<20000x128xf32, #tpu.memory_space<hbm>>) dst(%arg11 : memref<128x128xf32, #tpu.memory_space<vmem>>)
    %dma_wait3A_74 = arith.constant 79 : i32
    %dma_wait3A_75 = arith.constant 0 : i32
    %dma_wait3A_76 = tpu.memref_slice %arg9[%dma_wait3A_74, %dma_wait3A_75] : memref<80x128xi32, #tpu.memory_space<vmem>> -> memref<1x128xi32, #tpu.memory_space<vmem>>
    %dma_wait3A_77 = tpu.memref_squeeze %dma_wait3A_76 : memref<1x128xi32, #tpu.memory_space<vmem>> -> memref<128xi32, #tpu.memory_space<vmem>>
    %dma_wait3A_78 = arith.constant 0 : i32
    %dma_wait3A_79 = arith.constant 0 : i32
    %dma_wait3A_80 = tpu.memref_slice %arg3[%dma_wait3A_78, %dma_wait3A_79] : memref<20000x128xf32, #tpu.memory_space<hbm>> -> memref<20000x128xf32, #tpu.memory_space<hbm>>
    tpu.wait_indirect_dma semaphore(%arg17 : memref<!tpu.dma_semaphore, #tpu.memory_space<semaphore_mem>>) src(%dma_wait3A_80 : memref<20000x128xf32, #tpu.memory_space<hbm>>) dst(%arg13 : memref<128x128xf32, #tpu.memory_space<vmem>>)
    %add3A_81 = arith.constant 10112 : i32
    %add3A_82 = arith.addi %mul3A_2, %add3A_81 : i32
    %dma_start3A_83 = arith.constant 0 : i32
    %dma_start3A_84 = tpu.memref_slice %arg6[%add3A_82, %dma_start3A_83] : memref<327680x128xf32, #tpu.memory_space<hbm>> -> memref<128x128xf32, #tpu.memory_space<hbm>>
    %dma_start3A_85 = arith.constant 0 : i32
    %dma_start3A_86 = tpu.memref_slice %arg6[%add3A_82, %dma_start3A_85] : memref<327680x128xf32, #tpu.memory_space<hbm>> -> memref<128x128xf32, #tpu.memory_space<hbm>>
    tpu.enqueue_dma source(%arg11 : memref<128x128xf32, #tpu.memory_space<vmem>>) target(%dma_start3A_86 : memref<128x128xf32, #tpu.memory_space<hbm>>) target_semaphore(%arg19 : memref<!tpu.dma_semaphore, #tpu.memory_space<semaphore_mem>>)
    %dma_start3A_87 = arith.constant 0 : i32
    %dma_start3A_88 = tpu.memref_slice %arg7[%add3A_82, %dma_start3A_87] : memref<327680x128xf32, #tpu.memory_space<hbm>> -> memref<128x128xf32, #tpu.memory_space<hbm>>
    %dma_start3A_89 = arith.constant 0 : i32
    %dma_start3A_90 = tpu.memref_slice %arg7[%add3A_82, %dma_start3A_89] : memref<327680x128xf32, #tpu.memory_space<hbm>> -> memref<128x128xf32, #tpu.memory_space<hbm>>
    tpu.enqueue_dma source(%arg13 : memref<128x128xf32, #tpu.memory_space<vmem>>) target(%dma_start3A_90 : memref<128x128xf32, #tpu.memory_space<hbm>>) target_semaphore(%arg21 : memref<!tpu.dma_semaphore, #tpu.memory_space<semaphore_mem>>)
    %add3A_91 = arith.constant 10112 : i32
    %add3A_92 = arith.addi %mul3A_2, %add3A_91 : i32
    %dma_wait3A_93 = arith.constant 0 : i32
    %dma_wait3A_94 = tpu.memref_slice %arg6[%add3A_92, %dma_wait3A_93] : memref<327680x128xf32, #tpu.memory_space<hbm>> -> memref<128x128xf32, #tpu.memory_space<hbm>>
    %dma_wait3A_95 = arith.constant 0 : i32
    %dma_wait3A_96 = tpu.memref_slice %arg6[%add3A_92, %dma_wait3A_95] : memref<327680x128xf32, #tpu.memory_space<hbm>> -> memref<128x128xf32, #tpu.memory_space<hbm>>
    tpu.wait_dma2 semaphore(%arg19 : memref<!tpu.dma_semaphore, #tpu.memory_space<semaphore_mem>>) src(%arg11 : memref<128x128xf32, #tpu.memory_space<vmem>>) dst(%dma_wait3A_96 : memref<128x128xf32, #tpu.memory_space<hbm>>)
    %dma_wait3A_97 = arith.constant 0 : i32
    %dma_wait3A_98 = tpu.memref_slice %arg7[%add3A_92, %dma_wait3A_97] : memref<327680x128xf32, #tpu.memory_space<hbm>> -> memref<128x128xf32, #tpu.memory_space<hbm>>
    %dma_wait3A_99 = arith.constant 0 : i32
    %dma_wait3A_100 = tpu.memref_slice %arg7[%add3A_92, %dma_wait3A_99] : memref<327680x128xf32, #tpu.memory_space<hbm>> -> memref<128x128xf32, #tpu.memory_space<hbm>>
    tpu.wait_dma2 semaphore(%arg21 : memref<!tpu.dma_semaphore, #tpu.memory_space<semaphore_mem>>) src(%arg13 : memref<128x128xf32, #tpu.memory_space<vmem>>) dst(%dma_wait3A_100 : memref<128x128xf32, #tpu.memory_space<hbm>>)
    return
  }
}

#map = affine_map<(d0, d1) -> (0, 0)>
#map1 = affine_map<(d0, d1) -> (0, 0, 0)>
module attributes {stable_mosaic.version = 14 : i64} {
  func.func @_sc_gather_body(%arg0: i32, %arg1: i32, %arg2: memref<20000x128xf32, #tpu.memory_space<hbm>>, %arg3: memref<20000x128xf32, #tpu.memory_space<hbm>>, %arg4: memref<32x80x128xi32, #tpu.memory_space<hbm>>, %arg5: memref<32x80x128xi32, #tpu.memory_space<hbm>>, %arg6: memref<327680x128xf32, #tpu.memory_space<hbm>>, %arg7: memref<327680x128xf32, #tpu.memory_space<hbm>>, %arg8: memref<80x128xi32, #tpu.memory_space<vmem>>, %arg9: memref<80x128xi32, #tpu.memory_space<vmem>>, %arg10: memref<128x128xf32, #tpu.memory_space<vmem>>, %arg11: memref<128x128xf32, #tpu.memory_space<vmem>>, %arg12: memref<128x128xf32, #tpu.memory_space<vmem>>, %arg13: memref<128x128xf32, #tpu.memory_space<vmem>>, %arg14: memref<!tpu.dma_semaphore, #tpu.memory_space<semaphore_mem>>, %arg15: memref<!tpu.dma_semaphore, #tpu.memory_space<semaphore_mem>>, %arg16: memref<!tpu.dma_semaphore, #tpu.memory_space<semaphore_mem>>, %arg17: memref<!tpu.dma_semaphore, #tpu.memory_space<semaphore_mem>>, %arg18: memref<!tpu.dma_semaphore, #tpu.memory_space<semaphore_mem>>, %arg19: memref<!tpu.dma_semaphore, #tpu.memory_space<semaphore_mem>>, %arg20: memref<!tpu.dma_semaphore, #tpu.memory_space<semaphore_mem>>, %arg21: memref<!tpu.dma_semaphore, #tpu.memory_space<semaphore_mem>>) attributes {dimension_semantics = [#tpu.dimension_semantics<core_parallel>, #tpu.dimension_semantics<subcore_parallel>], iteration_bounds = array<i64: 2, 16>, scalar_prefetch = 0 : i64, scratch_operands = 14 : i64, tpu.core_type = #tpu.core_type<sc_vector_subcore>, window_params = [{transform_indices = #map}, {transform_indices = #map}, {transform_indices = #map1}, {transform_indices = #map1}, {transform_indices = #map}, {transform_indices = #map}]} {
    %mul3A = arith.constant 16 : i32
    %mul3A_0 = arith.muli %arg0, %mul3A : i32
    %add3A = arith.addi %mul3A_0, %arg1 : i32
    "tpu.region"() ({
      %run_scoped3A = tpu.sem_alloc : memref<!tpu.dma_semaphore, #tpu.memory_space<semaphore_mem>>
      %dma_start3A_101 = arith.constant 0 : i32
      %dma_start3A_102 = arith.constant 0 : i32
      %dma_start3A_103 = tpu.memref_slice %arg4[%add3A, %dma_start3A_101, %dma_start3A_102] : memref<32x80x128xi32, #tpu.memory_space<hbm>> -> memref<1x80x128xi32, #tpu.memory_space<hbm>>
      %dma_start3A_104 = tpu.memref_squeeze %dma_start3A_103 : memref<1x80x128xi32, #tpu.memory_space<hbm>> -> memref<80x128xi32, #tpu.memory_space<hbm>>
      %dma_start3A_105 = arith.constant 0 : i32
      %dma_start3A_106 = arith.constant 0 : i32
      %dma_start3A_107 = tpu.memref_slice %arg4[%add3A, %dma_start3A_105, %dma_start3A_106] : memref<32x80x128xi32, #tpu.memory_space<hbm>> -> memref<1x80x128xi32, #tpu.memory_space<hbm>>
      %dma_start3A_108 = tpu.memref_squeeze %dma_start3A_107 : memref<1x80x128xi32, #tpu.memory_space<hbm>> -> memref<80x128xi32, #tpu.memory_space<hbm>>
      tpu.enqueue_dma source(%dma_start3A_108 : memref<80x128xi32, #tpu.memory_space<hbm>>) target(%arg8 : memref<80x128xi32, #tpu.memory_space<vmem>>) target_semaphore(%run_scoped3A : memref<!tpu.dma_semaphore, #tpu.memory_space<semaphore_mem>>)
      %dma_wait3A_109 = arith.constant 0 : i32
      %dma_wait3A_110 = arith.constant 0 : i32
      %dma_wait3A_111 = tpu.memref_slice %arg4[%add3A, %dma_wait3A_109, %dma_wait3A_110] : memref<32x80x128xi32, #tpu.memory_space<hbm>> -> memref<1x80x128xi32, #tpu.memory_space<hbm>>
      %dma_wait3A_112 = tpu.memref_squeeze %dma_wait3A_111 : memref<1x80x128xi32, #tpu.memory_space<hbm>> -> memref<80x128xi32, #tpu.memory_space<hbm>>
      %dma_wait3A_113 = arith.constant 0 : i32
      %dma_wait3A_114 = arith.constant 0 : i32
      %dma_wait3A_115 = tpu.memref_slice %arg4[%add3A, %dma_wait3A_113, %dma_wait3A_114] : memref<32x80x128xi32, #tpu.memory_space<hbm>> -> memref<1x80x128xi32, #tpu.memory_space<hbm>>
      %dma_wait3A_116 = tpu.memref_squeeze %dma_wait3A_115 : memref<1x80x128xi32, #tpu.memory_space<hbm>> -> memref<80x128xi32, #tpu.memory_space<hbm>>
      tpu.wait_dma2 semaphore(%run_scoped3A : memref<!tpu.dma_semaphore, #tpu.memory_space<semaphore_mem>>) src(%dma_wait3A_116 : memref<80x128xi32, #tpu.memory_space<hbm>>) dst(%arg8 : memref<80x128xi32, #tpu.memory_space<vmem>>)
      tpu.yield
    }) : () -> ()
    "tpu.region"() ({
      %run_scoped3A = tpu.sem_alloc : memref<!tpu.dma_semaphore, #tpu.memory_space<semaphore_mem>>
      %dma_start3A_101 = arith.constant 0 : i32
      %dma_start3A_102 = arith.constant 0 : i32
      %dma_start3A_103 = tpu.memref_slice %arg5[%add3A, %dma_start3A_101, %dma_start3A_102] : memref<32x80x128xi32, #tpu.memory_space<hbm>> -> memref<1x80x128xi32, #tpu.memory_space<hbm>>
      %dma_start3A_104 = tpu.memref_squeeze %dma_start3A_103 : memref<1x80x128xi32, #tpu.memory_space<hbm>> -> memref<80x128xi32, #tpu.memory_space<hbm>>
      %dma_start3A_105 = arith.constant 0 : i32
      %dma_start3A_106 = arith.constant 0 : i32
      %dma_start3A_107 = tpu.memref_slice %arg5[%add3A, %dma_start3A_105, %dma_start3A_106] : memref<32x80x128xi32, #tpu.memory_space<hbm>> -> memref<1x80x128xi32, #tpu.memory_space<hbm>>
      %dma_start3A_108 = tpu.memref_squeeze %dma_start3A_107 : memref<1x80x128xi32, #tpu.memory_space<hbm>> -> memref<80x128xi32, #tpu.memory_space<hbm>>
      tpu.enqueue_dma source(%dma_start3A_108 : memref<80x128xi32, #tpu.memory_space<hbm>>) target(%arg9 : memref<80x128xi32, #tpu.memory_space<vmem>>) target_semaphore(%run_scoped3A : memref<!tpu.dma_semaphore, #tpu.memory_space<semaphore_mem>>)
      %dma_wait3A_109 = arith.constant 0 : i32
      %dma_wait3A_110 = arith.constant 0 : i32
      %dma_wait3A_111 = tpu.memref_slice %arg5[%add3A, %dma_wait3A_109, %dma_wait3A_110] : memref<32x80x128xi32, #tpu.memory_space<hbm>> -> memref<1x80x128xi32, #tpu.memory_space<hbm>>
      %dma_wait3A_112 = tpu.memref_squeeze %dma_wait3A_111 : memref<1x80x128xi32, #tpu.memory_space<hbm>> -> memref<80x128xi32, #tpu.memory_space<hbm>>
      %dma_wait3A_113 = arith.constant 0 : i32
      %dma_wait3A_114 = arith.constant 0 : i32
      %dma_wait3A_115 = tpu.memref_slice %arg5[%add3A, %dma_wait3A_113, %dma_wait3A_114] : memref<32x80x128xi32, #tpu.memory_space<hbm>> -> memref<1x80x128xi32, #tpu.memory_space<hbm>>
      %dma_wait3A_116 = tpu.memref_squeeze %dma_wait3A_115 : memref<1x80x128xi32, #tpu.memory_space<hbm>> -> memref<80x128xi32, #tpu.memory_space<hbm>>
      tpu.wait_dma2 semaphore(%run_scoped3A : memref<!tpu.dma_semaphore, #tpu.memory_space<semaphore_mem>>) src(%dma_wait3A_116 : memref<80x128xi32, #tpu.memory_space<hbm>>) dst(%arg9 : memref<80x128xi32, #tpu.memory_space<vmem>>)
      tpu.yield
    }) : () -> ()
    %mul3A_1 = arith.constant 10240 : i32
    %mul3A_2 = arith.muli %add3A, %mul3A_1 : i32
    %dma_start3A = arith.constant 0 : i32
    %dma_start3A_3 = arith.constant 0 : i32
    %dma_start3A_4 = tpu.memref_slice %arg8[%dma_start3A, %dma_start3A_3] : memref<80x128xi32, #tpu.memory_space<vmem>> -> memref<1x128xi32, #tpu.memory_space<vmem>>
    %dma_start3A_5 = tpu.memref_squeeze %dma_start3A_4 : memref<1x128xi32, #tpu.memory_space<vmem>> -> memref<128xi32, #tpu.memory_space<vmem>>
    %dma_start3A_6 = arith.constant 0 : i32
    %dma_start3A_7 = arith.constant 0 : i32
    %dma_start3A_8 = tpu.memref_slice %arg2[%dma_start3A_6, %dma_start3A_7] : memref<20000x128xf32, #tpu.memory_space<hbm>> -> memref<20000x128xf32, #tpu.memory_space<hbm>>
    tpu.enqueue_indirect_dma source(%dma_start3A_8 : memref<20000x128xf32, #tpu.memory_space<hbm>>) target(%arg10 : memref<128x128xf32, #tpu.memory_space<vmem>>) offsets(%dma_start3A_5 : memref<128xi32, #tpu.memory_space<vmem>>) semaphore(%arg14 : memref<!tpu.dma_semaphore, #tpu.memory_space<semaphore_mem>>)
    %dma_start3A_9 = arith.constant 0 : i32
    %dma_start3A_10 = arith.constant 0 : i32
    %dma_start3A_11 = tpu.memref_slice %arg9[%dma_start3A_9, %dma_start3A_10] : memref<80x128xi32, #tpu.memory_space<vmem>> -> memref<1x128xi32, #tpu.memory_space<vmem>>
    %dma_start3A_12 = tpu.memref_squeeze %dma_start3A_11 : memref<1x128xi32, #tpu.memory_space<vmem>> -> memref<128xi32, #tpu.memory_space<vmem>>
    %dma_start3A_13 = arith.constant 0 : i32
    %dma_start3A_14 = arith.constant 0 : i32
    %dma_start3A_15 = tpu.memref_slice %arg3[%dma_start3A_13, %dma_start3A_14] : memref<20000x128xf32, #tpu.memory_space<hbm>> -> memref<20000x128xf32, #tpu.memory_space<hbm>>
    tpu.enqueue_indirect_dma source(%dma_start3A_15 : memref<20000x128xf32, #tpu.memory_space<hbm>>) target(%arg12 : memref<128x128xf32, #tpu.memory_space<vmem>>) offsets(%dma_start3A_12 : memref<128xi32, #tpu.memory_space<vmem>>) semaphore(%arg16 : memref<!tpu.dma_semaphore, #tpu.memory_space<semaphore_mem>>)
    %dma_start3A_16 = arith.constant 1 : i32
    %dma_start3A_17 = arith.constant 0 : i32
    %dma_start3A_18 = tpu.memref_slice %arg8[%dma_start3A_16, %dma_start3A_17] : memref<80x128xi32, #tpu.memory_space<vmem>> -> memref<1x128xi32, #tpu.memory_space<vmem>>
    %dma_start3A_19 = tpu.memref_squeeze %dma_start3A_18 : memref<1x128xi32, #tpu.memory_space<vmem>> -> memref<128xi32, #tpu.memory_space<vmem>>
    %dma_start3A_20 = arith.constant 0 : i32
    %dma_start3A_21 = arith.constant 0 : i32
    %dma_start3A_22 = tpu.memref_slice %arg2[%dma_start3A_20, %dma_start3A_21] : memref<20000x128xf32, #tpu.memory_space<hbm>> -> memref<20000x128xf32, #tpu.memory_space<hbm>>
    tpu.enqueue_indirect_dma source(%dma_start3A_22 : memref<20000x128xf32, #tpu.memory_space<hbm>>) target(%arg11 : memref<128x128xf32, #tpu.memory_space<vmem>>) offsets(%dma_start3A_19 : memref<128xi32, #tpu.memory_space<vmem>>) semaphore(%arg15 : memref<!tpu.dma_semaphore, #tpu.memory_space<semaphore_mem>>)
    %dma_start3A_23 = arith.constant 1 : i32
    %dma_start3A_24 = arith.constant 0 : i32
    %dma_start3A_25 = tpu.memref_slice %arg9[%dma_start3A_23, %dma_start3A_24] : memref<80x128xi32, #tpu.memory_space<vmem>> -> memref<1x128xi32, #tpu.memory_space<vmem>>
    %dma_start3A_26 = tpu.memref_squeeze %dma_start3A_25 : memref<1x128xi32, #tpu.memory_space<vmem>> -> memref<128xi32, #tpu.memory_space<vmem>>
    %dma_start3A_27 = arith.constant 0 : i32
    %dma_start3A_28 = arith.constant 0 : i32
    %dma_start3A_29 = tpu.memref_slice %arg3[%dma_start3A_27, %dma_start3A_28] : memref<20000x128xf32, #tpu.memory_space<hbm>> -> memref<20000x128xf32, #tpu.memory_space<hbm>>
    tpu.enqueue_indirect_dma source(%dma_start3A_29 : memref<20000x128xf32, #tpu.memory_space<hbm>>) target(%arg13 : memref<128x128xf32, #tpu.memory_space<vmem>>) offsets(%dma_start3A_26 : memref<128xi32, #tpu.memory_space<vmem>>) semaphore(%arg17 : memref<!tpu.dma_semaphore, #tpu.memory_space<semaphore_mem>>)
    %scan3A = arith.constant 0 : i32
    %scan3A_30 = arith.constant 39 : i32
    %scan3A_31 = arith.addi %scan3A, %scan3A_30 : i32
    %scan3A_32 = arith.constant 1 : i32
    scf.for %scan3A_101 = %scan3A to %scan3A_31 step %scan3A_32  : i32 {
      %mul3A_102 = arith.constant 2 : i32
      %mul3A_103 = arith.muli %scan3A_101, %mul3A_102 : i32
      %add3A_104 = arith.constant 0 : i32
      %add3A_105 = arith.addi %add3A_104, %mul3A_103 : i32
      %add3A_106 = arith.constant 0 : i32
      %add3A_107 = arith.addi %add3A_105, %add3A_106 : i32
      %dma_wait3A_108 = arith.constant 0 : i32
      %dma_wait3A_109 = tpu.memref_slice %arg8[%add3A_107, %dma_wait3A_108] : memref<80x128xi32, #tpu.memory_space<vmem>> -> memref<1x128xi32, #tpu.memory_space<vmem>>
      %dma_wait3A_110 = tpu.memref_squeeze %dma_wait3A_109 : memref<1x128xi32, #tpu.memory_space<vmem>> -> memref<128xi32, #tpu.memory_space<vmem>>
      %dma_wait3A_111 = arith.constant 0 : i32
      %dma_wait3A_112 = arith.constant 0 : i32
      %dma_wait3A_113 = tpu.memref_slice %arg2[%dma_wait3A_111, %dma_wait3A_112] : memref<20000x128xf32, #tpu.memory_space<hbm>> -> memref<20000x128xf32, #tpu.memory_space<hbm>>
      tpu.wait_indirect_dma semaphore(%arg14 : memref<!tpu.dma_semaphore, #tpu.memory_space<semaphore_mem>>) src(%dma_wait3A_113 : memref<20000x128xf32, #tpu.memory_space<hbm>>) dst(%arg10 : memref<128x128xf32, #tpu.memory_space<vmem>>)
      %dma_wait3A_114 = arith.constant 0 : i32
      %dma_wait3A_115 = tpu.memref_slice %arg9[%add3A_107, %dma_wait3A_114] : memref<80x128xi32, #tpu.memory_space<vmem>> -> memref<1x128xi32, #tpu.memory_space<vmem>>
      %dma_wait3A_116 = tpu.memref_squeeze %dma_wait3A_115 : memref<1x128xi32, #tpu.memory_space<vmem>> -> memref<128xi32, #tpu.memory_space<vmem>>
      %dma_wait3A_117 = arith.constant 0 : i32
      %dma_wait3A_118 = arith.constant 0 : i32
      %dma_wait3A_119 = tpu.memref_slice %arg3[%dma_wait3A_117, %dma_wait3A_118] : memref<20000x128xf32, #tpu.memory_space<hbm>> -> memref<20000x128xf32, #tpu.memory_space<hbm>>
      tpu.wait_indirect_dma semaphore(%arg16 : memref<!tpu.dma_semaphore, #tpu.memory_space<semaphore_mem>>) src(%dma_wait3A_119 : memref<20000x128xf32, #tpu.memory_space<hbm>>) dst(%arg12 : memref<128x128xf32, #tpu.memory_space<vmem>>)
      %mul3A_120 = arith.constant 128 : i32
      %mul3A_121 = arith.muli %add3A_107, %mul3A_120 : i32
      %add3A_122 = arith.addi %mul3A_2, %mul3A_121 : i32
      %dma_start3A_123 = arith.constant 0 : i32
      %dma_start3A_124 = tpu.memref_slice %arg6[%add3A_122, %dma_start3A_123] : memref<327680x128xf32, #tpu.memory_space<hbm>> -> memref<128x128xf32, #tpu.memory_space<hbm>>
      %dma_start3A_125 = arith.constant 0 : i32
      %dma_start3A_126 = tpu.memref_slice %arg6[%add3A_122, %dma_start3A_125] : memref<327680x128xf32, #tpu.memory_space<hbm>> -> memref<128x128xf32, #tpu.memory_space<hbm>>
      tpu.enqueue_dma source(%arg10 : memref<128x128xf32, #tpu.memory_space<vmem>>) target(%dma_start3A_126 : memref<128x128xf32, #tpu.memory_space<hbm>>) target_semaphore(%arg18 : memref<!tpu.dma_semaphore, #tpu.memory_space<semaphore_mem>>)
      %dma_start3A_127 = arith.constant 0 : i32
      %dma_start3A_128 = tpu.memref_slice %arg7[%add3A_122, %dma_start3A_127] : memref<327680x128xf32, #tpu.memory_space<hbm>> -> memref<128x128xf32, #tpu.memory_space<hbm>>
      %dma_start3A_129 = arith.constant 0 : i32
      %dma_start3A_130 = tpu.memref_slice %arg7[%add3A_122, %dma_start3A_129] : memref<327680x128xf32, #tpu.memory_space<hbm>> -> memref<128x128xf32, #tpu.memory_space<hbm>>
      tpu.enqueue_dma source(%arg12 : memref<128x128xf32, #tpu.memory_space<vmem>>) target(%dma_start3A_130 : memref<128x128xf32, #tpu.memory_space<hbm>>) target_semaphore(%arg20 : memref<!tpu.dma_semaphore, #tpu.memory_space<semaphore_mem>>)
      %mul3A_131 = arith.constant 128 : i32
      %mul3A_132 = arith.muli %add3A_107, %mul3A_131 : i32
      %add3A_133 = arith.addi %mul3A_2, %mul3A_132 : i32
      %dma_wait3A_134 = arith.constant 0 : i32
      %dma_wait3A_135 = tpu.memref_slice %arg6[%add3A_133, %dma_wait3A_134] : memref<327680x128xf32, #tpu.memory_space<hbm>> -> memref<128x128xf32, #tpu.memory_space<hbm>>
      %dma_wait3A_136 = arith.constant 0 : i32
      %dma_wait3A_137 = tpu.memref_slice %arg6[%add3A_133, %dma_wait3A_136] : memref<327680x128xf32, #tpu.memory_space<hbm>> -> memref<128x128xf32, #tpu.memory_space<hbm>>
      tpu.wait_dma2 semaphore(%arg18 : memref<!tpu.dma_semaphore, #tpu.memory_space<semaphore_mem>>) src(%arg10 : memref<128x128xf32, #tpu.memory_space<vmem>>) dst(%dma_wait3A_137 : memref<128x128xf32, #tpu.memory_space<hbm>>)
      %dma_wait3A_138 = arith.constant 0 : i32
      %dma_wait3A_139 = tpu.memref_slice %arg7[%add3A_133, %dma_wait3A_138] : memref<327680x128xf32, #tpu.memory_space<hbm>> -> memref<128x128xf32, #tpu.memory_space<hbm>>
      %dma_wait3A_140 = arith.constant 0 : i32
      %dma_wait3A_141 = tpu.memref_slice %arg7[%add3A_133, %dma_wait3A_140] : memref<327680x128xf32, #tpu.memory_space<hbm>> -> memref<128x128xf32, #tpu.memory_space<hbm>>
      tpu.wait_dma2 semaphore(%arg20 : memref<!tpu.dma_semaphore, #tpu.memory_space<semaphore_mem>>) src(%arg12 : memref<128x128xf32, #tpu.memory_space<vmem>>) dst(%dma_wait3A_141 : memref<128x128xf32, #tpu.memory_space<hbm>>)
      %add3A_142 = arith.constant 2 : i32
      %add3A_143 = arith.addi %add3A_107, %add3A_142 : i32
      %dma_start3A_144 = arith.constant 0 : i32
      %dma_start3A_145 = tpu.memref_slice %arg8[%add3A_143, %dma_start3A_144] : memref<80x128xi32, #tpu.memory_space<vmem>> -> memref<1x128xi32, #tpu.memory_space<vmem>>
      %dma_start3A_146 = tpu.memref_squeeze %dma_start3A_145 : memref<1x128xi32, #tpu.memory_space<vmem>> -> memref<128xi32, #tpu.memory_space<vmem>>
      %dma_start3A_147 = arith.constant 0 : i32
      %dma_start3A_148 = arith.constant 0 : i32
      %dma_start3A_149 = tpu.memref_slice %arg2[%dma_start3A_147, %dma_start3A_148] : memref<20000x128xf32, #tpu.memory_space<hbm>> -> memref<20000x128xf32, #tpu.memory_space<hbm>>
      tpu.enqueue_indirect_dma source(%dma_start3A_149 : memref<20000x128xf32, #tpu.memory_space<hbm>>) target(%arg10 : memref<128x128xf32, #tpu.memory_space<vmem>>) offsets(%dma_start3A_146 : memref<128xi32, #tpu.memory_space<vmem>>) semaphore(%arg14 : memref<!tpu.dma_semaphore, #tpu.memory_space<semaphore_mem>>)
      %dma_start3A_150 = arith.constant 0 : i32
      %dma_start3A_151 = tpu.memref_slice %arg9[%add3A_143, %dma_start3A_150] : memref<80x128xi32, #tpu.memory_space<vmem>> -> memref<1x128xi32, #tpu.memory_space<vmem>>
      %dma_start3A_152 = tpu.memref_squeeze %dma_start3A_151 : memref<1x128xi32, #tpu.memory_space<vmem>> -> memref<128xi32, #tpu.memory_space<vmem>>
      %dma_start3A_153 = arith.constant 0 : i32
      %dma_start3A_154 = arith.constant 0 : i32
      %dma_start3A_155 = tpu.memref_slice %arg3[%dma_start3A_153, %dma_start3A_154] : memref<20000x128xf32, #tpu.memory_space<hbm>> -> memref<20000x128xf32, #tpu.memory_space<hbm>>
      tpu.enqueue_indirect_dma source(%dma_start3A_155 : memref<20000x128xf32, #tpu.memory_space<hbm>>) target(%arg12 : memref<128x128xf32, #tpu.memory_space<vmem>>) offsets(%dma_start3A_152 : memref<128xi32, #tpu.memory_space<vmem>>) semaphore(%arg16 : memref<!tpu.dma_semaphore, #tpu.memory_space<semaphore_mem>>)
      %add3A_156 = arith.constant 1 : i32
      %add3A_157 = arith.addi %add3A_105, %add3A_156 : i32
      %dma_wait3A_158 = arith.constant 0 : i32
      %dma_wait3A_159 = tpu.memref_slice %arg8[%add3A_157, %dma_wait3A_158] : memref<80x128xi32, #tpu.memory_space<vmem>> -> memref<1x128xi32, #tpu.memory_space<vmem>>
      %dma_wait3A_160 = tpu.memref_squeeze %dma_wait3A_159 : memref<1x128xi32, #tpu.memory_space<vmem>> -> memref<128xi32, #tpu.memory_space<vmem>>
      %dma_wait3A_161 = arith.constant 0 : i32
      %dma_wait3A_162 = arith.constant 0 : i32
      %dma_wait3A_163 = tpu.memref_slice %arg2[%dma_wait3A_161, %dma_wait3A_162] : memref<20000x128xf32, #tpu.memory_space<hbm>> -> memref<20000x128xf32, #tpu.memory_space<hbm>>
      tpu.wait_indirect_dma semaphore(%arg15 : memref<!tpu.dma_semaphore, #tpu.memory_space<semaphore_mem>>) src(%dma_wait3A_163 : memref<20000x128xf32, #tpu.memory_space<hbm>>) dst(%arg11 : memref<128x128xf32, #tpu.memory_space<vmem>>)
      %dma_wait3A_164 = arith.constant 0 : i32
      %dma_wait3A_165 = tpu.memref_slice %arg9[%add3A_157, %dma_wait3A_164] : memref<80x128xi32, #tpu.memory_space<vmem>> -> memref<1x128xi32, #tpu.memory_space<vmem>>
      %dma_wait3A_166 = tpu.memref_squeeze %dma_wait3A_165 : memref<1x128xi32, #tpu.memory_space<vmem>> -> memref<128xi32, #tpu.memory_space<vmem>>
      %dma_wait3A_167 = arith.constant 0 : i32
      %dma_wait3A_168 = arith.constant 0 : i32
      %dma_wait3A_169 = tpu.memref_slice %arg3[%dma_wait3A_167, %dma_wait3A_168] : memref<20000x128xf32, #tpu.memory_space<hbm>> -> memref<20000x128xf32, #tpu.memory_space<hbm>>
      tpu.wait_indirect_dma semaphore(%arg17 : memref<!tpu.dma_semaphore, #tpu.memory_space<semaphore_mem>>) src(%dma_wait3A_169 : memref<20000x128xf32, #tpu.memory_space<hbm>>) dst(%arg13 : memref<128x128xf32, #tpu.memory_space<vmem>>)
      %mul3A_170 = arith.constant 128 : i32
      %mul3A_171 = arith.muli %add3A_157, %mul3A_170 : i32
      %add3A_172 = arith.addi %mul3A_2, %mul3A_171 : i32
      %dma_start3A_173 = arith.constant 0 : i32
      %dma_start3A_174 = tpu.memref_slice %arg6[%add3A_172, %dma_start3A_173] : memref<327680x128xf32, #tpu.memory_space<hbm>> -> memref<128x128xf32, #tpu.memory_space<hbm>>
      %dma_start3A_175 = arith.constant 0 : i32
      %dma_start3A_176 = tpu.memref_slice %arg6[%add3A_172, %dma_start3A_175] : memref<327680x128xf32, #tpu.memory_space<hbm>> -> memref<128x128xf32, #tpu.memory_space<hbm>>
      tpu.enqueue_dma source(%arg11 : memref<128x128xf32, #tpu.memory_space<vmem>>) target(%dma_start3A_176 : memref<128x128xf32, #tpu.memory_space<hbm>>) target_semaphore(%arg19 : memref<!tpu.dma_semaphore, #tpu.memory_space<semaphore_mem>>)
      %dma_start3A_177 = arith.constant 0 : i32
      %dma_start3A_178 = tpu.memref_slice %arg7[%add3A_172, %dma_start3A_177] : memref<327680x128xf32, #tpu.memory_space<hbm>> -> memref<128x128xf32, #tpu.memory_space<hbm>>
      %dma_start3A_179 = arith.constant 0 : i32
      %dma_start3A_180 = tpu.memref_slice %arg7[%add3A_172, %dma_start3A_179] : memref<327680x128xf32, #tpu.memory_space<hbm>> -> memref<128x128xf32, #tpu.memory_space<hbm>>
      tpu.enqueue_dma source(%arg13 : memref<128x128xf32, #tpu.memory_space<vmem>>) target(%dma_start3A_180 : memref<128x128xf32, #tpu.memory_space<hbm>>) target_semaphore(%arg21 : memref<!tpu.dma_semaphore, #tpu.memory_space<semaphore_mem>>)
      %mul3A_181 = arith.constant 128 : i32
      %mul3A_182 = arith.muli %add3A_157, %mul3A_181 : i32
      %add3A_183 = arith.addi %mul3A_2, %mul3A_182 : i32
      %dma_wait3A_184 = arith.constant 0 : i32
      %dma_wait3A_185 = tpu.memref_slice %arg6[%add3A_183, %dma_wait3A_184] : memref<327680x128xf32, #tpu.memory_space<hbm>> -> memref<128x128xf32, #tpu.memory_space<hbm>>
      %dma_wait3A_186 = arith.constant 0 : i32
      %dma_wait3A_187 = tpu.memref_slice %arg6[%add3A_183, %dma_wait3A_186] : memref<327680x128xf32, #tpu.memory_space<hbm>> -> memref<128x128xf32, #tpu.memory_space<hbm>>
      tpu.wait_dma2 semaphore(%arg19 : memref<!tpu.dma_semaphore, #tpu.memory_space<semaphore_mem>>) src(%arg11 : memref<128x128xf32, #tpu.memory_space<vmem>>) dst(%dma_wait3A_187 : memref<128x128xf32, #tpu.memory_space<hbm>>)
      %dma_wait3A_188 = arith.constant 0 : i32
      %dma_wait3A_189 = tpu.memref_slice %arg7[%add3A_183, %dma_wait3A_188] : memref<327680x128xf32, #tpu.memory_space<hbm>> -> memref<128x128xf32, #tpu.memory_space<hbm>>
      %dma_wait3A_190 = arith.constant 0 : i32
      %dma_wait3A_191 = tpu.memref_slice %arg7[%add3A_183, %dma_wait3A_190] : memref<327680x128xf32, #tpu.memory_space<hbm>> -> memref<128x128xf32, #tpu.memory_space<hbm>>
      tpu.wait_dma2 semaphore(%arg21 : memref<!tpu.dma_semaphore, #tpu.memory_space<semaphore_mem>>) src(%arg13 : memref<128x128xf32, #tpu.memory_space<vmem>>) dst(%dma_wait3A_191 : memref<128x128xf32, #tpu.memory_space<hbm>>)
      %add3A_192 = arith.constant 2 : i32
      %add3A_193 = arith.addi %add3A_157, %add3A_192 : i32
      %dma_start3A_194 = arith.constant 0 : i32
      %dma_start3A_195 = tpu.memref_slice %arg8[%add3A_193, %dma_start3A_194] : memref<80x128xi32, #tpu.memory_space<vmem>> -> memref<1x128xi32, #tpu.memory_space<vmem>>
      %dma_start3A_196 = tpu.memref_squeeze %dma_start3A_195 : memref<1x128xi32, #tpu.memory_space<vmem>> -> memref<128xi32, #tpu.memory_space<vmem>>
      %dma_start3A_197 = arith.constant 0 : i32
      %dma_start3A_198 = arith.constant 0 : i32
      %dma_start3A_199 = tpu.memref_slice %arg2[%dma_start3A_197, %dma_start3A_198] : memref<20000x128xf32, #tpu.memory_space<hbm>> -> memref<20000x128xf32, #tpu.memory_space<hbm>>
      tpu.enqueue_indirect_dma source(%dma_start3A_199 : memref<20000x128xf32, #tpu.memory_space<hbm>>) target(%arg11 : memref<128x128xf32, #tpu.memory_space<vmem>>) offsets(%dma_start3A_196 : memref<128xi32, #tpu.memory_space<vmem>>) semaphore(%arg15 : memref<!tpu.dma_semaphore, #tpu.memory_space<semaphore_mem>>)
      %dma_start3A_200 = arith.constant 0 : i32
      %dma_start3A_201 = tpu.memref_slice %arg9[%add3A_193, %dma_start3A_200] : memref<80x128xi32, #tpu.memory_space<vmem>> -> memref<1x128xi32, #tpu.memory_space<vmem>>
      %dma_start3A_202 = tpu.memref_squeeze %dma_start3A_201 : memref<1x128xi32, #tpu.memory_space<vmem>> -> memref<128xi32, #tpu.memory_space<vmem>>
      %dma_start3A_203 = arith.constant 0 : i32
      %dma_start3A_204 = arith.constant 0 : i32
      %dma_start3A_205 = tpu.memref_slice %arg3[%dma_start3A_203, %dma_start3A_204] : memref<20000x128xf32, #tpu.memory_space<hbm>> -> memref<20000x128xf32, #tpu.memory_space<hbm>>
      tpu.enqueue_indirect_dma source(%dma_start3A_205 : memref<20000x128xf32, #tpu.memory_space<hbm>>) target(%arg13 : memref<128x128xf32, #tpu.memory_space<vmem>>) offsets(%dma_start3A_202 : memref<128xi32, #tpu.memory_space<vmem>>) semaphore(%arg17 : memref<!tpu.dma_semaphore, #tpu.memory_space<semaphore_mem>>)
    }
    %scan3A_33 = arith.constant 39 : i32
    %dma_wait3A = arith.constant 78 : i32
    %dma_wait3A_34 = arith.constant 0 : i32
    %dma_wait3A_35 = tpu.memref_slice %arg8[%dma_wait3A, %dma_wait3A_34] : memref<80x128xi32, #tpu.memory_space<vmem>> -> memref<1x128xi32, #tpu.memory_space<vmem>>
    %dma_wait3A_36 = tpu.memref_squeeze %dma_wait3A_35 : memref<1x128xi32, #tpu.memory_space<vmem>> -> memref<128xi32, #tpu.memory_space<vmem>>
    %dma_wait3A_37 = arith.constant 0 : i32
    %dma_wait3A_38 = arith.constant 0 : i32
    %dma_wait3A_39 = tpu.memref_slice %arg2[%dma_wait3A_37, %dma_wait3A_38] : memref<20000x128xf32, #tpu.memory_space<hbm>> -> memref<20000x128xf32, #tpu.memory_space<hbm>>
    tpu.wait_indirect_dma semaphore(%arg14 : memref<!tpu.dma_semaphore, #tpu.memory_space<semaphore_mem>>) src(%dma_wait3A_39 : memref<20000x128xf32, #tpu.memory_space<hbm>>) dst(%arg10 : memref<128x128xf32, #tpu.memory_space<vmem>>)
    %dma_wait3A_40 = arith.constant 78 : i32
    %dma_wait3A_41 = arith.constant 0 : i32
    %dma_wait3A_42 = tpu.memref_slice %arg9[%dma_wait3A_40, %dma_wait3A_41] : memref<80x128xi32, #tpu.memory_space<vmem>> -> memref<1x128xi32, #tpu.memory_space<vmem>>
    %dma_wait3A_43 = tpu.memref_squeeze %dma_wait3A_42 : memref<1x128xi32, #tpu.memory_space<vmem>> -> memref<128xi32, #tpu.memory_space<vmem>>
    %dma_wait3A_44 = arith.constant 0 : i32
    %dma_wait3A_45 = arith.constant 0 : i32
    %dma_wait3A_46 = tpu.memref_slice %arg3[%dma_wait3A_44, %dma_wait3A_45] : memref<20000x128xf32, #tpu.memory_space<hbm>> -> memref<20000x128xf32, #tpu.memory_space<hbm>>
    tpu.wait_indirect_dma semaphore(%arg16 : memref<!tpu.dma_semaphore, #tpu.memory_space<semaphore_mem>>) src(%dma_wait3A_46 : memref<20000x128xf32, #tpu.memory_space<hbm>>) dst(%arg12 : memref<128x128xf32, #tpu.memory_space<vmem>>)
    %add3A_47 = arith.constant 9984 : i32
    %add3A_48 = arith.addi %mul3A_2, %add3A_47 : i32
    %dma_start3A_49 = arith.constant 0 : i32
    %dma_start3A_50 = tpu.memref_slice %arg6[%add3A_48, %dma_start3A_49] : memref<327680x128xf32, #tpu.memory_space<hbm>> -> memref<128x128xf32, #tpu.memory_space<hbm>>
    %dma_start3A_51 = arith.constant 0 : i32
    %dma_start3A_52 = tpu.memref_slice %arg6[%add3A_48, %dma_start3A_51] : memref<327680x128xf32, #tpu.memory_space<hbm>> -> memref<128x128xf32, #tpu.memory_space<hbm>>
    tpu.enqueue_dma source(%arg10 : memref<128x128xf32, #tpu.memory_space<vmem>>) target(%dma_start3A_52 : memref<128x128xf32, #tpu.memory_space<hbm>>) target_semaphore(%arg18 : memref<!tpu.dma_semaphore, #tpu.memory_space<semaphore_mem>>)
    %dma_start3A_53 = arith.constant 0 : i32
    %dma_start3A_54 = tpu.memref_slice %arg7[%add3A_48, %dma_start3A_53] : memref<327680x128xf32, #tpu.memory_space<hbm>> -> memref<128x128xf32, #tpu.memory_space<hbm>>
    %dma_start3A_55 = arith.constant 0 : i32
    %dma_start3A_56 = tpu.memref_slice %arg7[%add3A_48, %dma_start3A_55] : memref<327680x128xf32, #tpu.memory_space<hbm>> -> memref<128x128xf32, #tpu.memory_space<hbm>>
    tpu.enqueue_dma source(%arg12 : memref<128x128xf32, #tpu.memory_space<vmem>>) target(%dma_start3A_56 : memref<128x128xf32, #tpu.memory_space<hbm>>) target_semaphore(%arg20 : memref<!tpu.dma_semaphore, #tpu.memory_space<semaphore_mem>>)
    %add3A_57 = arith.constant 9984 : i32
    %add3A_58 = arith.addi %mul3A_2, %add3A_57 : i32
    %dma_wait3A_59 = arith.constant 0 : i32
    %dma_wait3A_60 = tpu.memref_slice %arg6[%add3A_58, %dma_wait3A_59] : memref<327680x128xf32, #tpu.memory_space<hbm>> -> memref<128x128xf32, #tpu.memory_space<hbm>>
    %dma_wait3A_61 = arith.constant 0 : i32
    %dma_wait3A_62 = tpu.memref_slice %arg6[%add3A_58, %dma_wait3A_61] : memref<327680x128xf32, #tpu.memory_space<hbm>> -> memref<128x128xf32, #tpu.memory_space<hbm>>
    tpu.wait_dma2 semaphore(%arg18 : memref<!tpu.dma_semaphore, #tpu.memory_space<semaphore_mem>>) src(%arg10 : memref<128x128xf32, #tpu.memory_space<vmem>>) dst(%dma_wait3A_62 : memref<128x128xf32, #tpu.memory_space<hbm>>)
    %dma_wait3A_63 = arith.constant 0 : i32
    %dma_wait3A_64 = tpu.memref_slice %arg7[%add3A_58, %dma_wait3A_63] : memref<327680x128xf32, #tpu.memory_space<hbm>> -> memref<128x128xf32, #tpu.memory_space<hbm>>
    %dma_wait3A_65 = arith.constant 0 : i32
    %dma_wait3A_66 = tpu.memref_slice %arg7[%add3A_58, %dma_wait3A_65] : memref<327680x128xf32, #tpu.memory_space<hbm>> -> memref<128x128xf32, #tpu.memory_space<hbm>>
    tpu.wait_dma2 semaphore(%arg20 : memref<!tpu.dma_semaphore, #tpu.memory_space<semaphore_mem>>) src(%arg12 : memref<128x128xf32, #tpu.memory_space<vmem>>) dst(%dma_wait3A_66 : memref<128x128xf32, #tpu.memory_space<hbm>>)
    %dma_wait3A_67 = arith.constant 79 : i32
    %dma_wait3A_68 = arith.constant 0 : i32
    %dma_wait3A_69 = tpu.memref_slice %arg8[%dma_wait3A_67, %dma_wait3A_68] : memref<80x128xi32, #tpu.memory_space<vmem>> -> memref<1x128xi32, #tpu.memory_space<vmem>>
    %dma_wait3A_70 = tpu.memref_squeeze %dma_wait3A_69 : memref<1x128xi32, #tpu.memory_space<vmem>> -> memref<128xi32, #tpu.memory_space<vmem>>
    %dma_wait3A_71 = arith.constant 0 : i32
    %dma_wait3A_72 = arith.constant 0 : i32
    %dma_wait3A_73 = tpu.memref_slice %arg2[%dma_wait3A_71, %dma_wait3A_72] : memref<20000x128xf32, #tpu.memory_space<hbm>> -> memref<20000x128xf32, #tpu.memory_space<hbm>>
    tpu.wait_indirect_dma semaphore(%arg15 : memref<!tpu.dma_semaphore, #tpu.memory_space<semaphore_mem>>) src(%dma_wait3A_73 : memref<20000x128xf32, #tpu.memory_space<hbm>>) dst(%arg11 : memref<128x128xf32, #tpu.memory_space<vmem>>)
    %dma_wait3A_74 = arith.constant 79 : i32
    %dma_wait3A_75 = arith.constant 0 : i32
    %dma_wait3A_76 = tpu.memref_slice %arg9[%dma_wait3A_74, %dma_wait3A_75] : memref<80x128xi32, #tpu.memory_space<vmem>> -> memref<1x128xi32, #tpu.memory_space<vmem>>
    %dma_wait3A_77 = tpu.memref_squeeze %dma_wait3A_76 : memref<1x128xi32, #tpu.memory_space<vmem>> -> memref<128xi32, #tpu.memory_space<vmem>>
    %dma_wait3A_78 = arith.constant 0 : i32
    %dma_wait3A_79 = arith.constant 0 : i32
    %dma_wait3A_80 = tpu.memref_slice %arg3[%dma_wait3A_78, %dma_wait3A_79] : memref<20000x128xf32, #tpu.memory_space<hbm>> -> memref<20000x128xf32, #tpu.memory_space<hbm>>
    tpu.wait_indirect_dma semaphore(%arg17 : memref<!tpu.dma_semaphore, #tpu.memory_space<semaphore_mem>>) src(%dma_wait3A_80 : memref<20000x128xf32, #tpu.memory_space<hbm>>) dst(%arg13 : memref<128x128xf32, #tpu.memory_space<vmem>>)
    %add3A_81 = arith.constant 10112 : i32
    %add3A_82 = arith.addi %mul3A_2, %add3A_81 : i32
    %dma_start3A_83 = arith.constant 0 : i32
    %dma_start3A_84 = tpu.memref_slice %arg6[%add3A_82, %dma_start3A_83] : memref<327680x128xf32, #tpu.memory_space<hbm>> -> memref<128x128xf32, #tpu.memory_space<hbm>>
    %dma_start3A_85 = arith.constant 0 : i32
    %dma_start3A_86 = tpu.memref_slice %arg6[%add3A_82, %dma_start3A_85] : memref<327680x128xf32, #tpu.memory_space<hbm>> -> memref<128x128xf32, #tpu.memory_space<hbm>>
    tpu.enqueue_dma source(%arg11 : memref<128x128xf32, #tpu.memory_space<vmem>>) target(%dma_start3A_86 : memref<128x128xf32, #tpu.memory_space<hbm>>) target_semaphore(%arg19 : memref<!tpu.dma_semaphore, #tpu.memory_space<semaphore_mem>>)
    %dma_start3A_87 = arith.constant 0 : i32
    %dma_start3A_88 = tpu.memref_slice %arg7[%add3A_82, %dma_start3A_87] : memref<327680x128xf32, #tpu.memory_space<hbm>> -> memref<128x128xf32, #tpu.memory_space<hbm>>
    %dma_start3A_89 = arith.constant 0 : i32
    %dma_start3A_90 = tpu.memref_slice %arg7[%add3A_82, %dma_start3A_89] : memref<327680x128xf32, #tpu.memory_space<hbm>> -> memref<128x128xf32, #tpu.memory_space<hbm>>
    tpu.enqueue_dma source(%arg13 : memref<128x128xf32, #tpu.memory_space<vmem>>) target(%dma_start3A_90 : memref<128x128xf32, #tpu.memory_space<hbm>>) target_semaphore(%arg21 : memref<!tpu.dma_semaphore, #tpu.memory_space<semaphore_mem>>)
    %add3A_91 = arith.constant 10112 : i32
    %add3A_92 = arith.addi %mul3A_2, %add3A_91 : i32
    %dma_wait3A_93 = arith.constant 0 : i32
    %dma_wait3A_94 = tpu.memref_slice %arg6[%add3A_92, %dma_wait3A_93] : memref<327680x128xf32, #tpu.memory_space<hbm>> -> memref<128x128xf32, #tpu.memory_space<hbm>>
    %dma_wait3A_95 = arith.constant 0 : i32
    %dma_wait3A_96 = tpu.memref_slice %arg6[%add3A_92, %dma_wait3A_95] : memref<327680x128xf32, #tpu.memory_space<hbm>> -> memref<128x128xf32, #tpu.memory_space<hbm>>
    tpu.wait_dma2 semaphore(%arg19 : memref<!tpu.dma_semaphore, #tpu.memory_space<semaphore_mem>>) src(%arg11 : memref<128x128xf32, #tpu.memory_space<vmem>>) dst(%dma_wait3A_96 : memref<128x128xf32, #tpu.memory_space<hbm>>)
    %dma_wait3A_97 = arith.constant 0 : i32
    %dma_wait3A_98 = tpu.memref_slice %arg7[%add3A_92, %dma_wait3A_97] : memref<327680x128xf32, #tpu.memory_space<hbm>> -> memref<128x128xf32, #tpu.memory_space<hbm>>
    %dma_wait3A_99 = arith.constant 0 : i32
    %dma_wait3A_100 = tpu.memref_slice %arg7[%add3A_92, %dma_wait3A_99] : memref<327680x128xf32, #tpu.memory_space<hbm>> -> memref<128x128xf32, #tpu.memory_space<hbm>>
    tpu.wait_dma2 semaphore(%arg21 : memref<!tpu.dma_semaphore, #tpu.memory_space<semaphore_mem>>) src(%arg13 : memref<128x128xf32, #tpu.memory_space<vmem>>) dst(%dma_wait3A_100 : memref<128x128xf32, #tpu.memory_space<hbm>>)
    return
  }
}

#map = affine_map<(d0, d1) -> (0, 0)>
#map1 = affine_map<(d0, d1) -> (0, 0, 0)>
module attributes {stable_mosaic.version = 14 : i64} {
  func.func @_sc_scatter_body(%arg0: i32, %arg1: i32, %arg2: memref<327680x128xf32, #tpu.memory_space<hbm>>, %arg3: memref<32x80x128xi32, #tpu.memory_space<hbm>>, %arg4: memref<632x128xf32, #tpu.memory_space<hbm>>, %arg5: memref<2x10112x128xf32, #tpu.memory_space<hbm>>, %arg6: memref<10112x128xf32, #tpu.memory_space<vmem_shared>>, %arg7: memref<80x128xi32, #tpu.memory_space<vmem>>, %arg8: memref<128x128xf32, #tpu.memory_space<vmem>>, %arg9: memref<128x128xf32, #tpu.memory_space<vmem>>, %arg10: memref<!tpu.dma_semaphore, #tpu.memory_space<semaphore_mem>>, %arg11: memref<!tpu.dma_semaphore, #tpu.memory_space<semaphore_mem>>) attributes {dimension_semantics = [#tpu.dimension_semantics<core_parallel>, #tpu.dimension_semantics<subcore_parallel>], iteration_bounds = array<i64: 2, 16>, scalar_prefetch = 0 : i64, scratch_operands = 6 : i64, tpu.core_type = #tpu.core_type<sc_vector_subcore>, window_params = [{transform_indices = #map}, {transform_indices = #map1}, {transform_indices = #map}, {transform_indices = #map1}]} {
    %mul3A = arith.constant 16 : i32
    %mul3A_0 = arith.muli %arg0, %mul3A : i32
    %add3A = arith.addi %mul3A_0, %arg1 : i32
    %mul3A_1 = arith.constant 632 : i32
    %mul3A_2 = arith.muli %arg1, %mul3A_1 : i32
    "tpu.region"() ({
      %run_scoped3A_37 = tpu.sem_alloc : memref<!tpu.dma_semaphore, #tpu.memory_space<semaphore_mem>>
      %dma_start3A_38 = arith.constant 0 : i32
      %dma_start3A_39 = tpu.memref_slice %arg6[%mul3A_2, %dma_start3A_38] : memref<10112x128xf32, #tpu.memory_space<vmem_shared>> -> memref<632x128xf32, #tpu.memory_space<vmem_shared>>
      tpu.enqueue_dma source(%arg4 : memref<632x128xf32, #tpu.memory_space<hbm>>) target(%dma_start3A_39 : memref<632x128xf32, #tpu.memory_space<vmem_shared>>) target_semaphore(%run_scoped3A_37 : memref<!tpu.dma_semaphore, #tpu.memory_space<semaphore_mem>>)
      %dma_wait3A_40 = arith.constant 0 : i32
      %dma_wait3A_41 = tpu.memref_slice %arg6[%mul3A_2, %dma_wait3A_40] : memref<10112x128xf32, #tpu.memory_space<vmem_shared>> -> memref<632x128xf32, #tpu.memory_space<vmem_shared>>
      tpu.wait_dma2 semaphore(%run_scoped3A_37 : memref<!tpu.dma_semaphore, #tpu.memory_space<semaphore_mem>>) src(%arg4 : memref<632x128xf32, #tpu.memory_space<hbm>>) dst(%dma_wait3A_41 : memref<632x128xf32, #tpu.memory_space<vmem_shared>>)
      tpu.yield
    }) : () -> ()
    %barrier3A = arith.constant 0 : index
    tpu.barrier barrier_id(%barrier3A)
    "tpu.region"() ({
      %run_scoped3A_37 = tpu.sem_alloc : memref<!tpu.dma_semaphore, #tpu.memory_space<semaphore_mem>>
      %dma_start3A_38 = arith.constant 0 : i32
      %dma_start3A_39 = arith.constant 0 : i32
      %dma_start3A_40 = tpu.memref_slice %arg3[%add3A, %dma_start3A_38, %dma_start3A_39] : memref<32x80x128xi32, #tpu.memory_space<hbm>> -> memref<1x80x128xi32, #tpu.memory_space<hbm>>
      %dma_start3A_41 = tpu.memref_squeeze %dma_start3A_40 : memref<1x80x128xi32, #tpu.memory_space<hbm>> -> memref<80x128xi32, #tpu.memory_space<hbm>>
      %dma_start3A_42 = arith.constant 0 : i32
      %dma_start3A_43 = arith.constant 0 : i32
      %dma_start3A_44 = tpu.memref_slice %arg3[%add3A, %dma_start3A_42, %dma_start3A_43] : memref<32x80x128xi32, #tpu.memory_space<hbm>> -> memref<1x80x128xi32, #tpu.memory_space<hbm>>
      %dma_start3A_45 = tpu.memref_squeeze %dma_start3A_44 : memref<1x80x128xi32, #tpu.memory_space<hbm>> -> memref<80x128xi32, #tpu.memory_space<hbm>>
      tpu.enqueue_dma source(%dma_start3A_45 : memref<80x128xi32, #tpu.memory_space<hbm>>) target(%arg7 : memref<80x128xi32, #tpu.memory_space<vmem>>) target_semaphore(%run_scoped3A_37 : memref<!tpu.dma_semaphore, #tpu.memory_space<semaphore_mem>>)
      %dma_wait3A_46 = arith.constant 0 : i32
      %dma_wait3A_47 = arith.constant 0 : i32
      %dma_wait3A_48 = tpu.memref_slice %arg3[%add3A, %dma_wait3A_46, %dma_wait3A_47] : memref<32x80x128xi32, #tpu.memory_space<hbm>> -> memref<1x80x128xi32, #tpu.memory_space<hbm>>
      %dma_wait3A_49 = tpu.memref_squeeze %dma_wait3A_48 : memref<1x80x128xi32, #tpu.memory_space<hbm>> -> memref<80x128xi32, #tpu.memory_space<hbm>>
      %dma_wait3A_50 = arith.constant 0 : i32
      %dma_wait3A_51 = arith.constant 0 : i32
      %dma_wait3A_52 = tpu.memref_slice %arg3[%add3A, %dma_wait3A_50, %dma_wait3A_51] : memref<32x80x128xi32, #tpu.memory_space<hbm>> -> memref<1x80x128xi32, #tpu.memory_space<hbm>>
      %dma_wait3A_53 = tpu.memref_squeeze %dma_wait3A_52 : memref<1x80x128xi32, #tpu.memory_space<hbm>> -> memref<80x128xi32, #tpu.memory_space<hbm>>
      tpu.wait_dma2 semaphore(%run_scoped3A_37 : memref<!tpu.dma_semaphore, #tpu.memory_space<semaphore_mem>>) src(%dma_wait3A_53 : memref<80x128xi32, #tpu.memory_space<hbm>>) dst(%arg7 : memref<80x128xi32, #tpu.memory_space<vmem>>)
      tpu.yield
    }) : () -> ()
    %mul3A_3 = arith.constant 10240 : i32
    %mul3A_4 = arith.muli %add3A, %mul3A_3 : i32
    %add3A_5 = arith.constant 0 : i32
    %add3A_6 = arith.addi %mul3A_4, %add3A_5 : i32
    %dma_start3A = arith.constant 0 : i32
    %dma_start3A_7 = tpu.memref_slice %arg2[%add3A_6, %dma_start3A] : memref<327680x128xf32, #tpu.memory_space<hbm>> -> memref<128x128xf32, #tpu.memory_space<hbm>>
    %dma_start3A_8 = arith.constant 0 : i32
    %dma_start3A_9 = tpu.memref_slice %arg2[%add3A_6, %dma_start3A_8] : memref<327680x128xf32, #tpu.memory_space<hbm>> -> memref<128x128xf32, #tpu.memory_space<hbm>>
    tpu.enqueue_dma source(%dma_start3A_9 : memref<128x128xf32, #tpu.memory_space<hbm>>) target(%arg8 : memref<128x128xf32, #tpu.memory_space<vmem>>) target_semaphore(%arg10 : memref<!tpu.dma_semaphore, #tpu.memory_space<semaphore_mem>>)
    %add3A_10 = arith.constant 128 : i32
    %add3A_11 = arith.addi %mul3A_4, %add3A_10 : i32
    %dma_start3A_12 = arith.constant 0 : i32
    %dma_start3A_13 = tpu.memref_slice %arg2[%add3A_11, %dma_start3A_12] : memref<327680x128xf32, #tpu.memory_space<hbm>> -> memref<128x128xf32, #tpu.memory_space<hbm>>
    %dma_start3A_14 = arith.constant 0 : i32
    %dma_start3A_15 = tpu.memref_slice %arg2[%add3A_11, %dma_start3A_14] : memref<327680x128xf32, #tpu.memory_space<hbm>> -> memref<128x128xf32, #tpu.memory_space<hbm>>
    tpu.enqueue_dma source(%dma_start3A_15 : memref<128x128xf32, #tpu.memory_space<hbm>>) target(%arg9 : memref<128x128xf32, #tpu.memory_space<vmem>>) target_semaphore(%arg11 : memref<!tpu.dma_semaphore, #tpu.memory_space<semaphore_mem>>)
    %scan3A = arith.constant 0 : i32
    %scan3A_16 = arith.constant 39 : i32
    %scan3A_17 = arith.addi %scan3A, %scan3A_16 : i32
    %scan3A_18 = arith.constant 1 : i32
    scf.for %scan3A_37 = %scan3A to %scan3A_17 step %scan3A_18  : i32 {
      %mul3A_38 = arith.constant 2 : i32
      %mul3A_39 = arith.muli %scan3A_37, %mul3A_38 : i32
      %add3A_40 = arith.constant 0 : i32
      %add3A_41 = arith.addi %add3A_40, %mul3A_39 : i32
      %add3A_42 = arith.constant 0 : i32
      %add3A_43 = arith.addi %add3A_41, %add3A_42 : i32
      %mul3A_44 = arith.constant 128 : i32
      %mul3A_45 = arith.muli %add3A_43, %mul3A_44 : i32
      %add3A_46 = arith.addi %mul3A_4, %mul3A_45 : i32
      %dma_wait3A_47 = arith.constant 0 : i32
      %dma_wait3A_48 = tpu.memref_slice %arg2[%add3A_46, %dma_wait3A_47] : memref<327680x128xf32, #tpu.memory_space<hbm>> -> memref<128x128xf32, #tpu.memory_space<hbm>>
      %dma_wait3A_49 = arith.constant 0 : i32
      %dma_wait3A_50 = tpu.memref_slice %arg2[%add3A_46, %dma_wait3A_49] : memref<327680x128xf32, #tpu.memory_space<hbm>> -> memref<128x128xf32, #tpu.memory_space<hbm>>
      tpu.wait_dma2 semaphore(%arg10 : memref<!tpu.dma_semaphore, #tpu.memory_space<semaphore_mem>>) src(%dma_wait3A_50 : memref<128x128xf32, #tpu.memory_space<hbm>>) dst(%arg8 : memref<128x128xf32, #tpu.memory_space<vmem>>)
      "tpu.region"() ({
        %run_scoped3A_78 = tpu.sem_alloc : memref<!tpu.dma_semaphore, #tpu.memory_space<semaphore_mem>>
        %dma_start3A_79 = arith.constant 0 : i32
        %dma_start3A_80 = tpu.memref_slice %arg7[%add3A_43, %dma_start3A_79] : memref<80x128xi32, #tpu.memory_space<vmem>> -> memref<1x128xi32, #tpu.memory_space<vmem>>
        %dma_start3A_81 = tpu.memref_squeeze %dma_start3A_80 : memref<1x128xi32, #tpu.memory_space<vmem>> -> memref<128xi32, #tpu.memory_space<vmem>>
        %dma_start3A_82 = arith.constant 0 : i32
        %dma_start3A_83 = arith.constant 0 : i32
        %dma_start3A_84 = tpu.memref_slice %arg6[%dma_start3A_82, %dma_start3A_83] : memref<10112x128xf32, #tpu.memory_space<vmem_shared>> -> memref<10112x128xf32, #tpu.memory_space<vmem_shared>>
        tpu.enqueue_indirect_dma source(%arg8 : memref<128x128xf32, #tpu.memory_space<vmem>>) target(%dma_start3A_84 : memref<10112x128xf32, #tpu.memory_space<vmem_shared>>) offsets(%dma_start3A_81 : memref<128xi32, #tpu.memory_space<vmem>>) semaphore(%run_scoped3A_78 : memref<!tpu.dma_semaphore, #tpu.memory_space<semaphore_mem>>) {add = true}
        %dma_wait3A_85 = arith.constant 0 : i32
        %dma_wait3A_86 = tpu.memref_slice %arg7[%add3A_43, %dma_wait3A_85] : memref<80x128xi32, #tpu.memory_space<vmem>> -> memref<1x128xi32, #tpu.memory_space<vmem>>
        %dma_wait3A_87 = tpu.memref_squeeze %dma_wait3A_86 : memref<1x128xi32, #tpu.memory_space<vmem>> -> memref<128xi32, #tpu.memory_space<vmem>>
        %dma_wait3A_88 = arith.constant 0 : i32
        %dma_wait3A_89 = arith.constant 0 : i32
        %dma_wait3A_90 = tpu.memref_slice %arg6[%dma_wait3A_88, %dma_wait3A_89] : memref<10112x128xf32, #tpu.memory_space<vmem_shared>> -> memref<10112x128xf32, #tpu.memory_space<vmem_shared>>
        tpu.wait_indirect_dma semaphore(%run_scoped3A_78 : memref<!tpu.dma_semaphore, #tpu.memory_space<semaphore_mem>>) src(%arg8 : memref<128x128xf32, #tpu.memory_space<vmem>>) dst(%dma_wait3A_90 : memref<10112x128xf32, #tpu.memory_space<vmem_shared>>)
        tpu.yield
      }) : () -> ()
      %add3A_51 = arith.constant 2 : i32
      %add3A_52 = arith.addi %add3A_43, %add3A_51 : i32
      %mul3A_53 = arith.constant 128 : i32
      %mul3A_54 = arith.muli %add3A_52, %mul3A_53 : i32
      %add3A_55 = arith.addi %mul3A_4, %mul3A_54 : i32
      %dma_start3A_56 = arith.constant 0 : i32
      %dma_start3A_57 = tpu.memref_slice %arg2[%add3A_55, %dma_start3A_56] : memref<327680x128xf32, #tpu.memory_space<hbm>> -> memref<128x128xf32, #tpu.memory_space<hbm>>
      %dma_start3A_58 = arith.constant 0 : i32
      %dma_start3A_59 = tpu.memref_slice %arg2[%add3A_55, %dma_start3A_58] : memref<327680x128xf32, #tpu.memory_space<hbm>> -> memref<128x128xf32, #tpu.memory_space<hbm>>
      tpu.enqueue_dma source(%dma_start3A_59 : memref<128x128xf32, #tpu.memory_space<hbm>>) target(%arg8 : memref<128x128xf32, #tpu.memory_space<vmem>>) target_semaphore(%arg10 : memref<!tpu.dma_semaphore, #tpu.memory_space<semaphore_mem>>)
      %add3A_60 = arith.constant 1 : i32
      %add3A_61 = arith.addi %add3A_41, %add3A_60 : i32
      %mul3A_62 = arith.constant 128 : i32
      %mul3A_63 = arith.muli %add3A_61, %mul3A_62 : i32
      %add3A_64 = arith.addi %mul3A_4, %mul3A_63 : i32
      %dma_wait3A_65 = arith.constant 0 : i32
      %dma_wait3A_66 = tpu.memref_slice %arg2[%add3A_64, %dma_wait3A_65] : memref<327680x128xf32, #tpu.memory_space<hbm>> -> memref<128x128xf32, #tpu.memory_space<hbm>>
      %dma_wait3A_67 = arith.constant 0 : i32
      %dma_wait3A_68 = tpu.memref_slice %arg2[%add3A_64, %dma_wait3A_67] : memref<327680x128xf32, #tpu.memory_space<hbm>> -> memref<128x128xf32, #tpu.memory_space<hbm>>
      tpu.wait_dma2 semaphore(%arg11 : memref<!tpu.dma_semaphore, #tpu.memory_space<semaphore_mem>>) src(%dma_wait3A_68 : memref<128x128xf32, #tpu.memory_space<hbm>>) dst(%arg9 : memref<128x128xf32, #tpu.memory_space<vmem>>)
      "tpu.region"() ({
        %run_scoped3A_78 = tpu.sem_alloc : memref<!tpu.dma_semaphore, #tpu.memory_space<semaphore_mem>>
        %dma_start3A_79 = arith.constant 0 : i32
        %dma_start3A_80 = tpu.memref_slice %arg7[%add3A_61, %dma_start3A_79] : memref<80x128xi32, #tpu.memory_space<vmem>> -> memref<1x128xi32, #tpu.memory_space<vmem>>
        %dma_start3A_81 = tpu.memref_squeeze %dma_start3A_80 : memref<1x128xi32, #tpu.memory_space<vmem>> -> memref<128xi32, #tpu.memory_space<vmem>>
        %dma_start3A_82 = arith.constant 0 : i32
        %dma_start3A_83 = arith.constant 0 : i32
        %dma_start3A_84 = tpu.memref_slice %arg6[%dma_start3A_82, %dma_start3A_83] : memref<10112x128xf32, #tpu.memory_space<vmem_shared>> -> memref<10112x128xf32, #tpu.memory_space<vmem_shared>>
        tpu.enqueue_indirect_dma source(%arg9 : memref<128x128xf32, #tpu.memory_space<vmem>>) target(%dma_start3A_84 : memref<10112x128xf32, #tpu.memory_space<vmem_shared>>) offsets(%dma_start3A_81 : memref<128xi32, #tpu.memory_space<vmem>>) semaphore(%run_scoped3A_78 : memref<!tpu.dma_semaphore, #tpu.memory_space<semaphore_mem>>) {add = true}
        %dma_wait3A_85 = arith.constant 0 : i32
        %dma_wait3A_86 = tpu.memref_slice %arg7[%add3A_61, %dma_wait3A_85] : memref<80x128xi32, #tpu.memory_space<vmem>> -> memref<1x128xi32, #tpu.memory_space<vmem>>
        %dma_wait3A_87 = tpu.memref_squeeze %dma_wait3A_86 : memref<1x128xi32, #tpu.memory_space<vmem>> -> memref<128xi32, #tpu.memory_space<vmem>>
        %dma_wait3A_88 = arith.constant 0 : i32
        %dma_wait3A_89 = arith.constant 0 : i32
        %dma_wait3A_90 = tpu.memref_slice %arg6[%dma_wait3A_88, %dma_wait3A_89] : memref<10112x128xf32, #tpu.memory_space<vmem_shared>> -> memref<10112x128xf32, #tpu.memory_space<vmem_shared>>
        tpu.wait_indirect_dma semaphore(%run_scoped3A_78 : memref<!tpu.dma_semaphore, #tpu.memory_space<semaphore_mem>>) src(%arg9 : memref<128x128xf32, #tpu.memory_space<vmem>>) dst(%dma_wait3A_90 : memref<10112x128xf32, #tpu.memory_space<vmem_shared>>)
        tpu.yield
      }) : () -> ()
      %add3A_69 = arith.constant 2 : i32
      %add3A_70 = arith.addi %add3A_61, %add3A_69 : i32
      %mul3A_71 = arith.constant 128 : i32
      %mul3A_72 = arith.muli %add3A_70, %mul3A_71 : i32
      %add3A_73 = arith.addi %mul3A_4, %mul3A_72 : i32
      %dma_start3A_74 = arith.constant 0 : i32
      %dma_start3A_75 = tpu.memref_slice %arg2[%add3A_73, %dma_start3A_74] : memref<327680x128xf32, #tpu.memory_space<hbm>> -> memref<128x128xf32, #tpu.memory_space<hbm>>
      %dma_start3A_76 = arith.constant 0 : i32
      %dma_start3A_77 = tpu.memref_slice %arg2[%add3A_73, %dma_start3A_76] : memref<327680x128xf32, #tpu.memory_space<hbm>> -> memref<128x128xf32, #tpu.memory_space<hbm>>
      tpu.enqueue_dma source(%dma_start3A_77 : memref<128x128xf32, #tpu.memory_space<hbm>>) target(%arg9 : memref<128x128xf32, #tpu.memory_space<vmem>>) target_semaphore(%arg11 : memref<!tpu.dma_semaphore, #tpu.memory_space<semaphore_mem>>)
    }
    %scan3A_19 = arith.constant 39 : i32
    %add3A_20 = arith.constant 9984 : i32
    %add3A_21 = arith.addi %mul3A_4, %add3A_20 : i32
    %dma_wait3A = arith.constant 0 : i32
    %dma_wait3A_22 = tpu.memref_slice %arg2[%add3A_21, %dma_wait3A] : memref<327680x128xf32, #tpu.memory_space<hbm>> -> memref<128x128xf32, #tpu.memory_space<hbm>>
    %dma_wait3A_23 = arith.constant 0 : i32
    %dma_wait3A_24 = tpu.memref_slice %arg2[%add3A_21, %dma_wait3A_23] : memref<327680x128xf32, #tpu.memory_space<hbm>> -> memref<128x128xf32, #tpu.memory_space<hbm>>
    tpu.wait_dma2 semaphore(%arg10 : memref<!tpu.dma_semaphore, #tpu.memory_space<semaphore_mem>>) src(%dma_wait3A_24 : memref<128x128xf32, #tpu.memory_space<hbm>>) dst(%arg8 : memref<128x128xf32, #tpu.memory_space<vmem>>)
    %run_scoped3A = arith.constant 78 : i32
    "tpu.region"() ({
      %run_scoped3A_37 = tpu.sem_alloc : memref<!tpu.dma_semaphore, #tpu.memory_space<semaphore_mem>>
      %dma_start3A_38 = arith.constant 0 : i32
      %dma_start3A_39 = tpu.memref_slice %arg7[%run_scoped3A, %dma_start3A_38] : memref<80x128xi32, #tpu.memory_space<vmem>> -> memref<1x128xi32, #tpu.memory_space<vmem>>
      %dma_start3A_40 = tpu.memref_squeeze %dma_start3A_39 : memref<1x128xi32, #tpu.memory_space<vmem>> -> memref<128xi32, #tpu.memory_space<vmem>>
      %dma_start3A_41 = arith.constant 0 : i32
      %dma_start3A_42 = arith.constant 0 : i32
      %dma_start3A_43 = tpu.memref_slice %arg6[%dma_start3A_41, %dma_start3A_42] : memref<10112x128xf32, #tpu.memory_space<vmem_shared>> -> memref<10112x128xf32, #tpu.memory_space<vmem_shared>>
      tpu.enqueue_indirect_dma source(%arg8 : memref<128x128xf32, #tpu.memory_space<vmem>>) target(%dma_start3A_43 : memref<10112x128xf32, #tpu.memory_space<vmem_shared>>) offsets(%dma_start3A_40 : memref<128xi32, #tpu.memory_space<vmem>>) semaphore(%run_scoped3A_37 : memref<!tpu.dma_semaphore, #tpu.memory_space<semaphore_mem>>) {add = true}
      %dma_wait3A_44 = arith.constant 0 : i32
      %dma_wait3A_45 = tpu.memref_slice %arg7[%run_scoped3A, %dma_wait3A_44] : memref<80x128xi32, #tpu.memory_space<vmem>> -> memref<1x128xi32, #tpu.memory_space<vmem>>
      %dma_wait3A_46 = tpu.memref_squeeze %dma_wait3A_45 : memref<1x128xi32, #tpu.memory_space<vmem>> -> memref<128xi32, #tpu.memory_space<vmem>>
      %dma_wait3A_47 = arith.constant 0 : i32
      %dma_wait3A_48 = arith.constant 0 : i32
      %dma_wait3A_49 = tpu.memref_slice %arg6[%dma_wait3A_47, %dma_wait3A_48] : memref<10112x128xf32, #tpu.memory_space<vmem_shared>> -> memref<10112x128xf32, #tpu.memory_space<vmem_shared>>
      tpu.wait_indirect_dma semaphore(%run_scoped3A_37 : memref<!tpu.dma_semaphore, #tpu.memory_space<semaphore_mem>>) src(%arg8 : memref<128x128xf32, #tpu.memory_space<vmem>>) dst(%dma_wait3A_49 : memref<10112x128xf32, #tpu.memory_space<vmem_shared>>)
      tpu.yield
    }) : () -> ()
    %add3A_25 = arith.constant 10112 : i32
    %add3A_26 = arith.addi %mul3A_4, %add3A_25 : i32
    %dma_wait3A_27 = arith.constant 0 : i32
    %dma_wait3A_28 = tpu.memref_slice %arg2[%add3A_26, %dma_wait3A_27] : memref<327680x128xf32, #tpu.memory_space<hbm>> -> memref<128x128xf32, #tpu.memory_space<hbm>>
    %dma_wait3A_29 = arith.constant 0 : i32
    %dma_wait3A_30 = tpu.memref_slice %arg2[%add3A_26, %dma_wait3A_29] : memref<327680x128xf32, #tpu.memory_space<hbm>> -> memref<128x128xf32, #tpu.memory_space<hbm>>
    tpu.wait_dma2 semaphore(%arg11 : memref<!tpu.dma_semaphore, #tpu.memory_space<semaphore_mem>>) src(%dma_wait3A_30 : memref<128x128xf32, #tpu.memory_space<hbm>>) dst(%arg9 : memref<128x128xf32, #tpu.memory_space<vmem>>)
    %run_scoped3A_31 = arith.constant 79 : i32
    "tpu.region"() ({
      %run_scoped3A_37 = tpu.sem_alloc : memref<!tpu.dma_semaphore, #tpu.memory_space<semaphore_mem>>
      %dma_start3A_38 = arith.constant 0 : i32
      %dma_start3A_39 = tpu.memref_slice %arg7[%run_scoped3A_31, %dma_start3A_38] : memref<80x128xi32, #tpu.memory_space<vmem>> -> memref<1x128xi32, #tpu.memory_space<vmem>>
      %dma_start3A_40 = tpu.memref_squeeze %dma_start3A_39 : memref<1x128xi32, #tpu.memory_space<vmem>> -> memref<128xi32, #tpu.memory_space<vmem>>
      %dma_start3A_41 = arith.constant 0 : i32
      %dma_start3A_42 = arith.constant 0 : i32
      %dma_start3A_43 = tpu.memref_slice %arg6[%dma_start3A_41, %dma_start3A_42] : memref<10112x128xf32, #tpu.memory_space<vmem_shared>> -> memref<10112x128xf32, #tpu.memory_space<vmem_shared>>
      tpu.enqueue_indirect_dma source(%arg9 : memref<128x128xf32, #tpu.memory_space<vmem>>) target(%dma_start3A_43 : memref<10112x128xf32, #tpu.memory_space<vmem_shared>>) offsets(%dma_start3A_40 : memref<128xi32, #tpu.memory_space<vmem>>) semaphore(%run_scoped3A_37 : memref<!tpu.dma_semaphore, #tpu.memory_space<semaphore_mem>>) {add = true}
      %dma_wait3A_44 = arith.constant 0 : i32
      %dma_wait3A_45 = tpu.memref_slice %arg7[%run_scoped3A_31, %dma_wait3A_44] : memref<80x128xi32, #tpu.memory_space<vmem>> -> memref<1x128xi32, #tpu.memory_space<vmem>>
      %dma_wait3A_46 = tpu.memref_squeeze %dma_wait3A_45 : memref<1x128xi32, #tpu.memory_space<vmem>> -> memref<128xi32, #tpu.memory_space<vmem>>
      %dma_wait3A_47 = arith.constant 0 : i32
      %dma_wait3A_48 = arith.constant 0 : i32
      %dma_wait3A_49 = tpu.memref_slice %arg6[%dma_wait3A_47, %dma_wait3A_48] : memref<10112x128xf32, #tpu.memory_space<vmem_shared>> -> memref<10112x128xf32, #tpu.memory_space<vmem_shared>>
      tpu.wait_indirect_dma semaphore(%run_scoped3A_37 : memref<!tpu.dma_semaphore, #tpu.memory_space<semaphore_mem>>) src(%arg9 : memref<128x128xf32, #tpu.memory_space<vmem>>) dst(%dma_wait3A_49 : memref<10112x128xf32, #tpu.memory_space<vmem_shared>>)
      tpu.yield
    }) : () -> ()
    %barrier3A_32 = arith.constant 0 : index
    tpu.barrier barrier_id(%barrier3A_32)
    %mul3A_33 = arith.constant 632 : i32
    %mul3A_34 = arith.muli %arg1, %mul3A_33 : i32
    %mul3A_35 = arith.constant 632 : i32
    %mul3A_36 = arith.muli %arg1, %mul3A_35 : i32
    "tpu.region"() ({
      %run_scoped3A_37 = tpu.sem_alloc : memref<!tpu.dma_semaphore, #tpu.memory_space<semaphore_mem>>
      %dma_start3A_38 = arith.constant 0 : i32
      %dma_start3A_39 = tpu.memref_slice %arg5[%arg0, %mul3A_36, %dma_start3A_38] : memref<2x10112x128xf32, #tpu.memory_space<hbm>> -> memref<1x632x128xf32, #tpu.memory_space<hbm>>
      %dma_start3A_40 = tpu.memref_squeeze %dma_start3A_39 : memref<1x632x128xf32, #tpu.memory_space<hbm>> -> memref<632x128xf32, #tpu.memory_space<hbm>>
      %dma_start3A_41 = arith.constant 0 : i32
      %dma_start3A_42 = tpu.memref_slice %arg6[%mul3A_34, %dma_start3A_41] : memref<10112x128xf32, #tpu.memory_space<vmem_shared>> -> memref<632x128xf32, #tpu.memory_space<vmem_shared>>
      tpu.enqueue_dma source(%dma_start3A_42 : memref<632x128xf32, #tpu.memory_space<vmem_shared>>) target(%dma_start3A_40 : memref<632x128xf32, #tpu.memory_space<hbm>>) target_semaphore(%run_scoped3A_37 : memref<!tpu.dma_semaphore, #tpu.memory_space<semaphore_mem>>)
      %dma_wait3A_43 = arith.constant 0 : i32
      %dma_wait3A_44 = tpu.memref_slice %arg5[%arg0, %mul3A_36, %dma_wait3A_43] : memref<2x10112x128xf32, #tpu.memory_space<hbm>> -> memref<1x632x128xf32, #tpu.memory_space<hbm>>
      %dma_wait3A_45 = tpu.memref_squeeze %dma_wait3A_44 : memref<1x632x128xf32, #tpu.memory_space<hbm>> -> memref<632x128xf32, #tpu.memory_space<hbm>>
      %dma_wait3A_46 = arith.constant 0 : i32
      %dma_wait3A_47 = tpu.memref_slice %arg6[%mul3A_34, %dma_wait3A_46] : memref<10112x128xf32, #tpu.memory_space<vmem_shared>> -> memref<632x128xf32, #tpu.memory_space<vmem_shared>>
      tpu.wait_dma2 semaphore(%run_scoped3A_37 : memref<!tpu.dma_semaphore, #tpu.memory_space<semaphore_mem>>) src(%dma_wait3A_47 : memref<632x128xf32, #tpu.memory_space<vmem_shared>>) dst(%dma_wait3A_45 : memref<632x128xf32, #tpu.memory_space<hbm>>)
      tpu.yield
    }) : () -> ()
    return
  }
}

#map = affine_map<(d0, d1) -> (0, 0)>
#map1 = affine_map<(d0, d1) -> (0, 0, 0)>
module attributes {stable_mosaic.version = 14 : i64} {
  func.func @_sc_scatter_body(%arg0: i32, %arg1: i32, %arg2: memref<327680x128xf32, #tpu.memory_space<hbm>>, %arg3: memref<32x80x128xi32, #tpu.memory_space<hbm>>, %arg4: memref<632x128xf32, #tpu.memory_space<hbm>>, %arg5: memref<2x10112x128xf32, #tpu.memory_space<hbm>>, %arg6: memref<10112x128xf32, #tpu.memory_space<vmem_shared>>, %arg7: memref<80x128xi32, #tpu.memory_space<vmem>>, %arg8: memref<128x128xf32, #tpu.memory_space<vmem>>, %arg9: memref<128x128xf32, #tpu.memory_space<vmem>>, %arg10: memref<!tpu.dma_semaphore, #tpu.memory_space<semaphore_mem>>, %arg11: memref<!tpu.dma_semaphore, #tpu.memory_space<semaphore_mem>>) attributes {dimension_semantics = [#tpu.dimension_semantics<core_parallel>, #tpu.dimension_semantics<subcore_parallel>], iteration_bounds = array<i64: 2, 16>, scalar_prefetch = 0 : i64, scratch_operands = 6 : i64, tpu.core_type = #tpu.core_type<sc_vector_subcore>, window_params = [{transform_indices = #map}, {transform_indices = #map1}, {transform_indices = #map}, {transform_indices = #map1}]} {
    %mul3A = arith.constant 16 : i32
    %mul3A_0 = arith.muli %arg0, %mul3A : i32
    %add3A = arith.addi %mul3A_0, %arg1 : i32
    %mul3A_1 = arith.constant 632 : i32
    %mul3A_2 = arith.muli %arg1, %mul3A_1 : i32
    "tpu.region"() ({
      %run_scoped3A_37 = tpu.sem_alloc : memref<!tpu.dma_semaphore, #tpu.memory_space<semaphore_mem>>
      %dma_start3A_38 = arith.constant 0 : i32
      %dma_start3A_39 = tpu.memref_slice %arg6[%mul3A_2, %dma_start3A_38] : memref<10112x128xf32, #tpu.memory_space<vmem_shared>> -> memref<632x128xf32, #tpu.memory_space<vmem_shared>>
      tpu.enqueue_dma source(%arg4 : memref<632x128xf32, #tpu.memory_space<hbm>>) target(%dma_start3A_39 : memref<632x128xf32, #tpu.memory_space<vmem_shared>>) target_semaphore(%run_scoped3A_37 : memref<!tpu.dma_semaphore, #tpu.memory_space<semaphore_mem>>)
      %dma_wait3A_40 = arith.constant 0 : i32
      %dma_wait3A_41 = tpu.memref_slice %arg6[%mul3A_2, %dma_wait3A_40] : memref<10112x128xf32, #tpu.memory_space<vmem_shared>> -> memref<632x128xf32, #tpu.memory_space<vmem_shared>>
      tpu.wait_dma2 semaphore(%run_scoped3A_37 : memref<!tpu.dma_semaphore, #tpu.memory_space<semaphore_mem>>) src(%arg4 : memref<632x128xf32, #tpu.memory_space<hbm>>) dst(%dma_wait3A_41 : memref<632x128xf32, #tpu.memory_space<vmem_shared>>)
      tpu.yield
    }) : () -> ()
    %barrier3A = arith.constant 0 : index
    tpu.barrier barrier_id(%barrier3A)
    "tpu.region"() ({
      %run_scoped3A_37 = tpu.sem_alloc : memref<!tpu.dma_semaphore, #tpu.memory_space<semaphore_mem>>
      %dma_start3A_38 = arith.constant 0 : i32
      %dma_start3A_39 = arith.constant 0 : i32
      %dma_start3A_40 = tpu.memref_slice %arg3[%add3A, %dma_start3A_38, %dma_start3A_39] : memref<32x80x128xi32, #tpu.memory_space<hbm>> -> memref<1x80x128xi32, #tpu.memory_space<hbm>>
      %dma_start3A_41 = tpu.memref_squeeze %dma_start3A_40 : memref<1x80x128xi32, #tpu.memory_space<hbm>> -> memref<80x128xi32, #tpu.memory_space<hbm>>
      %dma_start3A_42 = arith.constant 0 : i32
      %dma_start3A_43 = arith.constant 0 : i32
      %dma_start3A_44 = tpu.memref_slice %arg3[%add3A, %dma_start3A_42, %dma_start3A_43] : memref<32x80x128xi32, #tpu.memory_space<hbm>> -> memref<1x80x128xi32, #tpu.memory_space<hbm>>
      %dma_start3A_45 = tpu.memref_squeeze %dma_start3A_44 : memref<1x80x128xi32, #tpu.memory_space<hbm>> -> memref<80x128xi32, #tpu.memory_space<hbm>>
      tpu.enqueue_dma source(%dma_start3A_45 : memref<80x128xi32, #tpu.memory_space<hbm>>) target(%arg7 : memref<80x128xi32, #tpu.memory_space<vmem>>) target_semaphore(%run_scoped3A_37 : memref<!tpu.dma_semaphore, #tpu.memory_space<semaphore_mem>>)
      %dma_wait3A_46 = arith.constant 0 : i32
      %dma_wait3A_47 = arith.constant 0 : i32
      %dma_wait3A_48 = tpu.memref_slice %arg3[%add3A, %dma_wait3A_46, %dma_wait3A_47] : memref<32x80x128xi32, #tpu.memory_space<hbm>> -> memref<1x80x128xi32, #tpu.memory_space<hbm>>
      %dma_wait3A_49 = tpu.memref_squeeze %dma_wait3A_48 : memref<1x80x128xi32, #tpu.memory_space<hbm>> -> memref<80x128xi32, #tpu.memory_space<hbm>>
      %dma_wait3A_50 = arith.constant 0 : i32
      %dma_wait3A_51 = arith.constant 0 : i32
      %dma_wait3A_52 = tpu.memref_slice %arg3[%add3A, %dma_wait3A_50, %dma_wait3A_51] : memref<32x80x128xi32, #tpu.memory_space<hbm>> -> memref<1x80x128xi32, #tpu.memory_space<hbm>>
      %dma_wait3A_53 = tpu.memref_squeeze %dma_wait3A_52 : memref<1x80x128xi32, #tpu.memory_space<hbm>> -> memref<80x128xi32, #tpu.memory_space<hbm>>
      tpu.wait_dma2 semaphore(%run_scoped3A_37 : memref<!tpu.dma_semaphore, #tpu.memory_space<semaphore_mem>>) src(%dma_wait3A_53 : memref<80x128xi32, #tpu.memory_space<hbm>>) dst(%arg7 : memref<80x128xi32, #tpu.memory_space<vmem>>)
      tpu.yield
    }) : () -> ()
    %mul3A_3 = arith.constant 10240 : i32
    %mul3A_4 = arith.muli %add3A, %mul3A_3 : i32
    %add3A_5 = arith.constant 0 : i32
    %add3A_6 = arith.addi %mul3A_4, %add3A_5 : i32
    %dma_start3A = arith.constant 0 : i32
    %dma_start3A_7 = tpu.memref_slice %arg2[%add3A_6, %dma_start3A] : memref<327680x128xf32, #tpu.memory_space<hbm>> -> memref<128x128xf32, #tpu.memory_space<hbm>>
    %dma_start3A_8 = arith.constant 0 : i32
    %dma_start3A_9 = tpu.memref_slice %arg2[%add3A_6, %dma_start3A_8] : memref<327680x128xf32, #tpu.memory_space<hbm>> -> memref<128x128xf32, #tpu.memory_space<hbm>>
    tpu.enqueue_dma source(%dma_start3A_9 : memref<128x128xf32, #tpu.memory_space<hbm>>) target(%arg8 : memref<128x128xf32, #tpu.memory_space<vmem>>) target_semaphore(%arg10 : memref<!tpu.dma_semaphore, #tpu.memory_space<semaphore_mem>>)
    %add3A_10 = arith.constant 128 : i32
    %add3A_11 = arith.addi %mul3A_4, %add3A_10 : i32
    %dma_start3A_12 = arith.constant 0 : i32
    %dma_start3A_13 = tpu.memref_slice %arg2[%add3A_11, %dma_start3A_12] : memref<327680x128xf32, #tpu.memory_space<hbm>> -> memref<128x128xf32, #tpu.memory_space<hbm>>
    %dma_start3A_14 = arith.constant 0 : i32
    %dma_start3A_15 = tpu.memref_slice %arg2[%add3A_11, %dma_start3A_14] : memref<327680x128xf32, #tpu.memory_space<hbm>> -> memref<128x128xf32, #tpu.memory_space<hbm>>
    tpu.enqueue_dma source(%dma_start3A_15 : memref<128x128xf32, #tpu.memory_space<hbm>>) target(%arg9 : memref<128x128xf32, #tpu.memory_space<vmem>>) target_semaphore(%arg11 : memref<!tpu.dma_semaphore, #tpu.memory_space<semaphore_mem>>)
    %scan3A = arith.constant 0 : i32
    %scan3A_16 = arith.constant 39 : i32
    %scan3A_17 = arith.addi %scan3A, %scan3A_16 : i32
    %scan3A_18 = arith.constant 1 : i32
    scf.for %scan3A_37 = %scan3A to %scan3A_17 step %scan3A_18  : i32 {
      %mul3A_38 = arith.constant 2 : i32
      %mul3A_39 = arith.muli %scan3A_37, %mul3A_38 : i32
      %add3A_40 = arith.constant 0 : i32
      %add3A_41 = arith.addi %add3A_40, %mul3A_39 : i32
      %add3A_42 = arith.constant 0 : i32
      %add3A_43 = arith.addi %add3A_41, %add3A_42 : i32
      %mul3A_44 = arith.constant 128 : i32
      %mul3A_45 = arith.muli %add3A_43, %mul3A_44 : i32
      %add3A_46 = arith.addi %mul3A_4, %mul3A_45 : i32
      %dma_wait3A_47 = arith.constant 0 : i32
      %dma_wait3A_48 = tpu.memref_slice %arg2[%add3A_46, %dma_wait3A_47] : memref<327680x128xf32, #tpu.memory_space<hbm>> -> memref<128x128xf32, #tpu.memory_space<hbm>>
      %dma_wait3A_49 = arith.constant 0 : i32
      %dma_wait3A_50 = tpu.memref_slice %arg2[%add3A_46, %dma_wait3A_49] : memref<327680x128xf32, #tpu.memory_space<hbm>> -> memref<128x128xf32, #tpu.memory_space<hbm>>
      tpu.wait_dma2 semaphore(%arg10 : memref<!tpu.dma_semaphore, #tpu.memory_space<semaphore_mem>>) src(%dma_wait3A_50 : memref<128x128xf32, #tpu.memory_space<hbm>>) dst(%arg8 : memref<128x128xf32, #tpu.memory_space<vmem>>)
      "tpu.region"() ({
        %run_scoped3A_78 = tpu.sem_alloc : memref<!tpu.dma_semaphore, #tpu.memory_space<semaphore_mem>>
        %dma_start3A_79 = arith.constant 0 : i32
        %dma_start3A_80 = tpu.memref_slice %arg7[%add3A_43, %dma_start3A_79] : memref<80x128xi32, #tpu.memory_space<vmem>> -> memref<1x128xi32, #tpu.memory_space<vmem>>
        %dma_start3A_81 = tpu.memref_squeeze %dma_start3A_80 : memref<1x128xi32, #tpu.memory_space<vmem>> -> memref<128xi32, #tpu.memory_space<vmem>>
        %dma_start3A_82 = arith.constant 0 : i32
        %dma_start3A_83 = arith.constant 0 : i32
        %dma_start3A_84 = tpu.memref_slice %arg6[%dma_start3A_82, %dma_start3A_83] : memref<10112x128xf32, #tpu.memory_space<vmem_shared>> -> memref<10112x128xf32, #tpu.memory_space<vmem_shared>>
        tpu.enqueue_indirect_dma source(%arg8 : memref<128x128xf32, #tpu.memory_space<vmem>>) target(%dma_start3A_84 : memref<10112x128xf32, #tpu.memory_space<vmem_shared>>) offsets(%dma_start3A_81 : memref<128xi32, #tpu.memory_space<vmem>>) semaphore(%run_scoped3A_78 : memref<!tpu.dma_semaphore, #tpu.memory_space<semaphore_mem>>) {add = true}
        %dma_wait3A_85 = arith.constant 0 : i32
        %dma_wait3A_86 = tpu.memref_slice %arg7[%add3A_43, %dma_wait3A_85] : memref<80x128xi32, #tpu.memory_space<vmem>> -> memref<1x128xi32, #tpu.memory_space<vmem>>
        %dma_wait3A_87 = tpu.memref_squeeze %dma_wait3A_86 : memref<1x128xi32, #tpu.memory_space<vmem>> -> memref<128xi32, #tpu.memory_space<vmem>>
        %dma_wait3A_88 = arith.constant 0 : i32
        %dma_wait3A_89 = arith.constant 0 : i32
        %dma_wait3A_90 = tpu.memref_slice %arg6[%dma_wait3A_88, %dma_wait3A_89] : memref<10112x128xf32, #tpu.memory_space<vmem_shared>> -> memref<10112x128xf32, #tpu.memory_space<vmem_shared>>
        tpu.wait_indirect_dma semaphore(%run_scoped3A_78 : memref<!tpu.dma_semaphore, #tpu.memory_space<semaphore_mem>>) src(%arg8 : memref<128x128xf32, #tpu.memory_space<vmem>>) dst(%dma_wait3A_90 : memref<10112x128xf32, #tpu.memory_space<vmem_shared>>)
        tpu.yield
      }) : () -> ()
      %add3A_51 = arith.constant 2 : i32
      %add3A_52 = arith.addi %add3A_43, %add3A_51 : i32
      %mul3A_53 = arith.constant 128 : i32
      %mul3A_54 = arith.muli %add3A_52, %mul3A_53 : i32
      %add3A_55 = arith.addi %mul3A_4, %mul3A_54 : i32
      %dma_start3A_56 = arith.constant 0 : i32
      %dma_start3A_57 = tpu.memref_slice %arg2[%add3A_55, %dma_start3A_56] : memref<327680x128xf32, #tpu.memory_space<hbm>> -> memref<128x128xf32, #tpu.memory_space<hbm>>
      %dma_start3A_58 = arith.constant 0 : i32
      %dma_start3A_59 = tpu.memref_slice %arg2[%add3A_55, %dma_start3A_58] : memref<327680x128xf32, #tpu.memory_space<hbm>> -> memref<128x128xf32, #tpu.memory_space<hbm>>
      tpu.enqueue_dma source(%dma_start3A_59 : memref<128x128xf32, #tpu.memory_space<hbm>>) target(%arg8 : memref<128x128xf32, #tpu.memory_space<vmem>>) target_semaphore(%arg10 : memref<!tpu.dma_semaphore, #tpu.memory_space<semaphore_mem>>)
      %add3A_60 = arith.constant 1 : i32
      %add3A_61 = arith.addi %add3A_41, %add3A_60 : i32
      %mul3A_62 = arith.constant 128 : i32
      %mul3A_63 = arith.muli %add3A_61, %mul3A_62 : i32
      %add3A_64 = arith.addi %mul3A_4, %mul3A_63 : i32
      %dma_wait3A_65 = arith.constant 0 : i32
      %dma_wait3A_66 = tpu.memref_slice %arg2[%add3A_64, %dma_wait3A_65] : memref<327680x128xf32, #tpu.memory_space<hbm>> -> memref<128x128xf32, #tpu.memory_space<hbm>>
      %dma_wait3A_67 = arith.constant 0 : i32
      %dma_wait3A_68 = tpu.memref_slice %arg2[%add3A_64, %dma_wait3A_67] : memref<327680x128xf32, #tpu.memory_space<hbm>> -> memref<128x128xf32, #tpu.memory_space<hbm>>
      tpu.wait_dma2 semaphore(%arg11 : memref<!tpu.dma_semaphore, #tpu.memory_space<semaphore_mem>>) src(%dma_wait3A_68 : memref<128x128xf32, #tpu.memory_space<hbm>>) dst(%arg9 : memref<128x128xf32, #tpu.memory_space<vmem>>)
      "tpu.region"() ({
        %run_scoped3A_78 = tpu.sem_alloc : memref<!tpu.dma_semaphore, #tpu.memory_space<semaphore_mem>>
        %dma_start3A_79 = arith.constant 0 : i32
        %dma_start3A_80 = tpu.memref_slice %arg7[%add3A_61, %dma_start3A_79] : memref<80x128xi32, #tpu.memory_space<vmem>> -> memref<1x128xi32, #tpu.memory_space<vmem>>
        %dma_start3A_81 = tpu.memref_squeeze %dma_start3A_80 : memref<1x128xi32, #tpu.memory_space<vmem>> -> memref<128xi32, #tpu.memory_space<vmem>>
        %dma_start3A_82 = arith.constant 0 : i32
        %dma_start3A_83 = arith.constant 0 : i32
        %dma_start3A_84 = tpu.memref_slice %arg6[%dma_start3A_82, %dma_start3A_83] : memref<10112x128xf32, #tpu.memory_space<vmem_shared>> -> memref<10112x128xf32, #tpu.memory_space<vmem_shared>>
        tpu.enqueue_indirect_dma source(%arg9 : memref<128x128xf32, #tpu.memory_space<vmem>>) target(%dma_start3A_84 : memref<10112x128xf32, #tpu.memory_space<vmem_shared>>) offsets(%dma_start3A_81 : memref<128xi32, #tpu.memory_space<vmem>>) semaphore(%run_scoped3A_78 : memref<!tpu.dma_semaphore, #tpu.memory_space<semaphore_mem>>) {add = true}
        %dma_wait3A_85 = arith.constant 0 : i32
        %dma_wait3A_86 = tpu.memref_slice %arg7[%add3A_61, %dma_wait3A_85] : memref<80x128xi32, #tpu.memory_space<vmem>> -> memref<1x128xi32, #tpu.memory_space<vmem>>
        %dma_wait3A_87 = tpu.memref_squeeze %dma_wait3A_86 : memref<1x128xi32, #tpu.memory_space<vmem>> -> memref<128xi32, #tpu.memory_space<vmem>>
        %dma_wait3A_88 = arith.constant 0 : i32
        %dma_wait3A_89 = arith.constant 0 : i32
        %dma_wait3A_90 = tpu.memref_slice %arg6[%dma_wait3A_88, %dma_wait3A_89] : memref<10112x128xf32, #tpu.memory_space<vmem_shared>> -> memref<10112x128xf32, #tpu.memory_space<vmem_shared>>
        tpu.wait_indirect_dma semaphore(%run_scoped3A_78 : memref<!tpu.dma_semaphore, #tpu.memory_space<semaphore_mem>>) src(%arg9 : memref<128x128xf32, #tpu.memory_space<vmem>>) dst(%dma_wait3A_90 : memref<10112x128xf32, #tpu.memory_space<vmem_shared>>)
        tpu.yield
      }) : () -> ()
      %add3A_69 = arith.constant 2 : i32
      %add3A_70 = arith.addi %add3A_61, %add3A_69 : i32
      %mul3A_71 = arith.constant 128 : i32
      %mul3A_72 = arith.muli %add3A_70, %mul3A_71 : i32
      %add3A_73 = arith.addi %mul3A_4, %mul3A_72 : i32
      %dma_start3A_74 = arith.constant 0 : i32
      %dma_start3A_75 = tpu.memref_slice %arg2[%add3A_73, %dma_start3A_74] : memref<327680x128xf32, #tpu.memory_space<hbm>> -> memref<128x128xf32, #tpu.memory_space<hbm>>
      %dma_start3A_76 = arith.constant 0 : i32
      %dma_start3A_77 = tpu.memref_slice %arg2[%add3A_73, %dma_start3A_76] : memref<327680x128xf32, #tpu.memory_space<hbm>> -> memref<128x128xf32, #tpu.memory_space<hbm>>
      tpu.enqueue_dma source(%dma_start3A_77 : memref<128x128xf32, #tpu.memory_space<hbm>>) target(%arg9 : memref<128x128xf32, #tpu.memory_space<vmem>>) target_semaphore(%arg11 : memref<!tpu.dma_semaphore, #tpu.memory_space<semaphore_mem>>)
    }
    %scan3A_19 = arith.constant 39 : i32
    %add3A_20 = arith.constant 9984 : i32
    %add3A_21 = arith.addi %mul3A_4, %add3A_20 : i32
    %dma_wait3A = arith.constant 0 : i32
    %dma_wait3A_22 = tpu.memref_slice %arg2[%add3A_21, %dma_wait3A] : memref<327680x128xf32, #tpu.memory_space<hbm>> -> memref<128x128xf32, #tpu.memory_space<hbm>>
    %dma_wait3A_23 = arith.constant 0 : i32
    %dma_wait3A_24 = tpu.memref_slice %arg2[%add3A_21, %dma_wait3A_23] : memref<327680x128xf32, #tpu.memory_space<hbm>> -> memref<128x128xf32, #tpu.memory_space<hbm>>
    tpu.wait_dma2 semaphore(%arg10 : memref<!tpu.dma_semaphore, #tpu.memory_space<semaphore_mem>>) src(%dma_wait3A_24 : memref<128x128xf32, #tpu.memory_space<hbm>>) dst(%arg8 : memref<128x128xf32, #tpu.memory_space<vmem>>)
    %run_scoped3A = arith.constant 78 : i32
    "tpu.region"() ({
      %run_scoped3A_37 = tpu.sem_alloc : memref<!tpu.dma_semaphore, #tpu.memory_space<semaphore_mem>>
      %dma_start3A_38 = arith.constant 0 : i32
      %dma_start3A_39 = tpu.memref_slice %arg7[%run_scoped3A, %dma_start3A_38] : memref<80x128xi32, #tpu.memory_space<vmem>> -> memref<1x128xi32, #tpu.memory_space<vmem>>
      %dma_start3A_40 = tpu.memref_squeeze %dma_start3A_39 : memref<1x128xi32, #tpu.memory_space<vmem>> -> memref<128xi32, #tpu.memory_space<vmem>>
      %dma_start3A_41 = arith.constant 0 : i32
      %dma_start3A_42 = arith.constant 0 : i32
      %dma_start3A_43 = tpu.memref_slice %arg6[%dma_start3A_41, %dma_start3A_42] : memref<10112x128xf32, #tpu.memory_space<vmem_shared>> -> memref<10112x128xf32, #tpu.memory_space<vmem_shared>>
      tpu.enqueue_indirect_dma source(%arg8 : memref<128x128xf32, #tpu.memory_space<vmem>>) target(%dma_start3A_43 : memref<10112x128xf32, #tpu.memory_space<vmem_shared>>) offsets(%dma_start3A_40 : memref<128xi32, #tpu.memory_space<vmem>>) semaphore(%run_scoped3A_37 : memref<!tpu.dma_semaphore, #tpu.memory_space<semaphore_mem>>) {add = true}
      %dma_wait3A_44 = arith.constant 0 : i32
      %dma_wait3A_45 = tpu.memref_slice %arg7[%run_scoped3A, %dma_wait3A_44] : memref<80x128xi32, #tpu.memory_space<vmem>> -> memref<1x128xi32, #tpu.memory_space<vmem>>
      %dma_wait3A_46 = tpu.memref_squeeze %dma_wait3A_45 : memref<1x128xi32, #tpu.memory_space<vmem>> -> memref<128xi32, #tpu.memory_space<vmem>>
      %dma_wait3A_47 = arith.constant 0 : i32
      %dma_wait3A_48 = arith.constant 0 : i32
      %dma_wait3A_49 = tpu.memref_slice %arg6[%dma_wait3A_47, %dma_wait3A_48] : memref<10112x128xf32, #tpu.memory_space<vmem_shared>> -> memref<10112x128xf32, #tpu.memory_space<vmem_shared>>
      tpu.wait_indirect_dma semaphore(%run_scoped3A_37 : memref<!tpu.dma_semaphore, #tpu.memory_space<semaphore_mem>>) src(%arg8 : memref<128x128xf32, #tpu.memory_space<vmem>>) dst(%dma_wait3A_49 : memref<10112x128xf32, #tpu.memory_space<vmem_shared>>)
      tpu.yield
    }) : () -> ()
    %add3A_25 = arith.constant 10112 : i32
    %add3A_26 = arith.addi %mul3A_4, %add3A_25 : i32
    %dma_wait3A_27 = arith.constant 0 : i32
    %dma_wait3A_28 = tpu.memref_slice %arg2[%add3A_26, %dma_wait3A_27] : memref<327680x128xf32, #tpu.memory_space<hbm>> -> memref<128x128xf32, #tpu.memory_space<hbm>>
    %dma_wait3A_29 = arith.constant 0 : i32
    %dma_wait3A_30 = tpu.memref_slice %arg2[%add3A_26, %dma_wait3A_29] : memref<327680x128xf32, #tpu.memory_space<hbm>> -> memref<128x128xf32, #tpu.memory_space<hbm>>
    tpu.wait_dma2 semaphore(%arg11 : memref<!tpu.dma_semaphore, #tpu.memory_space<semaphore_mem>>) src(%dma_wait3A_30 : memref<128x128xf32, #tpu.memory_space<hbm>>) dst(%arg9 : memref<128x128xf32, #tpu.memory_space<vmem>>)
    %run_scoped3A_31 = arith.constant 79 : i32
    "tpu.region"() ({
      %run_scoped3A_37 = tpu.sem_alloc : memref<!tpu.dma_semaphore, #tpu.memory_space<semaphore_mem>>
      %dma_start3A_38 = arith.constant 0 : i32
      %dma_start3A_39 = tpu.memref_slice %arg7[%run_scoped3A_31, %dma_start3A_38] : memref<80x128xi32, #tpu.memory_space<vmem>> -> memref<1x128xi32, #tpu.memory_space<vmem>>
      %dma_start3A_40 = tpu.memref_squeeze %dma_start3A_39 : memref<1x128xi32, #tpu.memory_space<vmem>> -> memref<128xi32, #tpu.memory_space<vmem>>
      %dma_start3A_41 = arith.constant 0 : i32
      %dma_start3A_42 = arith.constant 0 : i32
      %dma_start3A_43 = tpu.memref_slice %arg6[%dma_start3A_41, %dma_start3A_42] : memref<10112x128xf32, #tpu.memory_space<vmem_shared>> -> memref<10112x128xf32, #tpu.memory_space<vmem_shared>>
      tpu.enqueue_indirect_dma source(%arg9 : memref<128x128xf32, #tpu.memory_space<vmem>>) target(%dma_start3A_43 : memref<10112x128xf32, #tpu.memory_space<vmem_shared>>) offsets(%dma_start3A_40 : memref<128xi32, #tpu.memory_space<vmem>>) semaphore(%run_scoped3A_37 : memref<!tpu.dma_semaphore, #tpu.memory_space<semaphore_mem>>) {add = true}
      %dma_wait3A_44 = arith.constant 0 : i32
      %dma_wait3A_45 = tpu.memref_slice %arg7[%run_scoped3A_31, %dma_wait3A_44] : memref<80x128xi32, #tpu.memory_space<vmem>> -> memref<1x128xi32, #tpu.memory_space<vmem>>
      %dma_wait3A_46 = tpu.memref_squeeze %dma_wait3A_45 : memref<1x128xi32, #tpu.memory_space<vmem>> -> memref<128xi32, #tpu.memory_space<vmem>>
      %dma_wait3A_47 = arith.constant 0 : i32
      %dma_wait3A_48 = arith.constant 0 : i32
      %dma_wait3A_49 = tpu.memref_slice %arg6[%dma_wait3A_47, %dma_wait3A_48] : memref<10112x128xf32, #tpu.memory_space<vmem_shared>> -> memref<10112x128xf32, #tpu.memory_space<vmem_shared>>
      tpu.wait_indirect_dma semaphore(%run_scoped3A_37 : memref<!tpu.dma_semaphore, #tpu.memory_space<semaphore_mem>>) src(%arg9 : memref<128x128xf32, #tpu.memory_space<vmem>>) dst(%dma_wait3A_49 : memref<10112x128xf32, #tpu.memory_space<vmem_shared>>)
      tpu.yield
    }) : () -> ()
    %barrier3A_32 = arith.constant 0 : index
    tpu.barrier barrier_id(%barrier3A_32)
    %mul3A_33 = arith.constant 632 : i32
    %mul3A_34 = arith.muli %arg1, %mul3A_33 : i32
    %mul3A_35 = arith.constant 632 : i32
    %mul3A_36 = arith.muli %arg1, %mul3A_35 : i32
    "tpu.region"() ({
      %run_scoped3A_37 = tpu.sem_alloc : memref<!tpu.dma_semaphore, #tpu.memory_space<semaphore_mem>>
      %dma_start3A_38 = arith.constant 0 : i32
      %dma_start3A_39 = tpu.memref_slice %arg5[%arg0, %mul3A_36, %dma_start3A_38] : memref<2x10112x128xf32, #tpu.memory_space<hbm>> -> memref<1x632x128xf32, #tpu.memory_space<hbm>>
      %dma_start3A_40 = tpu.memref_squeeze %dma_start3A_39 : memref<1x632x128xf32, #tpu.memory_space<hbm>> -> memref<632x128xf32, #tpu.memory_space<hbm>>
      %dma_start3A_41 = arith.constant 0 : i32
      %dma_start3A_42 = tpu.memref_slice %arg6[%mul3A_34, %dma_start3A_41] : memref<10112x128xf32, #tpu.memory_space<vmem_shared>> -> memref<632x128xf32, #tpu.memory_space<vmem_shared>>
      tpu.enqueue_dma source(%dma_start3A_42 : memref<632x128xf32, #tpu.memory_space<vmem_shared>>) target(%dma_start3A_40 : memref<632x128xf32, #tpu.memory_space<hbm>>) target_semaphore(%run_scoped3A_37 : memref<!tpu.dma_semaphore, #tpu.memory_space<semaphore_mem>>)
      %dma_wait3A_43 = arith.constant 0 : i32
      %dma_wait3A_44 = tpu.memref_slice %arg5[%arg0, %mul3A_36, %dma_wait3A_43] : memref<2x10112x128xf32, #tpu.memory_space<hbm>> -> memref<1x632x128xf32, #tpu.memory_space<hbm>>
      %dma_wait3A_45 = tpu.memref_squeeze %dma_wait3A_44 : memref<1x632x128xf32, #tpu.memory_space<hbm>> -> memref<632x128xf32, #tpu.memory_space<hbm>>
      %dma_wait3A_46 = arith.constant 0 : i32
      %dma_wait3A_47 = tpu.memref_slice %arg6[%mul3A_34, %dma_wait3A_46] : memref<10112x128xf32, #tpu.memory_space<vmem_shared>> -> memref<632x128xf32, #tpu.memory_space<vmem_shared>>
      tpu.wait_dma2 semaphore(%run_scoped3A_37 : memref<!tpu.dma_semaphore, #tpu.memory_space<semaphore_mem>>) src(%dma_wait3A_47 : memref<632x128xf32, #tpu.memory_space<vmem_shared>>) dst(%dma_wait3A_45 : memref<632x128xf32, #tpu.memory_space<hbm>>)
      tpu.yield
    }) : () -> ()
    return
  }
}

#map = affine_map<(d0, d1) -> (0, 0)>
#map1 = affine_map<(d0, d1) -> (0, 0, 0)>
module attributes {stable_mosaic.version = 14 : i64} {
  func.func @_sc_scatter_body(%arg0: i32, %arg1: i32, %arg2: memref<327680x128xf32, #tpu.memory_space<hbm>>, %arg3: memref<32x80x128xi32, #tpu.memory_space<hbm>>, %arg4: memref<632x128xf32, #tpu.memory_space<hbm>>, %arg5: memref<2x10112x128xf32, #tpu.memory_space<hbm>>, %arg6: memref<10112x128xf32, #tpu.memory_space<vmem_shared>>, %arg7: memref<80x128xi32, #tpu.memory_space<vmem>>, %arg8: memref<128x128xf32, #tpu.memory_space<vmem>>, %arg9: memref<128x128xf32, #tpu.memory_space<vmem>>, %arg10: memref<!tpu.dma_semaphore, #tpu.memory_space<semaphore_mem>>, %arg11: memref<!tpu.dma_semaphore, #tpu.memory_space<semaphore_mem>>) attributes {dimension_semantics = [#tpu.dimension_semantics<core_parallel>, #tpu.dimension_semantics<subcore_parallel>], iteration_bounds = array<i64: 2, 16>, scalar_prefetch = 0 : i64, scratch_operands = 6 : i64, tpu.core_type = #tpu.core_type<sc_vector_subcore>, window_params = [{transform_indices = #map}, {transform_indices = #map1}, {transform_indices = #map}, {transform_indices = #map1}]} {
    %mul3A = arith.constant 16 : i32
    %mul3A_0 = arith.muli %arg0, %mul3A : i32
    %add3A = arith.addi %mul3A_0, %arg1 : i32
    %mul3A_1 = arith.constant 632 : i32
    %mul3A_2 = arith.muli %arg1, %mul3A_1 : i32
    "tpu.region"() ({
      %run_scoped3A_37 = tpu.sem_alloc : memref<!tpu.dma_semaphore, #tpu.memory_space<semaphore_mem>>
      %dma_start3A_38 = arith.constant 0 : i32
      %dma_start3A_39 = tpu.memref_slice %arg6[%mul3A_2, %dma_start3A_38] : memref<10112x128xf32, #tpu.memory_space<vmem_shared>> -> memref<632x128xf32, #tpu.memory_space<vmem_shared>>
      tpu.enqueue_dma source(%arg4 : memref<632x128xf32, #tpu.memory_space<hbm>>) target(%dma_start3A_39 : memref<632x128xf32, #tpu.memory_space<vmem_shared>>) target_semaphore(%run_scoped3A_37 : memref<!tpu.dma_semaphore, #tpu.memory_space<semaphore_mem>>)
      %dma_wait3A_40 = arith.constant 0 : i32
      %dma_wait3A_41 = tpu.memref_slice %arg6[%mul3A_2, %dma_wait3A_40] : memref<10112x128xf32, #tpu.memory_space<vmem_shared>> -> memref<632x128xf32, #tpu.memory_space<vmem_shared>>
      tpu.wait_dma2 semaphore(%run_scoped3A_37 : memref<!tpu.dma_semaphore, #tpu.memory_space<semaphore_mem>>) src(%arg4 : memref<632x128xf32, #tpu.memory_space<hbm>>) dst(%dma_wait3A_41 : memref<632x128xf32, #tpu.memory_space<vmem_shared>>)
      tpu.yield
    }) : () -> ()
    %barrier3A = arith.constant 0 : index
    tpu.barrier barrier_id(%barrier3A)
    "tpu.region"() ({
      %run_scoped3A_37 = tpu.sem_alloc : memref<!tpu.dma_semaphore, #tpu.memory_space<semaphore_mem>>
      %dma_start3A_38 = arith.constant 0 : i32
      %dma_start3A_39 = arith.constant 0 : i32
      %dma_start3A_40 = tpu.memref_slice %arg3[%add3A, %dma_start3A_38, %dma_start3A_39] : memref<32x80x128xi32, #tpu.memory_space<hbm>> -> memref<1x80x128xi32, #tpu.memory_space<hbm>>
      %dma_start3A_41 = tpu.memref_squeeze %dma_start3A_40 : memref<1x80x128xi32, #tpu.memory_space<hbm>> -> memref<80x128xi32, #tpu.memory_space<hbm>>
      %dma_start3A_42 = arith.constant 0 : i32
      %dma_start3A_43 = arith.constant 0 : i32
      %dma_start3A_44 = tpu.memref_slice %arg3[%add3A, %dma_start3A_42, %dma_start3A_43] : memref<32x80x128xi32, #tpu.memory_space<hbm>> -> memref<1x80x128xi32, #tpu.memory_space<hbm>>
      %dma_start3A_45 = tpu.memref_squeeze %dma_start3A_44 : memref<1x80x128xi32, #tpu.memory_space<hbm>> -> memref<80x128xi32, #tpu.memory_space<hbm>>
      tpu.enqueue_dma source(%dma_start3A_45 : memref<80x128xi32, #tpu.memory_space<hbm>>) target(%arg7 : memref<80x128xi32, #tpu.memory_space<vmem>>) target_semaphore(%run_scoped3A_37 : memref<!tpu.dma_semaphore, #tpu.memory_space<semaphore_mem>>)
      %dma_wait3A_46 = arith.constant 0 : i32
      %dma_wait3A_47 = arith.constant 0 : i32
      %dma_wait3A_48 = tpu.memref_slice %arg3[%add3A, %dma_wait3A_46, %dma_wait3A_47] : memref<32x80x128xi32, #tpu.memory_space<hbm>> -> memref<1x80x128xi32, #tpu.memory_space<hbm>>
      %dma_wait3A_49 = tpu.memref_squeeze %dma_wait3A_48 : memref<1x80x128xi32, #tpu.memory_space<hbm>> -> memref<80x128xi32, #tpu.memory_space<hbm>>
      %dma_wait3A_50 = arith.constant 0 : i32
      %dma_wait3A_51 = arith.constant 0 : i32
      %dma_wait3A_52 = tpu.memref_slice %arg3[%add3A, %dma_wait3A_50, %dma_wait3A_51] : memref<32x80x128xi32, #tpu.memory_space<hbm>> -> memref<1x80x128xi32, #tpu.memory_space<hbm>>
      %dma_wait3A_53 = tpu.memref_squeeze %dma_wait3A_52 : memref<1x80x128xi32, #tpu.memory_space<hbm>> -> memref<80x128xi32, #tpu.memory_space<hbm>>
      tpu.wait_dma2 semaphore(%run_scoped3A_37 : memref<!tpu.dma_semaphore, #tpu.memory_space<semaphore_mem>>) src(%dma_wait3A_53 : memref<80x128xi32, #tpu.memory_space<hbm>>) dst(%arg7 : memref<80x128xi32, #tpu.memory_space<vmem>>)
      tpu.yield
    }) : () -> ()
    %mul3A_3 = arith.constant 10240 : i32
    %mul3A_4 = arith.muli %add3A, %mul3A_3 : i32
    %add3A_5 = arith.constant 0 : i32
    %add3A_6 = arith.addi %mul3A_4, %add3A_5 : i32
    %dma_start3A = arith.constant 0 : i32
    %dma_start3A_7 = tpu.memref_slice %arg2[%add3A_6, %dma_start3A] : memref<327680x128xf32, #tpu.memory_space<hbm>> -> memref<128x128xf32, #tpu.memory_space<hbm>>
    %dma_start3A_8 = arith.constant 0 : i32
    %dma_start3A_9 = tpu.memref_slice %arg2[%add3A_6, %dma_start3A_8] : memref<327680x128xf32, #tpu.memory_space<hbm>> -> memref<128x128xf32, #tpu.memory_space<hbm>>
    tpu.enqueue_dma source(%dma_start3A_9 : memref<128x128xf32, #tpu.memory_space<hbm>>) target(%arg8 : memref<128x128xf32, #tpu.memory_space<vmem>>) target_semaphore(%arg10 : memref<!tpu.dma_semaphore, #tpu.memory_space<semaphore_mem>>)
    %add3A_10 = arith.constant 128 : i32
    %add3A_11 = arith.addi %mul3A_4, %add3A_10 : i32
    %dma_start3A_12 = arith.constant 0 : i32
    %dma_start3A_13 = tpu.memref_slice %arg2[%add3A_11, %dma_start3A_12] : memref<327680x128xf32, #tpu.memory_space<hbm>> -> memref<128x128xf32, #tpu.memory_space<hbm>>
    %dma_start3A_14 = arith.constant 0 : i32
    %dma_start3A_15 = tpu.memref_slice %arg2[%add3A_11, %dma_start3A_14] : memref<327680x128xf32, #tpu.memory_space<hbm>> -> memref<128x128xf32, #tpu.memory_space<hbm>>
    tpu.enqueue_dma source(%dma_start3A_15 : memref<128x128xf32, #tpu.memory_space<hbm>>) target(%arg9 : memref<128x128xf32, #tpu.memory_space<vmem>>) target_semaphore(%arg11 : memref<!tpu.dma_semaphore, #tpu.memory_space<semaphore_mem>>)
    %scan3A = arith.constant 0 : i32
    %scan3A_16 = arith.constant 39 : i32
    %scan3A_17 = arith.addi %scan3A, %scan3A_16 : i32
    %scan3A_18 = arith.constant 1 : i32
    scf.for %scan3A_37 = %scan3A to %scan3A_17 step %scan3A_18  : i32 {
      %mul3A_38 = arith.constant 2 : i32
      %mul3A_39 = arith.muli %scan3A_37, %mul3A_38 : i32
      %add3A_40 = arith.constant 0 : i32
      %add3A_41 = arith.addi %add3A_40, %mul3A_39 : i32
      %add3A_42 = arith.constant 0 : i32
      %add3A_43 = arith.addi %add3A_41, %add3A_42 : i32
      %mul3A_44 = arith.constant 128 : i32
      %mul3A_45 = arith.muli %add3A_43, %mul3A_44 : i32
      %add3A_46 = arith.addi %mul3A_4, %mul3A_45 : i32
      %dma_wait3A_47 = arith.constant 0 : i32
      %dma_wait3A_48 = tpu.memref_slice %arg2[%add3A_46, %dma_wait3A_47] : memref<327680x128xf32, #tpu.memory_space<hbm>> -> memref<128x128xf32, #tpu.memory_space<hbm>>
      %dma_wait3A_49 = arith.constant 0 : i32
      %dma_wait3A_50 = tpu.memref_slice %arg2[%add3A_46, %dma_wait3A_49] : memref<327680x128xf32, #tpu.memory_space<hbm>> -> memref<128x128xf32, #tpu.memory_space<hbm>>
      tpu.wait_dma2 semaphore(%arg10 : memref<!tpu.dma_semaphore, #tpu.memory_space<semaphore_mem>>) src(%dma_wait3A_50 : memref<128x128xf32, #tpu.memory_space<hbm>>) dst(%arg8 : memref<128x128xf32, #tpu.memory_space<vmem>>)
      "tpu.region"() ({
        %run_scoped3A_78 = tpu.sem_alloc : memref<!tpu.dma_semaphore, #tpu.memory_space<semaphore_mem>>
        %dma_start3A_79 = arith.constant 0 : i32
        %dma_start3A_80 = tpu.memref_slice %arg7[%add3A_43, %dma_start3A_79] : memref<80x128xi32, #tpu.memory_space<vmem>> -> memref<1x128xi32, #tpu.memory_space<vmem>>
        %dma_start3A_81 = tpu.memref_squeeze %dma_start3A_80 : memref<1x128xi32, #tpu.memory_space<vmem>> -> memref<128xi32, #tpu.memory_space<vmem>>
        %dma_start3A_82 = arith.constant 0 : i32
        %dma_start3A_83 = arith.constant 0 : i32
        %dma_start3A_84 = tpu.memref_slice %arg6[%dma_start3A_82, %dma_start3A_83] : memref<10112x128xf32, #tpu.memory_space<vmem_shared>> -> memref<10112x128xf32, #tpu.memory_space<vmem_shared>>
        tpu.enqueue_indirect_dma source(%arg8 : memref<128x128xf32, #tpu.memory_space<vmem>>) target(%dma_start3A_84 : memref<10112x128xf32, #tpu.memory_space<vmem_shared>>) offsets(%dma_start3A_81 : memref<128xi32, #tpu.memory_space<vmem>>) semaphore(%run_scoped3A_78 : memref<!tpu.dma_semaphore, #tpu.memory_space<semaphore_mem>>) {add = true}
        %dma_wait3A_85 = arith.constant 0 : i32
        %dma_wait3A_86 = tpu.memref_slice %arg7[%add3A_43, %dma_wait3A_85] : memref<80x128xi32, #tpu.memory_space<vmem>> -> memref<1x128xi32, #tpu.memory_space<vmem>>
        %dma_wait3A_87 = tpu.memref_squeeze %dma_wait3A_86 : memref<1x128xi32, #tpu.memory_space<vmem>> -> memref<128xi32, #tpu.memory_space<vmem>>
        %dma_wait3A_88 = arith.constant 0 : i32
        %dma_wait3A_89 = arith.constant 0 : i32
        %dma_wait3A_90 = tpu.memref_slice %arg6[%dma_wait3A_88, %dma_wait3A_89] : memref<10112x128xf32, #tpu.memory_space<vmem_shared>> -> memref<10112x128xf32, #tpu.memory_space<vmem_shared>>
        tpu.wait_indirect_dma semaphore(%run_scoped3A_78 : memref<!tpu.dma_semaphore, #tpu.memory_space<semaphore_mem>>) src(%arg8 : memref<128x128xf32, #tpu.memory_space<vmem>>) dst(%dma_wait3A_90 : memref<10112x128xf32, #tpu.memory_space<vmem_shared>>)
        tpu.yield
      }) : () -> ()
      %add3A_51 = arith.constant 2 : i32
      %add3A_52 = arith.addi %add3A_43, %add3A_51 : i32
      %mul3A_53 = arith.constant 128 : i32
      %mul3A_54 = arith.muli %add3A_52, %mul3A_53 : i32
      %add3A_55 = arith.addi %mul3A_4, %mul3A_54 : i32
      %dma_start3A_56 = arith.constant 0 : i32
      %dma_start3A_57 = tpu.memref_slice %arg2[%add3A_55, %dma_start3A_56] : memref<327680x128xf32, #tpu.memory_space<hbm>> -> memref<128x128xf32, #tpu.memory_space<hbm>>
      %dma_start3A_58 = arith.constant 0 : i32
      %dma_start3A_59 = tpu.memref_slice %arg2[%add3A_55, %dma_start3A_58] : memref<327680x128xf32, #tpu.memory_space<hbm>> -> memref<128x128xf32, #tpu.memory_space<hbm>>
      tpu.enqueue_dma source(%dma_start3A_59 : memref<128x128xf32, #tpu.memory_space<hbm>>) target(%arg8 : memref<128x128xf32, #tpu.memory_space<vmem>>) target_semaphore(%arg10 : memref<!tpu.dma_semaphore, #tpu.memory_space<semaphore_mem>>)
      %add3A_60 = arith.constant 1 : i32
      %add3A_61 = arith.addi %add3A_41, %add3A_60 : i32
      %mul3A_62 = arith.constant 128 : i32
      %mul3A_63 = arith.muli %add3A_61, %mul3A_62 : i32
      %add3A_64 = arith.addi %mul3A_4, %mul3A_63 : i32
      %dma_wait3A_65 = arith.constant 0 : i32
      %dma_wait3A_66 = tpu.memref_slice %arg2[%add3A_64, %dma_wait3A_65] : memref<327680x128xf32, #tpu.memory_space<hbm>> -> memref<128x128xf32, #tpu.memory_space<hbm>>
      %dma_wait3A_67 = arith.constant 0 : i32
      %dma_wait3A_68 = tpu.memref_slice %arg2[%add3A_64, %dma_wait3A_67] : memref<327680x128xf32, #tpu.memory_space<hbm>> -> memref<128x128xf32, #tpu.memory_space<hbm>>
      tpu.wait_dma2 semaphore(%arg11 : memref<!tpu.dma_semaphore, #tpu.memory_space<semaphore_mem>>) src(%dma_wait3A_68 : memref<128x128xf32, #tpu.memory_space<hbm>>) dst(%arg9 : memref<128x128xf32, #tpu.memory_space<vmem>>)
      "tpu.region"() ({
        %run_scoped3A_78 = tpu.sem_alloc : memref<!tpu.dma_semaphore, #tpu.memory_space<semaphore_mem>>
        %dma_start3A_79 = arith.constant 0 : i32
        %dma_start3A_80 = tpu.memref_slice %arg7[%add3A_61, %dma_start3A_79] : memref<80x128xi32, #tpu.memory_space<vmem>> -> memref<1x128xi32, #tpu.memory_space<vmem>>
        %dma_start3A_81 = tpu.memref_squeeze %dma_start3A_80 : memref<1x128xi32, #tpu.memory_space<vmem>> -> memref<128xi32, #tpu.memory_space<vmem>>
        %dma_start3A_82 = arith.constant 0 : i32
        %dma_start3A_83 = arith.constant 0 : i32
        %dma_start3A_84 = tpu.memref_slice %arg6[%dma_start3A_82, %dma_start3A_83] : memref<10112x128xf32, #tpu.memory_space<vmem_shared>> -> memref<10112x128xf32, #tpu.memory_space<vmem_shared>>
        tpu.enqueue_indirect_dma source(%arg9 : memref<128x128xf32, #tpu.memory_space<vmem>>) target(%dma_start3A_84 : memref<10112x128xf32, #tpu.memory_space<vmem_shared>>) offsets(%dma_start3A_81 : memref<128xi32, #tpu.memory_space<vmem>>) semaphore(%run_scoped3A_78 : memref<!tpu.dma_semaphore, #tpu.memory_space<semaphore_mem>>) {add = true}
        %dma_wait3A_85 = arith.constant 0 : i32
        %dma_wait3A_86 = tpu.memref_slice %arg7[%add3A_61, %dma_wait3A_85] : memref<80x128xi32, #tpu.memory_space<vmem>> -> memref<1x128xi32, #tpu.memory_space<vmem>>
        %dma_wait3A_87 = tpu.memref_squeeze %dma_wait3A_86 : memref<1x128xi32, #tpu.memory_space<vmem>> -> memref<128xi32, #tpu.memory_space<vmem>>
        %dma_wait3A_88 = arith.constant 0 : i32
        %dma_wait3A_89 = arith.constant 0 : i32
        %dma_wait3A_90 = tpu.memref_slice %arg6[%dma_wait3A_88, %dma_wait3A_89] : memref<10112x128xf32, #tpu.memory_space<vmem_shared>> -> memref<10112x128xf32, #tpu.memory_space<vmem_shared>>
        tpu.wait_indirect_dma semaphore(%run_scoped3A_78 : memref<!tpu.dma_semaphore, #tpu.memory_space<semaphore_mem>>) src(%arg9 : memref<128x128xf32, #tpu.memory_space<vmem>>) dst(%dma_wait3A_90 : memref<10112x128xf32, #tpu.memory_space<vmem_shared>>)
        tpu.yield
      }) : () -> ()
      %add3A_69 = arith.constant 2 : i32
      %add3A_70 = arith.addi %add3A_61, %add3A_69 : i32
      %mul3A_71 = arith.constant 128 : i32
      %mul3A_72 = arith.muli %add3A_70, %mul3A_71 : i32
      %add3A_73 = arith.addi %mul3A_4, %mul3A_72 : i32
      %dma_start3A_74 = arith.constant 0 : i32
      %dma_start3A_75 = tpu.memref_slice %arg2[%add3A_73, %dma_start3A_74] : memref<327680x128xf32, #tpu.memory_space<hbm>> -> memref<128x128xf32, #tpu.memory_space<hbm>>
      %dma_start3A_76 = arith.constant 0 : i32
      %dma_start3A_77 = tpu.memref_slice %arg2[%add3A_73, %dma_start3A_76] : memref<327680x128xf32, #tpu.memory_space<hbm>> -> memref<128x128xf32, #tpu.memory_space<hbm>>
      tpu.enqueue_dma source(%dma_start3A_77 : memref<128x128xf32, #tpu.memory_space<hbm>>) target(%arg9 : memref<128x128xf32, #tpu.memory_space<vmem>>) target_semaphore(%arg11 : memref<!tpu.dma_semaphore, #tpu.memory_space<semaphore_mem>>)
    }
    %scan3A_19 = arith.constant 39 : i32
    %add3A_20 = arith.constant 9984 : i32
    %add3A_21 = arith.addi %mul3A_4, %add3A_20 : i32
    %dma_wait3A = arith.constant 0 : i32
    %dma_wait3A_22 = tpu.memref_slice %arg2[%add3A_21, %dma_wait3A] : memref<327680x128xf32, #tpu.memory_space<hbm>> -> memref<128x128xf32, #tpu.memory_space<hbm>>
    %dma_wait3A_23 = arith.constant 0 : i32
    %dma_wait3A_24 = tpu.memref_slice %arg2[%add3A_21, %dma_wait3A_23] : memref<327680x128xf32, #tpu.memory_space<hbm>> -> memref<128x128xf32, #tpu.memory_space<hbm>>
    tpu.wait_dma2 semaphore(%arg10 : memref<!tpu.dma_semaphore, #tpu.memory_space<semaphore_mem>>) src(%dma_wait3A_24 : memref<128x128xf32, #tpu.memory_space<hbm>>) dst(%arg8 : memref<128x128xf32, #tpu.memory_space<vmem>>)
    %run_scoped3A = arith.constant 78 : i32
    "tpu.region"() ({
      %run_scoped3A_37 = tpu.sem_alloc : memref<!tpu.dma_semaphore, #tpu.memory_space<semaphore_mem>>
      %dma_start3A_38 = arith.constant 0 : i32
      %dma_start3A_39 = tpu.memref_slice %arg7[%run_scoped3A, %dma_start3A_38] : memref<80x128xi32, #tpu.memory_space<vmem>> -> memref<1x128xi32, #tpu.memory_space<vmem>>
      %dma_start3A_40 = tpu.memref_squeeze %dma_start3A_39 : memref<1x128xi32, #tpu.memory_space<vmem>> -> memref<128xi32, #tpu.memory_space<vmem>>
      %dma_start3A_41 = arith.constant 0 : i32
      %dma_start3A_42 = arith.constant 0 : i32
      %dma_start3A_43 = tpu.memref_slice %arg6[%dma_start3A_41, %dma_start3A_42] : memref<10112x128xf32, #tpu.memory_space<vmem_shared>> -> memref<10112x128xf32, #tpu.memory_space<vmem_shared>>
      tpu.enqueue_indirect_dma source(%arg8 : memref<128x128xf32, #tpu.memory_space<vmem>>) target(%dma_start3A_43 : memref<10112x128xf32, #tpu.memory_space<vmem_shared>>) offsets(%dma_start3A_40 : memref<128xi32, #tpu.memory_space<vmem>>) semaphore(%run_scoped3A_37 : memref<!tpu.dma_semaphore, #tpu.memory_space<semaphore_mem>>) {add = true}
      %dma_wait3A_44 = arith.constant 0 : i32
      %dma_wait3A_45 = tpu.memref_slice %arg7[%run_scoped3A, %dma_wait3A_44] : memref<80x128xi32, #tpu.memory_space<vmem>> -> memref<1x128xi32, #tpu.memory_space<vmem>>
      %dma_wait3A_46 = tpu.memref_squeeze %dma_wait3A_45 : memref<1x128xi32, #tpu.memory_space<vmem>> -> memref<128xi32, #tpu.memory_space<vmem>>
      %dma_wait3A_47 = arith.constant 0 : i32
      %dma_wait3A_48 = arith.constant 0 : i32
      %dma_wait3A_49 = tpu.memref_slice %arg6[%dma_wait3A_47, %dma_wait3A_48] : memref<10112x128xf32, #tpu.memory_space<vmem_shared>> -> memref<10112x128xf32, #tpu.memory_space<vmem_shared>>
      tpu.wait_indirect_dma semaphore(%run_scoped3A_37 : memref<!tpu.dma_semaphore, #tpu.memory_space<semaphore_mem>>) src(%arg8 : memref<128x128xf32, #tpu.memory_space<vmem>>) dst(%dma_wait3A_49 : memref<10112x128xf32, #tpu.memory_space<vmem_shared>>)
      tpu.yield
    }) : () -> ()
    %add3A_25 = arith.constant 10112 : i32
    %add3A_26 = arith.addi %mul3A_4, %add3A_25 : i32
    %dma_wait3A_27 = arith.constant 0 : i32
    %dma_wait3A_28 = tpu.memref_slice %arg2[%add3A_26, %dma_wait3A_27] : memref<327680x128xf32, #tpu.memory_space<hbm>> -> memref<128x128xf32, #tpu.memory_space<hbm>>
    %dma_wait3A_29 = arith.constant 0 : i32
    %dma_wait3A_30 = tpu.memref_slice %arg2[%add3A_26, %dma_wait3A_29] : memref<327680x128xf32, #tpu.memory_space<hbm>> -> memref<128x128xf32, #tpu.memory_space<hbm>>
    tpu.wait_dma2 semaphore(%arg11 : memref<!tpu.dma_semaphore, #tpu.memory_space<semaphore_mem>>) src(%dma_wait3A_30 : memref<128x128xf32, #tpu.memory_space<hbm>>) dst(%arg9 : memref<128x128xf32, #tpu.memory_space<vmem>>)
    %run_scoped3A_31 = arith.constant 79 : i32
    "tpu.region"() ({
      %run_scoped3A_37 = tpu.sem_alloc : memref<!tpu.dma_semaphore, #tpu.memory_space<semaphore_mem>>
      %dma_start3A_38 = arith.constant 0 : i32
      %dma_start3A_39 = tpu.memref_slice %arg7[%run_scoped3A_31, %dma_start3A_38] : memref<80x128xi32, #tpu.memory_space<vmem>> -> memref<1x128xi32, #tpu.memory_space<vmem>>
      %dma_start3A_40 = tpu.memref_squeeze %dma_start3A_39 : memref<1x128xi32, #tpu.memory_space<vmem>> -> memref<128xi32, #tpu.memory_space<vmem>>
      %dma_start3A_41 = arith.constant 0 : i32
      %dma_start3A_42 = arith.constant 0 : i32
      %dma_start3A_43 = tpu.memref_slice %arg6[%dma_start3A_41, %dma_start3A_42] : memref<10112x128xf32, #tpu.memory_space<vmem_shared>> -> memref<10112x128xf32, #tpu.memory_space<vmem_shared>>
      tpu.enqueue_indirect_dma source(%arg9 : memref<128x128xf32, #tpu.memory_space<vmem>>) target(%dma_start3A_43 : memref<10112x128xf32, #tpu.memory_space<vmem_shared>>) offsets(%dma_start3A_40 : memref<128xi32, #tpu.memory_space<vmem>>) semaphore(%run_scoped3A_37 : memref<!tpu.dma_semaphore, #tpu.memory_space<semaphore_mem>>) {add = true}
      %dma_wait3A_44 = arith.constant 0 : i32
      %dma_wait3A_45 = tpu.memref_slice %arg7[%run_scoped3A_31, %dma_wait3A_44] : memref<80x128xi32, #tpu.memory_space<vmem>> -> memref<1x128xi32, #tpu.memory_space<vmem>>
      %dma_wait3A_46 = tpu.memref_squeeze %dma_wait3A_45 : memref<1x128xi32, #tpu.memory_space<vmem>> -> memref<128xi32, #tpu.memory_space<vmem>>
      %dma_wait3A_47 = arith.constant 0 : i32
      %dma_wait3A_48 = arith.constant 0 : i32
      %dma_wait3A_49 = tpu.memref_slice %arg6[%dma_wait3A_47, %dma_wait3A_48] : memref<10112x128xf32, #tpu.memory_space<vmem_shared>> -> memref<10112x128xf32, #tpu.memory_space<vmem_shared>>
      tpu.wait_indirect_dma semaphore(%run_scoped3A_37 : memref<!tpu.dma_semaphore, #tpu.memory_space<semaphore_mem>>) src(%arg9 : memref<128x128xf32, #tpu.memory_space<vmem>>) dst(%dma_wait3A_49 : memref<10112x128xf32, #tpu.memory_space<vmem_shared>>)
      tpu.yield
    }) : () -> ()
    %barrier3A_32 = arith.constant 0 : index
    tpu.barrier barrier_id(%barrier3A_32)
    %mul3A_33 = arith.constant 632 : i32
    %mul3A_34 = arith.muli %arg1, %mul3A_33 : i32
    %mul3A_35 = arith.constant 632 : i32
    %mul3A_36 = arith.muli %arg1, %mul3A_35 : i32
    "tpu.region"() ({
      %run_scoped3A_37 = tpu.sem_alloc : memref<!tpu.dma_semaphore, #tpu.memory_space<semaphore_mem>>
      %dma_start3A_38 = arith.constant 0 : i32
      %dma_start3A_39 = tpu.memref_slice %arg5[%arg0, %mul3A_36, %dma_start3A_38] : memref<2x10112x128xf32, #tpu.memory_space<hbm>> -> memref<1x632x128xf32, #tpu.memory_space<hbm>>
      %dma_start3A_40 = tpu.memref_squeeze %dma_start3A_39 : memref<1x632x128xf32, #tpu.memory_space<hbm>> -> memref<632x128xf32, #tpu.memory_space<hbm>>
      %dma_start3A_41 = arith.constant 0 : i32
      %dma_start3A_42 = tpu.memref_slice %arg6[%mul3A_34, %dma_start3A_41] : memref<10112x128xf32, #tpu.memory_space<vmem_shared>> -> memref<632x128xf32, #tpu.memory_space<vmem_shared>>
      tpu.enqueue_dma source(%dma_start3A_42 : memref<632x128xf32, #tpu.memory_space<vmem_shared>>) target(%dma_start3A_40 : memref<632x128xf32, #tpu.memory_space<hbm>>) target_semaphore(%run_scoped3A_37 : memref<!tpu.dma_semaphore, #tpu.memory_space<semaphore_mem>>)
      %dma_wait3A_43 = arith.constant 0 : i32
      %dma_wait3A_44 = tpu.memref_slice %arg5[%arg0, %mul3A_36, %dma_wait3A_43] : memref<2x10112x128xf32, #tpu.memory_space<hbm>> -> memref<1x632x128xf32, #tpu.memory_space<hbm>>
      %dma_wait3A_45 = tpu.memref_squeeze %dma_wait3A_44 : memref<1x632x128xf32, #tpu.memory_space<hbm>> -> memref<632x128xf32, #tpu.memory_space<hbm>>
      %dma_wait3A_46 = arith.constant 0 : i32
      %dma_wait3A_47 = tpu.memref_slice %arg6[%mul3A_34, %dma_wait3A_46] : memref<10112x128xf32, #tpu.memory_space<vmem_shared>> -> memref<632x128xf32, #tpu.memory_space<vmem_shared>>
      tpu.wait_dma2 semaphore(%run_scoped3A_37 : memref<!tpu.dma_semaphore, #tpu.memory_space<semaphore_mem>>) src(%dma_wait3A_47 : memref<632x128xf32, #tpu.memory_space<vmem_shared>>) dst(%dma_wait3A_45 : memref<632x128xf32, #tpu.memory_space<hbm>>)
      tpu.yield
    }) : () -> ()
    return
  }
}

#map = affine_map<(d0, d1) -> (0, 0)>
#map1 = affine_map<(d0, d1) -> (0, 0, 0)>
module attributes {stable_mosaic.version = 14 : i64} {
  func.func @_sc_scatter_body(%arg0: i32, %arg1: i32, %arg2: memref<327680x128xf32, #tpu.memory_space<hbm>>, %arg3: memref<32x80x128xi32, #tpu.memory_space<hbm>>, %arg4: memref<632x128xf32, #tpu.memory_space<hbm>>, %arg5: memref<2x10112x128xf32, #tpu.memory_space<hbm>>, %arg6: memref<10112x128xf32, #tpu.memory_space<vmem_shared>>, %arg7: memref<80x128xi32, #tpu.memory_space<vmem>>, %arg8: memref<128x128xf32, #tpu.memory_space<vmem>>, %arg9: memref<128x128xf32, #tpu.memory_space<vmem>>, %arg10: memref<!tpu.dma_semaphore, #tpu.memory_space<semaphore_mem>>, %arg11: memref<!tpu.dma_semaphore, #tpu.memory_space<semaphore_mem>>) attributes {dimension_semantics = [#tpu.dimension_semantics<core_parallel>, #tpu.dimension_semantics<subcore_parallel>], iteration_bounds = array<i64: 2, 16>, scalar_prefetch = 0 : i64, scratch_operands = 6 : i64, tpu.core_type = #tpu.core_type<sc_vector_subcore>, window_params = [{transform_indices = #map}, {transform_indices = #map1}, {transform_indices = #map}, {transform_indices = #map1}]} {
    %mul3A = arith.constant 16 : i32
    %mul3A_0 = arith.muli %arg0, %mul3A : i32
    %add3A = arith.addi %mul3A_0, %arg1 : i32
    %mul3A_1 = arith.constant 632 : i32
    %mul3A_2 = arith.muli %arg1, %mul3A_1 : i32
    "tpu.region"() ({
      %run_scoped3A_37 = tpu.sem_alloc : memref<!tpu.dma_semaphore, #tpu.memory_space<semaphore_mem>>
      %dma_start3A_38 = arith.constant 0 : i32
      %dma_start3A_39 = tpu.memref_slice %arg6[%mul3A_2, %dma_start3A_38] : memref<10112x128xf32, #tpu.memory_space<vmem_shared>> -> memref<632x128xf32, #tpu.memory_space<vmem_shared>>
      tpu.enqueue_dma source(%arg4 : memref<632x128xf32, #tpu.memory_space<hbm>>) target(%dma_start3A_39 : memref<632x128xf32, #tpu.memory_space<vmem_shared>>) target_semaphore(%run_scoped3A_37 : memref<!tpu.dma_semaphore, #tpu.memory_space<semaphore_mem>>)
      %dma_wait3A_40 = arith.constant 0 : i32
      %dma_wait3A_41 = tpu.memref_slice %arg6[%mul3A_2, %dma_wait3A_40] : memref<10112x128xf32, #tpu.memory_space<vmem_shared>> -> memref<632x128xf32, #tpu.memory_space<vmem_shared>>
      tpu.wait_dma2 semaphore(%run_scoped3A_37 : memref<!tpu.dma_semaphore, #tpu.memory_space<semaphore_mem>>) src(%arg4 : memref<632x128xf32, #tpu.memory_space<hbm>>) dst(%dma_wait3A_41 : memref<632x128xf32, #tpu.memory_space<vmem_shared>>)
      tpu.yield
    }) : () -> ()
    %barrier3A = arith.constant 0 : index
    tpu.barrier barrier_id(%barrier3A)
    "tpu.region"() ({
      %run_scoped3A_37 = tpu.sem_alloc : memref<!tpu.dma_semaphore, #tpu.memory_space<semaphore_mem>>
      %dma_start3A_38 = arith.constant 0 : i32
      %dma_start3A_39 = arith.constant 0 : i32
      %dma_start3A_40 = tpu.memref_slice %arg3[%add3A, %dma_start3A_38, %dma_start3A_39] : memref<32x80x128xi32, #tpu.memory_space<hbm>> -> memref<1x80x128xi32, #tpu.memory_space<hbm>>
      %dma_start3A_41 = tpu.memref_squeeze %dma_start3A_40 : memref<1x80x128xi32, #tpu.memory_space<hbm>> -> memref<80x128xi32, #tpu.memory_space<hbm>>
      %dma_start3A_42 = arith.constant 0 : i32
      %dma_start3A_43 = arith.constant 0 : i32
      %dma_start3A_44 = tpu.memref_slice %arg3[%add3A, %dma_start3A_42, %dma_start3A_43] : memref<32x80x128xi32, #tpu.memory_space<hbm>> -> memref<1x80x128xi32, #tpu.memory_space<hbm>>
      %dma_start3A_45 = tpu.memref_squeeze %dma_start3A_44 : memref<1x80x128xi32, #tpu.memory_space<hbm>> -> memref<80x128xi32, #tpu.memory_space<hbm>>
      tpu.enqueue_dma source(%dma_start3A_45 : memref<80x128xi32, #tpu.memory_space<hbm>>) target(%arg7 : memref<80x128xi32, #tpu.memory_space<vmem>>) target_semaphore(%run_scoped3A_37 : memref<!tpu.dma_semaphore, #tpu.memory_space<semaphore_mem>>)
      %dma_wait3A_46 = arith.constant 0 : i32
      %dma_wait3A_47 = arith.constant 0 : i32
      %dma_wait3A_48 = tpu.memref_slice %arg3[%add3A, %dma_wait3A_46, %dma_wait3A_47] : memref<32x80x128xi32, #tpu.memory_space<hbm>> -> memref<1x80x128xi32, #tpu.memory_space<hbm>>
      %dma_wait3A_49 = tpu.memref_squeeze %dma_wait3A_48 : memref<1x80x128xi32, #tpu.memory_space<hbm>> -> memref<80x128xi32, #tpu.memory_space<hbm>>
      %dma_wait3A_50 = arith.constant 0 : i32
      %dma_wait3A_51 = arith.constant 0 : i32
      %dma_wait3A_52 = tpu.memref_slice %arg3[%add3A, %dma_wait3A_50, %dma_wait3A_51] : memref<32x80x128xi32, #tpu.memory_space<hbm>> -> memref<1x80x128xi32, #tpu.memory_space<hbm>>
      %dma_wait3A_53 = tpu.memref_squeeze %dma_wait3A_52 : memref<1x80x128xi32, #tpu.memory_space<hbm>> -> memref<80x128xi32, #tpu.memory_space<hbm>>
      tpu.wait_dma2 semaphore(%run_scoped3A_37 : memref<!tpu.dma_semaphore, #tpu.memory_space<semaphore_mem>>) src(%dma_wait3A_53 : memref<80x128xi32, #tpu.memory_space<hbm>>) dst(%arg7 : memref<80x128xi32, #tpu.memory_space<vmem>>)
      tpu.yield
    }) : () -> ()
    %mul3A_3 = arith.constant 10240 : i32
    %mul3A_4 = arith.muli %add3A, %mul3A_3 : i32
    %add3A_5 = arith.constant 0 : i32
    %add3A_6 = arith.addi %mul3A_4, %add3A_5 : i32
    %dma_start3A = arith.constant 0 : i32
    %dma_start3A_7 = tpu.memref_slice %arg2[%add3A_6, %dma_start3A] : memref<327680x128xf32, #tpu.memory_space<hbm>> -> memref<128x128xf32, #tpu.memory_space<hbm>>
    %dma_start3A_8 = arith.constant 0 : i32
    %dma_start3A_9 = tpu.memref_slice %arg2[%add3A_6, %dma_start3A_8] : memref<327680x128xf32, #tpu.memory_space<hbm>> -> memref<128x128xf32, #tpu.memory_space<hbm>>
    tpu.enqueue_dma source(%dma_start3A_9 : memref<128x128xf32, #tpu.memory_space<hbm>>) target(%arg8 : memref<128x128xf32, #tpu.memory_space<vmem>>) target_semaphore(%arg10 : memref<!tpu.dma_semaphore, #tpu.memory_space<semaphore_mem>>)
    %add3A_10 = arith.constant 128 : i32
    %add3A_11 = arith.addi %mul3A_4, %add3A_10 : i32
    %dma_start3A_12 = arith.constant 0 : i32
    %dma_start3A_13 = tpu.memref_slice %arg2[%add3A_11, %dma_start3A_12] : memref<327680x128xf32, #tpu.memory_space<hbm>> -> memref<128x128xf32, #tpu.memory_space<hbm>>
    %dma_start3A_14 = arith.constant 0 : i32
    %dma_start3A_15 = tpu.memref_slice %arg2[%add3A_11, %dma_start3A_14] : memref<327680x128xf32, #tpu.memory_space<hbm>> -> memref<128x128xf32, #tpu.memory_space<hbm>>
    tpu.enqueue_dma source(%dma_start3A_15 : memref<128x128xf32, #tpu.memory_space<hbm>>) target(%arg9 : memref<128x128xf32, #tpu.memory_space<vmem>>) target_semaphore(%arg11 : memref<!tpu.dma_semaphore, #tpu.memory_space<semaphore_mem>>)
    %scan3A = arith.constant 0 : i32
    %scan3A_16 = arith.constant 39 : i32
    %scan3A_17 = arith.addi %scan3A, %scan3A_16 : i32
    %scan3A_18 = arith.constant 1 : i32
    scf.for %scan3A_37 = %scan3A to %scan3A_17 step %scan3A_18  : i32 {
      %mul3A_38 = arith.constant 2 : i32
      %mul3A_39 = arith.muli %scan3A_37, %mul3A_38 : i32
      %add3A_40 = arith.constant 0 : i32
      %add3A_41 = arith.addi %add3A_40, %mul3A_39 : i32
      %add3A_42 = arith.constant 0 : i32
      %add3A_43 = arith.addi %add3A_41, %add3A_42 : i32
      %mul3A_44 = arith.constant 128 : i32
      %mul3A_45 = arith.muli %add3A_43, %mul3A_44 : i32
      %add3A_46 = arith.addi %mul3A_4, %mul3A_45 : i32
      %dma_wait3A_47 = arith.constant 0 : i32
      %dma_wait3A_48 = tpu.memref_slice %arg2[%add3A_46, %dma_wait3A_47] : memref<327680x128xf32, #tpu.memory_space<hbm>> -> memref<128x128xf32, #tpu.memory_space<hbm>>
      %dma_wait3A_49 = arith.constant 0 : i32
      %dma_wait3A_50 = tpu.memref_slice %arg2[%add3A_46, %dma_wait3A_49] : memref<327680x128xf32, #tpu.memory_space<hbm>> -> memref<128x128xf32, #tpu.memory_space<hbm>>
      tpu.wait_dma2 semaphore(%arg10 : memref<!tpu.dma_semaphore, #tpu.memory_space<semaphore_mem>>) src(%dma_wait3A_50 : memref<128x128xf32, #tpu.memory_space<hbm>>) dst(%arg8 : memref<128x128xf32, #tpu.memory_space<vmem>>)
      "tpu.region"() ({
        %run_scoped3A_78 = tpu.sem_alloc : memref<!tpu.dma_semaphore, #tpu.memory_space<semaphore_mem>>
        %dma_start3A_79 = arith.constant 0 : i32
        %dma_start3A_80 = tpu.memref_slice %arg7[%add3A_43, %dma_start3A_79] : memref<80x128xi32, #tpu.memory_space<vmem>> -> memref<1x128xi32, #tpu.memory_space<vmem>>
        %dma_start3A_81 = tpu.memref_squeeze %dma_start3A_80 : memref<1x128xi32, #tpu.memory_space<vmem>> -> memref<128xi32, #tpu.memory_space<vmem>>
        %dma_start3A_82 = arith.constant 0 : i32
        %dma_start3A_83 = arith.constant 0 : i32
        %dma_start3A_84 = tpu.memref_slice %arg6[%dma_start3A_82, %dma_start3A_83] : memref<10112x128xf32, #tpu.memory_space<vmem_shared>> -> memref<10112x128xf32, #tpu.memory_space<vmem_shared>>
        tpu.enqueue_indirect_dma source(%arg8 : memref<128x128xf32, #tpu.memory_space<vmem>>) target(%dma_start3A_84 : memref<10112x128xf32, #tpu.memory_space<vmem_shared>>) offsets(%dma_start3A_81 : memref<128xi32, #tpu.memory_space<vmem>>) semaphore(%run_scoped3A_78 : memref<!tpu.dma_semaphore, #tpu.memory_space<semaphore_mem>>) {add = true}
        %dma_wait3A_85 = arith.constant 0 : i32
        %dma_wait3A_86 = tpu.memref_slice %arg7[%add3A_43, %dma_wait3A_85] : memref<80x128xi32, #tpu.memory_space<vmem>> -> memref<1x128xi32, #tpu.memory_space<vmem>>
        %dma_wait3A_87 = tpu.memref_squeeze %dma_wait3A_86 : memref<1x128xi32, #tpu.memory_space<vmem>> -> memref<128xi32, #tpu.memory_space<vmem>>
        %dma_wait3A_88 = arith.constant 0 : i32
        %dma_wait3A_89 = arith.constant 0 : i32
        %dma_wait3A_90 = tpu.memref_slice %arg6[%dma_wait3A_88, %dma_wait3A_89] : memref<10112x128xf32, #tpu.memory_space<vmem_shared>> -> memref<10112x128xf32, #tpu.memory_space<vmem_shared>>
        tpu.wait_indirect_dma semaphore(%run_scoped3A_78 : memref<!tpu.dma_semaphore, #tpu.memory_space<semaphore_mem>>) src(%arg8 : memref<128x128xf32, #tpu.memory_space<vmem>>) dst(%dma_wait3A_90 : memref<10112x128xf32, #tpu.memory_space<vmem_shared>>)
        tpu.yield
      }) : () -> ()
      %add3A_51 = arith.constant 2 : i32
      %add3A_52 = arith.addi %add3A_43, %add3A_51 : i32
      %mul3A_53 = arith.constant 128 : i32
      %mul3A_54 = arith.muli %add3A_52, %mul3A_53 : i32
      %add3A_55 = arith.addi %mul3A_4, %mul3A_54 : i32
      %dma_start3A_56 = arith.constant 0 : i32
      %dma_start3A_57 = tpu.memref_slice %arg2[%add3A_55, %dma_start3A_56] : memref<327680x128xf32, #tpu.memory_space<hbm>> -> memref<128x128xf32, #tpu.memory_space<hbm>>
      %dma_start3A_58 = arith.constant 0 : i32
      %dma_start3A_59 = tpu.memref_slice %arg2[%add3A_55, %dma_start3A_58] : memref<327680x128xf32, #tpu.memory_space<hbm>> -> memref<128x128xf32, #tpu.memory_space<hbm>>
      tpu.enqueue_dma source(%dma_start3A_59 : memref<128x128xf32, #tpu.memory_space<hbm>>) target(%arg8 : memref<128x128xf32, #tpu.memory_space<vmem>>) target_semaphore(%arg10 : memref<!tpu.dma_semaphore, #tpu.memory_space<semaphore_mem>>)
      %add3A_60 = arith.constant 1 : i32
      %add3A_61 = arith.addi %add3A_41, %add3A_60 : i32
      %mul3A_62 = arith.constant 128 : i32
      %mul3A_63 = arith.muli %add3A_61, %mul3A_62 : i32
      %add3A_64 = arith.addi %mul3A_4, %mul3A_63 : i32
      %dma_wait3A_65 = arith.constant 0 : i32
      %dma_wait3A_66 = tpu.memref_slice %arg2[%add3A_64, %dma_wait3A_65] : memref<327680x128xf32, #tpu.memory_space<hbm>> -> memref<128x128xf32, #tpu.memory_space<hbm>>
      %dma_wait3A_67 = arith.constant 0 : i32
      %dma_wait3A_68 = tpu.memref_slice %arg2[%add3A_64, %dma_wait3A_67] : memref<327680x128xf32, #tpu.memory_space<hbm>> -> memref<128x128xf32, #tpu.memory_space<hbm>>
      tpu.wait_dma2 semaphore(%arg11 : memref<!tpu.dma_semaphore, #tpu.memory_space<semaphore_mem>>) src(%dma_wait3A_68 : memref<128x128xf32, #tpu.memory_space<hbm>>) dst(%arg9 : memref<128x128xf32, #tpu.memory_space<vmem>>)
      "tpu.region"() ({
        %run_scoped3A_78 = tpu.sem_alloc : memref<!tpu.dma_semaphore, #tpu.memory_space<semaphore_mem>>
        %dma_start3A_79 = arith.constant 0 : i32
        %dma_start3A_80 = tpu.memref_slice %arg7[%add3A_61, %dma_start3A_79] : memref<80x128xi32, #tpu.memory_space<vmem>> -> memref<1x128xi32, #tpu.memory_space<vmem>>
        %dma_start3A_81 = tpu.memref_squeeze %dma_start3A_80 : memref<1x128xi32, #tpu.memory_space<vmem>> -> memref<128xi32, #tpu.memory_space<vmem>>
        %dma_start3A_82 = arith.constant 0 : i32
        %dma_start3A_83 = arith.constant 0 : i32
        %dma_start3A_84 = tpu.memref_slice %arg6[%dma_start3A_82, %dma_start3A_83] : memref<10112x128xf32, #tpu.memory_space<vmem_shared>> -> memref<10112x128xf32, #tpu.memory_space<vmem_shared>>
        tpu.enqueue_indirect_dma source(%arg9 : memref<128x128xf32, #tpu.memory_space<vmem>>) target(%dma_start3A_84 : memref<10112x128xf32, #tpu.memory_space<vmem_shared>>) offsets(%dma_start3A_81 : memref<128xi32, #tpu.memory_space<vmem>>) semaphore(%run_scoped3A_78 : memref<!tpu.dma_semaphore, #tpu.memory_space<semaphore_mem>>) {add = true}
        %dma_wait3A_85 = arith.constant 0 : i32
        %dma_wait3A_86 = tpu.memref_slice %arg7[%add3A_61, %dma_wait3A_85] : memref<80x128xi32, #tpu.memory_space<vmem>> -> memref<1x128xi32, #tpu.memory_space<vmem>>
        %dma_wait3A_87 = tpu.memref_squeeze %dma_wait3A_86 : memref<1x128xi32, #tpu.memory_space<vmem>> -> memref<128xi32, #tpu.memory_space<vmem>>
        %dma_wait3A_88 = arith.constant 0 : i32
        %dma_wait3A_89 = arith.constant 0 : i32
        %dma_wait3A_90 = tpu.memref_slice %arg6[%dma_wait3A_88, %dma_wait3A_89] : memref<10112x128xf32, #tpu.memory_space<vmem_shared>> -> memref<10112x128xf32, #tpu.memory_space<vmem_shared>>
        tpu.wait_indirect_dma semaphore(%run_scoped3A_78 : memref<!tpu.dma_semaphore, #tpu.memory_space<semaphore_mem>>) src(%arg9 : memref<128x128xf32, #tpu.memory_space<vmem>>) dst(%dma_wait3A_90 : memref<10112x128xf32, #tpu.memory_space<vmem_shared>>)
        tpu.yield
      }) : () -> ()
      %add3A_69 = arith.constant 2 : i32
      %add3A_70 = arith.addi %add3A_61, %add3A_69 : i32
      %mul3A_71 = arith.constant 128 : i32
      %mul3A_72 = arith.muli %add3A_70, %mul3A_71 : i32
      %add3A_73 = arith.addi %mul3A_4, %mul3A_72 : i32
      %dma_start3A_74 = arith.constant 0 : i32
      %dma_start3A_75 = tpu.memref_slice %arg2[%add3A_73, %dma_start3A_74] : memref<327680x128xf32, #tpu.memory_space<hbm>> -> memref<128x128xf32, #tpu.memory_space<hbm>>
      %dma_start3A_76 = arith.constant 0 : i32
      %dma_start3A_77 = tpu.memref_slice %arg2[%add3A_73, %dma_start3A_76] : memref<327680x128xf32, #tpu.memory_space<hbm>> -> memref<128x128xf32, #tpu.memory_space<hbm>>
      tpu.enqueue_dma source(%dma_start3A_77 : memref<128x128xf32, #tpu.memory_space<hbm>>) target(%arg9 : memref<128x128xf32, #tpu.memory_space<vmem>>) target_semaphore(%arg11 : memref<!tpu.dma_semaphore, #tpu.memory_space<semaphore_mem>>)
    }
    %scan3A_19 = arith.constant 39 : i32
    %add3A_20 = arith.constant 9984 : i32
    %add3A_21 = arith.addi %mul3A_4, %add3A_20 : i32
    %dma_wait3A = arith.constant 0 : i32
    %dma_wait3A_22 = tpu.memref_slice %arg2[%add3A_21, %dma_wait3A] : memref<327680x128xf32, #tpu.memory_space<hbm>> -> memref<128x128xf32, #tpu.memory_space<hbm>>
    %dma_wait3A_23 = arith.constant 0 : i32
    %dma_wait3A_24 = tpu.memref_slice %arg2[%add3A_21, %dma_wait3A_23] : memref<327680x128xf32, #tpu.memory_space<hbm>> -> memref<128x128xf32, #tpu.memory_space<hbm>>
    tpu.wait_dma2 semaphore(%arg10 : memref<!tpu.dma_semaphore, #tpu.memory_space<semaphore_mem>>) src(%dma_wait3A_24 : memref<128x128xf32, #tpu.memory_space<hbm>>) dst(%arg8 : memref<128x128xf32, #tpu.memory_space<vmem>>)
    %run_scoped3A = arith.constant 78 : i32
    "tpu.region"() ({
      %run_scoped3A_37 = tpu.sem_alloc : memref<!tpu.dma_semaphore, #tpu.memory_space<semaphore_mem>>
      %dma_start3A_38 = arith.constant 0 : i32
      %dma_start3A_39 = tpu.memref_slice %arg7[%run_scoped3A, %dma_start3A_38] : memref<80x128xi32, #tpu.memory_space<vmem>> -> memref<1x128xi32, #tpu.memory_space<vmem>>
      %dma_start3A_40 = tpu.memref_squeeze %dma_start3A_39 : memref<1x128xi32, #tpu.memory_space<vmem>> -> memref<128xi32, #tpu.memory_space<vmem>>
      %dma_start3A_41 = arith.constant 0 : i32
      %dma_start3A_42 = arith.constant 0 : i32
      %dma_start3A_43 = tpu.memref_slice %arg6[%dma_start3A_41, %dma_start3A_42] : memref<10112x128xf32, #tpu.memory_space<vmem_shared>> -> memref<10112x128xf32, #tpu.memory_space<vmem_shared>>
      tpu.enqueue_indirect_dma source(%arg8 : memref<128x128xf32, #tpu.memory_space<vmem>>) target(%dma_start3A_43 : memref<10112x128xf32, #tpu.memory_space<vmem_shared>>) offsets(%dma_start3A_40 : memref<128xi32, #tpu.memory_space<vmem>>) semaphore(%run_scoped3A_37 : memref<!tpu.dma_semaphore, #tpu.memory_space<semaphore_mem>>) {add = true}
      %dma_wait3A_44 = arith.constant 0 : i32
      %dma_wait3A_45 = tpu.memref_slice %arg7[%run_scoped3A, %dma_wait3A_44] : memref<80x128xi32, #tpu.memory_space<vmem>> -> memref<1x128xi32, #tpu.memory_space<vmem>>
      %dma_wait3A_46 = tpu.memref_squeeze %dma_wait3A_45 : memref<1x128xi32, #tpu.memory_space<vmem>> -> memref<128xi32, #tpu.memory_space<vmem>>
      %dma_wait3A_47 = arith.constant 0 : i32
      %dma_wait3A_48 = arith.constant 0 : i32
      %dma_wait3A_49 = tpu.memref_slice %arg6[%dma_wait3A_47, %dma_wait3A_48] : memref<10112x128xf32, #tpu.memory_space<vmem_shared>> -> memref<10112x128xf32, #tpu.memory_space<vmem_shared>>
      tpu.wait_indirect_dma semaphore(%run_scoped3A_37 : memref<!tpu.dma_semaphore, #tpu.memory_space<semaphore_mem>>) src(%arg8 : memref<128x128xf32, #tpu.memory_space<vmem>>) dst(%dma_wait3A_49 : memref<10112x128xf32, #tpu.memory_space<vmem_shared>>)
      tpu.yield
    }) : () -> ()
    %add3A_25 = arith.constant 10112 : i32
    %add3A_26 = arith.addi %mul3A_4, %add3A_25 : i32
    %dma_wait3A_27 = arith.constant 0 : i32
    %dma_wait3A_28 = tpu.memref_slice %arg2[%add3A_26, %dma_wait3A_27] : memref<327680x128xf32, #tpu.memory_space<hbm>> -> memref<128x128xf32, #tpu.memory_space<hbm>>
    %dma_wait3A_29 = arith.constant 0 : i32
    %dma_wait3A_30 = tpu.memref_slice %arg2[%add3A_26, %dma_wait3A_29] : memref<327680x128xf32, #tpu.memory_space<hbm>> -> memref<128x128xf32, #tpu.memory_space<hbm>>
    tpu.wait_dma2 semaphore(%arg11 : memref<!tpu.dma_semaphore, #tpu.memory_space<semaphore_mem>>) src(%dma_wait3A_30 : memref<128x128xf32, #tpu.memory_space<hbm>>) dst(%arg9 : memref<128x128xf32, #tpu.memory_space<vmem>>)
    %run_scoped3A_31 = arith.constant 79 : i32
    "tpu.region"() ({
      %run_scoped3A_37 = tpu.sem_alloc : memref<!tpu.dma_semaphore, #tpu.memory_space<semaphore_mem>>
      %dma_start3A_38 = arith.constant 0 : i32
      %dma_start3A_39 = tpu.memref_slice %arg7[%run_scoped3A_31, %dma_start3A_38] : memref<80x128xi32, #tpu.memory_space<vmem>> -> memref<1x128xi32, #tpu.memory_space<vmem>>
      %dma_start3A_40 = tpu.memref_squeeze %dma_start3A_39 : memref<1x128xi32, #tpu.memory_space<vmem>> -> memref<128xi32, #tpu.memory_space<vmem>>
      %dma_start3A_41 = arith.constant 0 : i32
      %dma_start3A_42 = arith.constant 0 : i32
      %dma_start3A_43 = tpu.memref_slice %arg6[%dma_start3A_41, %dma_start3A_42] : memref<10112x128xf32, #tpu.memory_space<vmem_shared>> -> memref<10112x128xf32, #tpu.memory_space<vmem_shared>>
      tpu.enqueue_indirect_dma source(%arg9 : memref<128x128xf32, #tpu.memory_space<vmem>>) target(%dma_start3A_43 : memref<10112x128xf32, #tpu.memory_space<vmem_shared>>) offsets(%dma_start3A_40 : memref<128xi32, #tpu.memory_space<vmem>>) semaphore(%run_scoped3A_37 : memref<!tpu.dma_semaphore, #tpu.memory_space<semaphore_mem>>) {add = true}
      %dma_wait3A_44 = arith.constant 0 : i32
      %dma_wait3A_45 = tpu.memref_slice %arg7[%run_scoped3A_31, %dma_wait3A_44] : memref<80x128xi32, #tpu.memory_space<vmem>> -> memref<1x128xi32, #tpu.memory_space<vmem>>
      %dma_wait3A_46 = tpu.memref_squeeze %dma_wait3A_45 : memref<1x128xi32, #tpu.memory_space<vmem>> -> memref<128xi32, #tpu.memory_space<vmem>>
      %dma_wait3A_47 = arith.constant 0 : i32
      %dma_wait3A_48 = arith.constant 0 : i32
      %dma_wait3A_49 = tpu.memref_slice %arg6[%dma_wait3A_47, %dma_wait3A_48] : memref<10112x128xf32, #tpu.memory_space<vmem_shared>> -> memref<10112x128xf32, #tpu.memory_space<vmem_shared>>
      tpu.wait_indirect_dma semaphore(%run_scoped3A_37 : memref<!tpu.dma_semaphore, #tpu.memory_space<semaphore_mem>>) src(%arg9 : memref<128x128xf32, #tpu.memory_space<vmem>>) dst(%dma_wait3A_49 : memref<10112x128xf32, #tpu.memory_space<vmem_shared>>)
      tpu.yield
    }) : () -> ()
    %barrier3A_32 = arith.constant 0 : index
    tpu.barrier barrier_id(%barrier3A_32)
    %mul3A_33 = arith.constant 632 : i32
    %mul3A_34 = arith.muli %arg1, %mul3A_33 : i32
    %mul3A_35 = arith.constant 632 : i32
    %mul3A_36 = arith.muli %arg1, %mul3A_35 : i32
    "tpu.region"() ({
      %run_scoped3A_37 = tpu.sem_alloc : memref<!tpu.dma_semaphore, #tpu.memory_space<semaphore_mem>>
      %dma_start3A_38 = arith.constant 0 : i32
      %dma_start3A_39 = tpu.memref_slice %arg5[%arg0, %mul3A_36, %dma_start3A_38] : memref<2x10112x128xf32, #tpu.memory_space<hbm>> -> memref<1x632x128xf32, #tpu.memory_space<hbm>>
      %dma_start3A_40 = tpu.memref_squeeze %dma_start3A_39 : memref<1x632x128xf32, #tpu.memory_space<hbm>> -> memref<632x128xf32, #tpu.memory_space<hbm>>
      %dma_start3A_41 = arith.constant 0 : i32
      %dma_start3A_42 = tpu.memref_slice %arg6[%mul3A_34, %dma_start3A_41] : memref<10112x128xf32, #tpu.memory_space<vmem_shared>> -> memref<632x128xf32, #tpu.memory_space<vmem_shared>>
      tpu.enqueue_dma source(%dma_start3A_42 : memref<632x128xf32, #tpu.memory_space<vmem_shared>>) target(%dma_start3A_40 : memref<632x128xf32, #tpu.memory_space<hbm>>) target_semaphore(%run_scoped3A_37 : memref<!tpu.dma_semaphore, #tpu.memory_space<semaphore_mem>>)
      %dma_wait3A_43 = arith.constant 0 : i32
      %dma_wait3A_44 = tpu.memref_slice %arg5[%arg0, %mul3A_36, %dma_wait3A_43] : memref<2x10112x128xf32, #tpu.memory_space<hbm>> -> memref<1x632x128xf32, #tpu.memory_space<hbm>>
      %dma_wait3A_45 = tpu.memref_squeeze %dma_wait3A_44 : memref<1x632x128xf32, #tpu.memory_space<hbm>> -> memref<632x128xf32, #tpu.memory_space<hbm>>
      %dma_wait3A_46 = arith.constant 0 : i32
      %dma_wait3A_47 = tpu.memref_slice %arg6[%mul3A_34, %dma_wait3A_46] : memref<10112x128xf32, #tpu.memory_space<vmem_shared>> -> memref<632x128xf32, #tpu.memory_space<vmem_shared>>
      tpu.wait_dma2 semaphore(%run_scoped3A_37 : memref<!tpu.dma_semaphore, #tpu.memory_space<semaphore_mem>>) src(%dma_wait3A_47 : memref<632x128xf32, #tpu.memory_space<vmem_shared>>) dst(%dma_wait3A_45 : memref<632x128xf32, #tpu.memory_space<hbm>>)
      tpu.yield
    }) : () -> ()
    return
  }
}

module attributes {stable_mosaic.version = 14 : i64} {
  func.func @_tc_table_body(%arg0: i32, %arg1: memref<2000x67xf32, #tpu.memory_space<vmem>>, %arg2: memref<67x16xf32, #tpu.memory_space<vmem>>, %arg3: memref<67x16xf32, #tpu.memory_space<vmem>>, %arg4: memref<67x128xf32, #tpu.memory_space<vmem>>, %arg5: memref<16x128xf32, #tpu.memory_space<vmem>>, %arg6: memref<67x128xf32, #tpu.memory_space<vmem>>, %arg7: memref<16x128xf32, #tpu.memory_space<vmem>>, %arg8: memref<2000x128xf32, #tpu.memory_space<vmem>>, %arg9: memref<2000x128xf32, #tpu.memory_space<vmem>>) attributes {dimension_semantics = [#tpu.dimension_semantics<arbitrary>], iteration_bounds = array<i64: 10>, scalar_prefetch = 0 : i64, scratch_operands = 0 : i64, tpu.core_type = #tpu.core_type<tc>, window_params = [{transform_indices = @transform_0, window_bounds = array<i64: 2000, 67>}, {pipeline_mode = #tpu.pipeline_mode<synchronous>, transform_indices = @transform_1, window_bounds = array<i64: 67, 16>}, {pipeline_mode = #tpu.pipeline_mode<synchronous>, transform_indices = @transform_2, window_bounds = array<i64: 67, 16>}, {pipeline_mode = #tpu.pipeline_mode<synchronous>, transform_indices = @transform_3, window_bounds = array<i64: 67, 128>}, {pipeline_mode = #tpu.pipeline_mode<synchronous>, transform_indices = @transform_4, window_bounds = array<i64: 16, 128>}, {pipeline_mode = #tpu.pipeline_mode<synchronous>, transform_indices = @transform_5, window_bounds = array<i64: 67, 128>}, {pipeline_mode = #tpu.pipeline_mode<synchronous>, transform_indices = @transform_6, window_bounds = array<i64: 16, 128>}, {transform_indices = @transform_7, window_bounds = array<i64: 2000, 128>}, {transform_indices = @transform_8, window_bounds = array<i64: 2000, 128>}]} {
    %get3A = arith.constant 0 : index
    %get3A_0 = arith.constant 0 : index
    %get3A_1 = vector.load %arg1[%get3A, %get3A_0] : memref<2000x67xf32, #tpu.memory_space<vmem>>, vector<2000x67xf32>
    %get3A_2 = arith.constant 0 : index
    %get3A_3 = arith.constant 0 : index
    %get3A_4 = vector.load %arg2[%get3A_2, %get3A_3] : memref<67x16xf32, #tpu.memory_space<vmem>>, vector<67x16xf32>
    %dot_general3A = arith.constant dense<0.000000e+00> : vector<2000x16xf32>
    %dot_general3A_5 = tpu.matmul %get3A_1, %get3A_4, %dot_general3A {dimension_numbers = #tpu.dot_dimension_numbers<[1], [0], [0], [1], [0, 0, 1, 1], [], []>, precision = #tpu.contract_precision<fp32>, transpose_lhs_hint = false} : vector<2000x67xf32>, vector<67x16xf32>, vector<2000x16xf32> -> vector<2000x16xf32>
    %get3A_6 = arith.constant 0 : index
    %get3A_7 = arith.constant 0 : index
    %get3A_8 = vector.load %arg3[%get3A_6, %get3A_7] : memref<67x16xf32, #tpu.memory_space<vmem>>, vector<67x16xf32>
    %dot_general3A_9 = arith.constant dense<0.000000e+00> : vector<2000x16xf32>
    %dot_general3A_10 = tpu.matmul %get3A_1, %get3A_8, %dot_general3A_9 {dimension_numbers = #tpu.dot_dimension_numbers<[1], [0], [0], [1], [0, 0, 1, 1], [], []>, precision = #tpu.contract_precision<fp32>, transpose_lhs_hint = false} : vector<2000x67xf32>, vector<67x16xf32>, vector<2000x16xf32> -> vector<2000x16xf32>
    %mul3A = arith.mulf %dot_general3A_5, %dot_general3A_10 : vector<2000x16xf32>
    %get3A_11 = arith.constant 0 : index
    %get3A_12 = arith.constant 0 : index
    %get3A_13 = vector.load %arg4[%get3A_11, %get3A_12] : memref<67x128xf32, #tpu.memory_space<vmem>>, vector<67x128xf32>
    %dot_general3A_14 = arith.constant dense<0.000000e+00> : vector<2000x128xf32>
    %dot_general3A_15 = tpu.matmul %get3A_1, %get3A_13, %dot_general3A_14 {dimension_numbers = #tpu.dot_dimension_numbers<[1], [0], [0], [1], [0, 0, 1, 1], [], []>, precision = #tpu.contract_precision<fp32>, transpose_lhs_hint = false} : vector<2000x67xf32>, vector<67x128xf32>, vector<2000x128xf32> -> vector<2000x128xf32>
    %get3A_16 = arith.constant 0 : index
    %get3A_17 = arith.constant 0 : index
    %get3A_18 = vector.load %arg5[%get3A_16, %get3A_17] : memref<16x128xf32, #tpu.memory_space<vmem>>, vector<16x128xf32>
    %dot_general3A_19 = arith.constant dense<0.000000e+00> : vector<2000x128xf32>
    %dot_general3A_20 = tpu.matmul %mul3A, %get3A_18, %dot_general3A_19 {dimension_numbers = #tpu.dot_dimension_numbers<[1], [0], [0], [1], [0, 0, 1, 1], [], []>, precision = #tpu.contract_precision<fp32>, transpose_lhs_hint = false} : vector<2000x16xf32>, vector<16x128xf32>, vector<2000x128xf32> -> vector<2000x128xf32>
    %add3A = arith.addf %dot_general3A_15, %dot_general3A_20 : vector<2000x128xf32>
    %swap3A = arith.constant 0 : index
    %swap3A_21 = arith.constant 0 : index
    %swap3A_22 = vector.load %arg8[%swap3A, %swap3A_21] : memref<2000x128xf32, #tpu.memory_space<vmem>>, vector<2000x128xf32>
    tpu.vector_store %arg8[%swap3A, %swap3A_21], %add3A {strides = array<i32>} : memref<2000x128xf32, #tpu.memory_space<vmem>>, vector<2000x128xf32>,
    %get3A_23 = arith.constant 0 : index
    %get3A_24 = arith.constant 0 : index
    %get3A_25 = vector.load %arg6[%get3A_23, %get3A_24] : memref<67x128xf32, #tpu.memory_space<vmem>>, vector<67x128xf32>
    %dot_general3A_26 = arith.constant dense<0.000000e+00> : vector<2000x128xf32>
    %dot_general3A_27 = tpu.matmul %get3A_1, %get3A_25, %dot_general3A_26 {dimension_numbers = #tpu.dot_dimension_numbers<[1], [0], [0], [1], [0, 0, 1, 1], [], []>, precision = #tpu.contract_precision<fp32>, transpose_lhs_hint = false} : vector<2000x67xf32>, vector<67x128xf32>, vector<2000x128xf32> -> vector<2000x128xf32>
    %get3A_28 = arith.constant 0 : index
    %get3A_29 = arith.constant 0 : index
    %get3A_30 = vector.load %arg7[%get3A_28, %get3A_29] : memref<16x128xf32, #tpu.memory_space<vmem>>, vector<16x128xf32>
    %dot_general3A_31 = arith.constant dense<0.000000e+00> : vector<2000x128xf32>
    %dot_general3A_32 = tpu.matmul %mul3A, %get3A_30, %dot_general3A_31 {dimension_numbers = #tpu.dot_dimension_numbers<[1], [0], [0], [1], [0, 0, 1, 1], [], []>, precision = #tpu.contract_precision<fp32>, transpose_lhs_hint = false} : vector<2000x16xf32>, vector<16x128xf32>, vector<2000x128xf32> -> vector<2000x128xf32>
    %add3A_33 = arith.addf %dot_general3A_27, %dot_general3A_32 : vector<2000x128xf32>
    %swap3A_34 = arith.constant 0 : index
    %swap3A_35 = arith.constant 0 : index
    %swap3A_36 = vector.load %arg9[%swap3A_34, %swap3A_35] : memref<2000x128xf32, #tpu.memory_space<vmem>>, vector<2000x128xf32>
    tpu.vector_store %arg9[%swap3A_34, %swap3A_35], %add3A_33 {strides = array<i32>} : memref<2000x128xf32, #tpu.memory_space<vmem>>, vector<2000x128xf32>,
    return
  }
  func.func @transform_0(%arg0: i32) -> (i32, i32) {
    %c0_i32 = arith.constant 0 : i32
    %c0_i32_0 = arith.constant 0 : i32
    return %arg0, %c0_i32 : i32, i32
  }
  func.func @transform_1(%arg0: i32) -> (i32, i32) {
    %c0_i32 = arith.constant 0 : i32
    %c0_i32_0 = arith.constant 0 : i32
    %c0_i32_1 = arith.constant 0 : i32
    return %c0_i32, %c0_i32_0 : i32, i32
  }
  func.func @transform_2(%arg0: i32) -> (i32, i32) {
    %c0_i32 = arith.constant 0 : i32
    %c0_i32_0 = arith.constant 0 : i32
    %c0_i32_1 = arith.constant 0 : i32
    return %c0_i32, %c0_i32_0 : i32, i32
  }
  func.func @transform_3(%arg0: i32) -> (i32, i32) {
    %c0_i32 = arith.constant 0 : i32
    %c0_i32_0 = arith.constant 0 : i32
    %c0_i32_1 = arith.constant 0 : i32
    return %c0_i32, %c0_i32_0 : i32, i32
  }
  func.func @transform_4(%arg0: i32) -> (i32, i32) {
    %c0_i32 = arith.constant 0 : i32
    %c0_i32_0 = arith.constant 0 : i32
    %c0_i32_1 = arith.constant 0 : i32
    return %c0_i32, %c0_i32_0 : i32, i32
  }
  func.func @transform_5(%arg0: i32) -> (i32, i32) {
    %c0_i32 = arith.constant 0 : i32
    %c0_i32_0 = arith.constant 0 : i32
    %c0_i32_1 = arith.constant 0 : i32
    return %c0_i32, %c0_i32_0 : i32, i32
  }
  func.func @transform_6(%arg0: i32) -> (i32, i32) {
    %c0_i32 = arith.constant 0 : i32
    %c0_i32_0 = arith.constant 0 : i32
    %c0_i32_1 = arith.constant 0 : i32
    return %c0_i32, %c0_i32_0 : i32, i32
  }
  func.func @transform_7(%arg0: i32) -> (i32, i32) {
    %c0_i32 = arith.constant 0 : i32
    %c0_i32_0 = arith.constant 0 : i32
    return %arg0, %c0_i32 : i32, i32
  }
  func.func @transform_8(%arg0: i32) -> (i32, i32) {
    %c0_i32 = arith.constant 0 : i32
    %c0_i32_0 = arith.constant 0 : i32
    return %arg0, %c0_i32 : i32, i32
  }
}

module attributes {stable_mosaic.version = 14 : i64} {
  func.func @_tc_edge_body(%arg0: i32, %arg1: memref<2048x128xf32, #tpu.memory_space<vmem>>, %arg2: memref<2048x128xf32, #tpu.memory_space<vmem>>, %arg3: memref<128x256xf32, #tpu.memory_space<vmem>>, %arg4: memref<128x256xf32, #tpu.memory_space<vmem>>, %arg5: memref<128x256xf32, #tpu.memory_space<vmem>>, %arg6: memref<1x256xf32, #tpu.memory_space<vmem>>, %arg7: memref<128x8xf32, #tpu.memory_space<vmem>>, %arg8: memref<8x256xf32, #tpu.memory_space<vmem>>, %arg9: memref<128x128xf32, #tpu.memory_space<vmem>>, %arg10: memref<1x128xf32, #tpu.memory_space<vmem>>, %arg11: memref<128x8xf32, #tpu.memory_space<vmem>>, %arg12: memref<1x8xf32, #tpu.memory_space<vmem>>, %arg13: memref<2048x128xf32, #tpu.memory_space<vmem>>) attributes {dimension_semantics = [#tpu.dimension_semantics<arbitrary>], iteration_bounds = array<i64: 160>, scalar_prefetch = 0 : i64, scratch_operands = 0 : i64, tpu.core_type = #tpu.core_type<tc>, window_params = [{transform_indices = @transform_0, window_bounds = array<i64: 2048, 128>}, {transform_indices = @transform_1, window_bounds = array<i64: 2048, 128>}, {pipeline_mode = #tpu.pipeline_mode<synchronous>, transform_indices = @transform_2, window_bounds = array<i64: 128, 256>}, {pipeline_mode = #tpu.pipeline_mode<synchronous>, transform_indices = @transform_3, window_bounds = array<i64: 128, 256>}, {pipeline_mode = #tpu.pipeline_mode<synchronous>, transform_indices = @transform_4, window_bounds = array<i64: 128, 256>}, {pipeline_mode = #tpu.pipeline_mode<synchronous>, transform_indices = @transform_5, window_bounds = array<i64: 1, 256>}, {pipeline_mode = #tpu.pipeline_mode<synchronous>, transform_indices = @transform_6, window_bounds = array<i64: 128, 8>}, {pipeline_mode = #tpu.pipeline_mode<synchronous>, transform_indices = @transform_7, window_bounds = array<i64: 8, 256>}, {pipeline_mode = #tpu.pipeline_mode<synchronous>, transform_indices = @transform_8, window_bounds = array<i64: 128, 128>}, {pipeline_mode = #tpu.pipeline_mode<synchronous>, transform_indices = @transform_9, window_bounds = array<i64: 1, 128>}, {pipeline_mode = #tpu.pipeline_mode<synchronous>, transform_indices = @transform_10, window_bounds = array<i64: 128, 8>}, {pipeline_mode = #tpu.pipeline_mode<synchronous>, transform_indices = @transform_11, window_bounds = array<i64: 1, 8>}, {transform_indices = @transform_12, window_bounds = array<i64: 2048, 128>}]} {
    %get3A = arith.constant 0 : index
    %get3A_0 = arith.constant 0 : index
    %get3A_1 = vector.load %arg1[%get3A, %get3A_0] : memref<2048x128xf32, #tpu.memory_space<vmem>>, vector<2048x128xf32>
    %get3A_2 = arith.constant 0 : index
    %get3A_3 = arith.constant 0 : index
    %get3A_4 = vector.load %arg2[%get3A_2, %get3A_3] : memref<2048x128xf32, #tpu.memory_space<vmem>>, vector<2048x128xf32>
    %mul3A = arith.mulf %get3A_1, %get3A_4 : vector<2048x128xf32>
    %convert_element_type3A = arith.truncf %get3A_1 : vector<2048x128xf32> to vector<2048x128xbf16>
    %get3A_5 = arith.constant 0 : index
    %get3A_6 = arith.constant 0 : index
    %get3A_7 = vector.load %arg3[%get3A_5, %get3A_6] : memref<128x256xf32, #tpu.memory_space<vmem>>, vector<128x256xf32>
    %convert_element_type3A_8 = arith.truncf %get3A_7 : vector<128x256xf32> to vector<128x256xbf16>
    %dot_general3A = arith.constant dense<0.000000e+00> : vector<2048x256xf32>
    %dot_general3A_9 = tpu.matmul %convert_element_type3A, %convert_element_type3A_8, %dot_general3A {dimension_numbers = #tpu.dot_dimension_numbers<[1], [0], [0], [1], [0, 0, 1, 1], [], []>, transpose_lhs_hint = false} : vector<2048x128xbf16>, vector<128x256xbf16>, vector<2048x256xf32> -> vector<2048x256xf32>
    %convert_element_type3A_10 = arith.truncf %get3A_4 : vector<2048x128xf32> to vector<2048x128xbf16>
    %get3A_11 = arith.constant 0 : index
    %get3A_12 = arith.constant 0 : index
    %get3A_13 = vector.load %arg4[%get3A_11, %get3A_12] : memref<128x256xf32, #tpu.memory_space<vmem>>, vector<128x256xf32>
    %convert_element_type3A_14 = arith.truncf %get3A_13 : vector<128x256xf32> to vector<128x256xbf16>
    %dot_general3A_15 = arith.constant dense<0.000000e+00> : vector<2048x256xf32>
    %dot_general3A_16 = tpu.matmul %convert_element_type3A_10, %convert_element_type3A_14, %dot_general3A_15 {dimension_numbers = #tpu.dot_dimension_numbers<[1], [0], [0], [1], [0, 0, 1, 1], [], []>, transpose_lhs_hint = false} : vector<2048x128xbf16>, vector<128x256xbf16>, vector<2048x256xf32> -> vector<2048x256xf32>
    %add3A = arith.addf %dot_general3A_9, %dot_general3A_16 : vector<2048x256xf32>
    %convert_element_type3A_17 = arith.truncf %mul3A : vector<2048x128xf32> to vector<2048x128xbf16>
    %get3A_18 = arith.constant 0 : index
    %get3A_19 = arith.constant 0 : index
    %get3A_20 = vector.load %arg5[%get3A_18, %get3A_19] : memref<128x256xf32, #tpu.memory_space<vmem>>, vector<128x256xf32>
    %convert_element_type3A_21 = arith.truncf %get3A_20 : vector<128x256xf32> to vector<128x256xbf16>
    %dot_general3A_22 = arith.constant dense<0.000000e+00> : vector<2048x256xf32>
    %dot_general3A_23 = tpu.matmul %convert_element_type3A_17, %convert_element_type3A_21, %dot_general3A_22 {dimension_numbers = #tpu.dot_dimension_numbers<[1], [0], [0], [1], [0, 0, 1, 1], [], []>, transpose_lhs_hint = false} : vector<2048x128xbf16>, vector<128x256xbf16>, vector<2048x256xf32> -> vector<2048x256xf32>
    %add3A_24 = arith.addf %add3A, %dot_general3A_23 : vector<2048x256xf32>
    %get3A_25 = arith.constant 0 : index
    %get3A_26 = arith.constant 0 : index
    %get3A_27 = vector.load %arg6[%get3A_25, %get3A_26] : memref<1x256xf32, #tpu.memory_space<vmem>>, vector<1x256xf32>
    %add3A_28 = vector.broadcast %get3A_27 : vector<1x256xf32> to vector<2048x256xf32>
    %add3A_29 = arith.addf %add3A_24, %add3A_28 : vector<2048x256xf32>
    %get3A_30 = arith.constant 0 : index
    %get3A_31 = arith.constant 0 : index
    %get3A_32 = vector.load %arg7[%get3A_30, %get3A_31] : memref<128x8xf32, #tpu.memory_space<vmem>>, vector<128x8xf32>
    %dot_general3A_33 = arith.constant dense<0.000000e+00> : vector<2048x8xf32>
    %dot_general3A_34 = tpu.matmul %mul3A, %get3A_32, %dot_general3A_33 {dimension_numbers = #tpu.dot_dimension_numbers<[1], [0], [0], [1], [0, 0, 1, 1], [], []>, transpose_lhs_hint = false} : vector<2048x128xf32>, vector<128x8xf32>, vector<2048x8xf32> -> vector<2048x8xf32>
    %max3A = arith.constant 0.000000e+00 : f32
    %max3A_35 = vector.broadcast %max3A : f32 to vector<2048x8xf32>
    %max3A_36 = arith.maximumf %dot_general3A_34, %max3A_35 : vector<2048x8xf32>
    %sqrt3A = math.sqrt %max3A_36 : vector<2048x8xf32>
    %get3A_37 = arith.constant 0 : index
    %get3A_38 = arith.constant 0 : index
    %get3A_39 = vector.load %arg8[%get3A_37, %get3A_38] : memref<8x256xf32, #tpu.memory_space<vmem>>, vector<8x256xf32>
    %dot_general3A_40 = arith.constant dense<0.000000e+00> : vector<2048x256xf32>
    %dot_general3A_41 = tpu.matmul %sqrt3A, %get3A_39, %dot_general3A_40 {dimension_numbers = #tpu.dot_dimension_numbers<[1], [0], [0], [1], [0, 0, 1, 1], [], []>, transpose_lhs_hint = false} : vector<2048x8xf32>, vector<8x256xf32>, vector<2048x256xf32> -> vector<2048x256xf32>
    %add3A_42 = arith.addf %add3A_29, %dot_general3A_41 : vector<2048x256xf32>
    %max3A_43 = arith.constant 0.000000e+00 : f32
    %max3A_44 = vector.broadcast %max3A_43 : f32 to vector<2048x256xf32>
    %max3A_45 = arith.maximumf %add3A_42, %max3A_44 : vector<2048x256xf32>
    %slice3A = vector.extract_strided_slice %max3A_45 {offsets = [0, 0], sizes = [2048, 128], strides = [1, 1]} : vector<2048x256xf32> to vector<2048x128xf32>
    %slice3A_46 = vector.extract_strided_slice %max3A_45 {offsets = [0, 128], sizes = [2048, 128], strides = [1, 1]} : vector<2048x256xf32> to vector<2048x128xf32>
    %convert_element_type3A_47 = arith.truncf %slice3A : vector<2048x128xf32> to vector<2048x128xbf16>
    %get3A_48 = arith.constant 0 : index
    %get3A_49 = arith.constant 0 : index
    %get3A_50 = vector.load %arg9[%get3A_48, %get3A_49] : memref<128x128xf32, #tpu.memory_space<vmem>>, vector<128x128xf32>
    %convert_element_type3A_51 = arith.truncf %get3A_50 : vector<128x128xf32> to vector<128x128xbf16>
    %dot_general3A_52 = arith.constant dense<0.000000e+00> : vector<2048x128xf32>
    %dot_general3A_53 = tpu.matmul %convert_element_type3A_47, %convert_element_type3A_51, %dot_general3A_52 {dimension_numbers = #tpu.dot_dimension_numbers<[1], [0], [0], [1], [0, 0, 1, 1], [], []>, transpose_lhs_hint = false} : vector<2048x128xbf16>, vector<128x128xbf16>, vector<2048x128xf32> -> vector<2048x128xf32>
    %get3A_54 = arith.constant 0 : index
    %get3A_55 = arith.constant 0 : index
    %get3A_56 = vector.load %arg10[%get3A_54, %get3A_55] : memref<1x128xf32, #tpu.memory_space<vmem>>, vector<1x128xf32>
    %add3A_57 = vector.broadcast %get3A_56 : vector<1x128xf32> to vector<2048x128xf32>
    %add3A_58 = arith.addf %dot_general3A_53, %add3A_57 : vector<2048x128xf32>
    %get3A_59 = arith.constant 0 : index
    %get3A_60 = arith.constant 0 : index
    %get3A_61 = vector.load %arg11[%get3A_59, %get3A_60] : memref<128x8xf32, #tpu.memory_space<vmem>>, vector<128x8xf32>
    %dot_general3A_62 = arith.constant dense<0.000000e+00> : vector<2048x8xf32>
    %dot_general3A_63 = tpu.matmul %slice3A_46, %get3A_61, %dot_general3A_62 {dimension_numbers = #tpu.dot_dimension_numbers<[1], [0], [0], [1], [0, 0, 1, 1], [], []>, transpose_lhs_hint = false} : vector<2048x128xf32>, vector<128x8xf32>, vector<2048x8xf32> -> vector<2048x8xf32>
    %get3A_64 = arith.constant 0 : index
    %get3A_65 = arith.constant 0 : index
    %get3A_66 = vector.load %arg12[%get3A_64, %get3A_65] : memref<1x8xf32, #tpu.memory_space<vmem>>, vector<1x8xf32>
    %add3A_67 = vector.broadcast %get3A_66 : vector<1x8xf32> to vector<2048x8xf32>
    %add3A_68 = arith.addf %dot_general3A_63, %add3A_67 : vector<2048x8xf32>
    %logistic3A = arith.negf %add3A_68 : vector<2048x8xf32>
    %logistic3A_69 = math.exp %logistic3A : vector<2048x8xf32>
    %logistic3A_70 = arith.constant 1.000000e+00 : f32
    %logistic3A_71 = vector.broadcast %logistic3A_70 : f32 to vector<2048x8xf32>
    %logistic3A_72 = arith.addf %logistic3A_71, %logistic3A_69 : vector<2048x8xf32>
    %logistic3A_73 = arith.divf %logistic3A_71, %logistic3A_72 : vector<2048x8xf32>
    %slice3A_74 = vector.extract_strided_slice %logistic3A_73 {offsets = [0, 0], sizes = [2048, 1], strides = [1, 1]} : vector<2048x8xf32> to vector<2048x1xf32>
    %mul3A_75 = vector.broadcast %slice3A_74 : vector<2048x1xf32> to vector<2048x128xf32>
    %mul3A_76 = arith.mulf %add3A_58, %mul3A_75 : vector<2048x128xf32>
    %swap3A = arith.constant 0 : index
    %swap3A_77 = arith.constant 0 : index
    %swap3A_78 = vector.load %arg13[%swap3A, %swap3A_77] : memref<2048x128xf32, #tpu.memory_space<vmem>>, vector<2048x128xf32>
    tpu.vector_store %arg13[%swap3A, %swap3A_77], %mul3A_76 {strides = array<i32>} : memref<2048x128xf32, #tpu.memory_space<vmem>>, vector<2048x128xf32>,
    return
  }
  func.func @transform_0(%arg0: i32) -> (i32, i32) {
    %c0_i32 = arith.constant 0 : i32
    %c0_i32_0 = arith.constant 0 : i32
    return %arg0, %c0_i32 : i32, i32
  }
  func.func @transform_1(%arg0: i32) -> (i32, i32) {
    %c0_i32 = arith.constant 0 : i32
    %c0_i32_0 = arith.constant 0 : i32
    return %arg0, %c0_i32 : i32, i32
  }
  func.func @transform_2(%arg0: i32) -> (i32, i32) {
    %c0_i32 = arith.constant 0 : i32
    %c0_i32_0 = arith.constant 0 : i32
    %c0_i32_1 = arith.constant 0 : i32
    return %c0_i32, %c0_i32_0 : i32, i32
  }
  func.func @transform_3(%arg0: i32) -> (i32, i32) {
    %c0_i32 = arith.constant 0 : i32
    %c0_i32_0 = arith.constant 0 : i32
    %c0_i32_1 = arith.constant 0 : i32
    return %c0_i32, %c0_i32_0 : i32, i32
  }
  func.func @transform_4(%arg0: i32) -> (i32, i32) {
    %c0_i32 = arith.constant 0 : i32
    %c0_i32_0 = arith.constant 0 : i32
    %c0_i32_1 = arith.constant 0 : i32
    return %c0_i32, %c0_i32_0 : i32, i32
  }
  func.func @transform_5(%arg0: i32) -> (i32, i32) {
    %c0_i32 = arith.constant 0 : i32
    %c0_i32_0 = arith.constant 0 : i32
    %c0_i32_1 = arith.constant 0 : i32
    return %c0_i32, %c0_i32_0 : i32, i32
  }
  func.func @transform_6(%arg0: i32) -> (i32, i32) {
    %c0_i32 = arith.constant 0 : i32
    %c0_i32_0 = arith.constant 0 : i32
    %c0_i32_1 = arith.constant 0 : i32
    return %c0_i32, %c0_i32_0 : i32, i32
  }
  func.func @transform_7(%arg0: i32) -> (i32, i32) {
    %c0_i32 = arith.constant 0 : i32
    %c0_i32_0 = arith.constant 0 : i32
    %c0_i32_1 = arith.constant 0 : i32
    return %c0_i32, %c0_i32_0 : i32, i32
  }
  func.func @transform_8(%arg0: i32) -> (i32, i32) {
    %c0_i32 = arith.constant 0 : i32
    %c0_i32_0 = arith.constant 0 : i32
    %c0_i32_1 = arith.constant 0 : i32
    return %c0_i32, %c0_i32_0 : i32, i32
  }
  func.func @transform_9(%arg0: i32) -> (i32, i32) {
    %c0_i32 = arith.constant 0 : i32
    %c0_i32_0 = arith.constant 0 : i32
    %c0_i32_1 = arith.constant 0 : i32
    return %c0_i32, %c0_i32_0 : i32, i32
  }
  func.func @transform_10(%arg0: i32) -> (i32, i32) {
    %c0_i32 = arith.constant 0 : i32
    %c0_i32_0 = arith.constant 0 : i32
    %c0_i32_1 = arith.constant 0 : i32
    return %c0_i32, %c0_i32_0 : i32, i32
  }
  func.func @transform_11(%arg0: i32) -> (i32, i32) {
    %c0_i32 = arith.constant 0 : i32
    %c0_i32_0 = arith.constant 0 : i32
    %c0_i32_1 = arith.constant 0 : i32
    return %c0_i32, %c0_i32_0 : i32, i32
  }
  func.func @transform_12(%arg0: i32) -> (i32, i32) {
    %c0_i32 = arith.constant 0 : i32
    %c0_i32_0 = arith.constant 0 : i32
    return %arg0, %c0_i32 : i32, i32
  }
}

module attributes {stable_mosaic.version = 14 : i64} {
  func.func @_tc_world_body(%arg0: i32, %arg1: memref<10000x128xf32, #tpu.memory_space<vmem>>, %arg2: memref<1x128x128xf32, #tpu.memory_space<vmem>>, %arg3: memref<1x1x128xf32, #tpu.memory_space<vmem>>, %arg4: memref<1x128x128xf32, #tpu.memory_space<vmem>>, %arg5: memref<1x1x128xf32, #tpu.memory_space<vmem>>, %arg6: memref<1x1x128xf32, #tpu.memory_space<vmem>>) attributes {dimension_semantics = [#tpu.dimension_semantics<arbitrary>], iteration_bounds = array<i64: 2>, scalar_prefetch = 0 : i64, scratch_operands = 0 : i64, tpu.core_type = #tpu.core_type<tc>, window_params = [{transform_indices = @transform_0, window_bounds = array<i64: 10000, 128>}, {transform_indices = @transform_1, window_bounds = array<i64: 1, 128, 128>}, {transform_indices = @transform_2, window_bounds = array<i64: 1, 1, 128>}, {transform_indices = @transform_3, window_bounds = array<i64: 1, 128, 128>}, {transform_indices = @transform_4, window_bounds = array<i64: 1, 1, 128>}, {transform_indices = @transform_5, window_bounds = array<i64: 1, 1, 128>}]} {
    %get3A = arith.constant 0 : index
    %get3A_0 = arith.constant 0 : index
    %get3A_1 = vector.load %arg1[%get3A, %get3A_0] : memref<10000x128xf32, #tpu.memory_space<vmem>>, vector<10000x128xf32>
    %get3A_2 = arith.constant 0 : index
    %get3A_3 = arith.constant 0 : index
    %get3A_4 = arith.constant 0 : index
    %get3A_5 = vector.load %arg2[%get3A_2, %get3A_3, %get3A_4] : memref<1x128x128xf32, #tpu.memory_space<vmem>>, vector<1x128x128xf32>
    %get3A_6 = vector.shape_cast %get3A_5 : vector<1x128x128xf32> to vector<128x128xf32>
    %dot_general3A = arith.constant dense<0.000000e+00> : vector<10000x128xf32>
    %dot_general3A_7 = tpu.matmul %get3A_1, %get3A_6, %dot_general3A {dimension_numbers = #tpu.dot_dimension_numbers<[1], [0], [0], [1], [0, 0, 1, 1], [], []>, transpose_lhs_hint = false} : vector<10000x128xf32>, vector<128x128xf32>, vector<10000x128xf32> -> vector<10000x128xf32>
    %get3A_8 = arith.constant 0 : index
    %get3A_9 = arith.constant 0 : index
    %get3A_10 = arith.constant 0 : index
    %get3A_11 = vector.load %arg3[%get3A_8, %get3A_9, %get3A_10] : memref<1x1x128xf32, #tpu.memory_space<vmem>>, vector<1x1x128xf32>
    %get3A_12 = vector.shape_cast %get3A_11 : vector<1x1x128xf32> to vector<1x128xf32>
    %add3A = vector.broadcast %get3A_12 : vector<1x128xf32> to vector<10000x128xf32>
    %add3A_13 = arith.addf %dot_general3A_7, %add3A : vector<10000x128xf32>
    %max3A = arith.constant 0.000000e+00 : f32
    %max3A_14 = vector.broadcast %max3A : f32 to vector<10000x128xf32>
    %max3A_15 = arith.maximumf %add3A_13, %max3A_14 : vector<10000x128xf32>
    %reduce_sum3A = arith.constant dense<0.000000e+00> : vector<128xf32>
    %reduce_sum3A_16 = vector.multi_reduction <add>, %max3A_15, %reduce_sum3A [0] : vector<10000x128xf32> to vector<128xf32>
    %broadcast_in_dim3A = vector.shape_cast %reduce_sum3A_16 : vector<128xf32> to vector<1x128xf32>
    %get3A_17 = arith.constant 0 : index
    %get3A_18 = arith.constant 0 : index
    %get3A_19 = arith.constant 0 : index
    %get3A_20 = vector.load %arg4[%get3A_17, %get3A_18, %get3A_19] : memref<1x128x128xf32, #tpu.memory_space<vmem>>, vector<1x128x128xf32>
    %get3A_21 = vector.shape_cast %get3A_20 : vector<1x128x128xf32> to vector<128x128xf32>
    %dot_general3A_22 = arith.constant dense<0.000000e+00> : vector<1x128xf32>
    %dot_general3A_23 = tpu.matmul %broadcast_in_dim3A, %get3A_21, %dot_general3A_22 {dimension_numbers = #tpu.dot_dimension_numbers<[1], [0], [0], [1], [0, 0, 1, 1], [], []>, transpose_lhs_hint = false} : vector<1x128xf32>, vector<128x128xf32>, vector<1x128xf32> -> vector<1x128xf32>
    %get3A_24 = arith.constant 0 : index
    %get3A_25 = arith.constant 0 : index
    %get3A_26 = arith.constant 0 : index
    %get3A_27 = vector.load %arg5[%get3A_24, %get3A_25, %get3A_26] : memref<1x1x128xf32, #tpu.memory_space<vmem>>, vector<1x1x128xf32>
    %get3A_28 = vector.shape_cast %get3A_27 : vector<1x1x128xf32> to vector<1x128xf32>
    %add3A_29 = arith.addf %dot_general3A_23, %get3A_28 : vector<1x128xf32>
    %swap3A = arith.constant 0 : index
    %swap3A_30 = arith.constant 0 : index
    %swap3A_31 = arith.constant 0 : index
    %swap3A_32 = vector.load %arg6[%swap3A, %swap3A_30, %swap3A_31] : memref<1x1x128xf32, #tpu.memory_space<vmem>>, vector<1x1x128xf32>
    %swap3A_33 = vector.shape_cast %swap3A_32 : vector<1x1x128xf32> to vector<1x128xf32>
    %swap3A_34 = vector.shape_cast %add3A_29 : vector<1x128xf32> to vector<1x1x128xf32>
    tpu.vector_store %arg6[%swap3A, %swap3A_30, %swap3A_31], %swap3A_34 {strides = array<i32>} : memref<1x1x128xf32, #tpu.memory_space<vmem>>, vector<1x1x128xf32>,
    return
  }
  func.func @transform_0(%arg0: i32) -> (i32, i32) {
    %c0_i32 = arith.constant 0 : i32
    %c0_i32_0 = arith.constant 0 : i32
    return %arg0, %c0_i32 : i32, i32
  }
  func.func @transform_1(%arg0: i32) -> (i32, i32, i32) {
    %c0_i32 = arith.constant 0 : i32
    %c0_i32_0 = arith.constant 0 : i32
    %c0_i32_1 = arith.constant 0 : i32
    return %arg0, %c0_i32, %c0_i32_0 : i32, i32, i32
  }
  func.func @transform_2(%arg0: i32) -> (i32, i32, i32) {
    %c0_i32 = arith.constant 0 : i32
    %c0_i32_0 = arith.constant 0 : i32
    %c0_i32_1 = arith.constant 0 : i32
    return %arg0, %c0_i32, %c0_i32_0 : i32, i32, i32
  }
  func.func @transform_3(%arg0: i32) -> (i32, i32, i32) {
    %c0_i32 = arith.constant 0 : i32
    %c0_i32_0 = arith.constant 0 : i32
    %c0_i32_1 = arith.constant 0 : i32
    return %arg0, %c0_i32, %c0_i32_0 : i32, i32, i32
  }
  func.func @transform_4(%arg0: i32) -> (i32, i32, i32) {
    %c0_i32 = arith.constant 0 : i32
    %c0_i32_0 = arith.constant 0 : i32
    %c0_i32_1 = arith.constant 0 : i32
    return %arg0, %c0_i32, %c0_i32_0 : i32, i32, i32
  }
  func.func @transform_5(%arg0: i32) -> (i32, i32, i32) {
    %c0_i32 = arith.constant 0 : i32
    %c0_i32_0 = arith.constant 0 : i32
    %c0_i32_1 = arith.constant 0 : i32
    return %arg0, %c0_i32, %c0_i32_0 : i32, i32, i32
  }
}

module attributes {stable_mosaic.version = 14 : i64} {
  func.func @_tc_node_body(%arg0: i32, %arg1: memref<2000x128xf32, #tpu.memory_space<vmem>>, %arg2: memref<2000x128xf32, #tpu.memory_space<vmem>>, %arg3: memref<2x2000x128xf32, #tpu.memory_space<vmem>>, %arg4: memref<2x2000x128xf32, #tpu.memory_space<vmem>>, %arg5: memref<2x2000x128xf32, #tpu.memory_space<vmem>>, %arg6: memref<2x2000x128xf32, #tpu.memory_space<vmem>>, %arg7: memref<2x1x128xf32, #tpu.memory_space<vmem>>, %arg8: memref<2x128x128xf32, #tpu.memory_space<vmem>>, %arg9: memref<2x128x128xf32, #tpu.memory_space<vmem>>, %arg10: memref<2x1x128xf32, #tpu.memory_space<vmem>>, %arg11: memref<2x128x128xf32, #tpu.memory_space<vmem>>, %arg12: memref<2x1x128xf32, #tpu.memory_space<vmem>>, %arg13: memref<2x128x128xf32, #tpu.memory_space<vmem>>, %arg14: memref<2x128x128xf32, #tpu.memory_space<vmem>>, %arg15: memref<2x1x128xf32, #tpu.memory_space<vmem>>, %arg16: memref<2x128x128xf32, #tpu.memory_space<vmem>>, %arg17: memref<2x1x128xf32, #tpu.memory_space<vmem>>, %arg18: memref<2x2000x128xf32, #tpu.memory_space<vmem>>) attributes {dimension_semantics = [#tpu.dimension_semantics<arbitrary>], iteration_bounds = array<i64: 5>, scalar_prefetch = 0 : i64, scratch_operands = 0 : i64, tpu.core_type = #tpu.core_type<tc>, window_params = [{transform_indices = @transform_0, window_bounds = array<i64: 2000, 128>}, {transform_indices = @transform_1, window_bounds = array<i64: 2000, 128>}, {transform_indices = @transform_2, window_bounds = array<i64: 2, 2000, 128>}, {transform_indices = @transform_3, window_bounds = array<i64: 2, 2000, 128>}, {transform_indices = @transform_4, window_bounds = array<i64: 2, 2000, 128>}, {transform_indices = @transform_5, window_bounds = array<i64: 2, 2000, 128>}, {pipeline_mode = #tpu.pipeline_mode<synchronous>, transform_indices = @transform_6, window_bounds = array<i64: 2, 1, 128>}, {pipeline_mode = #tpu.pipeline_mode<synchronous>, transform_indices = @transform_7, window_bounds = array<i64: 2, 128, 128>}, {pipeline_mode = #tpu.pipeline_mode<synchronous>, transform_indices = @transform_8, window_bounds = array<i64: 2, 128, 128>}, {pipeline_mode = #tpu.pipeline_mode<synchronous>, transform_indices = @transform_9, window_bounds = array<i64: 2, 1, 128>}, {pipeline_mode = #tpu.pipeline_mode<synchronous>, transform_indices = @transform_10, window_bounds = array<i64: 2, 128, 128>}, {pipeline_mode = #tpu.pipeline_mode<synchronous>, transform_indices = @transform_11, window_bounds = array<i64: 2, 1, 128>}, {pipeline_mode = #tpu.pipeline_mode<synchronous>, transform_indices = @transform_12, window_bounds = array<i64: 2, 128, 128>}, {pipeline_mode = #tpu.pipeline_mode<synchronous>, transform_indices = @transform_13, window_bounds = array<i64: 2, 128, 128>}, {pipeline_mode = #tpu.pipeline_mode<synchronous>, transform_indices = @transform_14, window_bounds = array<i64: 2, 1, 128>}, {pipeline_mode = #tpu.pipeline_mode<synchronous>, transform_indices = @transform_15, window_bounds = array<i64: 2, 128, 128>}, {pipeline_mode = #tpu.pipeline_mode<synchronous>, transform_indices = @transform_16, window_bounds = array<i64: 2, 1, 128>}, {transform_indices = @transform_17, window_bounds = array<i64: 2, 2000, 128>}]} {
    %get3A = arith.constant 0 : index
    %get3A_0 = arith.constant 0 : index
    %get3A_1 = vector.load %arg1[%get3A, %get3A_0] : memref<2000x128xf32, #tpu.memory_space<vmem>>, vector<2000x128xf32>
    %get3A_2 = arith.constant 0 : index
    %get3A_3 = arith.constant 0 : index
    %get3A_4 = vector.load %arg2[%get3A_2, %get3A_3] : memref<2000x128xf32, #tpu.memory_space<vmem>>, vector<2000x128xf32>
    %get3A_5 = arith.constant 0 : index
    %get3A_6 = arith.constant 0 : index
    %get3A_7 = arith.constant 0 : index
    %get3A_8 = vector.load %arg3[%get3A_5, %get3A_6, %get3A_7] : memref<2x2000x128xf32, #tpu.memory_space<vmem>>, vector<1x2000x128xf32>
    %get3A_9 = vector.shape_cast %get3A_8 : vector<1x2000x128xf32> to vector<2000x128xf32>
    %get3A_10 = arith.constant 1 : index
    %get3A_11 = arith.constant 0 : index
    %get3A_12 = arith.constant 0 : index
    %get3A_13 = vector.load %arg3[%get3A_10, %get3A_11, %get3A_12] : memref<2x2000x128xf32, #tpu.memory_space<vmem>>, vector<1x2000x128xf32>
    %get3A_14 = vector.shape_cast %get3A_13 : vector<1x2000x128xf32> to vector<2000x128xf32>
    %add3A = arith.addf %get3A_9, %get3A_14 : vector<2000x128xf32>
    %get3A_15 = arith.constant 0 : index
    %get3A_16 = arith.constant 0 : index
    %get3A_17 = arith.constant 0 : index
    %get3A_18 = vector.load %arg4[%get3A_15, %get3A_16, %get3A_17] : memref<2x2000x128xf32, #tpu.memory_space<vmem>>, vector<1x2000x128xf32>
    %get3A_19 = vector.shape_cast %get3A_18 : vector<1x2000x128xf32> to vector<2000x128xf32>
    %get3A_20 = arith.constant 1 : index
    %get3A_21 = arith.constant 0 : index
    %get3A_22 = arith.constant 0 : index
    %get3A_23 = vector.load %arg4[%get3A_20, %get3A_21, %get3A_22] : memref<2x2000x128xf32, #tpu.memory_space<vmem>>, vector<1x2000x128xf32>
    %get3A_24 = vector.shape_cast %get3A_23 : vector<1x2000x128xf32> to vector<2000x128xf32>
    %add3A_25 = arith.addf %get3A_19, %get3A_24 : vector<2000x128xf32>
    %get3A_26 = arith.constant 0 : index
    %get3A_27 = arith.constant 0 : index
    %get3A_28 = arith.constant 0 : index
    %get3A_29 = vector.load %arg7[%get3A_26, %get3A_27, %get3A_28] : memref<2x1x128xf32, #tpu.memory_space<vmem>>, vector<1x1x128xf32>
    %get3A_30 = vector.shape_cast %get3A_29 : vector<1x1x128xf32> to vector<1x128xf32>
    %get3A_31 = arith.constant 0 : index
    %get3A_32 = arith.constant 0 : index
    %get3A_33 = arith.constant 0 : index
    %get3A_34 = vector.load %arg8[%get3A_31, %get3A_32, %get3A_33] : memref<2x128x128xf32, #tpu.memory_space<vmem>>, vector<1x128x128xf32>
    %get3A_35 = vector.shape_cast %get3A_34 : vector<1x128x128xf32> to vector<128x128xf32>
    %dot_general3A = arith.constant dense<0.000000e+00> : vector<2000x128xf32>
    %dot_general3A_36 = tpu.matmul %get3A_1, %get3A_35, %dot_general3A {dimension_numbers = #tpu.dot_dimension_numbers<[1], [0], [0], [1], [0, 0, 1, 1], [], []>, transpose_lhs_hint = false} : vector<2000x128xf32>, vector<128x128xf32>, vector<2000x128xf32> -> vector<2000x128xf32>
    %get3A_37 = arith.constant 0 : index
    %get3A_38 = arith.constant 0 : index
    %get3A_39 = arith.constant 0 : index
    %get3A_40 = vector.load %arg9[%get3A_37, %get3A_38, %get3A_39] : memref<2x128x128xf32, #tpu.memory_space<vmem>>, vector<1x128x128xf32>
    %get3A_41 = vector.shape_cast %get3A_40 : vector<1x128x128xf32> to vector<128x128xf32>
    %dot_general3A_42 = arith.constant dense<0.000000e+00> : vector<2000x128xf32>
    %dot_general3A_43 = tpu.matmul %add3A, %get3A_41, %dot_general3A_42 {dimension_numbers = #tpu.dot_dimension_numbers<[1], [0], [0], [1], [0, 0, 1, 1], [], []>, transpose_lhs_hint = false} : vector<2000x128xf32>, vector<128x128xf32>, vector<2000x128xf32> -> vector<2000x128xf32>
    %add3A_44 = arith.addf %dot_general3A_36, %dot_general3A_43 : vector<2000x128xf32>
    %get3A_45 = arith.constant 0 : index
    %get3A_46 = arith.constant 0 : index
    %get3A_47 = arith.constant 0 : index
    %get3A_48 = vector.load %arg9[%get3A_45, %get3A_46, %get3A_47] : memref<2x128x128xf32, #tpu.memory_space<vmem>>, vector<1x128x128xf32>
    %get3A_49 = vector.shape_cast %get3A_48 : vector<1x128x128xf32> to vector<128x128xf32>
    %dot_general3A_50 = arith.constant dense<0.000000e+00> : vector<1x128xf32>
    %dot_general3A_51 = tpu.matmul %get3A_30, %get3A_49, %dot_general3A_50 {dimension_numbers = #tpu.dot_dimension_numbers<[1], [0], [0], [1], [0, 0, 1, 1], [], []>, transpose_lhs_hint = false} : vector<1x128xf32>, vector<128x128xf32>, vector<1x128xf32> -> vector<1x128xf32>
    %add3A_52 = vector.broadcast %dot_general3A_51 : vector<1x128xf32> to vector<2000x128xf32>
    %add3A_53 = arith.addf %add3A_44, %add3A_52 : vector<2000x128xf32>
    %get3A_54 = arith.constant 0 : index
    %get3A_55 = arith.constant 0 : index
    %get3A_56 = arith.constant 0 : index
    %get3A_57 = vector.load %arg10[%get3A_54, %get3A_55, %get3A_56] : memref<2x1x128xf32, #tpu.memory_space<vmem>>, vector<1x1x128xf32>
    %get3A_58 = vector.shape_cast %get3A_57 : vector<1x1x128xf32> to vector<1x128xf32>
    %add3A_59 = vector.broadcast %get3A_58 : vector<1x128xf32> to vector<2000x128xf32>
    %add3A_60 = arith.addf %add3A_53, %add3A_59 : vector<2000x128xf32>
    %max3A = arith.constant 0.000000e+00 : f32
    %max3A_61 = vector.broadcast %max3A : f32 to vector<2000x128xf32>
    %max3A_62 = arith.maximumf %add3A_60, %max3A_61 : vector<2000x128xf32>
    %get3A_63 = arith.constant 0 : index
    %get3A_64 = arith.constant 0 : index
    %get3A_65 = arith.constant 0 : index
    %get3A_66 = vector.load %arg11[%get3A_63, %get3A_64, %get3A_65] : memref<2x128x128xf32, #tpu.memory_space<vmem>>, vector<1x128x128xf32>
    %get3A_67 = vector.shape_cast %get3A_66 : vector<1x128x128xf32> to vector<128x128xf32>
    %dot_general3A_68 = arith.constant dense<0.000000e+00> : vector<2000x128xf32>
    %dot_general3A_69 = tpu.matmul %max3A_62, %get3A_67, %dot_general3A_68 {dimension_numbers = #tpu.dot_dimension_numbers<[1], [0], [0], [1], [0, 0, 1, 1], [], []>, transpose_lhs_hint = false} : vector<2000x128xf32>, vector<128x128xf32>, vector<2000x128xf32> -> vector<2000x128xf32>
    %get3A_70 = arith.constant 0 : index
    %get3A_71 = arith.constant 0 : index
    %get3A_72 = arith.constant 0 : index
    %get3A_73 = vector.load %arg12[%get3A_70, %get3A_71, %get3A_72] : memref<2x1x128xf32, #tpu.memory_space<vmem>>, vector<1x1x128xf32>
    %get3A_74 = vector.shape_cast %get3A_73 : vector<1x1x128xf32> to vector<1x128xf32>
    %add3A_75 = vector.broadcast %get3A_74 : vector<1x128xf32> to vector<2000x128xf32>
    %add3A_76 = arith.addf %dot_general3A_69, %add3A_75 : vector<2000x128xf32>
    %get3A_77 = arith.constant 0 : index
    %get3A_78 = arith.constant 0 : index
    %get3A_79 = arith.constant 0 : index
    %get3A_80 = vector.load %arg13[%get3A_77, %get3A_78, %get3A_79] : memref<2x128x128xf32, #tpu.memory_space<vmem>>, vector<1x128x128xf32>
    %get3A_81 = vector.shape_cast %get3A_80 : vector<1x128x128xf32> to vector<128x128xf32>
    %dot_general3A_82 = arith.constant dense<0.000000e+00> : vector<2000x128xf32>
    %dot_general3A_83 = tpu.matmul %get3A_1, %get3A_81, %dot_general3A_82 {dimension_numbers = #tpu.dot_dimension_numbers<[1], [0], [0], [1], [0, 0, 1, 1], [], []>, transpose_lhs_hint = false} : vector<2000x128xf32>, vector<128x128xf32>, vector<2000x128xf32> -> vector<2000x128xf32>
    %get3A_84 = arith.constant 0 : index
    %get3A_85 = arith.constant 0 : index
    %get3A_86 = arith.constant 0 : index
    %get3A_87 = vector.load %arg14[%get3A_84, %get3A_85, %get3A_86] : memref<2x128x128xf32, #tpu.memory_space<vmem>>, vector<1x128x128xf32>
    %get3A_88 = vector.shape_cast %get3A_87 : vector<1x128x128xf32> to vector<128x128xf32>
    %dot_general3A_89 = arith.constant dense<0.000000e+00> : vector<2000x128xf32>
    %dot_general3A_90 = tpu.matmul %add3A_25, %get3A_88, %dot_general3A_89 {dimension_numbers = #tpu.dot_dimension_numbers<[1], [0], [0], [1], [0, 0, 1, 1], [], []>, transpose_lhs_hint = false} : vector<2000x128xf32>, vector<128x128xf32>, vector<2000x128xf32> -> vector<2000x128xf32>
    %add3A_91 = arith.addf %dot_general3A_83, %dot_general3A_90 : vector<2000x128xf32>
    %get3A_92 = arith.constant 0 : index
    %get3A_93 = arith.constant 0 : index
    %get3A_94 = arith.constant 0 : index
    %get3A_95 = vector.load %arg15[%get3A_92, %get3A_93, %get3A_94] : memref<2x1x128xf32, #tpu.memory_space<vmem>>, vector<1x1x128xf32>
    %get3A_96 = vector.shape_cast %get3A_95 : vector<1x1x128xf32> to vector<1x128xf32>
    %add3A_97 = vector.broadcast %get3A_96 : vector<1x128xf32> to vector<2000x128xf32>
    %add3A_98 = arith.addf %add3A_91, %add3A_97 : vector<2000x128xf32>
    %max3A_99 = arith.constant 0.000000e+00 : f32
    %max3A_100 = vector.broadcast %max3A_99 : f32 to vector<2000x128xf32>
    %max3A_101 = arith.maximumf %add3A_98, %max3A_100 : vector<2000x128xf32>
    %get3A_102 = arith.constant 0 : index
    %get3A_103 = arith.constant 0 : index
    %get3A_104 = arith.constant 0 : index
    %get3A_105 = vector.load %arg16[%get3A_102, %get3A_103, %get3A_104] : memref<2x128x128xf32, #tpu.memory_space<vmem>>, vector<1x128x128xf32>
    %get3A_106 = vector.shape_cast %get3A_105 : vector<1x128x128xf32> to vector<128x128xf32>
    %dot_general3A_107 = arith.constant dense<0.000000e+00> : vector<2000x128xf32>
    %dot_general3A_108 = tpu.matmul %max3A_101, %get3A_106, %dot_general3A_107 {dimension_numbers = #tpu.dot_dimension_numbers<[1], [0], [0], [1], [0, 0, 1, 1], [], []>, transpose_lhs_hint = false} : vector<2000x128xf32>, vector<128x128xf32>, vector<2000x128xf32> -> vector<2000x128xf32>
    %add3A_109 = arith.addf %add3A_76, %dot_general3A_108 : vector<2000x128xf32>
    %get3A_110 = arith.constant 0 : index
    %get3A_111 = arith.constant 0 : index
    %get3A_112 = arith.constant 0 : index
    %get3A_113 = vector.load %arg17[%get3A_110, %get3A_111, %get3A_112] : memref<2x1x128xf32, #tpu.memory_space<vmem>>, vector<1x1x128xf32>
    %get3A_114 = vector.shape_cast %get3A_113 : vector<1x1x128xf32> to vector<1x128xf32>
    %add3A_115 = vector.broadcast %get3A_114 : vector<1x128xf32> to vector<2000x128xf32>
    %add3A_116 = arith.addf %add3A_109, %add3A_115 : vector<2000x128xf32>
    %swap3A = arith.constant 0 : index
    %swap3A_117 = arith.constant 0 : index
    %swap3A_118 = arith.constant 0 : index
    %swap3A_119 = vector.load %arg18[%swap3A, %swap3A_117, %swap3A_118] : memref<2x2000x128xf32, #tpu.memory_space<vmem>>, vector<1x2000x128xf32>
    %swap3A_120 = vector.shape_cast %swap3A_119 : vector<1x2000x128xf32> to vector<2000x128xf32>
    %swap3A_121 = vector.shape_cast %add3A_116 : vector<2000x128xf32> to vector<1x2000x128xf32>
    tpu.vector_store %arg18[%swap3A, %swap3A_117, %swap3A_118], %swap3A_121 {strides = array<i32>} : memref<2x2000x128xf32, #tpu.memory_space<vmem>>, vector<1x2000x128xf32>,
    %get3A_122 = arith.constant 0 : index
    %get3A_123 = arith.constant 0 : index
    %get3A_124 = arith.constant 0 : index
    %get3A_125 = vector.load %arg5[%get3A_122, %get3A_123, %get3A_124] : memref<2x2000x128xf32, #tpu.memory_space<vmem>>, vector<1x2000x128xf32>
    %get3A_126 = vector.shape_cast %get3A_125 : vector<1x2000x128xf32> to vector<2000x128xf32>
    %get3A_127 = arith.constant 1 : index
    %get3A_128 = arith.constant 0 : index
    %get3A_129 = arith.constant 0 : index
    %get3A_130 = vector.load %arg5[%get3A_127, %get3A_128, %get3A_129] : memref<2x2000x128xf32, #tpu.memory_space<vmem>>, vector<1x2000x128xf32>
    %get3A_131 = vector.shape_cast %get3A_130 : vector<1x2000x128xf32> to vector<2000x128xf32>
    %add3A_132 = arith.addf %get3A_126, %get3A_131 : vector<2000x128xf32>
    %get3A_133 = arith.constant 0 : index
    %get3A_134 = arith.constant 0 : index
    %get3A_135 = arith.constant 0 : index
    %get3A_136 = vector.load %arg6[%get3A_133, %get3A_134, %get3A_135] : memref<2x2000x128xf32, #tpu.memory_space<vmem>>, vector<1x2000x128xf32>
    %get3A_137 = vector.shape_cast %get3A_136 : vector<1x2000x128xf32> to vector<2000x128xf32>
    %get3A_138 = arith.constant 1 : index
    %get3A_139 = arith.constant 0 : index
    %get3A_140 = arith.constant 0 : index
    %get3A_141 = vector.load %arg6[%get3A_138, %get3A_139, %get3A_140] : memref<2x2000x128xf32, #tpu.memory_space<vmem>>, vector<1x2000x128xf32>
    %get3A_142 = vector.shape_cast %get3A_141 : vector<1x2000x128xf32> to vector<2000x128xf32>
    %add3A_143 = arith.addf %get3A_137, %get3A_142 : vector<2000x128xf32>
    %get3A_144 = arith.constant 1 : index
    %get3A_145 = arith.constant 0 : index
    %get3A_146 = arith.constant 0 : index
    %get3A_147 = vector.load %arg7[%get3A_144, %get3A_145, %get3A_146] : memref<2x1x128xf32, #tpu.memory_space<vmem>>, vector<1x1x128xf32>
    %get3A_148 = vector.shape_cast %get3A_147 : vector<1x1x128xf32> to vector<1x128xf32>
    %get3A_149 = arith.constant 1 : index
    %get3A_150 = arith.constant 0 : index
    %get3A_151 = arith.constant 0 : index
    %get3A_152 = vector.load %arg8[%get3A_149, %get3A_150, %get3A_151] : memref<2x128x128xf32, #tpu.memory_space<vmem>>, vector<1x128x128xf32>
    %get3A_153 = vector.shape_cast %get3A_152 : vector<1x128x128xf32> to vector<128x128xf32>
    %dot_general3A_154 = arith.constant dense<0.000000e+00> : vector<2000x128xf32>
    %dot_general3A_155 = tpu.matmul %get3A_4, %get3A_153, %dot_general3A_154 {dimension_numbers = #tpu.dot_dimension_numbers<[1], [0], [0], [1], [0, 0, 1, 1], [], []>, transpose_lhs_hint = false} : vector<2000x128xf32>, vector<128x128xf32>, vector<2000x128xf32> -> vector<2000x128xf32>
    %get3A_156 = arith.constant 1 : index
    %get3A_157 = arith.constant 0 : index
    %get3A_158 = arith.constant 0 : index
    %get3A_159 = vector.load %arg9[%get3A_156, %get3A_157, %get3A_158] : memref<2x128x128xf32, #tpu.memory_space<vmem>>, vector<1x128x128xf32>
    %get3A_160 = vector.shape_cast %get3A_159 : vector<1x128x128xf32> to vector<128x128xf32>
    %dot_general3A_161 = arith.constant dense<0.000000e+00> : vector<2000x128xf32>
    %dot_general3A_162 = tpu.matmul %add3A_132, %get3A_160, %dot_general3A_161 {dimension_numbers = #tpu.dot_dimension_numbers<[1], [0], [0], [1], [0, 0, 1, 1], [], []>, transpose_lhs_hint = false} : vector<2000x128xf32>, vector<128x128xf32>, vector<2000x128xf32> -> vector<2000x128xf32>
    %add3A_163 = arith.addf %dot_general3A_155, %dot_general3A_162 : vector<2000x128xf32>
    %get3A_164 = arith.constant 1 : index
    %get3A_165 = arith.constant 0 : index
    %get3A_166 = arith.constant 0 : index
    %get3A_167 = vector.load %arg9[%get3A_164, %get3A_165, %get3A_166] : memref<2x128x128xf32, #tpu.memory_space<vmem>>, vector<1x128x128xf32>
    %get3A_168 = vector.shape_cast %get3A_167 : vector<1x128x128xf32> to vector<128x128xf32>
    %dot_general3A_169 = arith.constant dense<0.000000e+00> : vector<1x128xf32>
    %dot_general3A_170 = tpu.matmul %get3A_148, %get3A_168, %dot_general3A_169 {dimension_numbers = #tpu.dot_dimension_numbers<[1], [0], [0], [1], [0, 0, 1, 1], [], []>, transpose_lhs_hint = false} : vector<1x128xf32>, vector<128x128xf32>, vector<1x128xf32> -> vector<1x128xf32>
    %add3A_171 = vector.broadcast %dot_general3A_170 : vector<1x128xf32> to vector<2000x128xf32>
    %add3A_172 = arith.addf %add3A_163, %add3A_171 : vector<2000x128xf32>
    %get3A_173 = arith.constant 1 : index
    %get3A_174 = arith.constant 0 : index
    %get3A_175 = arith.constant 0 : index
    %get3A_176 = vector.load %arg10[%get3A_173, %get3A_174, %get3A_175] : memref<2x1x128xf32, #tpu.memory_space<vmem>>, vector<1x1x128xf32>
    %get3A_177 = vector.shape_cast %get3A_176 : vector<1x1x128xf32> to vector<1x128xf32>
    %add3A_178 = vector.broadcast %get3A_177 : vector<1x128xf32> to vector<2000x128xf32>
    %add3A_179 = arith.addf %add3A_172, %add3A_178 : vector<2000x128xf32>
    %max3A_180 = arith.constant 0.000000e+00 : f32
    %max3A_181 = vector.broadcast %max3A_180 : f32 to vector<2000x128xf32>
    %max3A_182 = arith.maximumf %add3A_179, %max3A_181 : vector<2000x128xf32>
    %get3A_183 = arith.constant 1 : index
    %get3A_184 = arith.constant 0 : index
    %get3A_185 = arith.constant 0 : index
    %get3A_186 = vector.load %arg11[%get3A_183, %get3A_184, %get3A_185] : memref<2x128x128xf32, #tpu.memory_space<vmem>>, vector<1x128x128xf32>
    %get3A_187 = vector.shape_cast %get3A_186 : vector<1x128x128xf32> to vector<128x128xf32>
    %dot_general3A_188 = arith.constant dense<0.000000e+00> : vector<2000x128xf32>
    %dot_general3A_189 = tpu.matmul %max3A_182, %get3A_187, %dot_general3A_188 {dimension_numbers = #tpu.dot_dimension_numbers<[1], [0], [0], [1], [0, 0, 1, 1], [], []>, transpose_lhs_hint = false} : vector<2000x128xf32>, vector<128x128xf32>, vector<2000x128xf32> -> vector<2000x128xf32>
    %get3A_190 = arith.constant 1 : index
    %get3A_191 = arith.constant 0 : index
    %get3A_192 = arith.constant 0 : index
    %get3A_193 = vector.load %arg12[%get3A_190, %get3A_191, %get3A_192] : memref<2x1x128xf32, #tpu.memory_space<vmem>>, vector<1x1x128xf32>
    %get3A_194 = vector.shape_cast %get3A_193 : vector<1x1x128xf32> to vector<1x128xf32>
    %add3A_195 = vector.broadcast %get3A_194 : vector<1x128xf32> to vector<2000x128xf32>
    %add3A_196 = arith.addf %dot_general3A_189, %add3A_195 : vector<2000x128xf32>
    %get3A_197 = arith.constant 1 : index
    %get3A_198 = arith.constant 0 : index
    %get3A_199 = arith.constant 0 : index
    %get3A_200 = vector.load %arg13[%get3A_197, %get3A_198, %get3A_199] : memref<2x128x128xf32, #tpu.memory_space<vmem>>, vector<1x128x128xf32>
    %get3A_201 = vector.shape_cast %get3A_200 : vector<1x128x128xf32> to vector<128x128xf32>
    %dot_general3A_202 = arith.constant dense<0.000000e+00> : vector<2000x128xf32>
    %dot_general3A_203 = tpu.matmul %get3A_4, %get3A_201, %dot_general3A_202 {dimension_numbers = #tpu.dot_dimension_numbers<[1], [0], [0], [1], [0, 0, 1, 1], [], []>, transpose_lhs_hint = false} : vector<2000x128xf32>, vector<128x128xf32>, vector<2000x128xf32> -> vector<2000x128xf32>
    %get3A_204 = arith.constant 1 : index
    %get3A_205 = arith.constant 0 : index
    %get3A_206 = arith.constant 0 : index
    %get3A_207 = vector.load %arg14[%get3A_204, %get3A_205, %get3A_206] : memref<2x128x128xf32, #tpu.memory_space<vmem>>, vector<1x128x128xf32>
    %get3A_208 = vector.shape_cast %get3A_207 : vector<1x128x128xf32> to vector<128x128xf32>
    %dot_general3A_209 = arith.constant dense<0.000000e+00> : vector<2000x128xf32>
    %dot_general3A_210 = tpu.matmul %add3A_143, %get3A_208, %dot_general3A_209 {dimension_numbers = #tpu.dot_dimension_numbers<[1], [0], [0], [1], [0, 0, 1, 1], [], []>, transpose_lhs_hint = false} : vector<2000x128xf32>, vector<128x128xf32>, vector<2000x128xf32> -> vector<2000x128xf32>
    %add3A_211 = arith.addf %dot_general3A_203, %dot_general3A_210 : vector<2000x128xf32>
    %get3A_212 = arith.constant 1 : index
    %get3A_213 = arith.constant 0 : index
    %get3A_214 = arith.constant 0 : index
    %get3A_215 = vector.load %arg15[%get3A_212, %get3A_213, %get3A_214] : memref<2x1x128xf32, #tpu.memory_space<vmem>>, vector<1x1x128xf32>
    %get3A_216 = vector.shape_cast %get3A_215 : vector<1x1x128xf32> to vector<1x128xf32>
    %add3A_217 = vector.broadcast %get3A_216 : vector<1x128xf32> to vector<2000x128xf32>
    %add3A_218 = arith.addf %add3A_211, %add3A_217 : vector<2000x128xf32>
    %max3A_219 = arith.constant 0.000000e+00 : f32
    %max3A_220 = vector.broadcast %max3A_219 : f32 to vector<2000x128xf32>
    %max3A_221 = arith.maximumf %add3A_218, %max3A_220 : vector<2000x128xf32>
    %get3A_222 = arith.constant 1 : index
    %get3A_223 = arith.constant 0 : index
    %get3A_224 = arith.constant 0 : index
    %get3A_225 = vector.load %arg16[%get3A_222, %get3A_223, %get3A_224] : memref<2x128x128xf32, #tpu.memory_space<vmem>>, vector<1x128x128xf32>
    %get3A_226 = vector.shape_cast %get3A_225 : vector<1x128x128xf32> to vector<128x128xf32>
    %dot_general3A_227 = arith.constant dense<0.000000e+00> : vector<2000x128xf32>
    %dot_general3A_228 = tpu.matmul %max3A_221, %get3A_226, %dot_general3A_227 {dimension_numbers = #tpu.dot_dimension_numbers<[1], [0], [0], [1], [0, 0, 1, 1], [], []>, transpose_lhs_hint = false} : vector<2000x128xf32>, vector<128x128xf32>, vector<2000x128xf32> -> vector<2000x128xf32>
    %add3A_229 = arith.addf %add3A_196, %dot_general3A_228 : vector<2000x128xf32>
    %get3A_230 = arith.constant 1 : index
    %get3A_231 = arith.constant 0 : index
    %get3A_232 = arith.constant 0 : index
    %get3A_233 = vector.load %arg17[%get3A_230, %get3A_231, %get3A_232] : memref<2x1x128xf32, #tpu.memory_space<vmem>>, vector<1x1x128xf32>
    %get3A_234 = vector.shape_cast %get3A_233 : vector<1x1x128xf32> to vector<1x128xf32>
    %add3A_235 = vector.broadcast %get3A_234 : vector<1x128xf32> to vector<2000x128xf32>
    %add3A_236 = arith.addf %add3A_229, %add3A_235 : vector<2000x128xf32>
    %swap3A_237 = arith.constant 1 : index
    %swap3A_238 = arith.constant 0 : index
    %swap3A_239 = arith.constant 0 : index
    %swap3A_240 = vector.load %arg18[%swap3A_237, %swap3A_238, %swap3A_239] : memref<2x2000x128xf32, #tpu.memory_space<vmem>>, vector<1x2000x128xf32>
    %swap3A_241 = vector.shape_cast %swap3A_240 : vector<1x2000x128xf32> to vector<2000x128xf32>
    %swap3A_242 = vector.shape_cast %add3A_236 : vector<2000x128xf32> to vector<1x2000x128xf32>
    tpu.vector_store %arg18[%swap3A_237, %swap3A_238, %swap3A_239], %swap3A_242 {strides = array<i32>} : memref<2x2000x128xf32, #tpu.memory_space<vmem>>, vector<1x2000x128xf32>,
    return
  }
  func.func @transform_0(%arg0: i32) -> (i32, i32) {
    %c0_i32 = arith.constant 0 : i32
    %c0_i32_0 = arith.constant 0 : i32
    return %arg0, %c0_i32 : i32, i32
  }
  func.func @transform_1(%arg0: i32) -> (i32, i32) {
    %add3A = arith.constant 5 : i32
    %add3A_0 = arith.addi %arg0, %add3A : i32
    %c0_i32 = arith.constant 0 : i32
    %c0_i32_1 = arith.constant 0 : i32
    return %add3A_0, %c0_i32 : i32, i32
  }
  func.func @transform_2(%arg0: i32) -> (i32, i32, i32) {
    %c0_i32 = arith.constant 0 : i32
    %c0_i32_0 = arith.constant 0 : i32
    %c0_i32_1 = arith.constant 0 : i32
    return %c0_i32, %arg0, %c0_i32_0 : i32, i32, i32
  }
  func.func @transform_3(%arg0: i32) -> (i32, i32, i32) {
    %c0_i32 = arith.constant 0 : i32
    %c0_i32_0 = arith.constant 0 : i32
    %c0_i32_1 = arith.constant 0 : i32
    return %c0_i32, %arg0, %c0_i32_0 : i32, i32, i32
  }
  func.func @transform_4(%arg0: i32) -> (i32, i32, i32) {
    %c0_i32 = arith.constant 0 : i32
    %c0_i32_0 = arith.constant 0 : i32
    %c0_i32_1 = arith.constant 0 : i32
    return %c0_i32, %arg0, %c0_i32_0 : i32, i32, i32
  }
  func.func @transform_5(%arg0: i32) -> (i32, i32, i32) {
    %c0_i32 = arith.constant 0 : i32
    %c0_i32_0 = arith.constant 0 : i32
    %c0_i32_1 = arith.constant 0 : i32
    return %c0_i32, %arg0, %c0_i32_0 : i32, i32, i32
  }
  func.func @transform_6(%arg0: i32) -> (i32, i32, i32) {
    %c0_i32 = arith.constant 0 : i32
    %c0_i32_0 = arith.constant 0 : i32
    %c0_i32_1 = arith.constant 0 : i32
    %c0_i32_2 = arith.constant 0 : i32
    return %c0_i32, %c0_i32_0, %c0_i32_1 : i32, i32, i32
  }
  func.func @transform_7(%arg0: i32) -> (i32, i32, i32) {
    %c0_i32 = arith.constant 0 : i32
    %c0_i32_0 = arith.constant 0 : i32
    %c0_i32_1 = arith.constant 0 : i32
    %c0_i32_2 = arith.constant 0 : i32
    return %c0_i32, %c0_i32_0, %c0_i32_1 : i32, i32, i32
  }
  func.func @transform_8(%arg0: i32) -> (i32, i32, i32) {
    %c0_i32 = arith.constant 0 : i32
    %c0_i32_0 = arith.constant 0 : i32
    %c0_i32_1 = arith.constant 0 : i32
    %c0_i32_2 = arith.constant 0 : i32
    return %c0_i32, %c0_i32_0, %c0_i32_1 : i32, i32, i32
  }
  func.func @transform_9(%arg0: i32) -> (i32, i32, i32) {
    %c0_i32 = arith.constant 0 : i32
    %c0_i32_0 = arith.constant 0 : i32
    %c0_i32_1 = arith.constant 0 : i32
    %c0_i32_2 = arith.constant 0 : i32
    return %c0_i32, %c0_i32_0, %c0_i32_1 : i32, i32, i32
  }
  func.func @transform_10(%arg0: i32) -> (i32, i32, i32) {
    %c0_i32 = arith.constant 0 : i32
    %c0_i32_0 = arith.constant 0 : i32
    %c0_i32_1 = arith.constant 0 : i32
    %c0_i32_2 = arith.constant 0 : i32
    return %c0_i32, %c0_i32_0, %c0_i32_1 : i32, i32, i32
  }
  func.func @transform_11(%arg0: i32) -> (i32, i32, i32) {
    %c0_i32 = arith.constant 0 : i32
    %c0_i32_0 = arith.constant 0 : i32
    %c0_i32_1 = arith.constant 0 : i32
    %c0_i32_2 = arith.constant 0 : i32
    return %c0_i32, %c0_i32_0, %c0_i32_1 : i32, i32, i32
  }
  func.func @transform_12(%arg0: i32) -> (i32, i32, i32) {
    %c0_i32 = arith.constant 0 : i32
    %c0_i32_0 = arith.constant 0 : i32
    %c0_i32_1 = arith.constant 0 : i32
    %c0_i32_2 = arith.constant 0 : i32
    return %c0_i32, %c0_i32_0, %c0_i32_1 : i32, i32, i32
  }
  func.func @transform_13(%arg0: i32) -> (i32, i32, i32) {
    %c0_i32 = arith.constant 0 : i32
    %c0_i32_0 = arith.constant 0 : i32
    %c0_i32_1 = arith.constant 0 : i32
    %c0_i32_2 = arith.constant 0 : i32
    return %c0_i32, %c0_i32_0, %c0_i32_1 : i32, i32, i32
  }
  func.func @transform_14(%arg0: i32) -> (i32, i32, i32) {
    %c0_i32 = arith.constant 0 : i32
    %c0_i32_0 = arith.constant 0 : i32
    %c0_i32_1 = arith.constant 0 : i32
    %c0_i32_2 = arith.constant 0 : i32
    return %c0_i32, %c0_i32_0, %c0_i32_1 : i32, i32, i32
  }
  func.func @transform_15(%arg0: i32) -> (i32, i32, i32) {
    %c0_i32 = arith.constant 0 : i32
    %c0_i32_0 = arith.constant 0 : i32
    %c0_i32_1 = arith.constant 0 : i32
    %c0_i32_2 = arith.constant 0 : i32
    return %c0_i32, %c0_i32_0, %c0_i32_1 : i32, i32, i32
  }
  func.func @transform_16(%arg0: i32) -> (i32, i32, i32) {
    %c0_i32 = arith.constant 0 : i32
    %c0_i32_0 = arith.constant 0 : i32
    %c0_i32_1 = arith.constant 0 : i32
    %c0_i32_2 = arith.constant 0 : i32
    return %c0_i32, %c0_i32_0, %c0_i32_1 : i32, i32, i32
  }
  func.func @transform_17(%arg0: i32) -> (i32, i32, i32) {
    %c0_i32 = arith.constant 0 : i32
    %c0_i32_0 = arith.constant 0 : i32
    %c0_i32_1 = arith.constant 0 : i32
    return %c0_i32, %arg0, %c0_i32_0 : i32, i32, i32
  }
}

</mosaic_0001>

<sc_bundles>
// kernel: kernel.17.cloned.1.call-start
scs
__scs_entry_jumppad:
0x0: {  	(pc) =	sbr.rel $0x88, $3  }
0x1: {  	(tag) =	ssettag $0x0;
	lr =	simm.s32 $0x1  }
0x2: {  	[smem:$0x3F62] =	sst lr;
	_ =	strace $0xD0000000  }
0x3: {  	_ = 	snop  }
0x4: {  	_ = 	snop  }
0x5: {  	_ = 	snop  }
0x6: {  	_ = 	snop  }
0x7: {  	_ = 	snop  }
__scs_overlays_trampoline_lowered:
0x8: {  	[smem:$0x3F71] =	sst s0  }
0x9: {  	[smem:$0x3F72] =	sst s1  }
0xa: {  	[smem:$0x3F73] =	sst s2  }
0xb: {  	[smem:$0x3F74] =	sst s3  }
0xc: {  	[smem:$0x3F75] =	sst s4  }
0xd: {  	[smem:$0x3F76] =	sst s5  }
0xe: {  	[smem:$0x3F77] =	sst s6  }
0xf: {  	[smem:$0x3F78] =	sst s7  }
0x10: {  	[smem:$0x3F79] =	sst s8  }
0x11: {  	[smem:$0x3F7A] =	sst s9;
	s0 =	simm.s32 @!p0 $0x0  }
0x12: {  	s1 =	sld [smem:$0x3F60];
	s0 =	simm.s32 @p0 $0x1  }
0x13: {  	[smem:$0x3F7B] =	sst s0;
	s0 =	simm.s32 @!p1 $0x0  }
0x14: {  	s2 =	sld [smem:$0x3F5F];
	s0 =	simm.s32 @p1 $0x1  }
0x15: {  	[smem:$0x3F7C] =	sst s0;
	s0 =	simm.s32 @!p2 $0x0  }
0x16: {  	s3 =	sld [smem:$0x3FDB];
	s0 =	simm.s32 @p2 $0x1  }
0x17: {  	s4 =	simm.s32 $0x1BF5;
	[smem:$0x3F7E] =	sst s0  }
0x18: {  	s0 =	sld [smem:$0x3F61];
	_ =	swait.ge [sflag:s4], $0x0  }
0x19: {  	s7 =	sld [smem:$0x3F62]  }
0x1a: {  	s8 =	sadd.s32 $0xFFFFE003, lr  }
0x1b: {  	s9 =	sadd.s32 $0xFFFFFEF7, lr;
	s5 =	simm.s32 $0xFFFFFFFF;
	p2 =	slt.u32 s8, $0xFFFFF086  }
0x1c: {  	p1 =	slt.u32 s9, $0xF7A;
	s5 =	simm.s32 @!p2 $0x0  }
0x1d: {  	s5 =	simm.s32 @p1 $0x1;
	p0 =	seq.s32 s7, s2  }
0x1e: {  	s7 =	smul.u32 @!p0 $0xF7A, s2;
	p2 =	seq.s32 @!p0 s5, $0x0  }
0x1f: {  	s9 =	smul.u32 $0xF7A, s1;
	s8 =	simm.s32 @!p0 $0x1BF5;
	p2 =	por !p2, p0  }
0x20: {  	[sflag:s8] =	ssyncset.s32 @!p0 $0xFFFFF086;
	s6 =	sadd.s32 @!p0 s3, s7;
	s7 =	simm.s32 @!p0 $0x108  }
0x21: {  	s3 =	sadd.s32 s3, s9;
	s6 =	sadd.s32 @!p0 $0x88, s6;
	s7 =	simm.s32 @p2 $0x1082  }
0x22: {  	[simem:s7], [sflag:s8] =	dma.local @!p0 [hbm:s6], $0xF7A  }
0x23: {  	s9 =	sor.u32 $0xD0000000, s2;
	s6 =	simm.s32 $0x108;
	_ =	swait.ge @!p0 [sflag:s8], $0x0  }
0x24: {  	s3 =	sadd.s32 $0x88, s3;
	s6 =	simm.s32 @!p1 $0x1082;
	[sflag:s4] =	ssyncset.s32 $0xFFFFF086  }
0x25: {  	[simem:s6], [sflag:s4] =	dma.local [hbm:s3], $0xF7A  }
0x26: {  	[smem:$0x3F62] =	sst s1;
	(tag) =	ssettag s2;
	_ =	strace s9  }
0x27: {  	s1 =	sld [smem:$0x3F72]  }
0x28: {  	s2 =	sld [smem:$0x3F73]  }
0x29: {  	s4 =	sld [smem:$0x3F75]  }
0x2a: {  	p0 =	seq.s32 s5, $0x0;
	s5 =	sld [smem:$0x3F76]  }
0x2b: {  	s6 =	sld [smem:$0x3F77]  }
0x2c: {  	s7 =	sld [smem:$0x3F78]  }
0x2d: {  	s3 =	simm.s32 $0x108;
	s8 =	sld [smem:$0x3F79]  }
0x2e: {  	s3 =	simm.s32 @!p0 $0x1082;
	s9 =	sld [smem:$0x3F7A]  }
0x2f: {  	lr =	sadd.s32 s0, s3;
	s0 =	sld [smem:$0x3F71]  }
0x30: {  	s3 =	sld [smem:$0x3F74]  }
0x31: {  	[smem:$0x3F7D] =	sst s10  }
0x32: {  	s10 =	sld [smem:$0x3F7B];
	_ =	sdelay $0x3  }
0x33: {  	p0 =	seq.s32 s10, $0x1;
	s10 =	sld [smem:$0x3F7D];
	_ =	sdelay $0x3  }
0x34: {  	[smem:$0x3F7D] =	sst s10  }
0x35: {  	s10 =	sld [smem:$0x3F7C];
	_ =	sdelay $0x3  }
0x36: {  	p1 =	seq.s32 s10, $0x1;
	s10 =	sld [smem:$0x3F7D];
	_ =	sdelay $0x3  }
0x37: {  	[smem:$0x3F7D] =	sst s10  }
0x38: {  	s10 =	sld [smem:$0x3F7E]  }
0x39: {  	_ = 	snop;
	(pc) =	sbr.ind lr, $3  }
0x3a: {  	_ = 	snop  }
0x3b: {  	_ = 	snop  }
0x3c: {  	p2 =	seq.s32 s10, $0x1;
	s10 =	sld [smem:$0x3F7D]  }
0x3d: {  	_ =	shalt  }
0x3e: {  	_ =	shalt  }
0x3f: {  	_ =	shalt  }
0x40: {  	_ =	shalt  }
0x41: {  	_ =	shalt  }
0x42: {  	_ =	shalt  }
0x43: {  	_ =	shalt  }
0x44: {  	_ =	shalt  }
0x45: {  	_ =	shalt  }
0x46: {  	_ =	shalt  }
0x47: {  	_ =	shalt  }
0x48: {  	_ =	shalt  }
0x49: {  	_ =	shalt  }
0x4a: {  	_ =	shalt  }
0x4b: {  	_ =	shalt  }
0x4c: {  	_ =	shalt  }
0x4d: {  	_ =	shalt  }
0x4e: {  	_ =	shalt  }
0x4f: {  	_ =	shalt  }
0x50: {  	_ =	shalt  }
0x51: {  	_ =	shalt  }
0x52: {  	_ =	shalt  }
0x53: {  	_ =	shalt  }
0x54: {  	_ =	shalt  }
0x55: {  	_ =	shalt  }
0x56: {  	_ =	shalt  }
0x57: {  	_ =	shalt  }
0x58: {  	_ =	shalt  }
0x59: {  	_ =	shalt  }
0x5a: {  	_ =	shalt  }
0x5b: {  	_ =	shalt  }
0x5c: {  	_ =	shalt  }
0x5d: {  	_ =	shalt  }
0x5e: {  	_ =	shalt  }
0x5f: {  	_ =	shalt  }
0x60: {  	_ =	shalt  }
0x61: {  	_ =	shalt  }
0x62: {  	_ =	shalt  }
0x63: {  	_ =	shalt  }
0x64: {  	_ =	shalt  }
0x65: {  	_ =	shalt  }
0x66: {  	_ =	shalt  }
0x67: {  	_ =	shalt  }
0x68: {  	_ =	shalt  }
0x69: {  	_ =	shalt  }
0x6a: {  	_ =	shalt  }
0x6b: {  	_ =	shalt  }
0x6c: {  	_ =	shalt  }
0x6d: {  	_ =	shalt  }
0x6e: {  	_ =	shalt  }
0x6f: {  	_ =	shalt  }
0x70: {  	_ =	shalt  }
0x71: {  	_ =	shalt  }
0x72: {  	_ =	shalt  }
0x73: {  	_ =	shalt  }
0x74: {  	_ =	shalt  }
0x75: {  	_ =	shalt  }
0x76: {  	_ =	shalt  }
0x77: {  	_ =	shalt  }
0x78: {  	_ =	shalt  }
0x79: {  	_ =	shalt  }
0x7a: {  	_ =	shalt  }
0x7b: {  	_ =	shalt  }
0x7c: {  	_ =	shalt  }
0x7d: {  	_ =	shalt  }
0x7e: {  	_ =	shalt  }
0x7f: {  	_ =	shalt  }
0x80: {  	_ =	shalt  }
0x81: {  	_ =	shalt  }
0x82: {  	_ =	shalt  }
0x83: {  	_ =	shalt  }
0x84: {  	_ =	shalt  }
0x85: {  	_ =	shalt  }
0x86: {  	_ =	shalt  }
0x87: {  	_ =	shalt  }
.Lfunc_end0:
.L_simem_size_0:
called_computation_lowered:
.L_overlay_start_0:
0x88: {  	s2 =	sld [smem:$0x3FD9]  }
0x89: {  	s3 =	sld [smem:$0x3FFE];
	_ =	sdelay $0x1  }
0x8a: {  	s1 =	srdreg.scid  }
0x8b: {  	s0 =	sand.u32 $0x1, s1  }
0x8c: {  	s14 =	sshll.u32 s0, $0xA;
	s2 =	sadd.s32 s3, s2  }
0x8d: {  	s2 =	sadd.s32 s2, s14  }
0x8e: {  	[smem:$0x3F89] =	sst s2  }
0x8f: {  	_ = 	snop  }
0x90: {  	s2 =	sld [smem:$0x3FD0];
	_ =	sdelay $0x2  }
0x91: {  	s15 =	simm.s32 $0xD;
	s4 =	simm.s32 $0x10  }
0x92: {  	[smem:s4], [sflag:s15] =	dma.local [hbm:s2], $0x1  }
0x93: {  	_ =	swait.eq [sflag:s15], $0x1  }
0x94: {  	[sflag:s15] =	ssyncset.done $0x0  }
0x95: {  	[sflag:s15] =	ssyncadd.s32 $0xFFFFFFFF  }
0x96: {  	s16 =	sld [smem:$0x10];
	(tm) =	ssettm $0x1  }
0x97: {  	s17 =	sld [smem:$0x3FFB];
	_ =	sdelay $0x3  }
0x98: {  	_ =	strace s17  }
0x99: {  	s3 =	sld [smem:$0x3FFC];
	_ =	sdelay $0x3  }
0x9a: {  	_ =	strace s3  }
0x9b: {  	s3 =	sld [smem:$0x3FFD];
	_ =	sdelay $0x3  }
0x9c: {  	_ =	strace s3  }
0x9d: {  	_ =	strace $0x8FFFFFFF  }
0x9e: {  	s18 =	sld [smem:$0x3FDB];
	_ =	sdelay $0x1  }
0x9f: {  	s19 =	simm.s32 $_scs_section_size  }
0xa0: {  	s5 =	simm.s32 $_size__tile_overlayer_lowered;
	s6 =	simm.s32 $_tile_overlayer_lowered  }
0xa1: {  	s22 =	simm.s32 $0x1BFF;
	s21 =	sshll.u32 s6, $0x1;
	s3 =	sadd.s32 s19, s18  }
0xa2: {  	s7 =	simm.s32 $0x0;
	s20 =	sshll.u32 s5, $0x1;
	s5 =	sadd.s32 s21, s3  }
0xa3: {  	[timem:s7], [sflag:s22] =	dma.local [hbm:s5], s20  }
0xa4: {  	_ =	swait.ge [sflag:s22], s20  }
0xa5: {  	s4 =	ssub.s32 $0x0, s20;
	[sflag:s22] =	ssyncset.done $0x0  }
0xa6: {  	[sflag:s22] =	ssyncadd.s32 s4;
	_ =	sdelay $0x1  }
0xa7: {  	s23 =	simm.s32 $0x1B8B  }
0xa8: {  	_ =	swait.ge [sflag:s23], $0x1  }
0xa9: {  	[sflag:s23] =	ssyncset.done $0x0  }
0xaa: {  	s25 =	simm.s32 $0x1B8E;
	s24 =	sld [smem:$0x3FFE];
	[sflag:s23] =	ssyncadd.s32 $0xFFFFFFFF  }
0xab: {  	s26 =	simm.s32 $execute0_lowered;
	[smem:$0x3FD2] =	sst s25  }
0xac: {  	s5 =	sshll.u32 s26, $0x1;
	_ =	strace $0x80000046;
	[dreg:$0x1] =	wrdreg $0xFFFFFFFF  }
0xad: {  	s28 =	simm.s32 $_size_execute0_lowered;
	s3 =	sadd.s32 s3, s5;
	[dreg:$0x0] =	wrdreg $0x0  }
0xae: {  	s5 =	sshll.u32 s28, $0x1;
	[dreg:$0x2] =	wrdreg s3  }
0xaf: {  	[dreg:$0x3] =	wrdreg s5  }
0xb0: {  	[dreg:$0x4] =	wrdreg $0xC0  }
0xb1: {  	_ =	task [dreg:s7], $0x5FFFF  }
0xb2: {  	[dreg:$0x1] =	wrdreg $0xFFFFFFFF  }
0xb3: {  	[dreg:$0x0] =	wrdreg $0x60  }
0xb4: {  	[dreg:$0x2] =	wrdreg s24  }
0xb5: {  	[dreg:$0x3] =	wrdreg s16  }
0xb6: {  	[dreg:$0x4] =	wrdreg $0x9  }
0xb7: {  	_ =	task.clear_ibuf [dreg:s7], $0x5FFFF;
	_ =	strace $0x90000046  }
0xb8: {  	s29 =	simm.s32 $0x9;
	_ =	strace $0x80000048  }
0xb9: {  	_ =	swait.ge [sflag:s29], $0x1  }
0xba: {  	[sflag:s29] =	ssyncadd.s32 $0xFFFFFFFF  }
0xbb: {  	_ =	strace $0x90000048  }
0xbc: {  	_ =	sfence  }
0xbd: {  	s30 =	sld [smem:$0x0];
	_ =	sdelay $0x2  }
0xbe: {  	s31 =	sshll.u32 s1, $0xD;
	s1 =	sshrl.u32 s1, $0x2  }
0xbf: {  	s3 =	sand.u32 $0x4000, s31;
	s1 =	sadd.s32 s1, s30  }
0xc0: {  	s0 =	sor.u32 s3, s0;
	s1 =	sshll.u32 s1, $0x11  }
0xc1: {  	s0 =	sor.u32 s1, s0  }
0xc2: {  	s0 =	sadd.s32 $0x8F2B, s0  }
0xc3: {  	[sflag:s0] =	ssyncadd.remote.s32 $0x1  }
0xc4: {  	_ =	sfence.sel $0xFFFF  }
0xc5: {  	[dreg:$0x0] =	wrdreg $0xFFFFFFFF;
	(pc) =	sbr.abs _section_cstart, $3  }
0xc6: {  	[dreg:$0x1] =	wrdreg $0xFFFFFFFF  }
0xc7: {  	_ =	task.clear_ibuf [dreg:s7], $0x2FFFF;
	_ =	strace $0x9FFFFFFF  }
0xc8: {  	(tm) =	ssettm $0x7FFFFFFF  }
0xc9: {  	_ =	shalt  }
tec
execute0_lowered:
.L_overlay_start_1:
0x0: {  	(tag) =	ssettag $0x1  }
0x1: {  	s1 =	rddreg [dreg:$0x0]  }
0x2: {  	s0 =	srdreg.scid;
	s5 =	rddreg [dreg:$0x1]  }
0x3: {  	s14 =	stileid.u32;
	s2 =	simm.s32 $0x0;
	s15 =	simm.s32 $0x9  }
0x4: {  	s28 =	simm.s32 $0x2;
	s29 =	simm.s32 $0x4;
	s30 =	simm.s32 $0x6  }
0x5: {  	s31 =	simm.s32 $0x8;
	s0 =	sand.u32 $0x1, s0;
	s13 =	smul.u32 $0x140000, s14  }
0x6: {  	[smem:$0x7FF] =	sst s2;
	s4 =	sadd.s32 $0x22E00, s1;
	s23 =	smul.u32 $0x28000, s14  }
0x7: {  	s12 =	sadd.s32 $0xFB200, s1;
	s3 =	sshll.u32 s0, $0x4;
	s17 =	smul.u32 $0x1400000, s0  }
0x8: {  	s8 =	ssub.s32 $0x2, s0;
	s0 =	smul.u32 $0x280000, s0;
	s6 =	sor.u32 s14, s3  }
0x9: {  	_ =	strace $0x80000047;
	s10 =	sshrl.u32 s8, $0x1;
	s7 =	smul.u32 $0x2800, s6  }
0xa: {  	s3 =	sadd.s32 $0x71000, s1;
	s6 =	smul.u32 $0x140000, s6;
	s11 =	ssub.s32 s8, s10  }
0xb: {  	s21 =	sadd.s32 s13, s17;
	s25 =	sadd.s32 s0, s12;
	s17 =	simm.s32 $0x80  }
0xc: {  	s22 =	sshrl.u32 s21, $0x3;
	s11 =	smax.u32 s11, $0x1;
	s26 =	sadd.s32 s23, s25  }
0xd: {  	s25 =	simm.s32 $0x5;
	s7 =	sshrl.u32 s7, $0x3;
	s6 =	sshrl.u32 s6, $0x3  }
0xe: {  	s13 =	sadd.s32 $0x800, s26;
	s26 =	simm.s32 $0x7;
	s9 =	sadd.s32 s7, s1  }
0xf: {  	s1 =	sadd.s32 $0x5FB200, s1;
	s5 =	sadd.s32 s5, s7;
	s18 =	sadd.s32 $0x27000, s6  }
0x10: {  	s20 =	sadd.s32 $0x27800, s6;
	s16 =	sadd.s32 $0xBF200, s9;
	[dreg:$0x5] =	wrdreg s5  }
0x11: {  	s19 =	sadd.s32 s12, s18;
	s5 =	sadd.s32 s1, s18;
	s9 =	sadd.s32 s12, s20  }
0x12: {  	s10 =	sadd.s32 s1, s20;
	s24 =	sadd.s32 s22, s1;
	[dreg:$0x4] =	wrdreg s16  }
0x13: {  	s0 =	sadd.s32 s0, s1;
	s12 =	sadd.s32 s22, s12;
	[dreg:$0x6] =	wrdreg s19  }
0x14: {  	s18 =	simm.s32 $0x5000;
	s20 =	simm.s32 $0x9000;
	[dreg:$0x7] =	wrdreg s5  }
0x15: {  	s22 =	simm.s32 $0x11000;
	[dreg:$0x3] =	wrdreg s24;
	s0 =	sadd.s32 s23, s0  }
0x16: {  	s16 =	simm.s32 $0x2800;
	s19 =	simm.s32 $0xD000;
	s23 =	simm.s32 $0x1  }
0x17: {  	s24 =	simm.s32 $0x3;
	s14 =	sadd.s32 $0x800, s0;
	s0 =	simm.s32 $0x0  }
.LBB2_1:
0x18: {  	s1 =	rddreg [dreg:$0x4]  }
0x19: {  	[tilespmem:s2], [sflag:$0x9] =	stream.linear.gather [hbm4b:s1+s2], $0x2800, $0x38;
	[tilespmem:$0x15000] =	vst v63  }
0x1a: {  	_ =	swait.ge [sflag:s15], $0x2800  }
0x1b: {  	[sflag:s15] =	ssyncset.done $0x0  }
0x1c: {  	s7 =	rddreg [dreg:$0x5];
	[sflag:s15] =	ssyncadd.s32 $0xFFFFD800  }
0x1d: {  	[tilespmem:s16], [sflag:$0x9] =	stream.linear.gather [hbm4b:s7+s2], $0x2800, $0x38;
	[tilespmem:$0x15000] =	vst v63  }
0x1e: {  	_ =	swait.ge [sflag:s15], $0x2800  }
0x1f: {  	[sflag:s15] =	ssyncset.done $0x0  }
0x20: {  	[sflag:s15] =	ssyncadd.s32 $0xFFFFD800  }
0x21: {  	[tilespmem:s18], [sflag:$0x1] =	stream.indirect.gather [hbm4b:s3+s17], $0x80, s2, s17, $0xb8;
	[tilespmem:$0x15000] =	vst v63  }
0x22: {  	_ = 	snop  }
0x23: {  	[tilespmem:s19], [sflag:$0x3] =	stream.indirect.gather [hbm4b:s4+s17], $0x80, s16, s17, $0xb8;
	[tilespmem:$0x15000] =	vst v63  }
0x24: {  	_ = 	snop  }
0x25: {  	[tilespmem:s20], [sflag:$0x2] =	stream.indirect.gather [hbm4b:s3+s17], $0x80, s17, s17, $0xb8;
	[tilespmem:$0x15000] =	vst v63  }
0x26: {  	s8 =	simm.s32 $0x2880  }
0x27: {  	[tilespmem:s22], [sflag:$0x4] =	stream.indirect.gather [hbm4b:s4+s17], $0x80, s8, s17, $0xb8;
	[tilespmem:$0x15000] =	vst v63  }
0x28: {  	_ =	swait.ge [sflag:s23], $0x4000  }
0x29: {  	[sflag:s23] =	ssyncset.done $0x0  }
0x2a: {  	[sflag:s23] =	ssyncadd.s32 $0xFFFFC000  }
0x2b: {  	_ =	swait.ge [sflag:s24], $0x4000  }
0x2c: {  	[sflag:s24] =	ssyncset.done $0x0  }
0x2d: {  	s5 =	sadd.s32 $0x0, s12;
	s21 =	rddreg [dreg:$0x3];
	[sflag:s24] =	ssyncadd.s32 $0xFFFFC000  }
0x2e: {  	[hbm4b:s5+s2] =	stream.linear.scatter [tilespmem:s18], [sflag:$0x5], $0x4000, $0x38;
	[tilespmem:$0x15000] =	vst v63  }
0x2f: {  	s1 =	sadd.s32 $0x0, s21  }
0x30: {  	[hbm4b:s1+s2] =	stream.linear.scatter [tilespmem:s19], [sflag:$0x7], $0x4000, $0x38;
	[tilespmem:$0x15000] =	vst v63  }
0x31: {  	_ =	swait.ge [sflag:s25], $0x4000  }
0x32: {  	[sflag:s25] =	ssyncset.done $0x0  }
0x33: {  	[sflag:s25] =	ssyncadd.s32 $0xFFFFC000  }
0x34: {  	_ =	swait.ge [sflag:s26], $0x4000  }
0x35: {  	[sflag:s26] =	ssyncset.done $0x0  }
0x36: {  	s5 =	simm.s32 $0x100;
	[sflag:s26] =	ssyncadd.s32 $0xFFFFC000  }
0x37: {  	[tilespmem:s18], [sflag:$0x1] =	stream.indirect.gather [hbm4b:s3+s17], $0x80, s5, s17, $0xb8;
	[tilespmem:$0x15000] =	vst v63  }
0x38: {  	s6 =	simm.s32 $0x2900  }
0x39: {  	[tilespmem:s19], [sflag:$0x3] =	stream.indirect.gather [hbm4b:s4+s17], $0x80, s6, s17, $0xb8;
	[tilespmem:$0x15000] =	vst v63  }
0x3a: {  	_ =	swait.ge [sflag:s28], $0x4000  }
0x3b: {  	[sflag:s28] =	ssyncset.done $0x0  }
0x3c: {  	[sflag:s28] =	ssyncadd.s32 $0xFFFFC000  }
0x3d: {  	_ =	swait.ge [sflag:s29], $0x4000  }
0x3e: {  	[sflag:s29] =	ssyncset.done $0x0  }
0x3f: {  	s7 =	sadd.s32 $0x0, s13;
	[sflag:s29] =	ssyncadd.s32 $0xFFFFC000  }
0x40: {  	[hbm4b:s7+s2] =	stream.linear.scatter [tilespmem:s20], [sflag:$0x6], $0x4000, $0x38;
	[tilespmem:$0x15000] =	vst v63  }
0x41: {  	s8 =	sadd.s32 $0x0, s14  }
0x42: {  	[hbm4b:s8+s2] =	stream.linear.scatter [tilespmem:s22], [sflag:$0x8], $0x4000, $0x38;
	[tilespmem:$0x15000] =	vst v63  }
0x43: {  	_ =	swait.ge [sflag:s30], $0x4000  }
0x44: {  	[sflag:s30] =	ssyncset.done $0x0  }
0x45: {  	[sflag:s30] =	ssyncadd.s32 $0xFFFFC000  }
0x46: {  	_ =	swait.ge [sflag:s31], $0x4000  }
0x47: {  	[sflag:s31] =	ssyncset.done $0x0  }
0x48: {  	s21 =	simm.s32 $0x180;
	s1 =	simm.s32 $0x1000;
	[sflag:s31] =	ssyncadd.s32 $0xFFFFC000  }
0x49: {  	[tilespmem:s20], [sflag:$0x2] =	stream.indirect.gather [hbm4b:s3+s17], $0x80, s21, s17, $0xb8;
	[tilespmem:$0x15000] =	vst v63  }
0x4a: {  	s5 =	simm.s32 $0x200;
	s6 =	simm.s32 $0x2980;
	s21 =	simm.s32 $0x2A00  }
.LBB2_2:
0x4b: {  	[tilespmem:s22], [sflag:$0x4] =	stream.indirect.gather [hbm4b:s4+s17], $0x80, s6, s17, $0xb8;
	[tilespmem:$0x15000] =	vst v63  }
0x4c: {  	_ =	swait.ge [sflag:s23], $0x4000  }
0x4d: {  	[sflag:s23] =	ssyncset.done $0x0  }
0x4e: {  	[sflag:s23] =	ssyncadd.s32 $0xFFFFC000  }
0x4f: {  	_ =	swait.ge [sflag:s24], $0x4000  }
0x50: {  	s6 =	smov.u32 s1;
	[sflag:s24] =	ssyncset.done $0x0  }
0x51: {  	s8 =	sadd.s32 s6, s12;
	s7 =	rddreg [dreg:$0x3];
	[sflag:s24] =	ssyncadd.s32 $0xFFFFC000  }
0x52: {  	[hbm4b:s8+s2] =	stream.linear.scatter [tilespmem:s18], [sflag:$0x5], $0x4000, $0x38;
	[tilespmem:$0x15000] =	vst v63  }
0x53: {  	s7 =	sadd.s32 s6, s7  }
0x54: {  	[hbm4b:s7+s2] =	stream.linear.scatter [tilespmem:s19], [sflag:$0x7], $0x4000, $0x38;
	[tilespmem:$0x15000] =	vst v63  }
0x55: {  	_ =	swait.ge [sflag:s25], $0x4000  }
0x56: {  	[sflag:s25] =	ssyncset.done $0x0  }
0x57: {  	[sflag:s25] =	ssyncadd.s32 $0xFFFFC000  }
0x58: {  	_ =	swait.ge [sflag:s26], $0x4000  }
0x59: {  	[sflag:s26] =	ssyncset.done $0x0  }
0x5a: {  	[sflag:s26] =	ssyncadd.s32 $0xFFFFC000  }
0x5b: {  	[tilespmem:s18], [sflag:$0x1] =	stream.indirect.gather [hbm4b:s3+s17], $0x80, s5, s17, $0xb8;
	[tilespmem:$0x15000] =	vst v63  }
0x5c: {  	_ = 	snop  }
0x5d: {  	[tilespmem:s19], [sflag:$0x3] =	stream.indirect.gather [hbm4b:s4+s17], $0x80, s21, s17, $0xb8;
	[tilespmem:$0x15000] =	vst v63  }
0x5e: {  	_ =	swait.ge [sflag:s28], $0x4000  }
0x5f: {  	[sflag:s28] =	ssyncset.done $0x0  }
0x60: {  	[sflag:s28] =	ssyncadd.s32 $0xFFFFC000  }
0x61: {  	_ =	swait.ge [sflag:s29], $0x4000  }
0x62: {  	[sflag:s29] =	ssyncset.done $0x0  }
0x63: {  	s8 =	sadd.s32 s6, s13;
	[sflag:s29] =	ssyncadd.s32 $0xFFFFC000  }
0x64: {  	[hbm4b:s8+s2] =	stream.linear.scatter [tilespmem:s20], [sflag:$0x6], $0x4000, $0x38;
	[tilespmem:$0x15000] =	vst v63  }
0x65: {  	s6 =	sadd.s32 s6, s14  }
0x66: {  	[hbm4b:s6+s2] =	stream.linear.scatter [tilespmem:s22], [sflag:$0x8], $0x4000, $0x38;
	[tilespmem:$0x15000] =	vst v63  }
0x67: {  	_ =	swait.ge [sflag:s30], $0x4000  }
0x68: {  	p0 =	sne.s32 s1, $0x26000;
	[sflag:s30] =	ssyncset.done $0x0  }
.Ltmp0:
0x69: {  	[sflag:s30] =	ssyncadd.s32 $0xFFFFC000;
	(pc) =	sbr.rel @p0 .LBB2_2-.Ltmp0, $4  }
0x6a: {  	s1 =	sadd.s32 $0x1000, s1;
	_ =	swait.ge [sflag:s31], $0x4000  }
0x6b: {  	s8 =	sadd.s32 $0x80, s5;
	s5 =	sadd.s32 $0x100, s5;
	[sflag:s31] =	ssyncset.done $0x0  }
0x6c: {  	s6 =	sadd.s32 $0x80, s21;
	s21 =	sadd.s32 $0x100, s21;
	[sflag:s31] =	ssyncadd.s32 $0xFFFFC000  }
0x6d: {  	[tilespmem:s20], [sflag:$0x2] =	stream.indirect.gather [hbm4b:s3+s17], $0x80, s8, s17, $0xb8;
	[tilespmem:$0x15000] =	vst v63  }
0x6e: {  	[tilespmem:s22], [sflag:$0x4] =	stream.indirect.gather [hbm4b:s4+s17], $0x80, s6, s17, $0xb8;
	[tilespmem:$0x15000] =	vst v63  }
0x6f: {  	_ =	swait.ge [sflag:s23], $0x4000  }
0x70: {  	[sflag:s23] =	ssyncset.done $0x0  }
0x71: {  	[sflag:s23] =	ssyncadd.s32 $0xFFFFC000  }
0x72: {  	_ =	swait.ge [sflag:s24], $0x4000  }
0x73: {  	[sflag:s24] =	ssyncset.done $0x0  }
0x74: {  	s1 =	rddreg [dreg:$0x6];
	[sflag:s24] =	ssyncadd.s32 $0xFFFFC000  }
0x75: {  	[hbm4b:s1+s2] =	stream.linear.scatter [tilespmem:s18], [sflag:$0x5], $0x4000, $0x38;
	[tilespmem:$0x15000] =	vst v63  }
0x76: {  	s21 =	rddreg [dreg:$0x7]  }
0x77: {  	[hbm4b:s21+s2] =	stream.linear.scatter [tilespmem:s19], [sflag:$0x7], $0x4000, $0x38;
	[tilespmem:$0x15000] =	vst v63  }
0x78: {  	_ =	swait.ge [sflag:s25], $0x4000  }
0x79: {  	[sflag:s25] =	ssyncset.done $0x0  }
0x7a: {  	[sflag:s25] =	ssyncadd.s32 $0xFFFFC000  }
0x7b: {  	_ =	swait.ge [sflag:s26], $0x4000  }
0x7c: {  	[sflag:s26] =	ssyncset.done $0x0  }
0x7d: {  	[sflag:s26] =	ssyncadd.s32 $0xFFFFC000  }
0x7e: {  	_ =	swait.ge [sflag:s28], $0x4000  }
0x7f: {  	[sflag:s28] =	ssyncset.done $0x0  }
0x80: {  	[sflag:s28] =	ssyncadd.s32 $0xFFFFC000  }
0x81: {  	_ =	swait.ge [sflag:s29], $0x4000  }
0x82: {  	[sflag:s29] =	ssyncset.done $0x0  }
0x83: {  	[sflag:s29] =	ssyncadd.s32 $0xFFFFC000  }
0x84: {  	[hbm4b:s9+s2] =	stream.linear.scatter [tilespmem:s20], [sflag:$0x6], $0x4000, $0x38;
	[tilespmem:$0x15000] =	vst v63  }
0x85: {  	s0 =	sadd.s32 $0x1, s0  }
0x86: {  	[hbm4b:s10+s2] =	stream.linear.scatter [tilespmem:s22], [sflag:$0x8], $0x4000, $0x38;
	[tilespmem:$0x15000] =	vst v63  }
0x87: {  	p0 =	sne.s32 s0, s11;
	_ =	swait.ge [sflag:s30], $0x4000  }
.Ltmp1:
0x88: {  	[sflag:s30] =	ssyncset.done $0x0;
	(pc) =	sbr.rel @p0 .LBB2_1-.Ltmp1, $4  }
0x89: {  	[sflag:s30] =	ssyncadd.s32 $0xFFFFC000  }
0x8a: {  	_ =	swait.ge [sflag:s31], $0x4000  }
0x8b: {  	[sflag:s31] =	ssyncset.done $0x0  }
0x8c: {  	[sflag:s31] =	ssyncadd.s32 $0xFFFFC000  }
0x8d: {  	_ =	sfence.sel $0x180000  }
0x8e: {  	[bflag:$0x0] =	sbarrier.arrive $0xFFFF  }
0x8f: {  	_ =	strace $0x90000047  }
0x90: {  	s0 =	stileid.u32;
	[bflag:$0x2] =	sbarrier.arrive $0xFFFF  }
0x91: {  	p0 =	sne.s32 s0, $0x0;
	s0 =	rddreg [dreg:$0x2]  }
0x92: {  	s0 =	sadd.s32 @!p0 $0x100000, s0  }
0x93: {  	[sflag:s0] =	ssyncadd.tile.s32 @!p0 $0x1;
	_ =	shalt  }
.Lfunc_end2:
_tile_overlayer_lowered:
.L_overlay_start_2:
0x94: {  	(tag) =	ssettag $0x2  }
0x95: {  	s0 =	rddreg [dreg:$0x0];
	s2 =	stileid.u32  }
0x96: {  	s1 =	rddreg [dreg:$0x1];
	p0 =	sne.s32 s2, $0x0  }
0x97: {  	s3 =	rddreg [dreg:$0x2];
	[bflag:$0x3] =	sbarrier.arrive $0xFFFF;
	s2 =	simm.s32 @!p0 $0x1C09  }
0x98: {  	[timem:s3], [sflag:s2] =	dma.local @!p0 [hbm:s0], s1  }
0x99: {  	s0 =	simm.s32 @!p0 $0x9  }
0x9a: {  	_ =	swait.ge @!p0 [sflag:s0], s1  }
0x9b: {  	s1 =	ssub.s32 @!p0 $0x0, s1;
	[sflag:s0] =	ssyncset.done @!p0 $0x0  }
0x9c: {  	[sflag:s0] =	ssyncadd.s32 @!p0 s1  }
0x9d: {  	[bflag:$0x3] =	sbarrier.arrive $0xFFFF  }
0x9e: {  	_ =	shalt  }

// kernel: kernel.20.cloned.1.call-start
scs
__scs_entry_jumppad:
0x0: {  	(pc) =	sbr.rel $0x88, $3  }
0x1: {  	(tag) =	ssettag $0x0;
	lr =	simm.s32 $0x1  }
0x2: {  	[smem:$0x3F62] =	sst lr;
	_ =	strace $0xD0000000  }
0x3: {  	_ = 	snop  }
0x4: {  	_ = 	snop  }
0x5: {  	_ = 	snop  }
0x6: {  	_ = 	snop  }
0x7: {  	_ = 	snop  }
__scs_overlays_trampoline_lowered:
0x8: {  	[smem:$0x3F71] =	sst s0  }
0x9: {  	[smem:$0x3F72] =	sst s1  }
0xa: {  	[smem:$0x3F73] =	sst s2  }
0xb: {  	[smem:$0x3F74] =	sst s3  }
0xc: {  	[smem:$0x3F75] =	sst s4  }
0xd: {  	[smem:$0x3F76] =	sst s5  }
0xe: {  	[smem:$0x3F77] =	sst s6  }
0xf: {  	[smem:$0x3F78] =	sst s7  }
0x10: {  	[smem:$0x3F79] =	sst s8  }
0x11: {  	[smem:$0x3F7A] =	sst s9;
	s0 =	simm.s32 @!p0 $0x0  }
0x12: {  	s1 =	sld [smem:$0x3F60];
	s0 =	simm.s32 @p0 $0x1  }
0x13: {  	[smem:$0x3F7B] =	sst s0;
	s0 =	simm.s32 @!p1 $0x0  }
0x14: {  	s2 =	sld [smem:$0x3F5F];
	s0 =	simm.s32 @p1 $0x1  }
0x15: {  	[smem:$0x3F7C] =	sst s0;
	s0 =	simm.s32 @!p2 $0x0  }
0x16: {  	s3 =	sld [smem:$0x3FDB];
	s0 =	simm.s32 @p2 $0x1  }
0x17: {  	s4 =	simm.s32 $0x1BF5;
	[smem:$0x3F7E] =	sst s0  }
0x18: {  	s0 =	sld [smem:$0x3F61];
	_ =	swait.ge [sflag:s4], $0x0  }
0x19: {  	s7 =	sld [smem:$0x3F62]  }
0x1a: {  	s8 =	sadd.s32 $0xFFFFE003, lr  }
0x1b: {  	s9 =	sadd.s32 $0xFFFFFEF7, lr;
	s5 =	simm.s32 $0xFFFFFFFF;
	p2 =	slt.u32 s8, $0xFFFFF086  }
0x1c: {  	p1 =	slt.u32 s9, $0xF7A;
	s5 =	simm.s32 @!p2 $0x0  }
0x1d: {  	s5 =	simm.s32 @p1 $0x1;
	p0 =	seq.s32 s7, s2  }
0x1e: {  	s7 =	smul.u32 @!p0 $0xF7A, s2;
	p2 =	seq.s32 @!p0 s5, $0x0  }
0x1f: {  	s9 =	smul.u32 $0xF7A, s1;
	s8 =	simm.s32 @!p0 $0x1BF5;
	p2 =	por !p2, p0  }
0x20: {  	[sflag:s8] =	ssyncset.s32 @!p0 $0xFFFFF086;
	s6 =	sadd.s32 @!p0 s3, s7;
	s7 =	simm.s32 @!p0 $0x108  }
0x21: {  	s3 =	sadd.s32 s3, s9;
	s6 =	sadd.s32 @!p0 $0x88, s6;
	s7 =	simm.s32 @p2 $0x1082  }
0x22: {  	[simem:s7], [sflag:s8] =	dma.local @!p0 [hbm:s6], $0xF7A  }
0x23: {  	s9 =	sor.u32 $0xD0000000, s2;
	s6 =	simm.s32 $0x108;
	_ =	swait.ge @!p0 [sflag:s8], $0x0  }
0x24: {  	s3 =	sadd.s32 $0x88, s3;
	s6 =	simm.s32 @!p1 $0x1082;
	[sflag:s4] =	ssyncset.s32 $0xFFFFF086  }
0x25: {  	[simem:s6], [sflag:s4] =	dma.local [hbm:s3], $0xF7A  }
0x26: {  	[smem:$0x3F62] =	sst s1;
	(tag) =	ssettag s2;
	_ =	strace s9  }
0x27: {  	s1 =	sld [smem:$0x3F72]  }
0x28: {  	s2 =	sld [smem:$0x3F73]  }
0x29: {  	s4 =	sld [smem:$0x3F75]  }
0x2a: {  	p0 =	seq.s32 s5, $0x0;
	s5 =	sld [smem:$0x3F76]  }
0x2b: {  	s6 =	sld [smem:$0x3F77]  }
0x2c: {  	s7 =	sld [smem:$0x3F78]  }
0x2d: {  	s3 =	simm.s32 $0x108;
	s8 =	sld [smem:$0x3F79]  }
0x2e: {  	s3 =	simm.s32 @!p0 $0x1082;
	s9 =	sld [smem:$0x3F7A]  }
0x2f: {  	lr =	sadd.s32 s0, s3;
	s0 =	sld [smem:$0x3F71]  }
0x30: {  	s3 =	sld [smem:$0x3F74]  }
0x31: {  	[smem:$0x3F7D] =	sst s10  }
0x32: {  	s10 =	sld [smem:$0x3F7B];
	_ =	sdelay $0x3  }
0x33: {  	p0 =	seq.s32 s10, $0x1;
	s10 =	sld [smem:$0x3F7D];
	_ =	sdelay $0x3  }
0x34: {  	[smem:$0x3F7D] =	sst s10  }
0x35: {  	s10 =	sld [smem:$0x3F7C];
	_ =	sdelay $0x3  }
0x36: {  	p1 =	seq.s32 s10, $0x1;
	s10 =	sld [smem:$0x3F7D];
	_ =	sdelay $0x3  }
0x37: {  	[smem:$0x3F7D] =	sst s10  }
0x38: {  	s10 =	sld [smem:$0x3F7E]  }
0x39: {  	_ = 	snop;
	(pc) =	sbr.ind lr, $3  }
0x3a: {  	_ = 	snop  }
0x3b: {  	_ = 	snop  }
0x3c: {  	p2 =	seq.s32 s10, $0x1;
	s10 =	sld [smem:$0x3F7D]  }
0x3d: {  	_ =	shalt  }
0x3e: {  	_ =	shalt  }
0x3f: {  	_ =	shalt  }
0x40: {  	_ =	shalt  }
0x41: {  	_ =	shalt  }
0x42: {  	_ =	shalt  }
0x43: {  	_ =	shalt  }
0x44: {  	_ =	shalt  }
0x45: {  	_ =	shalt  }
0x46: {  	_ =	shalt  }
0x47: {  	_ =	shalt  }
0x48: {  	_ =	shalt  }
0x49: {  	_ =	shalt  }
0x4a: {  	_ =	shalt  }
0x4b: {  	_ =	shalt  }
0x4c: {  	_ =	shalt  }
0x4d: {  	_ =	shalt  }
0x4e: {  	_ =	shalt  }
0x4f: {  	_ =	shalt  }
0x50: {  	_ =	shalt  }
0x51: {  	_ =	shalt  }
0x52: {  	_ =	shalt  }
0x53: {  	_ =	shalt  }
0x54: {  	_ =	shalt  }
0x55: {  	_ =	shalt  }
0x56: {  	_ =	shalt  }
0x57: {  	_ =	shalt  }
0x58: {  	_ =	shalt  }
0x59: {  	_ =	shalt  }
0x5a: {  	_ =	shalt  }
0x5b: {  	_ =	shalt  }
0x5c: {  	_ =	shalt  }
0x5d: {  	_ =	shalt  }
0x5e: {  	_ =	shalt  }
0x5f: {  	_ =	shalt  }
0x60: {  	_ =	shalt  }
0x61: {  	_ =	shalt  }
0x62: {  	_ =	shalt  }
0x63: {  	_ =	shalt  }
0x64: {  	_ =	shalt  }
0x65: {  	_ =	shalt  }
0x66: {  	_ =	shalt  }
0x67: {  	_ =	shalt  }
0x68: {  	_ =	shalt  }
0x69: {  	_ =	shalt  }
0x6a: {  	_ =	shalt  }
0x6b: {  	_ =	shalt  }
0x6c: {  	_ =	shalt  }
0x6d: {  	_ =	shalt  }
0x6e: {  	_ =	shalt  }
0x6f: {  	_ =	shalt  }
0x70: {  	_ =	shalt  }
0x71: {  	_ =	shalt  }
0x72: {  	_ =	shalt  }
0x73: {  	_ =	shalt  }
0x74: {  	_ =	shalt  }
0x75: {  	_ =	shalt  }
0x76: {  	_ =	shalt  }
0x77: {  	_ =	shalt  }
0x78: {  	_ =	shalt  }
0x79: {  	_ =	shalt  }
0x7a: {  	_ =	shalt  }
0x7b: {  	_ =	shalt  }
0x7c: {  	_ =	shalt  }
0x7d: {  	_ =	shalt  }
0x7e: {  	_ =	shalt  }
0x7f: {  	_ =	shalt  }
0x80: {  	_ =	shalt  }
0x81: {  	_ =	shalt  }
0x82: {  	_ =	shalt  }
0x83: {  	_ =	shalt  }
0x84: {  	_ =	shalt  }
0x85: {  	_ =	shalt  }
0x86: {  	_ =	shalt  }
0x87: {  	_ =	shalt  }
.Lfunc_end0:
.L_simem_size_0:
called_computation.1_lowered:
.L_overlay_start_0:
0x88: {  	s2 =	sld [smem:$0x3FD9]  }
0x89: {  	s3 =	sld [smem:$0x3FFE];
	_ =	sdelay $0x1  }
0x8a: {  	s1 =	srdreg.scid  }
0x8b: {  	s0 =	sand.u32 $0x1, s1  }
0x8c: {  	s15 =	sshll.u32 s0, $0xA;
	s2 =	sadd.s32 s3, s2  }
0x8d: {  	s2 =	sadd.s32 s2, s15  }
0x8e: {  	[smem:$0x3F89] =	sst s2  }
0x8f: {  	_ = 	snop  }
0x90: {  	s2 =	sld [smem:$0x3FD0];
	_ =	sdelay $0x2  }
0x91: {  	s16 =	simm.s32 $0xD;
	s4 =	simm.s32 $0x10  }
0x92: {  	[smem:s4], [sflag:s16] =	dma.local [hbm:s2], $0x1  }
0x93: {  	_ =	swait.eq [sflag:s16], $0x1  }
0x94: {  	[sflag:s16] =	ssyncset.done $0x0  }
0x95: {  	[sflag:s16] =	ssyncadd.s32 $0xFFFFFFFF  }
0x96: {  	s17 =	sld [smem:$0x11];
	(tm) =	ssettm $0x1  }
0x97: {  	s18 =	sld [smem:$0x3FFB];
	_ =	sdelay $0x3  }
0x98: {  	_ =	strace s18  }
0x99: {  	s2 =	sld [smem:$0x3FFC];
	_ =	sdelay $0x3  }
0x9a: {  	_ =	strace s2  }
0x9b: {  	s2 =	sld [smem:$0x3FFD];
	_ =	sdelay $0x3  }
0x9c: {  	_ =	strace s2  }
0x9d: {  	_ =	strace $0x8FFFFFFF  }
0x9e: {  	s19 =	sld [smem:$0x3FDB];
	_ =	sdelay $0x1  }
0x9f: {  	s20 =	simm.s32 $_scs_section_size  }
0xa0: {  	s5 =	simm.s32 $_size__tile_overlayer_lowered;
	s6 =	simm.s32 $_tile_overlayer_lowered  }
0xa1: {  	s7 =	simm.s32 $0x1BFF;
	s21 =	sshll.u32 s6, $0x1;
	s4 =	sadd.s32 s20, s19  }
0xa2: {  	s22 =	simm.s32 $0x0;
	s5 =	sshll.u32 s5, $0x1;
	s6 =	sadd.s32 s21, s4  }
0xa3: {  	[timem:s22], [sflag:s7] =	dma.local [hbm:s6], s5  }
0xa4: {  	_ =	swait.ge [sflag:s7], s5  }
0xa5: {  	s5 =	ssub.s32 $0x0, s5;
	[sflag:s7] =	ssyncset.done $0x0  }
0xa6: {  	[sflag:s7] =	ssyncadd.s32 s5;
	_ =	sdelay $0x1  }
0xa7: {  	s23 =	simm.s32 $0x1B8B  }
0xa8: {  	_ =	swait.ge [sflag:s23], $0x1  }
0xa9: {  	[sflag:s23] =	ssyncset.done $0x0  }
0xaa: {  	[sflag:s23] =	ssyncadd.s32 $0xFFFFFFFF  }
0xab: {  	s5 =	sld [smem:$0x0]  }
0xac: {  	s6 =	sand.u32 $0xFFFFFFFE, s1  }
0xad: {  	p0 =	sne.s32 s1, s6  }
0xae: {  	s6 =	sshll.u32 @p0 s6, $0xE  }
0xaf: {  	s6 =	sadd.s32 @p0 $0x11B8D, s6;
	s7 =	sshll.u32 @p0 s5, $0x11  }
0xb0: {  	s6 =	sor.u32 @p0 s7, s6  }
0xb1: {  	[sflag:s6] =	ssyncadd.remote.s32 @p0 $0x1;
	_ =	sdelay $0x1  }
0xb2: {  	s6 =	simm.s32 @p0 $0x1B8D  }
0xb3: {  	_ =	swait.eq @p0 [sflag:s6], $0x1  }
0xb4: {  	[sflag:s6] =	ssyncadd.s32 @p0 $0xFFFFFFFF  }
0xb5: {  	s7 =	sshll.u32 @!p0 s1, $0xE  }
0xb6: {  	s7 =	sor.u32 @!p0 $0x4000, s7;
	s6 =	simm.s32 @!p0 $0x1B8D  }
0xb7: {  	s5 =	sshll.u32 @!p0 s5, $0x11;
	s7 =	sadd.s32 @!p0 $0x11B8D, s7;
	_ =	swait.eq @!p0 [sflag:s6], $0x1  }
0xb8: {  	s5 =	sor.u32 @!p0 s5, s7;
	[sflag:s6] =	ssyncadd.s32 @!p0 $0xFFFFFFFF  }
0xb9: {  	s25 =	simm.s32 $0x1B8E;
	s24 =	sld [smem:$0x3FFE];
	[sflag:s5] =	ssyncadd.remote.s32 @!p0 $0x1  }
0xba: {  	s26 =	simm.s32 $execute0_lowered;
	[smem:$0x3FD2] =	sst s25  }
0xbb: {  	s6 =	sshll.u32 s26, $0x1;
	_ =	strace $0x80000052;
	[dreg:$0x1] =	wrdreg $0xFFFFFFFF  }
0xbc: {  	s28 =	simm.s32 $_size_execute0_lowered;
	s4 =	sadd.s32 s4, s6;
	[dreg:$0x0] =	wrdreg $0x0  }
0xbd: {  	s6 =	sshll.u32 s28, $0x1;
	[dreg:$0x2] =	wrdreg s4  }
0xbe: {  	[dreg:$0x3] =	wrdreg s6  }
0xbf: {  	[dreg:$0x4] =	wrdreg $0xC0  }
0xc0: {  	_ =	task [dreg:s22], $0x5FFFF  }
0xc1: {  	[dreg:$0x1] =	wrdreg $0xFFFFFFFF  }
0xc2: {  	[dreg:$0x0] =	wrdreg $0x60  }
0xc3: {  	[dreg:$0x2] =	wrdreg s24  }
0xc4: {  	[dreg:$0x3] =	wrdreg s17  }
0xc5: {  	[dreg:$0x4] =	wrdreg $0x0  }
0xc6: {  	[dreg:$0x5] =	wrdreg $0x9  }
0xc7: {  	_ =	task.clear_ibuf [dreg:s22], $0x6FFFF;
	_ =	strace $0x90000052  }
0xc8: {  	s29 =	simm.s32 $0x9;
	_ =	strace $0x80000054  }
0xc9: {  	_ =	swait.ge [sflag:s29], $0x1  }
0xca: {  	[sflag:s29] =	ssyncadd.s32 $0xFFFFFFFF  }
0xcb: {  	_ =	strace $0x90000054  }
0xcc: {  	_ =	sfence  }
0xcd: {  	s30 =	sld [smem:$0x0];
	_ =	sdelay $0x2  }
0xce: {  	s31 =	sshll.u32 s1, $0xD;
	s1 =	sshrl.u32 s1, $0x2  }
0xcf: {  	s4 =	sand.u32 $0x4000, s31;
	s1 =	sadd.s32 s1, s30  }
0xd0: {  	s0 =	sor.u32 s4, s0;
	s1 =	sshll.u32 s1, $0x11  }
0xd1: {  	s0 =	sor.u32 s1, s0  }
0xd2: {  	s0 =	sadd.s32 $0x8F2B, s0  }
0xd3: {  	[sflag:s0] =	ssyncadd.remote.s32 $0x1  }
0xd4: {  	_ =	sfence.sel $0xFFFF  }
0xd5: {  	[dreg:$0x0] =	wrdreg $0xFFFFFFFF;
	(pc) =	sbr.abs _section_cstart, $3  }
0xd6: {  	[dreg:$0x1] =	wrdreg $0xFFFFFFFF  }
0xd7: {  	_ =	task.clear_ibuf [dreg:s22], $0x2FFFF;
	_ =	strace $0x9FFFFFFF  }
0xd8: {  	(tm) =	ssettm $0x7FFFFFFF  }
0xd9: {  	_ =	shalt  }
tec
execute0_lowered:
.L_overlay_start_1:
0x0: {  	(tag) =	ssettag $0x1  }
0x1: {  	s5 =	rddreg [dreg:$0x0]  }
0x2: {  	s7 =	rddreg [dreg:$0x1]  }
0x3: {  	s1 =	rddreg [dreg:$0x2]  }
0x4: {  	s2 =	srdreg.scid;
	s0 =	rddreg [dreg:$0x3];
	s3 =	simm.s32 $0x0  }
0x5: {  	s16 =	simm.s32 $0x1A400;
	s17 =	simm.s32 $0x1;
	s18 =	simm.s32 $0x80  }
0x6: {  	s19 =	simm.s32 $0x2;
	s20 =	simm.s32 $0x16300;
	s6 =	sand.u32 $0x1, s2  }
0x7: {  	s21 =	simm.s32 $0x16380;
	s2 =	stileid.u32;
	s8 =	smul.u32 $0x13C000, s6  }
0x8: {  	s22 =	simm.s32 $0x0;
	[smem:$0x7FF] =	sst s3;
	s9 =	smul.u32 $0x13C00, s2  }
0x9: {  	s10 =	sadd.s32 $0x290FC00, s5;
	s4 =	sadd.s32 $0xBF200, s5;
	s13 =	smul.u32 $0x4F000, s2  }
0xa: {  	_ =	strace $0x80000053;
	s25 =	ssub.s32 $0x2, s6;
	s30 =	smul.u32 $0x280000, s6  }
0xb: {  	s11 =	sshll.u32 s6, $0x4;
	s29 =	sshll.u32 s2, $0x6;
	s31 =	smul.u32 $0x28000, s2  }
0xc: {  	s12 =	sshrl.u32 s25, $0x1;
	s11 =	sor.u32 s2, s11;
	s8 =	sadd.s32 s9, s8  }
0xd: {  	s12 =	ssub.s32 s25, s12;
	s26 =	smul.u32 $0x2800, s11;
	s28 =	sshrl.u32 s13, $0x2  }
0xe: {  	s11 =	smul.u32 $0x28000, s11;
	s15 =	sadd.s32 s30, s10;
	s8 =	sshrl.u32 s8, $0x3  }
0xf: {  	s13 =	sadd.s32 s28, s1;
	s14 =	sadd.s32 s8, s5;
	s5 =	sor.u32 $0x1C03, s29  }
0x10: {  	s8 =	sshrl.u32 s26, $0x3;
	s6 =	sadd.s32 s10, s11;
	s10 =	smax.u32 s12, $0x1  }
0x11: {  	s11 =	sadd.s32 s31, s15;
	s12 =	sshrl.u32 s13, $0x3;
	s13 =	simm.s32 $0x3  }
0x12: {  	s15 =	simm.s32 $0x16400;
	s7 =	sadd.s32 s7, s8;
	s8 =	sadd.s32 $0x800, s6  }
0x13: {  	s9 =	sadd.s32 $0xFB200, s14;
	s11 =	sadd.s32 $0x1800, s11;
	s14 =	simm.s32 $0x13C00  }
.LBB2_1:
0x14: {  	[spmem:s12], [sflag:s5] =	dma.local [hbm:s4], $0x2780  }
0x15: {  	_ =	swait.ge [sflag:s13], $0x2780  }
0x16: {  	[sflag:s13] =	ssyncset.done $0x0  }
0x17: {  	[sflag:s13] =	ssyncadd.s32 $0xFFFFD880  }
0x18: {  	[bflag:$0x0] =	sbarrier.arrive $0xFFFF  }
0x19: {  	[tilespmem:s14], [sflag:$0x3] =	stream.linear.gather [hbm4b:s7+s3], $0x2800, $0x38;
	[tilespmem:$0x1E400] =	vst v63  }
0x1a: {  	_ =	swait.ge [sflag:s13], $0x2800  }
0x1b: {  	[sflag:s13] =	ssyncset.done $0x0  }
0x1c: {  	[sflag:s13] =	ssyncadd.s32 $0xFFFFD800  }
0x1d: {  	[tilespmem:s15], [sflag:$0x1] =	stream.linear.gather [hbm4b:s6+s3], $0x4000, $0x38;
	[tilespmem:$0x1E400] =	vst v63  }
0x1e: {  	_ = 	snop  }
0x1f: {  	[tilespmem:s16], [sflag:$0x2] =	stream.linear.gather [hbm4b:s8+s3], $0x4000, $0x38;
	[tilespmem:$0x1E400] =	vst v63  }
0x20: {  	_ =	swait.ge [sflag:s17], $0x4000  }
0x21: {  	[sflag:s17] =	ssyncset.done $0x0  }
0x22: {  	s23 =	simm.s32 $0x13C00;
	[sflag:s17] =	ssyncadd.s32 $0xFFFFC000  }
0x23: {  	[spmem:s1] =	stream.indirect.scatter.add.f32 [tilespmem:s15], [sflag:$0x3], $0x80, s23, s18, $0xb8;
	[tilespmem:$0x1E400] =	vst v63  }
0x24: {  	_ =	swait.ge [sflag:s13], $0x4000  }
0x25: {  	[sflag:s13] =	ssyncset.done $0x0  }
0x26: {  	s30 =	sadd.s32 $0xFFFFF800, s11;
	[sflag:s13] =	ssyncadd.s32 $0xFFFFC000  }
0x27: {  	[tilespmem:s15], [sflag:$0x1] =	stream.linear.gather [hbm4b:s30+s3], $0x4000, $0x38;
	[tilespmem:$0x1E400] =	vst v63  }
0x28: {  	_ =	swait.ge [sflag:s19], $0x4000  }
0x29: {  	[sflag:s19] =	ssyncset.done $0x0  }
0x2a: {  	s31 =	simm.s32 $0x13C80;
	[sflag:s19] =	ssyncadd.s32 $0xFFFFC000  }
0x2b: {  	[spmem:s1] =	stream.indirect.scatter.add.f32 [tilespmem:s16], [sflag:$0x3], $0x80, s31, s18, $0xb8;
	[tilespmem:$0x1E400] =	vst v63  }
0x2c: {  	_ =	swait.ge [sflag:s13], $0x4000  }
0x2d: {  	s24 =	sadd.s32 $0x1000, s11;
	[sflag:s13] =	ssyncset.done $0x0  }
0x2e: {  	s25 =	smov.u32 s11;
	s23 =	simm.s32 $0x400;
	[sflag:s13] =	ssyncadd.s32 $0xFFFFC000  }
.LBB2_2:
0x2f: {  	[tilespmem:s16], [sflag:$0x2] =	stream.linear.gather [hbm4b:s25+s3], $0x4000, $0x38;
	[tilespmem:$0x1E400] =	vst v63  }
0x30: {  	s26 =	smov.u32 s23;
	s25 =	smov.u32 s24  }
0x31: {  	p0 =	sne.s32 s23, $0x9800;
	s23 =	sadd.s32 $0x400, s23;
	_ =	swait.ge [sflag:s17], $0x4000  }
0x32: {  	s26 =	sshra.s32 s26, $0x2;
	[sflag:s17] =	ssyncset.done $0x0  }
0x33: {  	s28 =	sadd.s32 $0x13C00, s26;
	[sflag:s17] =	ssyncadd.s32 $0xFFFFC000  }
0x34: {  	[spmem:s1] =	stream.indirect.scatter.add.f32 [tilespmem:s15], [sflag:$0x3], $0x80, s28, s18, $0xb8;
	[tilespmem:$0x1E400] =	vst v63  }
0x35: {  	_ =	swait.ge [sflag:s13], $0x4000  }
0x36: {  	[sflag:s13] =	ssyncset.done $0x0  }
0x37: {  	s28 =	sadd.s32 $0xFFFFF800, s24;
	[sflag:s13] =	ssyncadd.s32 $0xFFFFC000  }
0x38: {  	[tilespmem:s15], [sflag:$0x1] =	stream.linear.gather [hbm4b:s28+s3], $0x4000, $0x38;
	[tilespmem:$0x1E400] =	vst v63  }
0x39: {  	_ =	swait.ge [sflag:s19], $0x4000  }
0x3a: {  	[sflag:s19] =	ssyncset.done $0x0  }
.Ltmp0:
0x3b: {  	s26 =	sadd.s32 $0x13C80, s26;
	[sflag:s19] =	ssyncadd.s32 $0xFFFFC000;
	(pc) =	sbr.rel @p0 .LBB2_2-.Ltmp0, $4  }
0x3c: {  	[spmem:s1] =	stream.indirect.scatter.add.f32 [tilespmem:s16], [sflag:$0x3], $0x80, s26, s18, $0xb8;
	[tilespmem:$0x1E400] =	vst v63  }
0x3d: {  	_ =	swait.ge [sflag:s13], $0x4000  }
0x3e: {  	[sflag:s13] =	ssyncset.done $0x0  }
0x3f: {  	s24 =	sadd.s32 $0x1000, s24;
	[sflag:s13] =	ssyncadd.s32 $0xFFFFC000  }
0x40: {  	[tilespmem:s16], [sflag:$0x2] =	stream.linear.gather [hbm4b:s25+s3], $0x4000, $0x38;
	[tilespmem:$0x1E400] =	vst v63  }
0x41: {  	_ =	swait.ge [sflag:s17], $0x4000  }
0x42: {  	[sflag:s17] =	ssyncset.done $0x0  }
0x43: {  	[sflag:s17] =	ssyncadd.s32 $0xFFFFC000  }
0x44: {  	[spmem:s1] =	stream.indirect.scatter.add.f32 [tilespmem:s15], [sflag:$0x3], $0x80, s20, s18, $0xb8;
	[tilespmem:$0x1E400] =	vst v63  }
0x45: {  	_ =	swait.ge [sflag:s13], $0x4000  }
0x46: {  	[sflag:s13] =	ssyncset.done $0x0  }
0x47: {  	[sflag:s13] =	ssyncadd.s32 $0xFFFFC000  }
0x48: {  	_ =	swait.ge [sflag:s19], $0x4000  }
0x49: {  	[sflag:s19] =	ssyncset.done $0x0  }
0x4a: {  	[sflag:s19] =	ssyncadd.s32 $0xFFFFC000  }
0x4b: {  	[spmem:s1] =	stream.indirect.scatter.add.f32 [tilespmem:s16], [sflag:$0x3], $0x80, s21, s18, $0xb8;
	[tilespmem:$0x1E400] =	vst v63  }
0x4c: {  	_ =	swait.ge [sflag:s13], $0x4000  }
0x4d: {  	s22 =	sadd.s32 $0x1, s22;
	[sflag:s13] =	ssyncset.done $0x0  }
0x4e: {  	p0 =	sne.s32 s22, s10;
	[sflag:s13] =	ssyncadd.s32 $0xFFFFC000  }
.Ltmp1:
0x4f: {  	[bflag:$0x0] =	sbarrier.arrive $0xFFFF;
	(pc) =	sbr.rel @p0 .LBB2_1-.Ltmp1, $4  }
0x50: {  	[hbm:s9], [sflag:s5] =	dma.local [spmem:s12], $0x2780  }
0x51: {  	_ =	swait.ge [sflag:s13], $0x2780  }
0x52: {  	[sflag:s13] =	ssyncset.done $0x0  }
0x53: {  	[sflag:s13] =	ssyncadd.s32 $0xFFFFD880  }
0x54: {  	_ =	sfence.sel $0x180000  }
0x55: {  	[bflag:$0x0] =	sbarrier.arrive $0xFFFF  }
0x56: {  	p0 =	sne.s32 s2, $0x0;
	_ =	strace $0x90000053  }
0x57: {  	s0 =	sadd.s32 @!p0 $0x100000, s0;
	[bflag:$0x2] =	sbarrier.arrive $0xFFFF  }
0x58: {  	[sflag:s0] =	ssyncadd.tile.s32 @!p0 $0x1;
	_ =	shalt  }
.Lfunc_end2:
_tile_overlayer_lowered:
.L_overlay_start_2:
0x59: {  	(tag) =	ssettag $0x2  }
0x5a: {  	s0 =	rddreg [dreg:$0x0];
	s2 =	stileid.u32  }
0x5b: {  	s1 =	rddreg [dreg:$0x1];
	p0 =	sne.s32 s2, $0x0  }
0x5c: {  	s3 =	rddreg [dreg:$0x2];
	[bflag:$0x3] =	sbarrier.arrive $0xFFFF;
	s2 =	simm.s32 @!p0 $0x1C03  }
0x5d: {  	[timem:s3], [sflag:s2] =	dma.local @!p0 [hbm:s0], s1  }
0x5e: {  	s0 =	simm.s32 @!p0 $0x3  }
0x5f: {  	_ =	swait.ge @!p0 [sflag:s0], s1  }
0x60: {  	s1 =	ssub.s32 @!p0 $0x0, s1;
	[sflag:s0] =	ssyncset.done @!p0 $0x0  }
0x61: {  	[sflag:s0] =	ssyncadd.s32 @!p0 s1  }
0x62: {  	[bflag:$0x3] =	sbarrier.arrive $0xFFFF  }
0x63: {  	_ =	shalt  }

// kernel: kernel.23.cloned.1.call-start
scs
__scs_entry_jumppad:
0x0: {  	(pc) =	sbr.rel $0x88, $3  }
0x1: {  	(tag) =	ssettag $0x0;
	lr =	simm.s32 $0x1  }
0x2: {  	[smem:$0x3F62] =	sst lr;
	_ =	strace $0xD0000000  }
0x3: {  	_ = 	snop  }
0x4: {  	_ = 	snop  }
0x5: {  	_ = 	snop  }
0x6: {  	_ = 	snop  }
0x7: {  	_ = 	snop  }
__scs_overlays_trampoline_lowered:
0x8: {  	[smem:$0x3F71] =	sst s0  }
0x9: {  	[smem:$0x3F72] =	sst s1  }
0xa: {  	[smem:$0x3F73] =	sst s2  }
0xb: {  	[smem:$0x3F74] =	sst s3  }
0xc: {  	[smem:$0x3F75] =	sst s4  }
0xd: {  	[smem:$0x3F76] =	sst s5  }
0xe: {  	[smem:$0x3F77] =	sst s6  }
0xf: {  	[smem:$0x3F78] =	sst s7  }
0x10: {  	[smem:$0x3F79] =	sst s8  }
0x11: {  	[smem:$0x3F7A] =	sst s9;
	s0 =	simm.s32 @!p0 $0x0  }
0x12: {  	s1 =	sld [smem:$0x3F60];
	s0 =	simm.s32 @p0 $0x1  }
0x13: {  	[smem:$0x3F7B] =	sst s0;
	s0 =	simm.s32 @!p1 $0x0  }
0x14: {  	s2 =	sld [smem:$0x3F5F];
	s0 =	simm.s32 @p1 $0x1  }
0x15: {  	[smem:$0x3F7C] =	sst s0;
	s0 =	simm.s32 @!p2 $0x0  }
0x16: {  	s3 =	sld [smem:$0x3FDB];
	s0 =	simm.s32 @p2 $0x1  }
0x17: {  	s4 =	simm.s32 $0x1BF5;
	[smem:$0x3F7E] =	sst s0  }
0x18: {  	s0 =	sld [smem:$0x3F61];
	_ =	swait.ge [sflag:s4], $0x0  }
0x19: {  	s7 =	sld [smem:$0x3F62]  }
0x1a: {  	s8 =	sadd.s32 $0xFFFFE003, lr  }
0x1b: {  	s9 =	sadd.s32 $0xFFFFFEF7, lr;
	s5 =	simm.s32 $0xFFFFFFFF;
	p2 =	slt.u32 s8, $0xFFFFF086  }
0x1c: {  	p1 =	slt.u32 s9, $0xF7A;
	s5 =	simm.s32 @!p2 $0x0  }
0x1d: {  	s5 =	simm.s32 @p1 $0x1;
	p0 =	seq.s32 s7, s2  }
0x1e: {  	s7 =	smul.u32 @!p0 $0xF7A, s2;
	p2 =	seq.s32 @!p0 s5, $0x0  }
0x1f: {  	s9 =	smul.u32 $0xF7A, s1;
	s8 =	simm.s32 @!p0 $0x1BF5;
	p2 =	por !p2, p0  }
0x20: {  	[sflag:s8] =	ssyncset.s32 @!p0 $0xFFFFF086;
	s6 =	sadd.s32 @!p0 s3, s7;
	s7 =	simm.s32 @!p0 $0x108  }
0x21: {  	s3 =	sadd.s32 s3, s9;
	s6 =	sadd.s32 @!p0 $0x88, s6;
	s7 =	simm.s32 @p2 $0x1082  }
0x22: {  	[simem:s7], [sflag:s8] =	dma.local @!p0 [hbm:s6], $0xF7A  }
0x23: {  	s9 =	sor.u32 $0xD0000000, s2;
	s6 =	simm.s32 $0x108;
	_ =	swait.ge @!p0 [sflag:s8], $0x0  }
0x24: {  	s3 =	sadd.s32 $0x88, s3;
	s6 =	simm.s32 @!p1 $0x1082;
	[sflag:s4] =	ssyncset.s32 $0xFFFFF086  }
0x25: {  	[simem:s6], [sflag:s4] =	dma.local [hbm:s3], $0xF7A  }
0x26: {  	[smem:$0x3F62] =	sst s1;
	(tag) =	ssettag s2;
	_ =	strace s9  }
0x27: {  	s1 =	sld [smem:$0x3F72]  }
0x28: {  	s2 =	sld [smem:$0x3F73]  }
0x29: {  	s4 =	sld [smem:$0x3F75]  }
0x2a: {  	p0 =	seq.s32 s5, $0x0;
	s5 =	sld [smem:$0x3F76]  }
0x2b: {  	s6 =	sld [smem:$0x3F77]  }
0x2c: {  	s7 =	sld [smem:$0x3F78]  }
0x2d: {  	s3 =	simm.s32 $0x108;
	s8 =	sld [smem:$0x3F79]  }
0x2e: {  	s3 =	simm.s32 @!p0 $0x1082;
	s9 =	sld [smem:$0x3F7A]  }
0x2f: {  	lr =	sadd.s32 s0, s3;
	s0 =	sld [smem:$0x3F71]  }
0x30: {  	s3 =	sld [smem:$0x3F74]  }
0x31: {  	[smem:$0x3F7D] =	sst s10  }
0x32: {  	s10 =	sld [smem:$0x3F7B];
	_ =	sdelay $0x3  }
0x33: {  	p0 =	seq.s32 s10, $0x1;
	s10 =	sld [smem:$0x3F7D];
	_ =	sdelay $0x3  }
0x34: {  	[smem:$0x3F7D] =	sst s10  }
0x35: {  	s10 =	sld [smem:$0x3F7C];
	_ =	sdelay $0x3  }
0x36: {  	p1 =	seq.s32 s10, $0x1;
	s10 =	sld [smem:$0x3F7D];
	_ =	sdelay $0x3  }
0x37: {  	[smem:$0x3F7D] =	sst s10  }
0x38: {  	s10 =	sld [smem:$0x3F7E]  }
0x39: {  	_ = 	snop;
	(pc) =	sbr.ind lr, $3  }
0x3a: {  	_ = 	snop  }
0x3b: {  	_ = 	snop  }
0x3c: {  	p2 =	seq.s32 s10, $0x1;
	s10 =	sld [smem:$0x3F7D]  }
0x3d: {  	_ =	shalt  }
0x3e: {  	_ =	shalt  }
0x3f: {  	_ =	shalt  }
0x40: {  	_ =	shalt  }
0x41: {  	_ =	shalt  }
0x42: {  	_ =	shalt  }
0x43: {  	_ =	shalt  }
0x44: {  	_ =	shalt  }
0x45: {  	_ =	shalt  }
0x46: {  	_ =	shalt  }
0x47: {  	_ =	shalt  }
0x48: {  	_ =	shalt  }
0x49: {  	_ =	shalt  }
0x4a: {  	_ =	shalt  }
0x4b: {  	_ =	shalt  }
0x4c: {  	_ =	shalt  }
0x4d: {  	_ =	shalt  }
0x4e: {  	_ =	shalt  }
0x4f: {  	_ =	shalt  }
0x50: {  	_ =	shalt  }
0x51: {  	_ =	shalt  }
0x52: {  	_ =	shalt  }
0x53: {  	_ =	shalt  }
0x54: {  	_ =	shalt  }
0x55: {  	_ =	shalt  }
0x56: {  	_ =	shalt  }
0x57: {  	_ =	shalt  }
0x58: {  	_ =	shalt  }
0x59: {  	_ =	shalt  }
0x5a: {  	_ =	shalt  }
0x5b: {  	_ =	shalt  }
0x5c: {  	_ =	shalt  }
0x5d: {  	_ =	shalt  }
0x5e: {  	_ =	shalt  }
0x5f: {  	_ =	shalt  }
0x60: {  	_ =	shalt  }
0x61: {  	_ =	shalt  }
0x62: {  	_ =	shalt  }
0x63: {  	_ =	shalt  }
0x64: {  	_ =	shalt  }
0x65: {  	_ =	shalt  }
0x66: {  	_ =	shalt  }
0x67: {  	_ =	shalt  }
0x68: {  	_ =	shalt  }
0x69: {  	_ =	shalt  }
0x6a: {  	_ =	shalt  }
0x6b: {  	_ =	shalt  }
0x6c: {  	_ =	shalt  }
0x6d: {  	_ =	shalt  }
0x6e: {  	_ =	shalt  }
0x6f: {  	_ =	shalt  }
0x70: {  	_ =	shalt  }
0x71: {  	_ =	shalt  }
0x72: {  	_ =	shalt  }
0x73: {  	_ =	shalt  }
0x74: {  	_ =	shalt  }
0x75: {  	_ =	shalt  }
0x76: {  	_ =	shalt  }
0x77: {  	_ =	shalt  }
0x78: {  	_ =	shalt  }
0x79: {  	_ =	shalt  }
0x7a: {  	_ =	shalt  }
0x7b: {  	_ =	shalt  }
0x7c: {  	_ =	shalt  }
0x7d: {  	_ =	shalt  }
0x7e: {  	_ =	shalt  }
0x7f: {  	_ =	shalt  }
0x80: {  	_ =	shalt  }
0x81: {  	_ =	shalt  }
0x82: {  	_ =	shalt  }
0x83: {  	_ =	shalt  }
0x84: {  	_ =	shalt  }
0x85: {  	_ =	shalt  }
0x86: {  	_ =	shalt  }
0x87: {  	_ =	shalt  }
.Lfunc_end0:
.L_simem_size_0:
called_computation.2_lowered:
.L_overlay_start_0:
0x88: {  	s2 =	sld [smem:$0x3FD9]  }
0x89: {  	s3 =	sld [smem:$0x3FFE];
	_ =	sdelay $0x1  }
0x8a: {  	s1 =	srdreg.scid  }
0x8b: {  	s0 =	sand.u32 $0x1, s1  }
0x8c: {  	s17 =	sshll.u32 s0, $0xA;
	s2 =	sadd.s32 s3, s2  }
0x8d: {  	s2 =	sadd.s32 s2, s17  }
0x8e: {  	[smem:$0x3F89] =	sst s2  }
0x8f: {  	_ = 	snop  }
0x90: {  	(tm) =	ssettm $0x1  }
0x91: {  	s18 =	sld [smem:$0x3FFB];
	_ =	sdelay $0x3  }
0x92: {  	_ =	strace s18  }
0x93: {  	s2 =	sld [smem:$0x3FFC];
	_ =	sdelay $0x3  }
0x94: {  	_ =	strace s2  }
0x95: {  	s2 =	sld [smem:$0x3FFD];
	_ =	sdelay $0x3  }
0x96: {  	_ =	strace s2  }
0x97: {  	_ =	strace $0x8FFFFFFF  }
0x98: {  	s19 =	sld [smem:$0x3FDB];
	_ =	sdelay $0x1  }
0x99: {  	s20 =	simm.s32 $_scs_section_size  }
0x9a: {  	s4 =	simm.s32 $_size__tile_overlayer_lowered;
	s5 =	simm.s32 $_tile_overlayer_lowered  }
0x9b: {  	s6 =	simm.s32 $0x1BFF;
	s21 =	sshll.u32 s5, $0x1;
	s3 =	sadd.s32 s20, s19  }
0x9c: {  	s22 =	simm.s32 $0x0;
	s4 =	sshll.u32 s4, $0x1;
	s5 =	sadd.s32 s21, s3  }
0x9d: {  	[timem:s22], [sflag:s6] =	dma.local [hbm:s5], s4  }
0x9e: {  	_ =	swait.ge [sflag:s6], s4  }
0x9f: {  	s4 =	ssub.s32 $0x0, s4;
	[sflag:s6] =	ssyncset.done $0x0  }
0xa0: {  	[sflag:s6] =	ssyncadd.s32 s4;
	_ =	sdelay $0x1  }
0xa1: {  	s23 =	simm.s32 $0x1B8B  }
0xa2: {  	_ =	swait.ge [sflag:s23], $0x1  }
0xa3: {  	[sflag:s23] =	ssyncset.done $0x0  }
0xa4: {  	[sflag:s23] =	ssyncadd.s32 $0xFFFFFFFF  }
0xa5: {  	s4 =	sld [smem:$0x0]  }
0xa6: {  	s5 =	sand.u32 $0xFFFFFFFE, s1  }
0xa7: {  	p0 =	sne.s32 s1, s5  }
0xa8: {  	s5 =	sshll.u32 @p0 s5, $0xE  }
0xa9: {  	s5 =	sadd.s32 @p0 $0x11B8D, s5;
	s6 =	sshll.u32 @p0 s4, $0x11  }
0xaa: {  	s5 =	sor.u32 @p0 s6, s5  }
0xab: {  	[sflag:s5] =	ssyncadd.remote.s32 @p0 $0x1;
	_ =	sdelay $0x1  }
0xac: {  	s5 =	simm.s32 @p0 $0x1B8D  }
0xad: {  	_ =	swait.eq @p0 [sflag:s5], $0x1  }
0xae: {  	[sflag:s5] =	ssyncadd.s32 @p0 $0xFFFFFFFF  }
0xaf: {  	s6 =	sshll.u32 @!p0 s1, $0xE  }
0xb0: {  	s6 =	sor.u32 @!p0 $0x4000, s6;
	s5 =	simm.s32 @!p0 $0x1B8D  }
0xb1: {  	s4 =	sshll.u32 @!p0 s4, $0x11;
	s6 =	sadd.s32 @!p0 $0x11B8D, s6;
	_ =	swait.eq @!p0 [sflag:s5], $0x1  }
0xb2: {  	s4 =	sor.u32 @!p0 s4, s6;
	[sflag:s5] =	ssyncadd.s32 @!p0 $0xFFFFFFFF  }
0xb3: {  	s25 =	simm.s32 $0x1B8E;
	s24 =	sld [smem:$0x3FFE];
	[sflag:s4] =	ssyncadd.remote.s32 @!p0 $0x1  }
0xb4: {  	s26 =	simm.s32 $execute0_lowered;
	[smem:$0x3FD2] =	sst s25  }
0xb5: {  	s5 =	sshll.u32 s26, $0x1;
	_ =	strace $0x8000004F;
	[dreg:$0x1] =	wrdreg $0xFFFFFFFF  }
0xb6: {  	s28 =	simm.s32 $_size_execute0_lowered;
	s3 =	sadd.s32 s3, s5;
	[dreg:$0x0] =	wrdreg $0x0  }
0xb7: {  	s5 =	sshll.u32 s28, $0x1;
	[dreg:$0x2] =	wrdreg s3  }
0xb8: {  	[dreg:$0x3] =	wrdreg s5  }
0xb9: {  	[dreg:$0x4] =	wrdreg $0xC0  }
0xba: {  	_ =	task [dreg:s22], $0x5FFFF  }
0xbb: {  	[dreg:$0x1] =	wrdreg $0xFFFFFFFF  }
0xbc: {  	[dreg:$0x0] =	wrdreg $0x60  }
0xbd: {  	[dreg:$0x2] =	wrdreg s24  }
0xbe: {  	[dreg:$0x3] =	wrdreg $0xA  }
0xbf: {  	_ =	task.clear_ibuf [dreg:s22], $0x4FFFF;
	_ =	strace $0x9000004F  }
0xc0: {  	s29 =	simm.s32 $0xA;
	_ =	strace $0x80000051  }
0xc1: {  	_ =	swait.ge [sflag:s29], $0x1  }
0xc2: {  	[sflag:s29] =	ssyncadd.s32 $0xFFFFFFFF  }
0xc3: {  	_ =	strace $0x90000051  }
0xc4: {  	_ =	sfence  }
0xc5: {  	s30 =	sld [smem:$0x0];
	_ =	sdelay $0x2  }
0xc6: {  	s31 =	sshll.u32 s1, $0xD;
	s1 =	sshrl.u32 s1, $0x2  }
0xc7: {  	s4 =	sand.u32 $0x4000, s31;
	s1 =	sadd.s32 s1, s30  }
0xc8: {  	s0 =	sor.u32 s4, s0;
	s1 =	sshll.u32 s1, $0x11  }
0xc9: {  	s0 =	sor.u32 s1, s0  }
0xca: {  	s0 =	sadd.s32 $0x8F2B, s0  }
0xcb: {  	[sflag:s0] =	ssyncadd.remote.s32 $0x1  }
0xcc: {  	_ =	sfence.sel $0xFFFF  }
0xcd: {  	[dreg:$0x0] =	wrdreg $0xFFFFFFFF;
	(pc) =	sbr.abs _section_cstart, $3  }
0xce: {  	[dreg:$0x1] =	wrdreg $0xFFFFFFFF  }
0xcf: {  	_ =	task.clear_ibuf [dreg:s22], $0x2FFFF;
	_ =	strace $0x9FFFFFFF  }
0xd0: {  	(tm) =	ssettm $0x7FFFFFFF  }
0xd1: {  	_ =	shalt  }
tec
execute0_lowered:
.L_overlay_start_1:
0x0: {  	(tag) =	ssettag $0x1  }
0x1: {  	s0 =	srdreg.scid;
	s1 =	rddreg [dreg:$0x0]  }
0x2: {  	s14 =	stileid.u32;
	s2 =	simm.s32 $0x0;
	s15 =	simm.s32 $0x9  }
0x3: {  	s16 =	simm.s32 $0x2800;
	s17 =	simm.s32 $0x80;
	s28 =	simm.s32 $0x2  }
0x4: {  	s29 =	simm.s32 $0x4;
	s30 =	simm.s32 $0x6;
	s31 =	simm.s32 $0x8  }
0x5: {  	s0 =	sand.u32 $0x1, s0;
	[smem:$0x7FF] =	sst s2;
	s13 =	smul.u32 $0x140000, s14  }
0x6: {  	s4 =	sadd.s32 $0x22E00, s1;
	s12 =	sadd.s32 $0x1F0F200, s1;
	s23 =	smul.u32 $0x28000, s14  }
0x7: {  	s3 =	sshll.u32 s0, $0x4;
	_ =	strace $0x80000050;
	s10 =	smul.u32 $0x1400000, s0  }
0x8: {  	s7 =	ssub.s32 $0x2, s0;
	s0 =	smul.u32 $0x280000, s0;
	s5 =	sor.u32 s14, s3  }
0x9: {  	s3 =	sadd.s32 $0x71000, s1;
	s8 =	sshrl.u32 s7, $0x1;
	s6 =	smul.u32 $0x2800, s5  }
0xa: {  	s5 =	smul.u32 $0x140000, s5;
	s11 =	ssub.s32 s7, s8;
	s21 =	sadd.s32 s13, s10  }
0xb: {  	s25 =	sadd.s32 s0, s12;
	s22 =	sshrl.u32 s21, $0x3;
	s11 =	smax.u32 s11, $0x1  }
0xc: {  	s26 =	sadd.s32 s23, s25;
	s25 =	simm.s32 $0x5;
	s6 =	sshrl.u32 s6, $0x3  }
0xd: {  	s5 =	sshrl.u32 s5, $0x3;
	s13 =	sadd.s32 $0x800, s26;
	s26 =	simm.s32 $0x7  }
0xe: {  	s6 =	sadd.s32 s6, s1;
	s1 =	sadd.s32 $0x240F200, s1;
	s19 =	sadd.s32 $0x27000, s5  }
0xf: {  	s5 =	sadd.s32 $0x27800, s5;
	s18 =	sadd.s32 $0xF1200, s6;
	s6 =	sadd.s32 $0x1EFB200, s6  }
0x10: {  	s20 =	sadd.s32 s12, s19;
	s9 =	sadd.s32 s12, s5;
	[dreg:$0x3] =	wrdreg s18  }
0x11: {  	s10 =	sadd.s32 s1, s5;
	s24 =	sadd.s32 s22, s1;
	[dreg:$0x4] =	wrdreg s6  }
0x12: {  	s0 =	sadd.s32 s0, s1;
	s12 =	sadd.s32 s22, s12;
	[dreg:$0x5] =	wrdreg s20  }
0x13: {  	s22 =	simm.s32 $0x11000;
	s6 =	sadd.s32 s1, s19;
	[dreg:$0x2] =	wrdreg s24  }
0x14: {  	s0 =	sadd.s32 s23, s0;
	s18 =	simm.s32 $0x5000;
	s19 =	simm.s32 $0xD000  }
0x15: {  	s20 =	simm.s32 $0x9000;
	s23 =	simm.s32 $0x1;
	s24 =	simm.s32 $0x3  }
0x16: {  	[dreg:$0x6] =	wrdreg s6;
	s14 =	sadd.s32 $0x800, s0;
	s0 =	simm.s32 $0x0  }
.LBB2_1:
0x17: {  	s1 =	rddreg [dreg:$0x3]  }
0x18: {  	[tilespmem:s2], [sflag:$0x9] =	stream.linear.gather [hbm4b:s1+s2], $0x2800, $0x38;
	[tilespmem:$0x15000] =	vst v63  }
0x19: {  	_ =	swait.ge [sflag:s15], $0x2800  }
0x1a: {  	[sflag:s15] =	ssyncset.done $0x0  }
0x1b: {  	s7 =	rddreg [dreg:$0x4];
	[sflag:s15] =	ssyncadd.s32 $0xFFFFD800  }
0x1c: {  	[tilespmem:s16], [sflag:$0x9] =	stream.linear.gather [hbm4b:s7+s2], $0x2800, $0x38;
	[tilespmem:$0x15000] =	vst v63  }
0x1d: {  	_ =	swait.ge [sflag:s15], $0x2800  }
0x1e: {  	[sflag:s15] =	ssyncset.done $0x0  }
0x1f: {  	[sflag:s15] =	ssyncadd.s32 $0xFFFFD800  }
0x20: {  	[tilespmem:s18], [sflag:$0x1] =	stream.indirect.gather [hbm4b:s3+s17], $0x80, s2, s17, $0xb8;
	[tilespmem:$0x15000] =	vst v63  }
0x21: {  	_ = 	snop  }
0x22: {  	[tilespmem:s19], [sflag:$0x3] =	stream.indirect.gather [hbm4b:s4+s17], $0x80, s16, s17, $0xb8;
	[tilespmem:$0x15000] =	vst v63  }
0x23: {  	_ = 	snop  }
0x24: {  	[tilespmem:s20], [sflag:$0x2] =	stream.indirect.gather [hbm4b:s3+s17], $0x80, s17, s17, $0xb8;
	[tilespmem:$0x15000] =	vst v63  }
0x25: {  	s8 =	simm.s32 $0x2880  }
0x26: {  	[tilespmem:s22], [sflag:$0x4] =	stream.indirect.gather [hbm4b:s4+s17], $0x80, s8, s17, $0xb8;
	[tilespmem:$0x15000] =	vst v63  }
0x27: {  	_ =	swait.ge [sflag:s23], $0x4000  }
0x28: {  	[sflag:s23] =	ssyncset.done $0x0  }
0x29: {  	[sflag:s23] =	ssyncadd.s32 $0xFFFFC000  }
0x2a: {  	_ =	swait.ge [sflag:s24], $0x4000  }
0x2b: {  	[sflag:s24] =	ssyncset.done $0x0  }
0x2c: {  	s5 =	sadd.s32 $0x0, s12;
	s21 =	rddreg [dreg:$0x2];
	[sflag:s24] =	ssyncadd.s32 $0xFFFFC000  }
0x2d: {  	[hbm4b:s5+s2] =	stream.linear.scatter [tilespmem:s18], [sflag:$0x5], $0x4000, $0x38;
	[tilespmem:$0x15000] =	vst v63  }
0x2e: {  	s1 =	sadd.s32 $0x0, s21  }
0x2f: {  	[hbm4b:s1+s2] =	stream.linear.scatter [tilespmem:s19], [sflag:$0x7], $0x4000, $0x38;
	[tilespmem:$0x15000] =	vst v63  }
0x30: {  	_ =	swait.ge [sflag:s25], $0x4000  }
0x31: {  	[sflag:s25] =	ssyncset.done $0x0  }
0x32: {  	[sflag:s25] =	ssyncadd.s32 $0xFFFFC000  }
0x33: {  	_ =	swait.ge [sflag:s26], $0x4000  }
0x34: {  	[sflag:s26] =	ssyncset.done $0x0  }
0x35: {  	s5 =	simm.s32 $0x100;
	[sflag:s26] =	ssyncadd.s32 $0xFFFFC000  }
0x36: {  	[tilespmem:s18], [sflag:$0x1] =	stream.indirect.gather [hbm4b:s3+s17], $0x80, s5, s17, $0xb8;
	[tilespmem:$0x15000] =	vst v63  }
0x37: {  	s6 =	simm.s32 $0x2900  }
0x38: {  	[tilespmem:s19], [sflag:$0x3] =	stream.indirect.gather [hbm4b:s4+s17], $0x80, s6, s17, $0xb8;
	[tilespmem:$0x15000] =	vst v63  }
0x39: {  	_ =	swait.ge [sflag:s28], $0x4000  }
0x3a: {  	[sflag:s28] =	ssyncset.done $0x0  }
0x3b: {  	[sflag:s28] =	ssyncadd.s32 $0xFFFFC000  }
0x3c: {  	_ =	swait.ge [sflag:s29], $0x4000  }
0x3d: {  	[sflag:s29] =	ssyncset.done $0x0  }
0x3e: {  	s7 =	sadd.s32 $0x0, s13;
	[sflag:s29] =	ssyncadd.s32 $0xFFFFC000  }
0x3f: {  	[hbm4b:s7+s2] =	stream.linear.scatter [tilespmem:s20], [sflag:$0x6], $0x4000, $0x38;
	[tilespmem:$0x15000] =	vst v63  }
0x40: {  	s8 =	sadd.s32 $0x0, s14  }
0x41: {  	[hbm4b:s8+s2] =	stream.linear.scatter [tilespmem:s22], [sflag:$0x8], $0x4000, $0x38;
	[tilespmem:$0x15000] =	vst v63  }
0x42: {  	_ =	swait.ge [sflag:s30], $0x4000  }
0x43: {  	[sflag:s30] =	ssyncset.done $0x0  }
0x44: {  	[sflag:s30] =	ssyncadd.s32 $0xFFFFC000  }
0x45: {  	_ =	swait.ge [sflag:s31], $0x4000  }
0x46: {  	[sflag:s31] =	ssyncset.done $0x0  }
0x47: {  	s21 =	simm.s32 $0x180;
	s1 =	simm.s32 $0x1000;
	[sflag:s31] =	ssyncadd.s32 $0xFFFFC000  }
0x48: {  	[tilespmem:s20], [sflag:$0x2] =	stream.indirect.gather [hbm4b:s3+s17], $0x80, s21, s17, $0xb8;
	[tilespmem:$0x15000] =	vst v63  }
0x49: {  	s5 =	simm.s32 $0x200;
	s6 =	simm.s32 $0x2980;
	s21 =	simm.s32 $0x2A00  }
.LBB2_2:
0x4a: {  	[tilespmem:s22], [sflag:$0x4] =	stream.indirect.gather [hbm4b:s4+s17], $0x80, s6, s17, $0xb8;
	[tilespmem:$0x15000] =	vst v63  }
0x4b: {  	_ =	swait.ge [sflag:s23], $0x4000  }
0x4c: {  	[sflag:s23] =	ssyncset.done $0x0  }
0x4d: {  	[sflag:s23] =	ssyncadd.s32 $0xFFFFC000  }
0x4e: {  	_ =	swait.ge [sflag:s24], $0x4000  }
0x4f: {  	s6 =	smov.u32 s1;
	[sflag:s24] =	ssyncset.done $0x0  }
0x50: {  	s8 =	sadd.s32 s6, s12;
	s7 =	rddreg [dreg:$0x2];
	[sflag:s24] =	ssyncadd.s32 $0xFFFFC000  }
0x51: {  	[hbm4b:s8+s2] =	stream.linear.scatter [tilespmem:s18], [sflag:$0x5], $0x4000, $0x38;
	[tilespmem:$0x15000] =	vst v63  }
0x52: {  	s7 =	sadd.s32 s6, s7  }
0x53: {  	[hbm4b:s7+s2] =	stream.linear.scatter [tilespmem:s19], [sflag:$0x7], $0x4000, $0x38;
	[tilespmem:$0x15000] =	vst v63  }
0x54: {  	_ =	swait.ge [sflag:s25], $0x4000  }
0x55: {  	[sflag:s25] =	ssyncset.done $0x0  }
0x56: {  	[sflag:s25] =	ssyncadd.s32 $0xFFFFC000  }
0x57: {  	_ =	swait.ge [sflag:s26], $0x4000  }
0x58: {  	[sflag:s26] =	ssyncset.done $0x0  }
0x59: {  	[sflag:s26] =	ssyncadd.s32 $0xFFFFC000  }
0x5a: {  	[tilespmem:s18], [sflag:$0x1] =	stream.indirect.gather [hbm4b:s3+s17], $0x80, s5, s17, $0xb8;
	[tilespmem:$0x15000] =	vst v63  }
0x5b: {  	_ = 	snop  }
0x5c: {  	[tilespmem:s19], [sflag:$0x3] =	stream.indirect.gather [hbm4b:s4+s17], $0x80, s21, s17, $0xb8;
	[tilespmem:$0x15000] =	vst v63  }
0x5d: {  	_ =	swait.ge [sflag:s28], $0x4000  }
0x5e: {  	[sflag:s28] =	ssyncset.done $0x0  }
0x5f: {  	[sflag:s28] =	ssyncadd.s32 $0xFFFFC000  }
0x60: {  	_ =	swait.ge [sflag:s29], $0x4000  }
0x61: {  	[sflag:s29] =	ssyncset.done $0x0  }
0x62: {  	s8 =	sadd.s32 s6, s13;
	[sflag:s29] =	ssyncadd.s32 $0xFFFFC000  }
0x63: {  	[hbm4b:s8+s2] =	stream.linear.scatter [tilespmem:s20], [sflag:$0x6], $0x4000, $0x38;
	[tilespmem:$0x15000] =	vst v63  }
0x64: {  	s6 =	sadd.s32 s6, s14  }
0x65: {  	[hbm4b:s6+s2] =	stream.linear.scatter [tilespmem:s22], [sflag:$0x8], $0x4000, $0x38;
	[tilespmem:$0x15000] =	vst v63  }
0x66: {  	_ =	swait.ge [sflag:s30], $0x4000  }
0x67: {  	p0 =	sne.s32 s1, $0x26000;
	[sflag:s30] =	ssyncset.done $0x0  }
.Ltmp0:
0x68: {  	[sflag:s30] =	ssyncadd.s32 $0xFFFFC000;
	(pc) =	sbr.rel @p0 .LBB2_2-.Ltmp0, $4  }
0x69: {  	s1 =	sadd.s32 $0x1000, s1;
	_ =	swait.ge [sflag:s31], $0x4000  }
0x6a: {  	s8 =	sadd.s32 $0x80, s5;
	s5 =	sadd.s32 $0x100, s5;
	[sflag:s31] =	ssyncset.done $0x0  }
0x6b: {  	s6 =	sadd.s32 $0x80, s21;
	s21 =	sadd.s32 $0x100, s21;
	[sflag:s31] =	ssyncadd.s32 $0xFFFFC000  }
0x6c: {  	[tilespmem:s20], [sflag:$0x2] =	stream.indirect.gather [hbm4b:s3+s17], $0x80, s8, s17, $0xb8;
	[tilespmem:$0x15000] =	vst v63  }
0x6d: {  	[tilespmem:s22], [sflag:$0x4] =	stream.indirect.gather [hbm4b:s4+s17], $0x80, s6, s17, $0xb8;
	[tilespmem:$0x15000] =	vst v63  }
0x6e: {  	_ =	swait.ge [sflag:s23], $0x4000  }
0x6f: {  	[sflag:s23] =	ssyncset.done $0x0  }
0x70: {  	[sflag:s23] =	ssyncadd.s32 $0xFFFFC000  }
0x71: {  	_ =	swait.ge [sflag:s24], $0x4000  }
0x72: {  	[sflag:s24] =	ssyncset.done $0x0  }
0x73: {  	s1 =	rddreg [dreg:$0x5];
	[sflag:s24] =	ssyncadd.s32 $0xFFFFC000  }
0x74: {  	[hbm4b:s1+s2] =	stream.linear.scatter [tilespmem:s18], [sflag:$0x5], $0x4000, $0x38;
	[tilespmem:$0x15000] =	vst v63  }
0x75: {  	s21 =	rddreg [dreg:$0x6]  }
0x76: {  	[hbm4b:s21+s2] =	stream.linear.scatter [tilespmem:s19], [sflag:$0x7], $0x4000, $0x38;
	[tilespmem:$0x15000] =	vst v63  }
0x77: {  	_ =	swait.ge [sflag:s25], $0x4000  }
0x78: {  	[sflag:s25] =	ssyncset.done $0x0  }
0x79: {  	[sflag:s25] =	ssyncadd.s32 $0xFFFFC000  }
0x7a: {  	_ =	swait.ge [sflag:s26], $0x4000  }
0x7b: {  	[sflag:s26] =	ssyncset.done $0x0  }
0x7c: {  	[sflag:s26] =	ssyncadd.s32 $0xFFFFC000  }
0x7d: {  	_ =	swait.ge [sflag:s28], $0x4000  }
0x7e: {  	[sflag:s28] =	ssyncset.done $0x0  }
0x7f: {  	[sflag:s28] =	ssyncadd.s32 $0xFFFFC000  }
0x80: {  	_ =	swait.ge [sflag:s29], $0x4000  }
0x81: {  	[sflag:s29] =	ssyncset.done $0x0  }
0x82: {  	[sflag:s29] =	ssyncadd.s32 $0xFFFFC000  }
0x83: {  	[hbm4b:s9+s2] =	stream.linear.scatter [tilespmem:s20], [sflag:$0x6], $0x4000, $0x38;
	[tilespmem:$0x15000] =	vst v63  }
0x84: {  	s0 =	sadd.s32 $0x1, s0  }
0x85: {  	[hbm4b:s10+s2] =	stream.linear.scatter [tilespmem:s22], [sflag:$0x8], $0x4000, $0x38;
	[tilespmem:$0x15000] =	vst v63  }
0x86: {  	p0 =	sne.s32 s0, s11;
	_ =	swait.ge [sflag:s30], $0x4000  }
.Ltmp1:
0x87: {  	[sflag:s30] =	ssyncset.done $0x0;
	(pc) =	sbr.rel @p0 .LBB2_1-.Ltmp1, $4  }
0x88: {  	[sflag:s30] =	ssyncadd.s32 $0xFFFFC000  }
0x89: {  	_ =	swait.ge [sflag:s31], $0x4000  }
0x8a: {  	[sflag:s31] =	ssyncset.done $0x0  }
0x8b: {  	[sflag:s31] =	ssyncadd.s32 $0xFFFFC000  }
0x8c: {  	_ =	sfence.sel $0x180000  }
0x8d: {  	[bflag:$0x0] =	sbarrier.arrive $0xFFFF  }
0x8e: {  	_ =	strace $0x90000050  }
0x8f: {  	s0 =	stileid.u32;
	[bflag:$0x2] =	sbarrier.arrive $0xFFFF  }
0x90: {  	p0 =	sne.s32 s0, $0x0;
	s0 =	rddreg [dreg:$0x1]  }
0x91: {  	s0 =	sadd.s32 @!p0 $0x100000, s0  }
0x92: {  	[sflag:s0] =	ssyncadd.tile.s32 @!p0 $0x1;
	_ =	shalt  }
.Lfunc_end2:
_tile_overlayer_lowered:
.L_overlay_start_2:
0x93: {  	(tag) =	ssettag $0x2  }
0x94: {  	s0 =	rddreg [dreg:$0x0];
	s2 =	stileid.u32  }
0x95: {  	s1 =	rddreg [dreg:$0x1];
	p0 =	sne.s32 s2, $0x0  }
0x96: {  	s3 =	rddreg [dreg:$0x2];
	[bflag:$0x3] =	sbarrier.arrive $0xFFFF;
	s2 =	simm.s32 @!p0 $0x1C09  }
0x97: {  	[timem:s3], [sflag:s2] =	dma.local @!p0 [hbm:s0], s1  }
0x98: {  	s0 =	simm.s32 @!p0 $0x9  }
0x99: {  	_ =	swait.ge @!p0 [sflag:s0], s1  }
0x9a: {  	s1 =	ssub.s32 @!p0 $0x0, s1;
	[sflag:s0] =	ssyncset.done @!p0 $0x0  }
0x9b: {  	[sflag:s0] =	ssyncadd.s32 @!p0 s1  }
0x9c: {  	[bflag:$0x3] =	sbarrier.arrive $0xFFFF  }
0x9d: {  	_ =	shalt  }

// kernel: kernel.26.cloned.1.call-start
scs
__scs_entry_jumppad:
0x0: {  	(pc) =	sbr.rel $0x88, $3  }
0x1: {  	(tag) =	ssettag $0x0;
	lr =	simm.s32 $0x1  }
0x2: {  	[smem:$0x3F62] =	sst lr;
	_ =	strace $0xD0000000  }
0x3: {  	_ = 	snop  }
0x4: {  	_ = 	snop  }
0x5: {  	_ = 	snop  }
0x6: {  	_ = 	snop  }
0x7: {  	_ = 	snop  }
__scs_overlays_trampoline_lowered:
0x8: {  	[smem:$0x3F71] =	sst s0  }
0x9: {  	[smem:$0x3F72] =	sst s1  }
0xa: {  	[smem:$0x3F73] =	sst s2  }
0xb: {  	[smem:$0x3F74] =	sst s3  }
0xc: {  	[smem:$0x3F75] =	sst s4  }
0xd: {  	[smem:$0x3F76] =	sst s5  }
0xe: {  	[smem:$0x3F77] =	sst s6  }
0xf: {  	[smem:$0x3F78] =	sst s7  }
0x10: {  	[smem:$0x3F79] =	sst s8  }
0x11: {  	[smem:$0x3F7A] =	sst s9;
	s0 =	simm.s32 @!p0 $0x0  }
0x12: {  	s1 =	sld [smem:$0x3F60];
	s0 =	simm.s32 @p0 $0x1  }
0x13: {  	[smem:$0x3F7B] =	sst s0;
	s0 =	simm.s32 @!p1 $0x0  }
0x14: {  	s2 =	sld [smem:$0x3F5F];
	s0 =	simm.s32 @p1 $0x1  }
0x15: {  	[smem:$0x3F7C] =	sst s0;
	s0 =	simm.s32 @!p2 $0x0  }
0x16: {  	s3 =	sld [smem:$0x3FDB];
	s0 =	simm.s32 @p2 $0x1  }
0x17: {  	s4 =	simm.s32 $0x1BF5;
	[smem:$0x3F7E] =	sst s0  }
0x18: {  	s0 =	sld [smem:$0x3F61];
	_ =	swait.ge [sflag:s4], $0x0  }
0x19: {  	s7 =	sld [smem:$0x3F62]  }
0x1a: {  	s8 =	sadd.s32 $0xFFFFE003, lr  }
0x1b: {  	s9 =	sadd.s32 $0xFFFFFEF7, lr;
	s5 =	simm.s32 $0xFFFFFFFF;
	p2 =	slt.u32 s8, $0xFFFFF086  }
0x1c: {  	p1 =	slt.u32 s9, $0xF7A;
	s5 =	simm.s32 @!p2 $0x0  }
0x1d: {  	s5 =	simm.s32 @p1 $0x1;
	p0 =	seq.s32 s7, s2  }
0x1e: {  	s7 =	smul.u32 @!p0 $0xF7A, s2;
	p2 =	seq.s32 @!p0 s5, $0x0  }
0x1f: {  	s9 =	smul.u32 $0xF7A, s1;
	s8 =	simm.s32 @!p0 $0x1BF5;
	p2 =	por !p2, p0  }
0x20: {  	[sflag:s8] =	ssyncset.s32 @!p0 $0xFFFFF086;
	s6 =	sadd.s32 @!p0 s3, s7;
	s7 =	simm.s32 @!p0 $0x108  }
0x21: {  	s3 =	sadd.s32 s3, s9;
	s6 =	sadd.s32 @!p0 $0x88, s6;
	s7 =	simm.s32 @p2 $0x1082  }
0x22: {  	[simem:s7], [sflag:s8] =	dma.local @!p0 [hbm:s6], $0xF7A  }
0x23: {  	s9 =	sor.u32 $0xD0000000, s2;
	s6 =	simm.s32 $0x108;
	_ =	swait.ge @!p0 [sflag:s8], $0x0  }
0x24: {  	s3 =	sadd.s32 $0x88, s3;
	s6 =	simm.s32 @!p1 $0x1082;
	[sflag:s4] =	ssyncset.s32 $0xFFFFF086  }
0x25: {  	[simem:s6], [sflag:s4] =	dma.local [hbm:s3], $0xF7A  }
0x26: {  	[smem:$0x3F62] =	sst s1;
	(tag) =	ssettag s2;
	_ =	strace s9  }
0x27: {  	s1 =	sld [smem:$0x3F72]  }
0x28: {  	s2 =	sld [smem:$0x3F73]  }
0x29: {  	s4 =	sld [smem:$0x3F75]  }
0x2a: {  	p0 =	seq.s32 s5, $0x0;
	s5 =	sld [smem:$0x3F76]  }
0x2b: {  	s6 =	sld [smem:$0x3F77]  }
0x2c: {  	s7 =	sld [smem:$0x3F78]  }
0x2d: {  	s3 =	simm.s32 $0x108;
	s8 =	sld [smem:$0x3F79]  }
0x2e: {  	s3 =	simm.s32 @!p0 $0x1082;
	s9 =	sld [smem:$0x3F7A]  }
0x2f: {  	lr =	sadd.s32 s0, s3;
	s0 =	sld [smem:$0x3F71]  }
0x30: {  	s3 =	sld [smem:$0x3F74]  }
0x31: {  	[smem:$0x3F7D] =	sst s10  }
0x32: {  	s10 =	sld [smem:$0x3F7B];
	_ =	sdelay $0x3  }
0x33: {  	p0 =	seq.s32 s10, $0x1;
	s10 =	sld [smem:$0x3F7D];
	_ =	sdelay $0x3  }
0x34: {  	[smem:$0x3F7D] =	sst s10  }
0x35: {  	s10 =	sld [smem:$0x3F7C];
	_ =	sdelay $0x3  }
0x36: {  	p1 =	seq.s32 s10, $0x1;
	s10 =	sld [smem:$0x3F7D];
	_ =	sdelay $0x3  }
0x37: {  	[smem:$0x3F7D] =	sst s10  }
0x38: {  	s10 =	sld [smem:$0x3F7E]  }
0x39: {  	_ = 	snop;
	(pc) =	sbr.ind lr, $3  }
0x3a: {  	_ = 	snop  }
0x3b: {  	_ = 	snop  }
0x3c: {  	p2 =	seq.s32 s10, $0x1;
	s10 =	sld [smem:$0x3F7D]  }
0x3d: {  	_ =	shalt  }
0x3e: {  	_ =	shalt  }
0x3f: {  	_ =	shalt  }
0x40: {  	_ =	shalt  }
0x41: {  	_ =	shalt  }
0x42: {  	_ =	shalt  }
0x43: {  	_ =	shalt  }
0x44: {  	_ =	shalt  }
0x45: {  	_ =	shalt  }
0x46: {  	_ =	shalt  }
0x47: {  	_ =	shalt  }
0x48: {  	_ =	shalt  }
0x49: {  	_ =	shalt  }
0x4a: {  	_ =	shalt  }
0x4b: {  	_ =	shalt  }
0x4c: {  	_ =	shalt  }
0x4d: {  	_ =	shalt  }
0x4e: {  	_ =	shalt  }
0x4f: {  	_ =	shalt  }
0x50: {  	_ =	shalt  }
0x51: {  	_ =	shalt  }
0x52: {  	_ =	shalt  }
0x53: {  	_ =	shalt  }
0x54: {  	_ =	shalt  }
0x55: {  	_ =	shalt  }
0x56: {  	_ =	shalt  }
0x57: {  	_ =	shalt  }
0x58: {  	_ =	shalt  }
0x59: {  	_ =	shalt  }
0x5a: {  	_ =	shalt  }
0x5b: {  	_ =	shalt  }
0x5c: {  	_ =	shalt  }
0x5d: {  	_ =	shalt  }
0x5e: {  	_ =	shalt  }
0x5f: {  	_ =	shalt  }
0x60: {  	_ =	shalt  }
0x61: {  	_ =	shalt  }
0x62: {  	_ =	shalt  }
0x63: {  	_ =	shalt  }
0x64: {  	_ =	shalt  }
0x65: {  	_ =	shalt  }
0x66: {  	_ =	shalt  }
0x67: {  	_ =	shalt  }
0x68: {  	_ =	shalt  }
0x69: {  	_ =	shalt  }
0x6a: {  	_ =	shalt  }
0x6b: {  	_ =	shalt  }
0x6c: {  	_ =	shalt  }
0x6d: {  	_ =	shalt  }
0x6e: {  	_ =	shalt  }
0x6f: {  	_ =	shalt  }
0x70: {  	_ =	shalt  }
0x71: {  	_ =	shalt  }
0x72: {  	_ =	shalt  }
0x73: {  	_ =	shalt  }
0x74: {  	_ =	shalt  }
0x75: {  	_ =	shalt  }
0x76: {  	_ =	shalt  }
0x77: {  	_ =	shalt  }
0x78: {  	_ =	shalt  }
0x79: {  	_ =	shalt  }
0x7a: {  	_ =	shalt  }
0x7b: {  	_ =	shalt  }
0x7c: {  	_ =	shalt  }
0x7d: {  	_ =	shalt  }
0x7e: {  	_ =	shalt  }
0x7f: {  	_ =	shalt  }
0x80: {  	_ =	shalt  }
0x81: {  	_ =	shalt  }
0x82: {  	_ =	shalt  }
0x83: {  	_ =	shalt  }
0x84: {  	_ =	shalt  }
0x85: {  	_ =	shalt  }
0x86: {  	_ =	shalt  }
0x87: {  	_ =	shalt  }
.Lfunc_end0:
.L_simem_size_0:
called_computation.3_lowered:
.L_overlay_start_0:
0x88: {  	s2 =	sld [smem:$0x3FD9]  }
0x89: {  	s3 =	sld [smem:$0x3FFE];
	_ =	sdelay $0x1  }
0x8a: {  	s1 =	srdreg.scid  }
0x8b: {  	s0 =	sand.u32 $0x1, s1  }
0x8c: {  	s17 =	sshll.u32 s0, $0xA;
	s2 =	sadd.s32 s3, s2  }
0x8d: {  	s2 =	sadd.s32 s2, s17  }
0x8e: {  	[smem:$0x3F89] =	sst s2  }
0x8f: {  	_ = 	snop  }
0x90: {  	(tm) =	ssettm $0x1  }
0x91: {  	s18 =	sld [smem:$0x3FFB];
	_ =	sdelay $0x3  }
0x92: {  	_ =	strace s18  }
0x93: {  	s2 =	sld [smem:$0x3FFC];
	_ =	sdelay $0x3  }
0x94: {  	_ =	strace s2  }
0x95: {  	s2 =	sld [smem:$0x3FFD];
	_ =	sdelay $0x3  }
0x96: {  	_ =	strace s2  }
0x97: {  	_ =	strace $0x8FFFFFFF  }
0x98: {  	s19 =	sld [smem:$0x3FDB];
	_ =	sdelay $0x1  }
0x99: {  	s20 =	simm.s32 $_scs_section_size  }
0x9a: {  	s4 =	simm.s32 $_size__tile_overlayer_lowered;
	s5 =	simm.s32 $_tile_overlayer_lowered  }
0x9b: {  	s6 =	simm.s32 $0x1BFF;
	s21 =	sshll.u32 s5, $0x1;
	s3 =	sadd.s32 s20, s19  }
0x9c: {  	s22 =	simm.s32 $0x0;
	s4 =	sshll.u32 s4, $0x1;
	s5 =	sadd.s32 s21, s3  }
0x9d: {  	[timem:s22], [sflag:s6] =	dma.local [hbm:s5], s4  }
0x9e: {  	_ =	swait.ge [sflag:s6], s4  }
0x9f: {  	s4 =	ssub.s32 $0x0, s4;
	[sflag:s6] =	ssyncset.done $0x0  }
0xa0: {  	[sflag:s6] =	ssyncadd.s32 s4;
	_ =	sdelay $0x1  }
0xa1: {  	s23 =	simm.s32 $0x1B8B  }
0xa2: {  	_ =	swait.ge [sflag:s23], $0x1  }
0xa3: {  	[sflag:s23] =	ssyncset.done $0x0  }
0xa4: {  	[sflag:s23] =	ssyncadd.s32 $0xFFFFFFFF  }
0xa5: {  	s4 =	sld [smem:$0x0]  }
0xa6: {  	s5 =	sand.u32 $0xFFFFFFFE, s1  }
0xa7: {  	p0 =	sne.s32 s1, s5  }
0xa8: {  	s5 =	sshll.u32 @p0 s5, $0xE  }
0xa9: {  	s5 =	sadd.s32 @p0 $0x11B8D, s5;
	s6 =	sshll.u32 @p0 s4, $0x11  }
0xaa: {  	s5 =	sor.u32 @p0 s6, s5  }
0xab: {  	[sflag:s5] =	ssyncadd.remote.s32 @p0 $0x1;
	_ =	sdelay $0x1  }
0xac: {  	s5 =	simm.s32 @p0 $0x1B8D  }
0xad: {  	_ =	swait.eq @p0 [sflag:s5], $0x1  }
0xae: {  	[sflag:s5] =	ssyncadd.s32 @p0 $0xFFFFFFFF  }
0xaf: {  	s6 =	sshll.u32 @!p0 s1, $0xE  }
0xb0: {  	s6 =	sor.u32 @!p0 $0x4000, s6;
	s5 =	simm.s32 @!p0 $0x1B8D  }
0xb1: {  	s4 =	sshll.u32 @!p0 s4, $0x11;
	s6 =	sadd.s32 @!p0 $0x11B8D, s6;
	_ =	swait.eq @!p0 [sflag:s5], $0x1  }
0xb2: {  	s4 =	sor.u32 @!p0 s4, s6;
	[sflag:s5] =	ssyncadd.s32 @!p0 $0xFFFFFFFF  }
0xb3: {  	s25 =	simm.s32 $0x1B8E;
	s24 =	sld [smem:$0x3FFE];
	[sflag:s4] =	ssyncadd.remote.s32 @!p0 $0x1  }
0xb4: {  	s26 =	simm.s32 $execute0_lowered;
	[smem:$0x3FD2] =	sst s25  }
0xb5: {  	s5 =	sshll.u32 s26, $0x1;
	_ =	strace $0x8000005B;
	[dreg:$0x1] =	wrdreg $0xFFFFFFFF  }
0xb6: {  	s28 =	simm.s32 $_size_execute0_lowered;
	s3 =	sadd.s32 s3, s5;
	[dreg:$0x0] =	wrdreg $0x0  }
0xb7: {  	s5 =	sshll.u32 s28, $0x1;
	[dreg:$0x2] =	wrdreg s3  }
0xb8: {  	[dreg:$0x3] =	wrdreg s5  }
0xb9: {  	[dreg:$0x4] =	wrdreg $0xC0  }
0xba: {  	_ =	task [dreg:s22], $0x5FFFF  }
0xbb: {  	[dreg:$0x1] =	wrdreg $0xFFFFFFFF  }
0xbc: {  	[dreg:$0x0] =	wrdreg $0x60  }
0xbd: {  	[dreg:$0x2] =	wrdreg s24  }
0xbe: {  	[dreg:$0x3] =	wrdreg $0x0  }
0xbf: {  	[dreg:$0x4] =	wrdreg $0xA  }
0xc0: {  	_ =	task.clear_ibuf [dreg:s22], $0x5FFFF;
	_ =	strace $0x9000005B  }
0xc1: {  	s29 =	simm.s32 $0xA;
	_ =	strace $0x8000005D  }
0xc2: {  	_ =	swait.ge [sflag:s29], $0x1  }
0xc3: {  	[sflag:s29] =	ssyncadd.s32 $0xFFFFFFFF  }
0xc4: {  	_ =	strace $0x9000005D  }
0xc5: {  	_ =	sfence  }
0xc6: {  	s30 =	sld [smem:$0x0];
	_ =	sdelay $0x2  }
0xc7: {  	s31 =	sshll.u32 s1, $0xD;
	s1 =	sshrl.u32 s1, $0x2  }
0xc8: {  	s4 =	sand.u32 $0x4000, s31;
	s1 =	sadd.s32 s1, s30  }
0xc9: {  	s0 =	sor.u32 s4, s0;
	s1 =	sshll.u32 s1, $0x11  }
0xca: {  	s0 =	sor.u32 s1, s0  }
0xcb: {  	s0 =	sadd.s32 $0x8F2B, s0  }
0xcc: {  	[sflag:s0] =	ssyncadd.remote.s32 $0x1  }
0xcd: {  	_ =	sfence.sel $0xFFFF  }
0xce: {  	[dreg:$0x0] =	wrdreg $0xFFFFFFFF;
	(pc) =	sbr.abs _section_cstart, $3  }
0xcf: {  	[dreg:$0x1] =	wrdreg $0xFFFFFFFF  }
0xd0: {  	_ =	task.clear_ibuf [dreg:s22], $0x2FFFF;
	_ =	strace $0x9FFFFFFF  }
0xd1: {  	(tm) =	ssettm $0x7FFFFFFF  }
tec
execute0_lowered:
.L_overlay_start_1:
0x0: {  	(tag) =	ssettag $0x1  }
0x1: {  	s6 =	rddreg [dreg:$0x0]  }
0x2: {  	s0 =	srdreg.scid;
	s2 =	rddreg [dreg:$0x1]  }
0x3: {  	s3 =	simm.s32 $0x0;
	s16 =	simm.s32 $0x1A400;
	s17 =	simm.s32 $0x1  }
0x4: {  	s18 =	simm.s32 $0x80;
	s19 =	simm.s32 $0x2;
	s5 =	sand.u32 $0x1, s0  }
0x5: {  	s20 =	simm.s32 $0x16300;
	s0 =	stileid.u32;
	s8 =	smul.u32 $0x13C000, s5  }
0x6: {  	s21 =	simm.s32 $0x16380;
	s22 =	simm.s32 $0x0;
	s9 =	smul.u32 $0x13C00, s0  }
0x7: {  	[smem:$0x7FF] =	sst s3;
	s10 =	sadd.s32 $0xBE8200, s6;
	s12 =	smul.u32 $0x4F000, s0  }
0x8: {  	s1 =	sshll.u32 s5, $0x4;
	s25 =	ssub.s32 $0x2, s5;
	s30 =	smul.u32 $0x280000, s5  }
0x9: {  	s29 =	sshll.u32 s0, $0x6;
	s15 =	smul.u32 $0x28000, s0;
	s7 =	sor.u32 s0, s1  }
0xa: {  	s1 =	rddreg [dreg:$0x2];
	_ =	strace $0x8000005C;
	s26 =	sshrl.u32 s25, $0x1  }
0xb: {  	s5 =	sor.u32 $0x1C03, s29;
	s4 =	smul.u32 $0x2800, s7;
	s24 =	sadd.s32 s9, s8  }
0xc: {  	s14 =	ssub.s32 s25, s26;
	s28 =	sshrl.u32 s12, $0x2;
	s7 =	smul.u32 $0x28000, s7  }
0xd: {  	s31 =	sadd.s32 s30, s10;
	s8 =	sshrl.u32 s24, $0x3;
	s12 =	sadd.s32 s28, s2  }
0xe: {  	s4 =	sshrl.u32 s4, $0x3;
	s13 =	sadd.s32 s8, s6;
	s12 =	sshrl.u32 s12, $0x3  }
0xf: {  	s11 =	sadd.s32 s4, s6;
	s4 =	sadd.s32 $0xBF200, s6;
	s6 =	sadd.s32 s10, s7  }
0x10: {  	s9 =	sadd.s32 $0x19200, s13;
	s10 =	smax.u32 s14, $0x1;
	s13 =	simm.s32 $0x3  }
0x11: {  	s14 =	simm.s32 $0x13C00;
	s7 =	sadd.s32 $0x1F05200, s11;
	s11 =	sadd.s32 s15, s31  }
0x12: {  	s8 =	sadd.s32 $0x800, s6;
	s15 =	simm.s32 $0x16400;
	s11 =	sadd.s32 $0x1800, s11  }
.LBB2_1:
0x13: {  	[spmem:s12], [sflag:s5] =	dma.local [hbm:s4], $0x2780  }
0x14: {  	_ =	swait.ge [sflag:s13], $0x2780  }
0x15: {  	[sflag:s13] =	ssyncset.done $0x0  }
0x16: {  	[sflag:s13] =	ssyncadd.s32 $0xFFFFD880  }
0x17: {  	[bflag:$0x0] =	sbarrier.arrive $0xFFFF  }
0x18: {  	[tilespmem:s14], [sflag:$0x3] =	stream.linear.gather [hbm4b:s7+s3], $0x2800, $0x38;
	[tilespmem:$0x1E400] =	vst v63  }
0x19: {  	_ =	swait.ge [sflag:s13], $0x2800  }
0x1a: {  	[sflag:s13] =	ssyncset.done $0x0  }
0x1b: {  	[sflag:s13] =	ssyncadd.s32 $0xFFFFD800  }
0x1c: {  	[tilespmem:s15], [sflag:$0x1] =	stream.linear.gather [hbm4b:s6+s3], $0x4000, $0x38;
	[tilespmem:$0x1E400] =	vst v63  }
0x1d: {  	_ = 	snop  }
0x1e: {  	[tilespmem:s16], [sflag:$0x2] =	stream.linear.gather [hbm4b:s8+s3], $0x4000, $0x38;
	[tilespmem:$0x1E400] =	vst v63  }
0x1f: {  	_ =	swait.ge [sflag:s17], $0x4000  }
0x20: {  	[sflag:s17] =	ssyncset.done $0x0  }
0x21: {  	s23 =	simm.s32 $0x13C00;
	[sflag:s17] =	ssyncadd.s32 $0xFFFFC000  }
0x22: {  	[spmem:s2] =	stream.indirect.scatter.add.f32 [tilespmem:s15], [sflag:$0x3], $0x80, s23, s18, $0xb8;
	[tilespmem:$0x1E400] =	vst v63  }
0x23: {  	_ =	swait.ge [sflag:s13], $0x4000  }
0x24: {  	[sflag:s13] =	ssyncset.done $0x0  }
0x25: {  	s30 =	sadd.s32 $0xFFFFF800, s11;
	[sflag:s13] =	ssyncadd.s32 $0xFFFFC000  }
0x26: {  	[tilespmem:s15], [sflag:$0x1] =	stream.linear.gather [hbm4b:s30+s3], $0x4000, $0x38;
	[tilespmem:$0x1E400] =	vst v63  }
0x27: {  	_ =	swait.ge [sflag:s19], $0x4000  }
0x28: {  	[sflag:s19] =	ssyncset.done $0x0  }
0x29: {  	s31 =	simm.s32 $0x13C80;
	[sflag:s19] =	ssyncadd.s32 $0xFFFFC000  }
0x2a: {  	[spmem:s2] =	stream.indirect.scatter.add.f32 [tilespmem:s16], [sflag:$0x3], $0x80, s31, s18, $0xb8;
	[tilespmem:$0x1E400] =	vst v63  }
0x2b: {  	_ =	swait.ge [sflag:s13], $0x4000  }
0x2c: {  	s24 =	sadd.s32 $0x1000, s11;
	[sflag:s13] =	ssyncset.done $0x0  }
0x2d: {  	s25 =	smov.u32 s11;
	s23 =	simm.s32 $0x400;
	[sflag:s13] =	ssyncadd.s32 $0xFFFFC000  }
.LBB2_2:
0x2e: {  	[tilespmem:s16], [sflag:$0x2] =	stream.linear.gather [hbm4b:s25+s3], $0x4000, $0x38;
	[tilespmem:$0x1E400] =	vst v63  }
0x2f: {  	s26 =	smov.u32 s23;
	s25 =	smov.u32 s24  }
0x30: {  	p0 =	sne.s32 s23, $0x9800;
	s23 =	sadd.s32 $0x400, s23;
	_ =	swait.ge [sflag:s17], $0x4000  }
0x31: {  	s26 =	sshra.s32 s26, $0x2;
	[sflag:s17] =	ssyncset.done $0x0  }
0x32: {  	s28 =	sadd.s32 $0x13C00, s26;
	[sflag:s17] =	ssyncadd.s32 $0xFFFFC000  }
0x33: {  	[spmem:s2] =	stream.indirect.scatter.add.f32 [tilespmem:s15], [sflag:$0x3], $0x80, s28, s18, $0xb8;
	[tilespmem:$0x1E400] =	vst v63  }
0x34: {  	_ =	swait.ge [sflag:s13], $0x4000  }
0x35: {  	[sflag:s13] =	ssyncset.done $0x0  }
0x36: {  	s28 =	sadd.s32 $0xFFFFF800, s24;
	[sflag:s13] =	ssyncadd.s32 $0xFFFFC000  }
0x37: {  	[tilespmem:s15], [sflag:$0x1] =	stream.linear.gather [hbm4b:s28+s3], $0x4000, $0x38;
	[tilespmem:$0x1E400] =	vst v63  }
0x38: {  	_ =	swait.ge [sflag:s19], $0x4000  }
0x39: {  	[sflag:s19] =	ssyncset.done $0x0  }
.Ltmp0:
0x3a: {  	s26 =	sadd.s32 $0x13C80, s26;
	[sflag:s19] =	ssyncadd.s32 $0xFFFFC000;
	(pc) =	sbr.rel @p0 .LBB2_2-.Ltmp0, $4  }
0x3b: {  	[spmem:s2] =	stream.indirect.scatter.add.f32 [tilespmem:s16], [sflag:$0x3], $0x80, s26, s18, $0xb8;
	[tilespmem:$0x1E400] =	vst v63  }
0x3c: {  	_ =	swait.ge [sflag:s13], $0x4000  }
0x3d: {  	[sflag:s13] =	ssyncset.done $0x0  }
0x3e: {  	s24 =	sadd.s32 $0x1000, s24;
	[sflag:s13] =	ssyncadd.s32 $0xFFFFC000  }
0x3f: {  	[tilespmem:s16], [sflag:$0x2] =	stream.linear.gather [hbm4b:s25+s3], $0x4000, $0x38;
	[tilespmem:$0x1E400] =	vst v63  }
0x40: {  	_ =	swait.ge [sflag:s17], $0x4000  }
0x41: {  	[sflag:s17] =	ssyncset.done $0x0  }
0x42: {  	[sflag:s17] =	ssyncadd.s32 $0xFFFFC000  }
0x43: {  	[spmem:s2] =	stream.indirect.scatter.add.f32 [tilespmem:s15], [sflag:$0x3], $0x80, s20, s18, $0xb8;
	[tilespmem:$0x1E400] =	vst v63  }
0x44: {  	_ =	swait.ge [sflag:s13], $0x4000  }
0x45: {  	[sflag:s13] =	ssyncset.done $0x0  }
0x46: {  	[sflag:s13] =	ssyncadd.s32 $0xFFFFC000  }
0x47: {  	_ =	swait.ge [sflag:s19], $0x4000  }
0x48: {  	[sflag:s19] =	ssyncset.done $0x0  }
0x49: {  	[sflag:s19] =	ssyncadd.s32 $0xFFFFC000  }
0x4a: {  	[spmem:s2] =	stream.indirect.scatter.add.f32 [tilespmem:s16], [sflag:$0x3], $0x80, s21, s18, $0xb8;
	[tilespmem:$0x1E400] =	vst v63  }
0x4b: {  	_ =	swait.ge [sflag:s13], $0x4000  }
0x4c: {  	s22 =	sadd.s32 $0x1, s22;
	[sflag:s13] =	ssyncset.done $0x0  }
0x4d: {  	p0 =	sne.s32 s22, s10;
	[sflag:s13] =	ssyncadd.s32 $0xFFFFC000  }
.Ltmp1:
0x4e: {  	[bflag:$0x0] =	sbarrier.arrive $0xFFFF;
	(pc) =	sbr.rel @p0 .LBB2_1-.Ltmp1, $4  }
0x4f: {  	[hbm:s9], [sflag:s5] =	dma.local [spmem:s12], $0x2780  }
0x50: {  	_ =	swait.ge [sflag:s13], $0x2780  }
0x51: {  	[sflag:s13] =	ssyncset.done $0x0  }
0x52: {  	[sflag:s13] =	ssyncadd.s32 $0xFFFFD880  }
0x53: {  	_ =	sfence.sel $0x180000  }
0x54: {  	[bflag:$0x0] =	sbarrier.arrive $0xFFFF  }
0x55: {  	p0 =	sne.s32 s0, $0x0;
	_ =	strace $0x9000005C  }
0x56: {  	s0 =	sadd.s32 @!p0 $0x100000, s1;
	[bflag:$0x2] =	sbarrier.arrive $0xFFFF  }
0x57: {  	[sflag:s0] =	ssyncadd.tile.s32 @!p0 $0x1;
	_ =	shalt  }
.Lfunc_end2:
_tile_overlayer_lowered:
.L_overlay_start_2:
0x58: {  	(tag) =	ssettag $0x2  }
0x59: {  	s0 =	rddreg [dreg:$0x0];
	s2 =	stileid.u32  }
0x5a: {  	s1 =	rddreg [dreg:$0x1];
	p0 =	sne.s32 s2, $0x0  }
0x5b: {  	s3 =	rddreg [dreg:$0x2];
	[bflag:$0x3] =	sbarrier.arrive $0xFFFF;
	s2 =	simm.s32 @!p0 $0x1C03  }
0x5c: {  	[timem:s3], [sflag:s2] =	dma.local @!p0 [hbm:s0], s1  }
0x5d: {  	s0 =	simm.s32 @!p0 $0x3  }
0x5e: {  	_ =	swait.ge @!p0 [sflag:s0], s1  }
0x5f: {  	s1 =	ssub.s32 @!p0 $0x0, s1;
	[sflag:s0] =	ssyncset.done @!p0 $0x0  }
0x60: {  	[sflag:s0] =	ssyncadd.s32 @!p0 s1  }
0x61: {  	[bflag:$0x3] =	sbarrier.arrive $0xFFFF  }
0x62: {  	_ =	shalt  }

// kernel: kernel.29.cloned.1.call-start
scs
__scs_entry_jumppad:
0x0: {  	(pc) =	sbr.rel $0x88, $3  }
0x1: {  	(tag) =	ssettag $0x0;
	lr =	simm.s32 $0x1  }
0x2: {  	[smem:$0x3F62] =	sst lr;
	_ =	strace $0xD0000000  }
0x3: {  	_ = 	snop  }
0x4: {  	_ = 	snop  }
0x5: {  	_ = 	snop  }
0x6: {  	_ = 	snop  }
0x7: {  	_ = 	snop  }
__scs_overlays_trampoline_lowered:
0x8: {  	[smem:$0x3F71] =	sst s0  }
0x9: {  	[smem:$0x3F72] =	sst s1  }
0xa: {  	[smem:$0x3F73] =	sst s2  }
0xb: {  	[smem:$0x3F74] =	sst s3  }
0xc: {  	[smem:$0x3F75] =	sst s4  }
0xd: {  	[smem:$0x3F76] =	sst s5  }
0xe: {  	[smem:$0x3F77] =	sst s6  }
0xf: {  	[smem:$0x3F78] =	sst s7  }
0x10: {  	[smem:$0x3F79] =	sst s8  }
0x11: {  	[smem:$0x3F7A] =	sst s9;
	s0 =	simm.s32 @!p0 $0x0  }
0x12: {  	s1 =	sld [smem:$0x3F60];
	s0 =	simm.s32 @p0 $0x1  }
0x13: {  	[smem:$0x3F7B] =	sst s0;
	s0 =	simm.s32 @!p1 $0x0  }
0x14: {  	s2 =	sld [smem:$0x3F5F];
	s0 =	simm.s32 @p1 $0x1  }
0x15: {  	[smem:$0x3F7C] =	sst s0;
	s0 =	simm.s32 @!p2 $0x0  }
0x16: {  	s3 =	sld [smem:$0x3FDB];
	s0 =	simm.s32 @p2 $0x1  }
0x17: {  	s4 =	simm.s32 $0x1BF5;
	[smem:$0x3F7E] =	sst s0  }
0x18: {  	s0 =	sld [smem:$0x3F61];
	_ =	swait.ge [sflag:s4], $0x0  }
0x19: {  	s7 =	sld [smem:$0x3F62]  }
0x1a: {  	s8 =	sadd.s32 $0xFFFFE003, lr  }
0x1b: {  	s9 =	sadd.s32 $0xFFFFFEF7, lr;
	s5 =	simm.s32 $0xFFFFFFFF;
	p2 =	slt.u32 s8, $0xFFFFF086  }
0x1c: {  	p1 =	slt.u32 s9, $0xF7A;
	s5 =	simm.s32 @!p2 $0x0  }
0x1d: {  	s5 =	simm.s32 @p1 $0x1;
	p0 =	seq.s32 s7, s2  }
0x1e: {  	s7 =	smul.u32 @!p0 $0xF7A, s2;
	p2 =	seq.s32 @!p0 s5, $0x0  }
0x1f: {  	s9 =	smul.u32 $0xF7A, s1;
	s8 =	simm.s32 @!p0 $0x1BF5;
	p2 =	por !p2, p0  }
0x20: {  	[sflag:s8] =	ssyncset.s32 @!p0 $0xFFFFF086;
	s6 =	sadd.s32 @!p0 s3, s7;
	s7 =	simm.s32 @!p0 $0x108  }
0x21: {  	s3 =	sadd.s32 s3, s9;
	s6 =	sadd.s32 @!p0 $0x88, s6;
	s7 =	simm.s32 @p2 $0x1082  }
0x22: {  	[simem:s7], [sflag:s8] =	dma.local @!p0 [hbm:s6], $0xF7A  }
0x23: {  	s9 =	sor.u32 $0xD0000000, s2;
	s6 =	simm.s32 $0x108;
	_ =	swait.ge @!p0 [sflag:s8], $0x0  }
0x24: {  	s3 =	sadd.s32 $0x88, s3;
	s6 =	simm.s32 @!p1 $0x1082;
	[sflag:s4] =	ssyncset.s32 $0xFFFFF086  }
0x25: {  	[simem:s6], [sflag:s4] =	dma.local [hbm:s3], $0xF7A  }
0x26: {  	[smem:$0x3F62] =	sst s1;
	(tag) =	ssettag s2;
	_ =	strace s9  }
0x27: {  	s1 =	sld [smem:$0x3F72]  }
0x28: {  	s2 =	sld [smem:$0x3F73]  }
0x29: {  	s4 =	sld [smem:$0x3F75]  }
0x2a: {  	p0 =	seq.s32 s5, $0x0;
	s5 =	sld [smem:$0x3F76]  }
0x2b: {  	s6 =	sld [smem:$0x3F77]  }
0x2c: {  	s7 =	sld [smem:$0x3F78]  }
0x2d: {  	s3 =	simm.s32 $0x108;
	s8 =	sld [smem:$0x3F79]  }
0x2e: {  	s3 =	simm.s32 @!p0 $0x1082;
	s9 =	sld [smem:$0x3F7A]  }
0x2f: {  	lr =	sadd.s32 s0, s3;
	s0 =	sld [smem:$0x3F71]  }
0x30: {  	s3 =	sld [smem:$0x3F74]  }
0x31: {  	[smem:$0x3F7D] =	sst s10  }
0x32: {  	s10 =	sld [smem:$0x3F7B];
	_ =	sdelay $0x3  }
0x33: {  	p0 =	seq.s32 s10, $0x1;
	s10 =	sld [smem:$0x3F7D];
	_ =	sdelay $0x3  }
0x34: {  	[smem:$0x3F7D] =	sst s10  }
0x35: {  	s10 =	sld [smem:$0x3F7C];
	_ =	sdelay $0x3  }
0x36: {  	p1 =	seq.s32 s10, $0x1;
	s10 =	sld [smem:$0x3F7D];
	_ =	sdelay $0x3  }
0x37: {  	[smem:$0x3F7D] =	sst s10  }
0x38: {  	s10 =	sld [smem:$0x3F7E]  }
0x39: {  	_ = 	snop;
	(pc) =	sbr.ind lr, $3  }
0x3a: {  	_ = 	snop  }
0x3b: {  	_ = 	snop  }
0x3c: {  	p2 =	seq.s32 s10, $0x1;
	s10 =	sld [smem:$0x3F7D]  }
0x3d: {  	_ =	shalt  }
0x3e: {  	_ =	shalt  }
0x3f: {  	_ =	shalt  }
0x40: {  	_ =	shalt  }
0x41: {  	_ =	shalt  }
0x42: {  	_ =	shalt  }
0x43: {  	_ =	shalt  }
0x44: {  	_ =	shalt  }
0x45: {  	_ =	shalt  }
0x46: {  	_ =	shalt  }
0x47: {  	_ =	shalt  }
0x48: {  	_ =	shalt  }
0x49: {  	_ =	shalt  }
0x4a: {  	_ =	shalt  }
0x4b: {  	_ =	shalt  }
0x4c: {  	_ =	shalt  }
0x4d: {  	_ =	shalt  }
0x4e: {  	_ =	shalt  }
0x4f: {  	_ =	shalt  }
0x50: {  	_ =	shalt  }
0x51: {  	_ =	shalt  }
0x52: {  	_ =	shalt  }
0x53: {  	_ =	shalt  }
0x54: {  	_ =	shalt  }
0x55: {  	_ =	shalt  }
0x56: {  	_ =	shalt  }
0x57: {  	_ =	shalt  }
0x58: {  	_ =	shalt  }
0x59: {  	_ =	shalt  }
0x5a: {  	_ =	shalt  }
0x5b: {  	_ =	shalt  }
0x5c: {  	_ =	shalt  }
0x5d: {  	_ =	shalt  }
0x5e: {  	_ =	shalt  }
0x5f: {  	_ =	shalt  }
0x60: {  	_ =	shalt  }
0x61: {  	_ =	shalt  }
0x62: {  	_ =	shalt  }
0x63: {  	_ =	shalt  }
0x64: {  	_ =	shalt  }
0x65: {  	_ =	shalt  }
0x66: {  	_ =	shalt  }
0x67: {  	_ =	shalt  }
0x68: {  	_ =	shalt  }
0x69: {  	_ =	shalt  }
0x6a: {  	_ =	shalt  }
0x6b: {  	_ =	shalt  }
0x6c: {  	_ =	shalt  }
0x6d: {  	_ =	shalt  }
0x6e: {  	_ =	shalt  }
0x6f: {  	_ =	shalt  }
0x70: {  	_ =	shalt  }
0x71: {  	_ =	shalt  }
0x72: {  	_ =	shalt  }
0x73: {  	_ =	shalt  }
0x74: {  	_ =	shalt  }
0x75: {  	_ =	shalt  }
0x76: {  	_ =	shalt  }
0x77: {  	_ =	shalt  }
0x78: {  	_ =	shalt  }
0x79: {  	_ =	shalt  }
0x7a: {  	_ =	shalt  }
0x7b: {  	_ =	shalt  }
0x7c: {  	_ =	shalt  }
0x7d: {  	_ =	shalt  }
0x7e: {  	_ =	shalt  }
0x7f: {  	_ =	shalt  }
0x80: {  	_ =	shalt  }
0x81: {  	_ =	shalt  }
0x82: {  	_ =	shalt  }
0x83: {  	_ =	shalt  }
0x84: {  	_ =	shalt  }
0x85: {  	_ =	shalt  }
0x86: {  	_ =	shalt  }
0x87: {  	_ =	shalt  }
.Lfunc_end0:
.L_simem_size_0:
called_computation.4_lowered:
.L_overlay_start_0:
0x88: {  	s2 =	sld [smem:$0x3FD9]  }
0x89: {  	s3 =	sld [smem:$0x3FFE];
	_ =	sdelay $0x1  }
0x8a: {  	s1 =	srdreg.scid  }
0x8b: {  	s0 =	sand.u32 $0x1, s1  }
0x8c: {  	s17 =	sshll.u32 s0, $0xA;
	s2 =	sadd.s32 s3, s2  }
0x8d: {  	s2 =	sadd.s32 s2, s17  }
0x8e: {  	[smem:$0x3F89] =	sst s2  }
0x8f: {  	_ = 	snop  }
0x90: {  	(tm) =	ssettm $0x1  }
0x91: {  	s18 =	sld [smem:$0x3FFB];
	_ =	sdelay $0x3  }
0x92: {  	_ =	strace s18  }
0x93: {  	s2 =	sld [smem:$0x3FFC];
	_ =	sdelay $0x3  }
0x94: {  	_ =	strace s2  }
0x95: {  	s2 =	sld [smem:$0x3FFD];
	_ =	sdelay $0x3  }
0x96: {  	_ =	strace s2  }
0x97: {  	_ =	strace $0x8FFFFFFF  }
0x98: {  	s19 =	sld [smem:$0x3FDB];
	_ =	sdelay $0x1  }
0x99: {  	s20 =	simm.s32 $_scs_section_size  }
0x9a: {  	s4 =	simm.s32 $_size__tile_overlayer_lowered;
	s5 =	simm.s32 $_tile_overlayer_lowered  }
0x9b: {  	s6 =	simm.s32 $0x1BFF;
	s21 =	sshll.u32 s5, $0x1;
	s3 =	sadd.s32 s20, s19  }
0x9c: {  	s22 =	simm.s32 $0x0;
	s4 =	sshll.u32 s4, $0x1;
	s5 =	sadd.s32 s21, s3  }
0x9d: {  	[timem:s22], [sflag:s6] =	dma.local [hbm:s5], s4  }
0x9e: {  	_ =	swait.ge [sflag:s6], s4  }
0x9f: {  	s4 =	ssub.s32 $0x0, s4;
	[sflag:s6] =	ssyncset.done $0x0  }
0xa0: {  	[sflag:s6] =	ssyncadd.s32 s4;
	_ =	sdelay $0x1  }
0xa1: {  	s23 =	simm.s32 $0x1B8B  }
0xa2: {  	_ =	swait.ge [sflag:s23], $0x1  }
0xa3: {  	[sflag:s23] =	ssyncset.done $0x0  }
0xa4: {  	[sflag:s23] =	ssyncadd.s32 $0xFFFFFFFF  }
0xa5: {  	s4 =	sld [smem:$0x0]  }
0xa6: {  	s5 =	sand.u32 $0xFFFFFFFE, s1  }
0xa7: {  	p0 =	sne.s32 s1, s5  }
0xa8: {  	s5 =	sshll.u32 @p0 s5, $0xE  }
0xa9: {  	s5 =	sadd.s32 @p0 $0x11B8D, s5;
	s6 =	sshll.u32 @p0 s4, $0x11  }
0xaa: {  	s5 =	sor.u32 @p0 s6, s5  }
0xab: {  	[sflag:s5] =	ssyncadd.remote.s32 @p0 $0x1;
	_ =	sdelay $0x1  }
0xac: {  	s5 =	simm.s32 @p0 $0x1B8D  }
0xad: {  	_ =	swait.eq @p0 [sflag:s5], $0x1  }
0xae: {  	[sflag:s5] =	ssyncadd.s32 @p0 $0xFFFFFFFF  }
0xaf: {  	s6 =	sshll.u32 @!p0 s1, $0xE  }
0xb0: {  	s6 =	sor.u32 @!p0 $0x4000, s6;
	s5 =	simm.s32 @!p0 $0x1B8D  }
0xb1: {  	s4 =	sshll.u32 @!p0 s4, $0x11;
	s6 =	sadd.s32 @!p0 $0x11B8D, s6;
	_ =	swait.eq @!p0 [sflag:s5], $0x1  }
0xb2: {  	s4 =	sor.u32 @!p0 s4, s6;
	[sflag:s5] =	ssyncadd.s32 @!p0 $0xFFFFFFFF  }
0xb3: {  	s25 =	simm.s32 $0x1B8E;
	s24 =	sld [smem:$0x3FFE];
	[sflag:s4] =	ssyncadd.remote.s32 @!p0 $0x1  }
0xb4: {  	s26 =	simm.s32 $execute0_lowered;
	[smem:$0x3FD2] =	sst s25  }
0xb5: {  	s5 =	sshll.u32 s26, $0x1;
	_ =	strace $0x80000049;
	[dreg:$0x1] =	wrdreg $0xFFFFFFFF  }
0xb6: {  	s28 =	simm.s32 $_size_execute0_lowered;
	s3 =	sadd.s32 s3, s5;
	[dreg:$0x0] =	wrdreg $0x0  }
0xb7: {  	s5 =	sshll.u32 s28, $0x1;
	[dreg:$0x2] =	wrdreg s3  }
0xb8: {  	[dreg:$0x3] =	wrdreg s5  }
0xb9: {  	[dreg:$0x4] =	wrdreg $0xC0  }
0xba: {  	_ =	task [dreg:s22], $0x5FFFF  }
0xbb: {  	[dreg:$0x1] =	wrdreg $0xFFFFFFFF  }
0xbc: {  	[dreg:$0x0] =	wrdreg $0x60  }
0xbd: {  	[dreg:$0x2] =	wrdreg s24  }
0xbe: {  	[dreg:$0x3] =	wrdreg $0xB  }
0xbf: {  	_ =	task.clear_ibuf [dreg:s22], $0x4FFFF;
	_ =	strace $0x90000049  }
0xc0: {  	s29 =	simm.s32 $0xB;
	_ =	strace $0x8000004B  }
0xc1: {  	_ =	swait.ge [sflag:s29], $0x1  }
0xc2: {  	[sflag:s29] =	ssyncadd.s32 $0xFFFFFFFF  }
0xc3: {  	_ =	strace $0x9000004B  }
0xc4: {  	_ =	sfence  }
0xc5: {  	s30 =	sld [smem:$0x0];
	_ =	sdelay $0x2  }
0xc6: {  	s31 =	sshll.u32 s1, $0xD;
	s1 =	sshrl.u32 s1, $0x2  }
0xc7: {  	s4 =	sand.u32 $0x4000, s31;
	s1 =	sadd.s32 s1, s30  }
0xc8: {  	s0 =	sor.u32 s4, s0;
	s1 =	sshll.u32 s1, $0x11  }
0xc9: {  	s0 =	sor.u32 s1, s0  }
0xca: {  	s0 =	sadd.s32 $0x8F2B, s0  }
0xcb: {  	[sflag:s0] =	ssyncadd.remote.s32 $0x1  }
0xcc: {  	_ =	sfence.sel $0xFFFF  }
0xcd: {  	[dreg:$0x0] =	wrdreg $0xFFFFFFFF;
	(pc) =	sbr.abs _section_cstart, $3  }
0xce: {  	[dreg:$0x1] =	wrdreg $0xFFFFFFFF  }
0xcf: {  	_ =	task.clear_ibuf [dreg:s22], $0x2FFFF;
	_ =	strace $0x9FFFFFFF  }
0xd0: {  	(tm) =	ssettm $0x7FFFFFFF  }
0xd1: {  	_ =	shalt  }
tec
execute0_lowered:
.L_overlay_start_1:
0x0: {  	(tag) =	ssettag $0x1  }
0x1: {  	s0 =	srdreg.scid;
	s1 =	rddreg [dreg:$0x0]  }
0x2: {  	s14 =	stileid.u32;
	s2 =	simm.s32 $0x0;
	s15 =	simm.s32 $0x9  }
0x3: {  	s16 =	simm.s32 $0x2800;
	s17 =	simm.s32 $0x80;
	s28 =	simm.s32 $0x2  }
0x4: {  	s29 =	simm.s32 $0x4;
	s30 =	simm.s32 $0x6;
	s31 =	simm.s32 $0x8  }
0x5: {  	s0 =	sand.u32 $0x1, s0;
	[smem:$0x7FF] =	sst s2;
	s13 =	smul.u32 $0x140000, s14  }
0x6: {  	s4 =	sadd.s32 $0x22E00, s1;
	s12 =	sadd.s32 $0xAFB200, s1;
	s23 =	smul.u32 $0x28000, s14  }
0x7: {  	s3 =	sshll.u32 s0, $0x4;
	_ =	strace $0x8000004A;
	s10 =	smul.u32 $0x1400000, s0  }
0x8: {  	s7 =	ssub.s32 $0x2, s0;
	s0 =	smul.u32 $0x280000, s0;
	s5 =	sor.u32 s14, s3  }
0x9: {  	s3 =	sadd.s32 $0x71000, s1;
	s8 =	sshrl.u32 s7, $0x1;
	s6 =	smul.u32 $0x2800, s5  }
0xa: {  	s5 =	smul.u32 $0x140000, s5;
	s11 =	ssub.s32 s7, s8;
	s21 =	sadd.s32 s13, s10  }
0xb: {  	s25 =	sadd.s32 s0, s12;
	s22 =	sshrl.u32 s21, $0x3;
	s11 =	smax.u32 s11, $0x1  }
0xc: {  	s26 =	sadd.s32 s23, s25;
	s25 =	simm.s32 $0x5;
	s6 =	sshrl.u32 s6, $0x3  }
0xd: {  	s5 =	sshrl.u32 s5, $0x3;
	s13 =	sadd.s32 $0x800, s26;
	s26 =	simm.s32 $0x7  }
0xe: {  	s6 =	sadd.s32 s6, s1;
	s1 =	sadd.s32 $0xFFB200, s1;
	s19 =	sadd.s32 $0x27000, s5  }
0xf: {  	s5 =	sadd.s32 $0x27800, s5;
	s18 =	sadd.s32 $0xD3200, s6;
	s6 =	sadd.s32 $0xC9200, s6  }
0x10: {  	s20 =	sadd.s32 s12, s19;
	s9 =	sadd.s32 s12, s5;
	[dreg:$0x3] =	wrdreg s18  }
0x11: {  	s10 =	sadd.s32 s1, s5;
	s24 =	sadd.s32 s22, s1;
	[dreg:$0x4] =	wrdreg s6  }
0x12: {  	s0 =	sadd.s32 s0, s1;
	s12 =	sadd.s32 s22, s12;
	[dreg:$0x5] =	wrdreg s20  }
0x13: {  	s22 =	simm.s32 $0x11000;
	s6 =	sadd.s32 s1, s19;
	[dreg:$0x2] =	wrdreg s24  }
0x14: {  	s0 =	sadd.s32 s23, s0;
	s18 =	simm.s32 $0x5000;
	s19 =	simm.s32 $0xD000  }
0x15: {  	s20 =	simm.s32 $0x9000;
	s23 =	simm.s32 $0x1;
	s24 =	simm.s32 $0x3  }
0x16: {  	[dreg:$0x6] =	wrdreg s6;
	s14 =	sadd.s32 $0x800, s0;
	s0 =	simm.s32 $0x0  }
.LBB2_1:
0x17: {  	s1 =	rddreg [dreg:$0x3]  }
0x18: {  	[tilespmem:s2], [sflag:$0x9] =	stream.linear.gather [hbm4b:s1+s2], $0x2800, $0x38;
	[tilespmem:$0x15000] =	vst v63  }
0x19: {  	_ =	swait.ge [sflag:s15], $0x2800  }
0x1a: {  	[sflag:s15] =	ssyncset.done $0x0  }
0x1b: {  	s7 =	rddreg [dreg:$0x4];
	[sflag:s15] =	ssyncadd.s32 $0xFFFFD800  }
0x1c: {  	[tilespmem:s16], [sflag:$0x9] =	stream.linear.gather [hbm4b:s7+s2], $0x2800, $0x38;
	[tilespmem:$0x15000] =	vst v63  }
0x1d: {  	_ =	swait.ge [sflag:s15], $0x2800  }
0x1e: {  	[sflag:s15] =	ssyncset.done $0x0  }
0x1f: {  	[sflag:s15] =	ssyncadd.s32 $0xFFFFD800  }
0x20: {  	[tilespmem:s18], [sflag:$0x1] =	stream.indirect.gather [hbm4b:s3+s17], $0x80, s2, s17, $0xb8;
	[tilespmem:$0x15000] =	vst v63  }
0x21: {  	_ = 	snop  }
0x22: {  	[tilespmem:s19], [sflag:$0x3] =	stream.indirect.gather [hbm4b:s4+s17], $0x80, s16, s17, $0xb8;
	[tilespmem:$0x15000] =	vst v63  }
0x23: {  	_ = 	snop  }
0x24: {  	[tilespmem:s20], [sflag:$0x2] =	stream.indirect.gather [hbm4b:s3+s17], $0x80, s17, s17, $0xb8;
	[tilespmem:$0x15000] =	vst v63  }
0x25: {  	s8 =	simm.s32 $0x2880  }
0x26: {  	[tilespmem:s22], [sflag:$0x4] =	stream.indirect.gather [hbm4b:s4+s17], $0x80, s8, s17, $0xb8;
	[tilespmem:$0x15000] =	vst v63  }
0x27: {  	_ =	swait.ge [sflag:s23], $0x4000  }
0x28: {  	[sflag:s23] =	ssyncset.done $0x0  }
0x29: {  	[sflag:s23] =	ssyncadd.s32 $0xFFFFC000  }
0x2a: {  	_ =	swait.ge [sflag:s24], $0x4000  }
0x2b: {  	[sflag:s24] =	ssyncset.done $0x0  }
0x2c: {  	s5 =	sadd.s32 $0x0, s12;
	s21 =	rddreg [dreg:$0x2];
	[sflag:s24] =	ssyncadd.s32 $0xFFFFC000  }
0x2d: {  	[hbm4b:s5+s2] =	stream.linear.scatter [tilespmem:s18], [sflag:$0x5], $0x4000, $0x38;
	[tilespmem:$0x15000] =	vst v63  }
0x2e: {  	s1 =	sadd.s32 $0x0, s21  }
0x2f: {  	[hbm4b:s1+s2] =	stream.linear.scatter [tilespmem:s19], [sflag:$0x7], $0x4000, $0x38;
	[tilespmem:$0x15000] =	vst v63  }
0x30: {  	_ =	swait.ge [sflag:s25], $0x4000  }
0x31: {  	[sflag:s25] =	ssyncset.done $0x0  }
0x32: {  	[sflag:s25] =	ssyncadd.s32 $0xFFFFC000  }
0x33: {  	_ =	swait.ge [sflag:s26], $0x4000  }
0x34: {  	[sflag:s26] =	ssyncset.done $0x0  }
0x35: {  	s5 =	simm.s32 $0x100;
	[sflag:s26] =	ssyncadd.s32 $0xFFFFC000  }
0x36: {  	[tilespmem:s18], [sflag:$0x1] =	stream.indirect.gather [hbm4b:s3+s17], $0x80, s5, s17, $0xb8;
	[tilespmem:$0x15000] =	vst v63  }
0x37: {  	s6 =	simm.s32 $0x2900  }
0x38: {  	[tilespmem:s19], [sflag:$0x3] =	stream.indirect.gather [hbm4b:s4+s17], $0x80, s6, s17, $0xb8;
	[tilespmem:$0x15000] =	vst v63  }
0x39: {  	_ =	swait.ge [sflag:s28], $0x4000  }
0x3a: {  	[sflag:s28] =	ssyncset.done $0x0  }
0x3b: {  	[sflag:s28] =	ssyncadd.s32 $0xFFFFC000  }
0x3c: {  	_ =	swait.ge [sflag:s29], $0x4000  }
0x3d: {  	[sflag:s29] =	ssyncset.done $0x0  }
0x3e: {  	s7 =	sadd.s32 $0x0, s13;
	[sflag:s29] =	ssyncadd.s32 $0xFFFFC000  }
0x3f: {  	[hbm4b:s7+s2] =	stream.linear.scatter [tilespmem:s20], [sflag:$0x6], $0x4000, $0x38;
	[tilespmem:$0x15000] =	vst v63  }
0x40: {  	s8 =	sadd.s32 $0x0, s14  }
0x41: {  	[hbm4b:s8+s2] =	stream.linear.scatter [tilespmem:s22], [sflag:$0x8], $0x4000, $0x38;
	[tilespmem:$0x15000] =	vst v63  }
0x42: {  	_ =	swait.ge [sflag:s30], $0x4000  }
0x43: {  	[sflag:s30] =	ssyncset.done $0x0  }
0x44: {  	[sflag:s30] =	ssyncadd.s32 $0xFFFFC000  }
0x45: {  	_ =	swait.ge [sflag:s31], $0x4000  }
0x46: {  	[sflag:s31] =	ssyncset.done $0x0  }
0x47: {  	s21 =	simm.s32 $0x180;
	s1 =	simm.s32 $0x1000;
	[sflag:s31] =	ssyncadd.s32 $0xFFFFC000  }
0x48: {  	[tilespmem:s20], [sflag:$0x2] =	stream.indirect.gather [hbm4b:s3+s17], $0x80, s21, s17, $0xb8;
	[tilespmem:$0x15000] =	vst v63  }
0x49: {  	s5 =	simm.s32 $0x200;
	s6 =	simm.s32 $0x2980;
	s21 =	simm.s32 $0x2A00  }
.LBB2_2:
0x4a: {  	[tilespmem:s22], [sflag:$0x4] =	stream.indirect.gather [hbm4b:s4+s17], $0x80, s6, s17, $0xb8;
	[tilespmem:$0x15000] =	vst v63  }
0x4b: {  	_ =	swait.ge [sflag:s23], $0x4000  }
0x4c: {  	[sflag:s23] =	ssyncset.done $0x0  }
0x4d: {  	[sflag:s23] =	ssyncadd.s32 $0xFFFFC000  }
0x4e: {  	_ =	swait.ge [sflag:s24], $0x4000  }
0x4f: {  	s6 =	smov.u32 s1;
	[sflag:s24] =	ssyncset.done $0x0  }
0x50: {  	s8 =	sadd.s32 s6, s12;
	s7 =	rddreg [dreg:$0x2];
	[sflag:s24] =	ssyncadd.s32 $0xFFFFC000  }
0x51: {  	[hbm4b:s8+s2] =	stream.linear.scatter [tilespmem:s18], [sflag:$0x5], $0x4000, $0x38;
	[tilespmem:$0x15000] =	vst v63  }
0x52: {  	s7 =	sadd.s32 s6, s7  }
0x53: {  	[hbm4b:s7+s2] =	stream.linear.scatter [tilespmem:s19], [sflag:$0x7], $0x4000, $0x38;
	[tilespmem:$0x15000] =	vst v63  }
0x54: {  	_ =	swait.ge [sflag:s25], $0x4000  }
0x55: {  	[sflag:s25] =	ssyncset.done $0x0  }
0x56: {  	[sflag:s25] =	ssyncadd.s32 $0xFFFFC000  }
0x57: {  	_ =	swait.ge [sflag:s26], $0x4000  }
0x58: {  	[sflag:s26] =	ssyncset.done $0x0  }
0x59: {  	[sflag:s26] =	ssyncadd.s32 $0xFFFFC000  }
0x5a: {  	[tilespmem:s18], [sflag:$0x1] =	stream.indirect.gather [hbm4b:s3+s17], $0x80, s5, s17, $0xb8;
	[tilespmem:$0x15000] =	vst v63  }
0x5b: {  	_ = 	snop  }
0x5c: {  	[tilespmem:s19], [sflag:$0x3] =	stream.indirect.gather [hbm4b:s4+s17], $0x80, s21, s17, $0xb8;
	[tilespmem:$0x15000] =	vst v63  }
0x5d: {  	_ =	swait.ge [sflag:s28], $0x4000  }
0x5e: {  	[sflag:s28] =	ssyncset.done $0x0  }
0x5f: {  	[sflag:s28] =	ssyncadd.s32 $0xFFFFC000  }
0x60: {  	_ =	swait.ge [sflag:s29], $0x4000  }
0x61: {  	[sflag:s29] =	ssyncset.done $0x0  }
0x62: {  	s8 =	sadd.s32 s6, s13;
	[sflag:s29] =	ssyncadd.s32 $0xFFFFC000  }
0x63: {  	[hbm4b:s8+s2] =	stream.linear.scatter [tilespmem:s20], [sflag:$0x6], $0x4000, $0x38;
	[tilespmem:$0x15000] =	vst v63  }
0x64: {  	s6 =	sadd.s32 s6, s14  }
0x65: {  	[hbm4b:s6+s2] =	stream.linear.scatter [tilespmem:s22], [sflag:$0x8], $0x4000, $0x38;
	[tilespmem:$0x15000] =	vst v63  }
0x66: {  	_ =	swait.ge [sflag:s30], $0x4000  }
0x67: {  	p0 =	sne.s32 s1, $0x26000;
	[sflag:s30] =	ssyncset.done $0x0  }
.Ltmp0:
0x68: {  	[sflag:s30] =	ssyncadd.s32 $0xFFFFC000;
	(pc) =	sbr.rel @p0 .LBB2_2-.Ltmp0, $4  }
0x69: {  	s1 =	sadd.s32 $0x1000, s1;
	_ =	swait.ge [sflag:s31], $0x4000  }
0x6a: {  	s8 =	sadd.s32 $0x80, s5;
	s5 =	sadd.s32 $0x100, s5;
	[sflag:s31] =	ssyncset.done $0x0  }
0x6b: {  	s6 =	sadd.s32 $0x80, s21;
	s21 =	sadd.s32 $0x100, s21;
	[sflag:s31] =	ssyncadd.s32 $0xFFFFC000  }
0x6c: {  	[tilespmem:s20], [sflag:$0x2] =	stream.indirect.gather [hbm4b:s3+s17], $0x80, s8, s17, $0xb8;
	[tilespmem:$0x15000] =	vst v63  }
0x6d: {  	[tilespmem:s22], [sflag:$0x4] =	stream.indirect.gather [hbm4b:s4+s17], $0x80, s6, s17, $0xb8;
	[tilespmem:$0x15000] =	vst v63  }
0x6e: {  	_ =	swait.ge [sflag:s23], $0x4000  }
0x6f: {  	[sflag:s23] =	ssyncset.done $0x0  }
0x70: {  	[sflag:s23] =	ssyncadd.s32 $0xFFFFC000  }
0x71: {  	_ =	swait.ge [sflag:s24], $0x4000  }
0x72: {  	[sflag:s24] =	ssyncset.done $0x0  }
0x73: {  	s1 =	rddreg [dreg:$0x5];
	[sflag:s24] =	ssyncadd.s32 $0xFFFFC000  }
0x74: {  	[hbm4b:s1+s2] =	stream.linear.scatter [tilespmem:s18], [sflag:$0x5], $0x4000, $0x38;
	[tilespmem:$0x15000] =	vst v63  }
0x75: {  	s21 =	rddreg [dreg:$0x6]  }
0x76: {  	[hbm4b:s21+s2] =	stream.linear.scatter [tilespmem:s19], [sflag:$0x7], $0x4000, $0x38;
	[tilespmem:$0x15000] =	vst v63  }
0x77: {  	_ =	swait.ge [sflag:s25], $0x4000  }
0x78: {  	[sflag:s25] =	ssyncset.done $0x0  }
0x79: {  	[sflag:s25] =	ssyncadd.s32 $0xFFFFC000  }
0x7a: {  	_ =	swait.ge [sflag:s26], $0x4000  }
0x7b: {  	[sflag:s26] =	ssyncset.done $0x0  }
0x7c: {  	[sflag:s26] =	ssyncadd.s32 $0xFFFFC000  }
0x7d: {  	_ =	swait.ge [sflag:s28], $0x4000  }
0x7e: {  	[sflag:s28] =	ssyncset.done $0x0  }
0x7f: {  	[sflag:s28] =	ssyncadd.s32 $0xFFFFC000  }
0x80: {  	_ =	swait.ge [sflag:s29], $0x4000  }
0x81: {  	[sflag:s29] =	ssyncset.done $0x0  }
0x82: {  	[sflag:s29] =	ssyncadd.s32 $0xFFFFC000  }
0x83: {  	[hbm4b:s9+s2] =	stream.linear.scatter [tilespmem:s20], [sflag:$0x6], $0x4000, $0x38;
	[tilespmem:$0x15000] =	vst v63  }
0x84: {  	s0 =	sadd.s32 $0x1, s0  }
0x85: {  	[hbm4b:s10+s2] =	stream.linear.scatter [tilespmem:s22], [sflag:$0x8], $0x4000, $0x38;
	[tilespmem:$0x15000] =	vst v63  }
0x86: {  	p0 =	sne.s32 s0, s11;
	_ =	swait.ge [sflag:s30], $0x4000  }
.Ltmp1:
0x87: {  	[sflag:s30] =	ssyncset.done $0x0;
	(pc) =	sbr.rel @p0 .LBB2_1-.Ltmp1, $4  }
0x88: {  	[sflag:s30] =	ssyncadd.s32 $0xFFFFC000  }
0x89: {  	_ =	swait.ge [sflag:s31], $0x4000  }
0x8a: {  	[sflag:s31] =	ssyncset.done $0x0  }
0x8b: {  	[sflag:s31] =	ssyncadd.s32 $0xFFFFC000  }
0x8c: {  	_ =	sfence.sel $0x180000  }
0x8d: {  	[bflag:$0x0] =	sbarrier.arrive $0xFFFF  }
0x8e: {  	_ =	strace $0x9000004A  }
0x8f: {  	s0 =	stileid.u32;
	[bflag:$0x2] =	sbarrier.arrive $0xFFFF  }
0x90: {  	p0 =	sne.s32 s0, $0x0;
	s0 =	rddreg [dreg:$0x1]  }
0x91: {  	s0 =	sadd.s32 @!p0 $0x100000, s0  }
0x92: {  	[sflag:s0] =	ssyncadd.tile.s32 @!p0 $0x1;
	_ =	shalt  }
.Lfunc_end2:
_tile_overlayer_lowered:
.L_overlay_start_2:
0x93: {  	(tag) =	ssettag $0x2  }
0x94: {  	s0 =	rddreg [dreg:$0x0];
	s2 =	stileid.u32  }
0x95: {  	s1 =	rddreg [dreg:$0x1];
	p0 =	sne.s32 s2, $0x0  }
0x96: {  	s3 =	rddreg [dreg:$0x2];
	[bflag:$0x3] =	sbarrier.arrive $0xFFFF;
	s2 =	simm.s32 @!p0 $0x1C09  }
0x97: {  	[timem:s3], [sflag:s2] =	dma.local @!p0 [hbm:s0], s1  }
0x98: {  	s0 =	simm.s32 @!p0 $0x9  }
0x99: {  	_ =	swait.ge @!p0 [sflag:s0], s1  }
0x9a: {  	s1 =	ssub.s32 @!p0 $0x0, s1;
	[sflag:s0] =	ssyncset.done @!p0 $0x0  }
0x9b: {  	[sflag:s0] =	ssyncadd.s32 @!p0 s1  }
0x9c: {  	[bflag:$0x3] =	sbarrier.arrive $0xFFFF  }
0x9d: {  	_ =	shalt  }

// kernel: kernel.32.cloned.1.call-start
scs
__scs_entry_jumppad:
0x0: {  	(pc) =	sbr.rel $0x88, $3  }
0x1: {  	(tag) =	ssettag $0x0;
	lr =	simm.s32 $0x1  }
0x2: {  	[smem:$0x3F62] =	sst lr;
	_ =	strace $0xD0000000  }
0x3: {  	_ = 	snop  }
0x4: {  	_ = 	snop  }
0x5: {  	_ = 	snop  }
0x6: {  	_ = 	snop  }
0x7: {  	_ = 	snop  }
__scs_overlays_trampoline_lowered:
0x8: {  	[smem:$0x3F71] =	sst s0  }
0x9: {  	[smem:$0x3F72] =	sst s1  }
0xa: {  	[smem:$0x3F73] =	sst s2  }
0xb: {  	[smem:$0x3F74] =	sst s3  }
0xc: {  	[smem:$0x3F75] =	sst s4  }
0xd: {  	[smem:$0x3F76] =	sst s5  }
0xe: {  	[smem:$0x3F77] =	sst s6  }
0xf: {  	[smem:$0x3F78] =	sst s7  }
0x10: {  	[smem:$0x3F79] =	sst s8  }
0x11: {  	[smem:$0x3F7A] =	sst s9;
	s0 =	simm.s32 @!p0 $0x0  }
0x12: {  	s1 =	sld [smem:$0x3F60];
	s0 =	simm.s32 @p0 $0x1  }
0x13: {  	[smem:$0x3F7B] =	sst s0;
	s0 =	simm.s32 @!p1 $0x0  }
0x14: {  	s2 =	sld [smem:$0x3F5F];
	s0 =	simm.s32 @p1 $0x1  }
0x15: {  	[smem:$0x3F7C] =	sst s0;
	s0 =	simm.s32 @!p2 $0x0  }
0x16: {  	s3 =	sld [smem:$0x3FDB];
	s0 =	simm.s32 @p2 $0x1  }
0x17: {  	s4 =	simm.s32 $0x1BF5;
	[smem:$0x3F7E] =	sst s0  }
0x18: {  	s0 =	sld [smem:$0x3F61];
	_ =	swait.ge [sflag:s4], $0x0  }
0x19: {  	s7 =	sld [smem:$0x3F62]  }
0x1a: {  	s8 =	sadd.s32 $0xFFFFE003, lr  }
0x1b: {  	s9 =	sadd.s32 $0xFFFFFEF7, lr;
	s5 =	simm.s32 $0xFFFFFFFF;
	p2 =	slt.u32 s8, $0xFFFFF086  }
0x1c: {  	p1 =	slt.u32 s9, $0xF7A;
	s5 =	simm.s32 @!p2 $0x0  }
0x1d: {  	s5 =	simm.s32 @p1 $0x1;
	p0 =	seq.s32 s7, s2  }
0x1e: {  	s7 =	smul.u32 @!p0 $0xF7A, s2;
	p2 =	seq.s32 @!p0 s5, $0x0  }
0x1f: {  	s9 =	smul.u32 $0xF7A, s1;
	s8 =	simm.s32 @!p0 $0x1BF5;
	p2 =	por !p2, p0  }
0x20: {  	[sflag:s8] =	ssyncset.s32 @!p0 $0xFFFFF086;
	s6 =	sadd.s32 @!p0 s3, s7;
	s7 =	simm.s32 @!p0 $0x108  }
0x21: {  	s3 =	sadd.s32 s3, s9;
	s6 =	sadd.s32 @!p0 $0x88, s6;
	s7 =	simm.s32 @p2 $0x1082  }
0x22: {  	[simem:s7], [sflag:s8] =	dma.local @!p0 [hbm:s6], $0xF7A  }
0x23: {  	s9 =	sor.u32 $0xD0000000, s2;
	s6 =	simm.s32 $0x108;
	_ =	swait.ge @!p0 [sflag:s8], $0x0  }
0x24: {  	s3 =	sadd.s32 $0x88, s3;
	s6 =	simm.s32 @!p1 $0x1082;
	[sflag:s4] =	ssyncset.s32 $0xFFFFF086  }
0x25: {  	[simem:s6], [sflag:s4] =	dma.local [hbm:s3], $0xF7A  }
0x26: {  	[smem:$0x3F62] =	sst s1;
	(tag) =	ssettag s2;
	_ =	strace s9  }
0x27: {  	s1 =	sld [smem:$0x3F72]  }
0x28: {  	s2 =	sld [smem:$0x3F73]  }
0x29: {  	s4 =	sld [smem:$0x3F75]  }
0x2a: {  	p0 =	seq.s32 s5, $0x0;
	s5 =	sld [smem:$0x3F76]  }
0x2b: {  	s6 =	sld [smem:$0x3F77]  }
0x2c: {  	s7 =	sld [smem:$0x3F78]  }
0x2d: {  	s3 =	simm.s32 $0x108;
	s8 =	sld [smem:$0x3F79]  }
0x2e: {  	s3 =	simm.s32 @!p0 $0x1082;
	s9 =	sld [smem:$0x3F7A]  }
0x2f: {  	lr =	sadd.s32 s0, s3;
	s0 =	sld [smem:$0x3F71]  }
0x30: {  	s3 =	sld [smem:$0x3F74]  }
0x31: {  	[smem:$0x3F7D] =	sst s10  }
0x32: {  	s10 =	sld [smem:$0x3F7B];
	_ =	sdelay $0x3  }
0x33: {  	p0 =	seq.s32 s10, $0x1;
	s10 =	sld [smem:$0x3F7D];
	_ =	sdelay $0x3  }
0x34: {  	[smem:$0x3F7D] =	sst s10  }
0x35: {  	s10 =	sld [smem:$0x3F7C];
	_ =	sdelay $0x3  }
0x36: {  	p1 =	seq.s32 s10, $0x1;
	s10 =	sld [smem:$0x3F7D];
	_ =	sdelay $0x3  }
0x37: {  	[smem:$0x3F7D] =	sst s10  }
0x38: {  	s10 =	sld [smem:$0x3F7E]  }
0x39: {  	_ = 	snop;
	(pc) =	sbr.ind lr, $3  }
0x3a: {  	_ = 	snop  }
0x3b: {  	_ = 	snop  }
0x3c: {  	p2 =	seq.s32 s10, $0x1;
	s10 =	sld [smem:$0x3F7D]  }
0x3d: {  	_ =	shalt  }
0x3e: {  	_ =	shalt  }
0x3f: {  	_ =	shalt  }
0x40: {  	_ =	shalt  }
0x41: {  	_ =	shalt  }
0x42: {  	_ =	shalt  }
0x43: {  	_ =	shalt  }
0x44: {  	_ =	shalt  }
0x45: {  	_ =	shalt  }
0x46: {  	_ =	shalt  }
0x47: {  	_ =	shalt  }
0x48: {  	_ =	shalt  }
0x49: {  	_ =	shalt  }
0x4a: {  	_ =	shalt  }
0x4b: {  	_ =	shalt  }
0x4c: {  	_ =	shalt  }
0x4d: {  	_ =	shalt  }
0x4e: {  	_ =	shalt  }
0x4f: {  	_ =	shalt  }
0x50: {  	_ =	shalt  }
0x51: {  	_ =	shalt  }
0x52: {  	_ =	shalt  }
0x53: {  	_ =	shalt  }
0x54: {  	_ =	shalt  }
0x55: {  	_ =	shalt  }
0x56: {  	_ =	shalt  }
0x57: {  	_ =	shalt  }
0x58: {  	_ =	shalt  }
0x59: {  	_ =	shalt  }
0x5a: {  	_ =	shalt  }
0x5b: {  	_ =	shalt  }
0x5c: {  	_ =	shalt  }
0x5d: {  	_ =	shalt  }
0x5e: {  	_ =	shalt  }
0x5f: {  	_ =	shalt  }
0x60: {  	_ =	shalt  }
0x61: {  	_ =	shalt  }
0x62: {  	_ =	shalt  }
0x63: {  	_ =	shalt  }
0x64: {  	_ =	shalt  }
0x65: {  	_ =	shalt  }
0x66: {  	_ =	shalt  }
0x67: {  	_ =	shalt  }
0x68: {  	_ =	shalt  }
0x69: {  	_ =	shalt  }
0x6a: {  	_ =	shalt  }
0x6b: {  	_ =	shalt  }
0x6c: {  	_ =	shalt  }
0x6d: {  	_ =	shalt  }
0x6e: {  	_ =	shalt  }
0x6f: {  	_ =	shalt  }
0x70: {  	_ =	shalt  }
0x71: {  	_ =	shalt  }
0x72: {  	_ =	shalt  }
0x73: {  	_ =	shalt  }
0x74: {  	_ =	shalt  }
0x75: {  	_ =	shalt  }
0x76: {  	_ =	shalt  }
0x77: {  	_ =	shalt  }
0x78: {  	_ =	shalt  }
0x79: {  	_ =	shalt  }
0x7a: {  	_ =	shalt  }
0x7b: {  	_ =	shalt  }
0x7c: {  	_ =	shalt  }
0x7d: {  	_ =	shalt  }
0x7e: {  	_ =	shalt  }
0x7f: {  	_ =	shalt  }
0x80: {  	_ =	shalt  }
0x81: {  	_ =	shalt  }
0x82: {  	_ =	shalt  }
0x83: {  	_ =	shalt  }
0x84: {  	_ =	shalt  }
0x85: {  	_ =	shalt  }
0x86: {  	_ =	shalt  }
0x87: {  	_ =	shalt  }
.Lfunc_end0:
.L_simem_size_0:
called_computation.5_lowered:
.L_overlay_start_0:
0x88: {  	s2 =	sld [smem:$0x3FD9]  }
0x89: {  	s3 =	sld [smem:$0x3FFE];
	_ =	sdelay $0x1  }
0x8a: {  	s1 =	srdreg.scid  }
0x8b: {  	s0 =	sand.u32 $0x1, s1  }
0x8c: {  	s15 =	sshll.u32 s0, $0xA;
	s2 =	sadd.s32 s3, s2  }
0x8d: {  	s2 =	sadd.s32 s2, s15  }
0x8e: {  	[smem:$0x3F89] =	sst s2  }
0x8f: {  	_ = 	snop  }
0x90: {  	s2 =	sld [smem:$0x3FD0];
	_ =	sdelay $0x2  }
0x91: {  	s16 =	simm.s32 $0xD;
	s4 =	simm.s32 $0x10  }
0x92: {  	[smem:s4], [sflag:s16] =	dma.local [hbm:s2], $0x1  }
0x93: {  	_ =	swait.eq [sflag:s16], $0x1  }
0x94: {  	[sflag:s16] =	ssyncset.done $0x0  }
0x95: {  	[sflag:s16] =	ssyncadd.s32 $0xFFFFFFFF  }
0x96: {  	s17 =	sld [smem:$0x10];
	(tm) =	ssettm $0x1  }
0x97: {  	s18 =	sld [smem:$0x3FFB];
	_ =	sdelay $0x3  }
0x98: {  	_ =	strace s18  }
0x99: {  	s2 =	sld [smem:$0x3FFC];
	_ =	sdelay $0x3  }
0x9a: {  	_ =	strace s2  }
0x9b: {  	s2 =	sld [smem:$0x3FFD];
	_ =	sdelay $0x3  }
0x9c: {  	_ =	strace s2  }
0x9d: {  	_ =	strace $0x8FFFFFFF  }
0x9e: {  	s19 =	sld [smem:$0x3FDB];
	_ =	sdelay $0x1  }
0x9f: {  	s20 =	simm.s32 $_scs_section_size  }
0xa0: {  	s5 =	simm.s32 $_size__tile_overlayer_lowered;
	s6 =	simm.s32 $_tile_overlayer_lowered  }
0xa1: {  	s7 =	simm.s32 $0x1BFF;
	s21 =	sshll.u32 s6, $0x1;
	s4 =	sadd.s32 s20, s19  }
0xa2: {  	s22 =	simm.s32 $0x0;
	s5 =	sshll.u32 s5, $0x1;
	s6 =	sadd.s32 s21, s4  }
0xa3: {  	[timem:s22], [sflag:s7] =	dma.local [hbm:s6], s5  }
0xa4: {  	_ =	swait.ge [sflag:s7], s5  }
0xa5: {  	s5 =	ssub.s32 $0x0, s5;
	[sflag:s7] =	ssyncset.done $0x0  }
0xa6: {  	[sflag:s7] =	ssyncadd.s32 s5;
	_ =	sdelay $0x1  }
0xa7: {  	s23 =	simm.s32 $0x1B8B  }
0xa8: {  	_ =	swait.ge [sflag:s23], $0x1  }
0xa9: {  	[sflag:s23] =	ssyncset.done $0x0  }
0xaa: {  	[sflag:s23] =	ssyncadd.s32 $0xFFFFFFFF  }
0xab: {  	s5 =	sld [smem:$0x0]  }
0xac: {  	s6 =	sand.u32 $0xFFFFFFFE, s1  }
0xad: {  	p0 =	sne.s32 s1, s6  }
0xae: {  	s6 =	sshll.u32 @p0 s6, $0xE  }
0xaf: {  	s6 =	sadd.s32 @p0 $0x11B8D, s6;
	s7 =	sshll.u32 @p0 s5, $0x11  }
0xb0: {  	s6 =	sor.u32 @p0 s7, s6  }
0xb1: {  	[sflag:s6] =	ssyncadd.remote.s32 @p0 $0x1;
	_ =	sdelay $0x1  }
0xb2: {  	s6 =	simm.s32 @p0 $0x1B8D  }
0xb3: {  	_ =	swait.eq @p0 [sflag:s6], $0x1  }
0xb4: {  	[sflag:s6] =	ssyncadd.s32 @p0 $0xFFFFFFFF  }
0xb5: {  	s7 =	sshll.u32 @!p0 s1, $0xE  }
0xb6: {  	s7 =	sor.u32 @!p0 $0x4000, s7;
	s6 =	simm.s32 @!p0 $0x1B8D  }
0xb7: {  	s5 =	sshll.u32 @!p0 s5, $0x11;
	s7 =	sadd.s32 @!p0 $0x11B8D, s7;
	_ =	swait.eq @!p0 [sflag:s6], $0x1  }
0xb8: {  	s5 =	sor.u32 @!p0 s5, s7;
	[sflag:s6] =	ssyncadd.s32 @!p0 $0xFFFFFFFF  }
0xb9: {  	s25 =	simm.s32 $0x1B8E;
	s24 =	sld [smem:$0x3FFE];
	[sflag:s5] =	ssyncadd.remote.s32 @!p0 $0x1  }
0xba: {  	s26 =	simm.s32 $execute0_lowered;
	[smem:$0x3FD2] =	sst s25  }
0xbb: {  	s6 =	sshll.u32 s26, $0x1;
	_ =	strace $0x80000055;
	[dreg:$0x1] =	wrdreg $0xFFFFFFFF  }
0xbc: {  	s28 =	simm.s32 $_size_execute0_lowered;
	s4 =	sadd.s32 s4, s6;
	[dreg:$0x0] =	wrdreg $0x0  }
0xbd: {  	s6 =	sshll.u32 s28, $0x1;
	[dreg:$0x2] =	wrdreg s4  }
0xbe: {  	[dreg:$0x3] =	wrdreg s6  }
0xbf: {  	[dreg:$0x4] =	wrdreg $0xC0  }
0xc0: {  	_ =	task [dreg:s22], $0x5FFFF  }
0xc1: {  	[dreg:$0x1] =	wrdreg $0xFFFFFFFF  }
0xc2: {  	[dreg:$0x0] =	wrdreg $0x60  }
0xc3: {  	[dreg:$0x2] =	wrdreg s24  }
0xc4: {  	[dreg:$0x3] =	wrdreg s17  }
0xc5: {  	[dreg:$0x4] =	wrdreg $0x0  }
0xc6: {  	[dreg:$0x5] =	wrdreg $0xB  }
0xc7: {  	_ =	task.clear_ibuf [dreg:s22], $0x6FFFF;
	_ =	strace $0x90000055  }
0xc8: {  	s29 =	simm.s32 $0xB;
	_ =	strace $0x80000057  }
0xc9: {  	_ =	swait.ge [sflag:s29], $0x1  }
0xca: {  	[sflag:s29] =	ssyncadd.s32 $0xFFFFFFFF  }
0xcb: {  	_ =	strace $0x90000057  }
0xcc: {  	_ =	sfence  }
0xcd: {  	s30 =	sld [smem:$0x0];
	_ =	sdelay $0x2  }
0xce: {  	s31 =	sshll.u32 s1, $0xD;
	s1 =	sshrl.u32 s1, $0x2  }
0xcf: {  	s4 =	sand.u32 $0x4000, s31;
	s1 =	sadd.s32 s1, s30  }
0xd0: {  	s0 =	sor.u32 s4, s0;
	s1 =	sshll.u32 s1, $0x11  }
0xd1: {  	s0 =	sor.u32 s1, s0  }
0xd2: {  	s0 =	sadd.s32 $0x8F2B, s0  }
0xd3: {  	[sflag:s0] =	ssyncadd.remote.s32 $0x1  }
0xd4: {  	_ =	sfence.sel $0xFFFF  }
0xd5: {  	[dreg:$0x0] =	wrdreg $0xFFFFFFFF;
	(pc) =	sbr.abs _section_cstart, $3  }
0xd6: {  	[dreg:$0x1] =	wrdreg $0xFFFFFFFF  }
0xd7: {  	_ =	task.clear_ibuf [dreg:s22], $0x2FFFF;
	_ =	strace $0x9FFFFFFF  }
0xd8: {  	(tm) =	ssettm $0x7FFFFFFF  }
0xd9: {  	_ =	shalt  }
tec
execute0_lowered:
.L_overlay_start_1:
0x0: {  	(tag) =	ssettag $0x1  }
0x1: {  	s5 =	rddreg [dreg:$0x0]  }
0x2: {  	s7 =	rddreg [dreg:$0x1]  }
0x3: {  	s1 =	rddreg [dreg:$0x2]  }
0x4: {  	s2 =	srdreg.scid;
	s0 =	rddreg [dreg:$0x3];
	s3 =	simm.s32 $0x0  }
0x5: {  	s16 =	simm.s32 $0x1A400;
	s17 =	simm.s32 $0x1;
	s18 =	simm.s32 $0x80  }
0x6: {  	s19 =	simm.s32 $0x2;
	s20 =	simm.s32 $0x16300;
	s6 =	sand.u32 $0x1, s2  }
0x7: {  	s21 =	simm.s32 $0x16380;
	s2 =	stileid.u32;
	s8 =	smul.u32 $0x13C000, s6  }
0x8: {  	s22 =	simm.s32 $0x0;
	[smem:$0x7FF] =	sst s3;
	s9 =	smul.u32 $0x13C00, s2  }
0x9: {  	s10 =	sadd.s32 $0x14A200, s5;
	s4 =	sadd.s32 $0xBF200, s5;
	s13 =	smul.u32 $0x4F000, s2  }
0xa: {  	_ =	strace $0x80000056;
	s25 =	ssub.s32 $0x2, s6;
	s30 =	smul.u32 $0x280000, s6  }
0xb: {  	s11 =	sshll.u32 s6, $0x4;
	s29 =	sshll.u32 s2, $0x6;
	s31 =	smul.u32 $0x28000, s2  }
0xc: {  	s12 =	sshrl.u32 s25, $0x1;
	s11 =	sor.u32 s2, s11;
	s8 =	sadd.s32 s9, s8  }
0xd: {  	s12 =	ssub.s32 s25, s12;
	s26 =	smul.u32 $0x2800, s11;
	s28 =	sshrl.u32 s13, $0x2  }
0xe: {  	s11 =	smul.u32 $0x28000, s11;
	s15 =	sadd.s32 s30, s10;
	s8 =	sshrl.u32 s8, $0x3  }
0xf: {  	s13 =	sadd.s32 s28, s1;
	s14 =	sadd.s32 s8, s5;
	s5 =	sor.u32 $0x1C03, s29  }
0x10: {  	s8 =	sshrl.u32 s26, $0x3;
	s6 =	sadd.s32 s10, s11;
	s10 =	smax.u32 s12, $0x1  }
0x11: {  	s11 =	sadd.s32 s31, s15;
	s12 =	sshrl.u32 s13, $0x3;
	s13 =	simm.s32 $0x3  }
0x12: {  	s15 =	simm.s32 $0x16400;
	s7 =	sadd.s32 s7, s8;
	s8 =	sadd.s32 $0x800, s6  }
0x13: {  	s9 =	sadd.s32 $0x64A200, s14;
	s11 =	sadd.s32 $0x1800, s11;
	s14 =	simm.s32 $0x13C00  }
.LBB2_1:
0x14: {  	[spmem:s12], [sflag:s5] =	dma.local [hbm:s4], $0x2780  }
0x15: {  	_ =	swait.ge [sflag:s13], $0x2780  }
0x16: {  	[sflag:s13] =	ssyncset.done $0x0  }
0x17: {  	[sflag:s13] =	ssyncadd.s32 $0xFFFFD880  }
0x18: {  	[bflag:$0x0] =	sbarrier.arrive $0xFFFF  }
0x19: {  	[tilespmem:s14], [sflag:$0x3] =	stream.linear.gather [hbm4b:s7+s3], $0x2800, $0x38;
	[tilespmem:$0x1E400] =	vst v63  }
0x1a: {  	_ =	swait.ge [sflag:s13], $0x2800  }
0x1b: {  	[sflag:s13] =	ssyncset.done $0x0  }
0x1c: {  	[sflag:s13] =	ssyncadd.s32 $0xFFFFD800  }
0x1d: {  	[tilespmem:s15], [sflag:$0x1] =	stream.linear.gather [hbm4b:s6+s3], $0x4000, $0x38;
	[tilespmem:$0x1E400] =	vst v63  }
0x1e: {  	_ = 	snop  }
0x1f: {  	[tilespmem:s16], [sflag:$0x2] =	stream.linear.gather [hbm4b:s8+s3], $0x4000, $0x38;
	[tilespmem:$0x1E400] =	vst v63  }
0x20: {  	_ =	swait.ge [sflag:s17], $0x4000  }
0x21: {  	[sflag:s17] =	ssyncset.done $0x0  }
0x22: {  	s23 =	simm.s32 $0x13C00;
	[sflag:s17] =	ssyncadd.s32 $0xFFFFC000  }
0x23: {  	[spmem:s1] =	stream.indirect.scatter.add.f32 [tilespmem:s15], [sflag:$0x3], $0x80, s23, s18, $0xb8;
	[tilespmem:$0x1E400] =	vst v63  }
0x24: {  	_ =	swait.ge [sflag:s13], $0x4000  }
0x25: {  	[sflag:s13] =	ssyncset.done $0x0  }
0x26: {  	s30 =	sadd.s32 $0xFFFFF800, s11;
	[sflag:s13] =	ssyncadd.s32 $0xFFFFC000  }
0x27: {  	[tilespmem:s15], [sflag:$0x1] =	stream.linear.gather [hbm4b:s30+s3], $0x4000, $0x38;
	[tilespmem:$0x1E400] =	vst v63  }
0x28: {  	_ =	swait.ge [sflag:s19], $0x4000  }
0x29: {  	[sflag:s19] =	ssyncset.done $0x0  }
0x2a: {  	s31 =	simm.s32 $0x13C80;
	[sflag:s19] =	ssyncadd.s32 $0xFFFFC000  }
0x2b: {  	[spmem:s1] =	stream.indirect.scatter.add.f32 [tilespmem:s16], [sflag:$0x3], $0x80, s31, s18, $0xb8;
	[tilespmem:$0x1E400] =	vst v63  }
0x2c: {  	_ =	swait.ge [sflag:s13], $0x4000  }
0x2d: {  	s24 =	sadd.s32 $0x1000, s11;
	[sflag:s13] =	ssyncset.done $0x0  }
0x2e: {  	s25 =	smov.u32 s11;
	s23 =	simm.s32 $0x400;
	[sflag:s13] =	ssyncadd.s32 $0xFFFFC000  }
.LBB2_2:
0x2f: {  	[tilespmem:s16], [sflag:$0x2] =	stream.linear.gather [hbm4b:s25+s3], $0x4000, $0x38;
	[tilespmem:$0x1E400] =	vst v63  }
0x30: {  	s26 =	smov.u32 s23;
	s25 =	smov.u32 s24  }
0x31: {  	p0 =	sne.s32 s23, $0x9800;
	s23 =	sadd.s32 $0x400, s23;
	_ =	swait.ge [sflag:s17], $0x4000  }
0x32: {  	s26 =	sshra.s32 s26, $0x2;
	[sflag:s17] =	ssyncset.done $0x0  }
0x33: {  	s28 =	sadd.s32 $0x13C00, s26;
	[sflag:s17] =	ssyncadd.s32 $0xFFFFC000  }
0x34: {  	[spmem:s1] =	stream.indirect.scatter.add.f32 [tilespmem:s15], [sflag:$0x3], $0x80, s28, s18, $0xb8;
	[tilespmem:$0x1E400] =	vst v63  }
0x35: {  	_ =	swait.ge [sflag:s13], $0x4000  }
0x36: {  	[sflag:s13] =	ssyncset.done $0x0  }
0x37: {  	s28 =	sadd.s32 $0xFFFFF800, s24;
	[sflag:s13] =	ssyncadd.s32 $0xFFFFC000  }
0x38: {  	[tilespmem:s15], [sflag:$0x1] =	stream.linear.gather [hbm4b:s28+s3], $0x4000, $0x38;
	[tilespmem:$0x1E400] =	vst v63  }
0x39: {  	_ =	swait.ge [sflag:s19], $0x4000  }
0x3a: {  	[sflag:s19] =	ssyncset.done $0x0  }
.Ltmp0:
0x3b: {  	s26 =	sadd.s32 $0x13C80, s26;
	[sflag:s19] =	ssyncadd.s32 $0xFFFFC000;
	(pc) =	sbr.rel @p0 .LBB2_2-.Ltmp0, $4  }
0x3c: {  	[spmem:s1] =	stream.indirect.scatter.add.f32 [tilespmem:s16], [sflag:$0x3], $0x80, s26, s18, $0xb8;
	[tilespmem:$0x1E400] =	vst v63  }
0x3d: {  	_ =	swait.ge [sflag:s13], $0x4000  }
0x3e: {  	[sflag:s13] =	ssyncset.done $0x0  }
0x3f: {  	s24 =	sadd.s32 $0x1000, s24;
	[sflag:s13] =	ssyncadd.s32 $0xFFFFC000  }
0x40: {  	[tilespmem:s16], [sflag:$0x2] =	stream.linear.gather [hbm4b:s25+s3], $0x4000, $0x38;
	[tilespmem:$0x1E400] =	vst v63  }
0x41: {  	_ =	swait.ge [sflag:s17], $0x4000  }
0x42: {  	[sflag:s17] =	ssyncset.done $0x0  }
0x43: {  	[sflag:s17] =	ssyncadd.s32 $0xFFFFC000  }
0x44: {  	[spmem:s1] =	stream.indirect.scatter.add.f32 [tilespmem:s15], [sflag:$0x3], $0x80, s20, s18, $0xb8;
	[tilespmem:$0x1E400] =	vst v63  }
0x45: {  	_ =	swait.ge [sflag:s13], $0x4000  }
0x46: {  	[sflag:s13] =	ssyncset.done $0x0  }
0x47: {  	[sflag:s13] =	ssyncadd.s32 $0xFFFFC000  }
0x48: {  	_ =	swait.ge [sflag:s19], $0x4000  }
0x49: {  	[sflag:s19] =	ssyncset.done $0x0  }
0x4a: {  	[sflag:s19] =	ssyncadd.s32 $0xFFFFC000  }
0x4b: {  	[spmem:s1] =	stream.indirect.scatter.add.f32 [tilespmem:s16], [sflag:$0x3], $0x80, s21, s18, $0xb8;
	[tilespmem:$0x1E400] =	vst v63  }
0x4c: {  	_ =	swait.ge [sflag:s13], $0x4000  }
0x4d: {  	s22 =	sadd.s32 $0x1, s22;
	[sflag:s13] =	ssyncset.done $0x0  }
0x4e: {  	p0 =	sne.s32 s22, s10;
	[sflag:s13] =	ssyncadd.s32 $0xFFFFC000  }
.Ltmp1:
0x4f: {  	[bflag:$0x0] =	sbarrier.arrive $0xFFFF;
	(pc) =	sbr.rel @p0 .LBB2_1-.Ltmp1, $4  }
0x50: {  	[hbm:s9], [sflag:s5] =	dma.local [spmem:s12], $0x2780  }
0x51: {  	_ =	swait.ge [sflag:s13], $0x2780  }
0x52: {  	[sflag:s13] =	ssyncset.done $0x0  }
0x53: {  	[sflag:s13] =	ssyncadd.s32 $0xFFFFD880  }
0x54: {  	_ =	sfence.sel $0x180000  }
0x55: {  	[bflag:$0x0] =	sbarrier.arrive $0xFFFF  }
0x56: {  	p0 =	sne.s32 s2, $0x0;
	_ =	strace $0x90000056  }
0x57: {  	s0 =	sadd.s32 @!p0 $0x100000, s0;
	[bflag:$0x2] =	sbarrier.arrive $0xFFFF  }
0x58: {  	[sflag:s0] =	ssyncadd.tile.s32 @!p0 $0x1;
	_ =	shalt  }
.Lfunc_end2:
_tile_overlayer_lowered:
.L_overlay_start_2:
0x59: {  	(tag) =	ssettag $0x2  }
0x5a: {  	s0 =	rddreg [dreg:$0x0];
	s2 =	stileid.u32  }
0x5b: {  	s1 =	rddreg [dreg:$0x1];
	p0 =	sne.s32 s2, $0x0  }
0x5c: {  	s3 =	rddreg [dreg:$0x2];
	[bflag:$0x3] =	sbarrier.arrive $0xFFFF;
	s2 =	simm.s32 @!p0 $0x1C03  }
0x5d: {  	[timem:s3], [sflag:s2] =	dma.local @!p0 [hbm:s0], s1  }
0x5e: {  	s0 =	simm.s32 @!p0 $0x3  }
0x5f: {  	_ =	swait.ge @!p0 [sflag:s0], s1  }
0x60: {  	s1 =	ssub.s32 @!p0 $0x0, s1;
	[sflag:s0] =	ssyncset.done @!p0 $0x0  }
0x61: {  	[sflag:s0] =	ssyncadd.s32 @!p0 s1  }
0x62: {  	[bflag:$0x3] =	sbarrier.arrive $0xFFFF  }
0x63: {  	_ =	shalt  }

// kernel: kernel.35.cloned.1.call-start
scs
__scs_entry_jumppad:
0x0: {  	(pc) =	sbr.rel $0x88, $3  }
0x1: {  	(tag) =	ssettag $0x0;
	lr =	simm.s32 $0x1  }
0x2: {  	[smem:$0x3F62] =	sst lr;
	_ =	strace $0xD0000000  }
0x3: {  	_ = 	snop  }
0x4: {  	_ = 	snop  }
0x5: {  	_ = 	snop  }
0x6: {  	_ = 	snop  }
0x7: {  	_ = 	snop  }
__scs_overlays_trampoline_lowered:
0x8: {  	[smem:$0x3F71] =	sst s0  }
0x9: {  	[smem:$0x3F72] =	sst s1  }
0xa: {  	[smem:$0x3F73] =	sst s2  }
0xb: {  	[smem:$0x3F74] =	sst s3  }
0xc: {  	[smem:$0x3F75] =	sst s4  }
0xd: {  	[smem:$0x3F76] =	sst s5  }
0xe: {  	[smem:$0x3F77] =	sst s6  }
0xf: {  	[smem:$0x3F78] =	sst s7  }
0x10: {  	[smem:$0x3F79] =	sst s8  }
0x11: {  	[smem:$0x3F7A] =	sst s9;
	s0 =	simm.s32 @!p0 $0x0  }
0x12: {  	s1 =	sld [smem:$0x3F60];
	s0 =	simm.s32 @p0 $0x1  }
0x13: {  	[smem:$0x3F7B] =	sst s0;
	s0 =	simm.s32 @!p1 $0x0  }
0x14: {  	s2 =	sld [smem:$0x3F5F];
	s0 =	simm.s32 @p1 $0x1  }
0x15: {  	[smem:$0x3F7C] =	sst s0;
	s0 =	simm.s32 @!p2 $0x0  }
0x16: {  	s3 =	sld [smem:$0x3FDB];
	s0 =	simm.s32 @p2 $0x1  }
0x17: {  	s4 =	simm.s32 $0x1BF5;
	[smem:$0x3F7E] =	sst s0  }
0x18: {  	s0 =	sld [smem:$0x3F61];
	_ =	swait.ge [sflag:s4], $0x0  }
0x19: {  	s7 =	sld [smem:$0x3F62]  }
0x1a: {  	s8 =	sadd.s32 $0xFFFFE003, lr  }
0x1b: {  	s9 =	sadd.s32 $0xFFFFFEF7, lr;
	s5 =	simm.s32 $0xFFFFFFFF;
	p2 =	slt.u32 s8, $0xFFFFF086  }
0x1c: {  	p1 =	slt.u32 s9, $0xF7A;
	s5 =	simm.s32 @!p2 $0x0  }
0x1d: {  	s5 =	simm.s32 @p1 $0x1;
	p0 =	seq.s32 s7, s2  }
0x1e: {  	s7 =	smul.u32 @!p0 $0xF7A, s2;
	p2 =	seq.s32 @!p0 s5, $0x0  }
0x1f: {  	s9 =	smul.u32 $0xF7A, s1;
	s8 =	simm.s32 @!p0 $0x1BF5;
	p2 =	por !p2, p0  }
0x20: {  	[sflag:s8] =	ssyncset.s32 @!p0 $0xFFFFF086;
	s6 =	sadd.s32 @!p0 s3, s7;
	s7 =	simm.s32 @!p0 $0x108  }
0x21: {  	s3 =	sadd.s32 s3, s9;
	s6 =	sadd.s32 @!p0 $0x88, s6;
	s7 =	simm.s32 @p2 $0x1082  }
0x22: {  	[simem:s7], [sflag:s8] =	dma.local @!p0 [hbm:s6], $0xF7A  }
0x23: {  	s9 =	sor.u32 $0xD0000000, s2;
	s6 =	simm.s32 $0x108;
	_ =	swait.ge @!p0 [sflag:s8], $0x0  }
0x24: {  	s3 =	sadd.s32 $0x88, s3;
	s6 =	simm.s32 @!p1 $0x1082;
	[sflag:s4] =	ssyncset.s32 $0xFFFFF086  }
0x25: {  	[simem:s6], [sflag:s4] =	dma.local [hbm:s3], $0xF7A  }
0x26: {  	[smem:$0x3F62] =	sst s1;
	(tag) =	ssettag s2;
	_ =	strace s9  }
0x27: {  	s1 =	sld [smem:$0x3F72]  }
0x28: {  	s2 =	sld [smem:$0x3F73]  }
0x29: {  	s4 =	sld [smem:$0x3F75]  }
0x2a: {  	p0 =	seq.s32 s5, $0x0;
	s5 =	sld [smem:$0x3F76]  }
0x2b: {  	s6 =	sld [smem:$0x3F77]  }
0x2c: {  	s7 =	sld [smem:$0x3F78]  }
0x2d: {  	s3 =	simm.s32 $0x108;
	s8 =	sld [smem:$0x3F79]  }
0x2e: {  	s3 =	simm.s32 @!p0 $0x1082;
	s9 =	sld [smem:$0x3F7A]  }
0x2f: {  	lr =	sadd.s32 s0, s3;
	s0 =	sld [smem:$0x3F71]  }
0x30: {  	s3 =	sld [smem:$0x3F74]  }
0x31: {  	[smem:$0x3F7D] =	sst s10  }
0x32: {  	s10 =	sld [smem:$0x3F7B];
	_ =	sdelay $0x3  }
0x33: {  	p0 =	seq.s32 s10, $0x1;
	s10 =	sld [smem:$0x3F7D];
	_ =	sdelay $0x3  }
0x34: {  	[smem:$0x3F7D] =	sst s10  }
0x35: {  	s10 =	sld [smem:$0x3F7C];
	_ =	sdelay $0x3  }
0x36: {  	p1 =	seq.s32 s10, $0x1;
	s10 =	sld [smem:$0x3F7D];
	_ =	sdelay $0x3  }
0x37: {  	[smem:$0x3F7D] =	sst s10  }
0x38: {  	s10 =	sld [smem:$0x3F7E]  }
0x39: {  	_ = 	snop;
	(pc) =	sbr.ind lr, $3  }
0x3a: {  	_ = 	snop  }
0x3b: {  	_ = 	snop  }
0x3c: {  	p2 =	seq.s32 s10, $0x1;
	s10 =	sld [smem:$0x3F7D]  }
0x3d: {  	_ =	shalt  }
0x3e: {  	_ =	shalt  }
0x3f: {  	_ =	shalt  }
0x40: {  	_ =	shalt  }
0x41: {  	_ =	shalt  }
0x42: {  	_ =	shalt  }
0x43: {  	_ =	shalt  }
0x44: {  	_ =	shalt  }
0x45: {  	_ =	shalt  }
0x46: {  	_ =	shalt  }
0x47: {  	_ =	shalt  }
0x48: {  	_ =	shalt  }
0x49: {  	_ =	shalt  }
0x4a: {  	_ =	shalt  }
0x4b: {  	_ =	shalt  }
0x4c: {  	_ =	shalt  }
0x4d: {  	_ =	shalt  }
0x4e: {  	_ =	shalt  }
0x4f: {  	_ =	shalt  }
0x50: {  	_ =	shalt  }
0x51: {  	_ =	shalt  }
0x52: {  	_ =	shalt  }
0x53: {  	_ =	shalt  }
0x54: {  	_ =	shalt  }
0x55: {  	_ =	shalt  }
0x56: {  	_ =	shalt  }
0x57: {  	_ =	shalt  }
0x58: {  	_ =	shalt  }
0x59: {  	_ =	shalt  }
0x5a: {  	_ =	shalt  }
0x5b: {  	_ =	shalt  }
0x5c: {  	_ =	shalt  }
0x5d: {  	_ =	shalt  }
0x5e: {  	_ =	shalt  }
0x5f: {  	_ =	shalt  }
0x60: {  	_ =	shalt  }
0x61: {  	_ =	shalt  }
0x62: {  	_ =	shalt  }
0x63: {  	_ =	shalt  }
0x64: {  	_ =	shalt  }
0x65: {  	_ =	shalt  }
0x66: {  	_ =	shalt  }
0x67: {  	_ =	shalt  }
0x68: {  	_ =	shalt  }
0x69: {  	_ =	shalt  }
0x6a: {  	_ =	shalt  }
0x6b: {  	_ =	shalt  }
0x6c: {  	_ =	shalt  }
0x6d: {  	_ =	shalt  }
0x6e: {  	_ =	shalt  }
0x6f: {  	_ =	shalt  }
0x70: {  	_ =	shalt  }
0x71: {  	_ =	shalt  }
0x72: {  	_ =	shalt  }
0x73: {  	_ =	shalt  }
0x74: {  	_ =	shalt  }
0x75: {  	_ =	shalt  }
0x76: {  	_ =	shalt  }
0x77: {  	_ =	shalt  }
0x78: {  	_ =	shalt  }
0x79: {  	_ =	shalt  }
0x7a: {  	_ =	shalt  }
0x7b: {  	_ =	shalt  }
0x7c: {  	_ =	shalt  }
0x7d: {  	_ =	shalt  }
0x7e: {  	_ =	shalt  }
0x7f: {  	_ =	shalt  }
0x80: {  	_ =	shalt  }
0x81: {  	_ =	shalt  }
0x82: {  	_ =	shalt  }
0x83: {  	_ =	shalt  }
0x84: {  	_ =	shalt  }
0x85: {  	_ =	shalt  }
0x86: {  	_ =	shalt  }
0x87: {  	_ =	shalt  }
.Lfunc_end0:
.L_simem_size_0:
called_computation.6_lowered:
.L_overlay_start_0:
0x88: {  	s2 =	sld [smem:$0x3FD9]  }
0x89: {  	s3 =	sld [smem:$0x3FFE];
	_ =	sdelay $0x1  }
0x8a: {  	s1 =	srdreg.scid  }
0x8b: {  	s0 =	sand.u32 $0x1, s1  }
0x8c: {  	s17 =	sshll.u32 s0, $0xA;
	s2 =	sadd.s32 s3, s2  }
0x8d: {  	s2 =	sadd.s32 s2, s17  }
0x8e: {  	[smem:$0x3F89] =	sst s2  }
0x8f: {  	_ = 	snop  }
0x90: {  	(tm) =	ssettm $0x1  }
0x91: {  	s18 =	sld [smem:$0x3FFB];
	_ =	sdelay $0x3  }
0x92: {  	_ =	strace s18  }
0x93: {  	s2 =	sld [smem:$0x3FFC];
	_ =	sdelay $0x3  }
0x94: {  	_ =	strace s2  }
0x95: {  	s2 =	sld [smem:$0x3FFD];
	_ =	sdelay $0x3  }
0x96: {  	_ =	strace s2  }
0x97: {  	_ =	strace $0x8FFFFFFF  }
0x98: {  	s19 =	sld [smem:$0x3FDB];
	_ =	sdelay $0x1  }
0x99: {  	s20 =	simm.s32 $_scs_section_size  }
0x9a: {  	s4 =	simm.s32 $_size__tile_overlayer_lowered;
	s5 =	simm.s32 $_tile_overlayer_lowered  }
0x9b: {  	s6 =	simm.s32 $0x1BFF;
	s21 =	sshll.u32 s5, $0x1;
	s3 =	sadd.s32 s20, s19  }
0x9c: {  	s22 =	simm.s32 $0x0;
	s4 =	sshll.u32 s4, $0x1;
	s5 =	sadd.s32 s21, s3  }
0x9d: {  	[timem:s22], [sflag:s6] =	dma.local [hbm:s5], s4  }
0x9e: {  	_ =	swait.ge [sflag:s6], s4  }
0x9f: {  	s4 =	ssub.s32 $0x0, s4;
	[sflag:s6] =	ssyncset.done $0x0  }
0xa0: {  	[sflag:s6] =	ssyncadd.s32 s4;
	_ =	sdelay $0x1  }
0xa1: {  	s23 =	simm.s32 $0x1B8B  }
0xa2: {  	_ =	swait.ge [sflag:s23], $0x1  }
0xa3: {  	[sflag:s23] =	ssyncset.done $0x0  }
0xa4: {  	[sflag:s23] =	ssyncadd.s32 $0xFFFFFFFF  }
0xa5: {  	s4 =	sld [smem:$0x0]  }
0xa6: {  	s5 =	sand.u32 $0xFFFFFFFE, s1  }
0xa7: {  	p0 =	sne.s32 s1, s5  }
0xa8: {  	s5 =	sshll.u32 @p0 s5, $0xE  }
0xa9: {  	s5 =	sadd.s32 @p0 $0x11B8D, s5;
	s6 =	sshll.u32 @p0 s4, $0x11  }
0xaa: {  	s5 =	sor.u32 @p0 s6, s5  }
0xab: {  	[sflag:s5] =	ssyncadd.remote.s32 @p0 $0x1;
	_ =	sdelay $0x1  }
0xac: {  	s5 =	simm.s32 @p0 $0x1B8D  }
0xad: {  	_ =	swait.eq @p0 [sflag:s5], $0x1  }
0xae: {  	[sflag:s5] =	ssyncadd.s32 @p0 $0xFFFFFFFF  }
0xaf: {  	s6 =	sshll.u32 @!p0 s1, $0xE  }
0xb0: {  	s6 =	sor.u32 @!p0 $0x4000, s6;
	s5 =	simm.s32 @!p0 $0x1B8D  }
0xb1: {  	s4 =	sshll.u32 @!p0 s4, $0x11;
	s6 =	sadd.s32 @!p0 $0x11B8D, s6;
	_ =	swait.eq @!p0 [sflag:s5], $0x1  }
0xb2: {  	s4 =	sor.u32 @!p0 s4, s6;
	[sflag:s5] =	ssyncadd.s32 @!p0 $0xFFFFFFFF  }
0xb3: {  	s25 =	simm.s32 $0x1B8E;
	s24 =	sld [smem:$0x3FFE];
	[sflag:s4] =	ssyncadd.remote.s32 @!p0 $0x1  }
0xb4: {  	s26 =	simm.s32 $execute0_lowered;
	[smem:$0x3FD2] =	sst s25  }
0xb5: {  	s5 =	sshll.u32 s26, $0x1;
	_ =	strace $0x8000004C;
	[dreg:$0x1] =	wrdreg $0xFFFFFFFF  }
0xb6: {  	s28 =	simm.s32 $_size_execute0_lowered;
	s3 =	sadd.s32 s3, s5;
	[dreg:$0x0] =	wrdreg $0x0  }
0xb7: {  	s5 =	sshll.u32 s28, $0x1;
	[dreg:$0x2] =	wrdreg s3  }
0xb8: {  	[dreg:$0x3] =	wrdreg s5  }
0xb9: {  	[dreg:$0x4] =	wrdreg $0xC0  }
0xba: {  	_ =	task [dreg:s22], $0x5FFFF  }
0xbb: {  	[dreg:$0x1] =	wrdreg $0xFFFFFFFF  }
0xbc: {  	[dreg:$0x0] =	wrdreg $0x60  }
0xbd: {  	[dreg:$0x2] =	wrdreg s24  }
0xbe: {  	[dreg:$0x3] =	wrdreg $0xC  }
0xbf: {  	_ =	task.clear_ibuf [dreg:s22], $0x4FFFF;
	_ =	strace $0x9000004C  }
0xc0: {  	s29 =	simm.s32 $0xC;
	_ =	strace $0x8000004E  }
0xc1: {  	_ =	swait.ge [sflag:s29], $0x1  }
0xc2: {  	[sflag:s29] =	ssyncadd.s32 $0xFFFFFFFF  }
0xc3: {  	_ =	strace $0x9000004E  }
0xc4: {  	_ =	sfence  }
0xc5: {  	s30 =	sld [smem:$0x0];
	_ =	sdelay $0x2  }
0xc6: {  	s31 =	sshll.u32 s1, $0xD;
	s1 =	sshrl.u32 s1, $0x2  }
0xc7: {  	s4 =	sand.u32 $0x4000, s31;
	s1 =	sadd.s32 s1, s30  }
0xc8: {  	s0 =	sor.u32 s4, s0;
	s1 =	sshll.u32 s1, $0x11  }
0xc9: {  	s0 =	sor.u32 s1, s0  }
0xca: {  	s0 =	sadd.s32 $0x8F2B, s0  }
0xcb: {  	[sflag:s0] =	ssyncadd.remote.s32 $0x1  }
0xcc: {  	_ =	sfence.sel $0xFFFF  }
0xcd: {  	[dreg:$0x0] =	wrdreg $0xFFFFFFFF;
	(pc) =	sbr.abs _section_cstart, $3  }
0xce: {  	[dreg:$0x1] =	wrdreg $0xFFFFFFFF  }
0xcf: {  	_ =	task.clear_ibuf [dreg:s22], $0x2FFFF;
	_ =	strace $0x9FFFFFFF  }
0xd0: {  	(tm) =	ssettm $0x7FFFFFFF  }
0xd1: {  	_ =	shalt  }
tec
execute0_lowered:
.L_overlay_start_1:
0x0: {  	(tag) =	ssettag $0x1  }
0x1: {  	s0 =	srdreg.scid;
	s1 =	rddreg [dreg:$0x0]  }
0x2: {  	s14 =	stileid.u32;
	s2 =	simm.s32 $0x0;
	s15 =	simm.s32 $0x9  }
0x3: {  	s16 =	simm.s32 $0x2800;
	s17 =	simm.s32 $0x80;
	s28 =	simm.s32 $0x2  }
0x4: {  	s29 =	simm.s32 $0x4;
	s30 =	simm.s32 $0x6;
	s31 =	simm.s32 $0x8  }
0x5: {  	s0 =	sand.u32 $0x1, s0;
	[smem:$0x7FF] =	sst s2;
	s13 =	smul.u32 $0x140000, s14  }
0x6: {  	s4 =	sadd.s32 $0x22E00, s1;
	s12 =	sadd.s32 $0x14FB200, s1;
	s23 =	smul.u32 $0x28000, s14  }
0x7: {  	s3 =	sshll.u32 s0, $0x4;
	_ =	strace $0x8000004D;
	s10 =	smul.u32 $0x1400000, s0  }
0x8: {  	s7 =	ssub.s32 $0x2, s0;
	s0 =	smul.u32 $0x280000, s0;
	s5 =	sor.u32 s14, s3  }
0x9: {  	s3 =	sadd.s32 $0x71000, s1;
	s8 =	sshrl.u32 s7, $0x1;
	s6 =	smul.u32 $0x2800, s5  }
0xa: {  	s5 =	smul.u32 $0x140000, s5;
	s11 =	ssub.s32 s7, s8;
	s21 =	sadd.s32 s13, s10  }
0xb: {  	s25 =	sadd.s32 s0, s12;
	s22 =	sshrl.u32 s21, $0x3;
	s11 =	smax.u32 s11, $0x1  }
0xc: {  	s26 =	sadd.s32 s23, s25;
	s25 =	simm.s32 $0x5;
	s6 =	sshrl.u32 s6, $0x3  }
0xd: {  	s5 =	sshrl.u32 s5, $0x3;
	s13 =	sadd.s32 $0x800, s26;
	s26 =	simm.s32 $0x7  }
0xe: {  	s6 =	sadd.s32 s6, s1;
	s1 =	sadd.s32 $0x19FB200, s1;
	s19 =	sadd.s32 $0x27000, s5  }
0xf: {  	s5 =	sadd.s32 $0x27800, s5;
	s18 =	sadd.s32 $0xE7200, s6;
	s6 =	sadd.s32 $0xDD200, s6  }
0x10: {  	s20 =	sadd.s32 s12, s19;
	s9 =	sadd.s32 s12, s5;
	[dreg:$0x3] =	wrdreg s18  }
0x11: {  	s10 =	sadd.s32 s1, s5;
	s24 =	sadd.s32 s22, s1;
	[dreg:$0x4] =	wrdreg s6  }
0x12: {  	s0 =	sadd.s32 s0, s1;
	s12 =	sadd.s32 s22, s12;
	[dreg:$0x5] =	wrdreg s20  }
0x13: {  	s22 =	simm.s32 $0x11000;
	s6 =	sadd.s32 s1, s19;
	[dreg:$0x2] =	wrdreg s24  }
0x14: {  	s0 =	sadd.s32 s23, s0;
	s18 =	simm.s32 $0x5000;
	s19 =	simm.s32 $0xD000  }
0x15: {  	s20 =	simm.s32 $0x9000;
	s23 =	simm.s32 $0x1;
	s24 =	simm.s32 $0x3  }
0x16: {  	[dreg:$0x6] =	wrdreg s6;
	s14 =	sadd.s32 $0x800, s0;
	s0 =	simm.s32 $0x0  }
.LBB2_1:
0x17: {  	s1 =	rddreg [dreg:$0x3]  }
0x18: {  	[tilespmem:s2], [sflag:$0x9] =	stream.linear.gather [hbm4b:s1+s2], $0x2800, $0x38;
	[tilespmem:$0x15000] =	vst v63  }
0x19: {  	_ =	swait.ge [sflag:s15], $0x2800  }
0x1a: {  	[sflag:s15] =	ssyncset.done $0x0  }
0x1b: {  	s7 =	rddreg [dreg:$0x4];
	[sflag:s15] =	ssyncadd.s32 $0xFFFFD800  }
0x1c: {  	[tilespmem:s16], [sflag:$0x9] =	stream.linear.gather [hbm4b:s7+s2], $0x2800, $0x38;
	[tilespmem:$0x15000] =	vst v63  }
0x1d: {  	_ =	swait.ge [sflag:s15], $0x2800  }
0x1e: {  	[sflag:s15] =	ssyncset.done $0x0  }
0x1f: {  	[sflag:s15] =	ssyncadd.s32 $0xFFFFD800  }
0x20: {  	[tilespmem:s18], [sflag:$0x1] =	stream.indirect.gather [hbm4b:s3+s17], $0x80, s2, s17, $0xb8;
	[tilespmem:$0x15000] =	vst v63  }
0x21: {  	_ = 	snop  }
0x22: {  	[tilespmem:s19], [sflag:$0x3] =	stream.indirect.gather [hbm4b:s4+s17], $0x80, s16, s17, $0xb8;
	[tilespmem:$0x15000] =	vst v63  }
0x23: {  	_ = 	snop  }
0x24: {  	[tilespmem:s20], [sflag:$0x2] =	stream.indirect.gather [hbm4b:s3+s17], $0x80, s17, s17, $0xb8;
	[tilespmem:$0x15000] =	vst v63  }
0x25: {  	s8 =	simm.s32 $0x2880  }
0x26: {  	[tilespmem:s22], [sflag:$0x4] =	stream.indirect.gather [hbm4b:s4+s17], $0x80, s8, s17, $0xb8;
	[tilespmem:$0x15000] =	vst v63  }
0x27: {  	_ =	swait.ge [sflag:s23], $0x4000  }
0x28: {  	[sflag:s23] =	ssyncset.done $0x0  }
0x29: {  	[sflag:s23] =	ssyncadd.s32 $0xFFFFC000  }
0x2a: {  	_ =	swait.ge [sflag:s24], $0x4000  }
0x2b: {  	[sflag:s24] =	ssyncset.done $0x0  }
0x2c: {  	s5 =	sadd.s32 $0x0, s12;
	s21 =	rddreg [dreg:$0x2];
	[sflag:s24] =	ssyncadd.s32 $0xFFFFC000  }
0x2d: {  	[hbm4b:s5+s2] =	stream.linear.scatter [tilespmem:s18], [sflag:$0x5], $0x4000, $0x38;
	[tilespmem:$0x15000] =	vst v63  }
0x2e: {  	s1 =	sadd.s32 $0x0, s21  }
0x2f: {  	[hbm4b:s1+s2] =	stream.linear.scatter [tilespmem:s19], [sflag:$0x7], $0x4000, $0x38;
	[tilespmem:$0x15000] =	vst v63  }
0x30: {  	_ =	swait.ge [sflag:s25], $0x4000  }
0x31: {  	[sflag:s25] =	ssyncset.done $0x0  }
0x32: {  	[sflag:s25] =	ssyncadd.s32 $0xFFFFC000  }
0x33: {  	_ =	swait.ge [sflag:s26], $0x4000  }
0x34: {  	[sflag:s26] =	ssyncset.done $0x0  }
0x35: {  	s5 =	simm.s32 $0x100;
	[sflag:s26] =	ssyncadd.s32 $0xFFFFC000  }
0x36: {  	[tilespmem:s18], [sflag:$0x1] =	stream.indirect.gather [hbm4b:s3+s17], $0x80, s5, s17, $0xb8;
	[tilespmem:$0x15000] =	vst v63  }
0x37: {  	s6 =	simm.s32 $0x2900  }
0x38: {  	[tilespmem:s19], [sflag:$0x3] =	stream.indirect.gather [hbm4b:s4+s17], $0x80, s6, s17, $0xb8;
	[tilespmem:$0x15000] =	vst v63  }
0x39: {  	_ =	swait.ge [sflag:s28], $0x4000  }
0x3a: {  	[sflag:s28] =	ssyncset.done $0x0  }
0x3b: {  	[sflag:s28] =	ssyncadd.s32 $0xFFFFC000  }
0x3c: {  	_ =	swait.ge [sflag:s29], $0x4000  }
0x3d: {  	[sflag:s29] =	ssyncset.done $0x0  }
0x3e: {  	s7 =	sadd.s32 $0x0, s13;
	[sflag:s29] =	ssyncadd.s32 $0xFFFFC000  }
0x3f: {  	[hbm4b:s7+s2] =	stream.linear.scatter [tilespmem:s20], [sflag:$0x6], $0x4000, $0x38;
	[tilespmem:$0x15000] =	vst v63  }
0x40: {  	s8 =	sadd.s32 $0x0, s14  }
0x41: {  	[hbm4b:s8+s2] =	stream.linear.scatter [tilespmem:s22], [sflag:$0x8], $0x4000, $0x38;
	[tilespmem:$0x15000] =	vst v63  }
0x42: {  	_ =	swait.ge [sflag:s30], $0x4000  }
0x43: {  	[sflag:s30] =	ssyncset.done $0x0  }
0x44: {  	[sflag:s30] =	ssyncadd.s32 $0xFFFFC000  }
0x45: {  	_ =	swait.ge [sflag:s31], $0x4000  }
0x46: {  	[sflag:s31] =	ssyncset.done $0x0  }
0x47: {  	s21 =	simm.s32 $0x180;
	s1 =	simm.s32 $0x1000;
	[sflag:s31] =	ssyncadd.s32 $0xFFFFC000  }
0x48: {  	[tilespmem:s20], [sflag:$0x2] =	stream.indirect.gather [hbm4b:s3+s17], $0x80, s21, s17, $0xb8;
	[tilespmem:$0x15000] =	vst v63  }
0x49: {  	s5 =	simm.s32 $0x200;
	s6 =	simm.s32 $0x2980;
	s21 =	simm.s32 $0x2A00  }
.LBB2_2:
0x4a: {  	[tilespmem:s22], [sflag:$0x4] =	stream.indirect.gather [hbm4b:s4+s17], $0x80, s6, s17, $0xb8;
	[tilespmem:$0x15000] =	vst v63  }
0x4b: {  	_ =	swait.ge [sflag:s23], $0x4000  }
0x4c: {  	[sflag:s23] =	ssyncset.done $0x0  }
0x4d: {  	[sflag:s23] =	ssyncadd.s32 $0xFFFFC000  }
0x4e: {  	_ =	swait.ge [sflag:s24], $0x4000  }
0x4f: {  	s6 =	smov.u32 s1;
	[sflag:s24] =	ssyncset.done $0x0  }
0x50: {  	s8 =	sadd.s32 s6, s12;
	s7 =	rddreg [dreg:$0x2];
	[sflag:s24] =	ssyncadd.s32 $0xFFFFC000  }
0x51: {  	[hbm4b:s8+s2] =	stream.linear.scatter [tilespmem:s18], [sflag:$0x5], $0x4000, $0x38;
	[tilespmem:$0x15000] =	vst v63  }
0x52: {  	s7 =	sadd.s32 s6, s7  }
0x53: {  	[hbm4b:s7+s2] =	stream.linear.scatter [tilespmem:s19], [sflag:$0x7], $0x4000, $0x38;
	[tilespmem:$0x15000] =	vst v63  }
0x54: {  	_ =	swait.ge [sflag:s25], $0x4000  }
0x55: {  	[sflag:s25] =	ssyncset.done $0x0  }
0x56: {  	[sflag:s25] =	ssyncadd.s32 $0xFFFFC000  }
0x57: {  	_ =	swait.ge [sflag:s26], $0x4000  }
0x58: {  	[sflag:s26] =	ssyncset.done $0x0  }
0x59: {  	[sflag:s26] =	ssyncadd.s32 $0xFFFFC000  }
0x5a: {  	[tilespmem:s18], [sflag:$0x1] =	stream.indirect.gather [hbm4b:s3+s17], $0x80, s5, s17, $0xb8;
	[tilespmem:$0x15000] =	vst v63  }
0x5b: {  	_ = 	snop  }
0x5c: {  	[tilespmem:s19], [sflag:$0x3] =	stream.indirect.gather [hbm4b:s4+s17], $0x80, s21, s17, $0xb8;
	[tilespmem:$0x15000] =	vst v63  }
0x5d: {  	_ =	swait.ge [sflag:s28], $0x4000  }
0x5e: {  	[sflag:s28] =	ssyncset.done $0x0  }
0x5f: {  	[sflag:s28] =	ssyncadd.s32 $0xFFFFC000  }
0x60: {  	_ =	swait.ge [sflag:s29], $0x4000  }
0x61: {  	[sflag:s29] =	ssyncset.done $0x0  }
0x62: {  	s8 =	sadd.s32 s6, s13;
	[sflag:s29] =	ssyncadd.s32 $0xFFFFC000  }
0x63: {  	[hbm4b:s8+s2] =	stream.linear.scatter [tilespmem:s20], [sflag:$0x6], $0x4000, $0x38;
	[tilespmem:$0x15000] =	vst v63  }
0x64: {  	s6 =	sadd.s32 s6, s14  }
0x65: {  	[hbm4b:s6+s2] =	stream.linear.scatter [tilespmem:s22], [sflag:$0x8], $0x4000, $0x38;
	[tilespmem:$0x15000] =	vst v63  }
0x66: {  	_ =	swait.ge [sflag:s30], $0x4000  }
0x67: {  	p0 =	sne.s32 s1, $0x26000;
	[sflag:s30] =	ssyncset.done $0x0  }
.Ltmp0:
0x68: {  	[sflag:s30] =	ssyncadd.s32 $0xFFFFC000;
	(pc) =	sbr.rel @p0 .LBB2_2-.Ltmp0, $4  }
0x69: {  	s1 =	sadd.s32 $0x1000, s1;
	_ =	swait.ge [sflag:s31], $0x4000  }
0x6a: {  	s8 =	sadd.s32 $0x80, s5;
	s5 =	sadd.s32 $0x100, s5;
	[sflag:s31] =	ssyncset.done $0x0  }
0x6b: {  	s6 =	sadd.s32 $0x80, s21;
	s21 =	sadd.s32 $0x100, s21;
	[sflag:s31] =	ssyncadd.s32 $0xFFFFC000  }
0x6c: {  	[tilespmem:s20], [sflag:$0x2] =	stream.indirect.gather [hbm4b:s3+s17], $0x80, s8, s17, $0xb8;
	[tilespmem:$0x15000] =	vst v63  }
0x6d: {  	[tilespmem:s22], [sflag:$0x4] =	stream.indirect.gather [hbm4b:s4+s17], $0x80, s6, s17, $0xb8;
	[tilespmem:$0x15000] =	vst v63  }
0x6e: {  	_ =	swait.ge [sflag:s23], $0x4000  }
0x6f: {  	[sflag:s23] =	ssyncset.done $0x0  }
0x70: {  	[sflag:s23] =	ssyncadd.s32 $0xFFFFC000  }
0x71: {  	_ =	swait.ge [sflag:s24], $0x4000  }
0x72: {  	[sflag:s24] =	ssyncset.done $0x0  }
0x73: {  	s1 =	rddreg [dreg:$0x5];
	[sflag:s24] =	ssyncadd.s32 $0xFFFFC000  }
0x74: {  	[hbm4b:s1+s2] =	stream.linear.scatter [tilespmem:s18], [sflag:$0x5], $0x4000, $0x38;
	[tilespmem:$0x15000] =	vst v63  }
0x75: {  	s21 =	rddreg [dreg:$0x6]  }
0x76: {  	[hbm4b:s21+s2] =	stream.linear.scatter [tilespmem:s19], [sflag:$0x7], $0x4000, $0x38;
	[tilespmem:$0x15000] =	vst v63  }
0x77: {  	_ =	swait.ge [sflag:s25], $0x4000  }
0x78: {  	[sflag:s25] =	ssyncset.done $0x0  }
0x79: {  	[sflag:s25] =	ssyncadd.s32 $0xFFFFC000  }
0x7a: {  	_ =	swait.ge [sflag:s26], $0x4000  }
0x7b: {  	[sflag:s26] =	ssyncset.done $0x0  }
0x7c: {  	[sflag:s26] =	ssyncadd.s32 $0xFFFFC000  }
0x7d: {  	_ =	swait.ge [sflag:s28], $0x4000  }
0x7e: {  	[sflag:s28] =	ssyncset.done $0x0  }
0x7f: {  	[sflag:s28] =	ssyncadd.s32 $0xFFFFC000  }
0x80: {  	_ =	swait.ge [sflag:s29], $0x4000  }
0x81: {  	[sflag:s29] =	ssyncset.done $0x0  }
0x82: {  	[sflag:s29] =	ssyncadd.s32 $0xFFFFC000  }
0x83: {  	[hbm4b:s9+s2] =	stream.linear.scatter [tilespmem:s20], [sflag:$0x6], $0x4000, $0x38;
	[tilespmem:$0x15000] =	vst v63  }
0x84: {  	s0 =	sadd.s32 $0x1, s0  }
0x85: {  	[hbm4b:s10+s2] =	stream.linear.scatter [tilespmem:s22], [sflag:$0x8], $0x4000, $0x38;
	[tilespmem:$0x15000] =	vst v63  }
0x86: {  	p0 =	sne.s32 s0, s11;
	_ =	swait.ge [sflag:s30], $0x4000  }
.Ltmp1:
0x87: {  	[sflag:s30] =	ssyncset.done $0x0;
	(pc) =	sbr.rel @p0 .LBB2_1-.Ltmp1, $4  }
0x88: {  	[sflag:s30] =	ssyncadd.s32 $0xFFFFC000  }
0x89: {  	_ =	swait.ge [sflag:s31], $0x4000  }
0x8a: {  	[sflag:s31] =	ssyncset.done $0x0  }
0x8b: {  	[sflag:s31] =	ssyncadd.s32 $0xFFFFC000  }
0x8c: {  	_ =	sfence.sel $0x180000  }
0x8d: {  	[bflag:$0x0] =	sbarrier.arrive $0xFFFF  }
0x8e: {  	_ =	strace $0x9000004D  }
0x8f: {  	s0 =	stileid.u32;
	[bflag:$0x2] =	sbarrier.arrive $0xFFFF  }
0x90: {  	p0 =	sne.s32 s0, $0x0;
	s0 =	rddreg [dreg:$0x1]  }
0x91: {  	s0 =	sadd.s32 @!p0 $0x100000, s0  }
0x92: {  	[sflag:s0] =	ssyncadd.tile.s32 @!p0 $0x1;
	_ =	shalt  }
.Lfunc_end2:
_tile_overlayer_lowered:
.L_overlay_start_2:
0x93: {  	(tag) =	ssettag $0x2  }
0x94: {  	s0 =	rddreg [dreg:$0x0];
	s2 =	stileid.u32  }
0x95: {  	s1 =	rddreg [dreg:$0x1];
	p0 =	sne.s32 s2, $0x0  }
0x96: {  	s3 =	rddreg [dreg:$0x2];
	[bflag:$0x3] =	sbarrier.arrive $0xFFFF;
	s2 =	simm.s32 @!p0 $0x1C09  }
0x97: {  	[timem:s3], [sflag:s2] =	dma.local @!p0 [hbm:s0], s1  }
0x98: {  	s0 =	simm.s32 @!p0 $0x9  }
0x99: {  	_ =	swait.ge @!p0 [sflag:s0], s1  }
0x9a: {  	s1 =	ssub.s32 @!p0 $0x0, s1;
	[sflag:s0] =	ssyncset.done @!p0 $0x0  }
0x9b: {  	[sflag:s0] =	ssyncadd.s32 @!p0 s1  }
0x9c: {  	[bflag:$0x3] =	sbarrier.arrive $0xFFFF  }
0x9d: {  	_ =	shalt  }

// kernel: kernel.38.cloned.1.call-start
scs
__scs_entry_jumppad:
0x0: {  	(pc) =	sbr.rel $0x88, $3  }
0x1: {  	(tag) =	ssettag $0x0;
	lr =	simm.s32 $0x1  }
0x2: {  	[smem:$0x3F62] =	sst lr;
	_ =	strace $0xD0000000  }
0x3: {  	_ = 	snop  }
0x4: {  	_ = 	snop  }
0x5: {  	_ = 	snop  }
0x6: {  	_ = 	snop  }
0x7: {  	_ = 	snop  }
__scs_overlays_trampoline_lowered:
0x8: {  	[smem:$0x3F71] =	sst s0  }
0x9: {  	[smem:$0x3F72] =	sst s1  }
0xa: {  	[smem:$0x3F73] =	sst s2  }
0xb: {  	[smem:$0x3F74] =	sst s3  }
0xc: {  	[smem:$0x3F75] =	sst s4  }
0xd: {  	[smem:$0x3F76] =	sst s5  }
0xe: {  	[smem:$0x3F77] =	sst s6  }
0xf: {  	[smem:$0x3F78] =	sst s7  }
0x10: {  	[smem:$0x3F79] =	sst s8  }
0x11: {  	[smem:$0x3F7A] =	sst s9;
	s0 =	simm.s32 @!p0 $0x0  }
0x12: {  	s1 =	sld [smem:$0x3F60];
	s0 =	simm.s32 @p0 $0x1  }
0x13: {  	[smem:$0x3F7B] =	sst s0;
	s0 =	simm.s32 @!p1 $0x0  }
0x14: {  	s2 =	sld [smem:$0x3F5F];
	s0 =	simm.s32 @p1 $0x1  }
0x15: {  	[smem:$0x3F7C] =	sst s0;
	s0 =	simm.s32 @!p2 $0x0  }
0x16: {  	s3 =	sld [smem:$0x3FDB];
	s0 =	simm.s32 @p2 $0x1  }
0x17: {  	s4 =	simm.s32 $0x1BF5;
	[smem:$0x3F7E] =	sst s0  }
0x18: {  	s0 =	sld [smem:$0x3F61];
	_ =	swait.ge [sflag:s4], $0x0  }
0x19: {  	s7 =	sld [smem:$0x3F62]  }
0x1a: {  	s8 =	sadd.s32 $0xFFFFE003, lr  }
0x1b: {  	s9 =	sadd.s32 $0xFFFFFEF7, lr;
	s5 =	simm.s32 $0xFFFFFFFF;
	p2 =	slt.u32 s8, $0xFFFFF086  }
0x1c: {  	p1 =	slt.u32 s9, $0xF7A;
	s5 =	simm.s32 @!p2 $0x0  }
0x1d: {  	s5 =	simm.s32 @p1 $0x1;
	p0 =	seq.s32 s7, s2  }
0x1e: {  	s7 =	smul.u32 @!p0 $0xF7A, s2;
	p2 =	seq.s32 @!p0 s5, $0x0  }
0x1f: {  	s9 =	smul.u32 $0xF7A, s1;
	s8 =	simm.s32 @!p0 $0x1BF5;
	p2 =	por !p2, p0  }
0x20: {  	[sflag:s8] =	ssyncset.s32 @!p0 $0xFFFFF086;
	s6 =	sadd.s32 @!p0 s3, s7;
	s7 =	simm.s32 @!p0 $0x108  }
0x21: {  	s3 =	sadd.s32 s3, s9;
	s6 =	sadd.s32 @!p0 $0x88, s6;
	s7 =	simm.s32 @p2 $0x1082  }
0x22: {  	[simem:s7], [sflag:s8] =	dma.local @!p0 [hbm:s6], $0xF7A  }
0x23: {  	s9 =	sor.u32 $0xD0000000, s2;
	s6 =	simm.s32 $0x108;
	_ =	swait.ge @!p0 [sflag:s8], $0x0  }
0x24: {  	s3 =	sadd.s32 $0x88, s3;
	s6 =	simm.s32 @!p1 $0x1082;
	[sflag:s4] =	ssyncset.s32 $0xFFFFF086  }
0x25: {  	[simem:s6], [sflag:s4] =	dma.local [hbm:s3], $0xF7A  }
0x26: {  	[smem:$0x3F62] =	sst s1;
	(tag) =	ssettag s2;
	_ =	strace s9  }
0x27: {  	s1 =	sld [smem:$0x3F72]  }
0x28: {  	s2 =	sld [smem:$0x3F73]  }
0x29: {  	s4 =	sld [smem:$0x3F75]  }
0x2a: {  	p0 =	seq.s32 s5, $0x0;
	s5 =	sld [smem:$0x3F76]  }
0x2b: {  	s6 =	sld [smem:$0x3F77]  }
0x2c: {  	s7 =	sld [smem:$0x3F78]  }
0x2d: {  	s3 =	simm.s32 $0x108;
	s8 =	sld [smem:$0x3F79]  }
0x2e: {  	s3 =	simm.s32 @!p0 $0x1082;
	s9 =	sld [smem:$0x3F7A]  }
0x2f: {  	lr =	sadd.s32 s0, s3;
	s0 =	sld [smem:$0x3F71]  }
0x30: {  	s3 =	sld [smem:$0x3F74]  }
0x31: {  	[smem:$0x3F7D] =	sst s10  }
0x32: {  	s10 =	sld [smem:$0x3F7B];
	_ =	sdelay $0x3  }
0x33: {  	p0 =	seq.s32 s10, $0x1;
	s10 =	sld [smem:$0x3F7D];
	_ =	sdelay $0x3  }
0x34: {  	[smem:$0x3F7D] =	sst s10  }
0x35: {  	s10 =	sld [smem:$0x3F7C];
	_ =	sdelay $0x3  }
0x36: {  	p1 =	seq.s32 s10, $0x1;
	s10 =	sld [smem:$0x3F7D];
	_ =	sdelay $0x3  }
0x37: {  	[smem:$0x3F7D] =	sst s10  }
0x38: {  	s10 =	sld [smem:$0x3F7E]  }
0x39: {  	_ = 	snop;
	(pc) =	sbr.ind lr, $3  }
0x3a: {  	_ = 	snop  }
0x3b: {  	_ = 	snop  }
0x3c: {  	p2 =	seq.s32 s10, $0x1;
	s10 =	sld [smem:$0x3F7D]  }
0x3d: {  	_ =	shalt  }
0x3e: {  	_ =	shalt  }
0x3f: {  	_ =	shalt  }
0x40: {  	_ =	shalt  }
0x41: {  	_ =	shalt  }
0x42: {  	_ =	shalt  }
0x43: {  	_ =	shalt  }
0x44: {  	_ =	shalt  }
0x45: {  	_ =	shalt  }
0x46: {  	_ =	shalt  }
0x47: {  	_ =	shalt  }
0x48: {  	_ =	shalt  }
0x49: {  	_ =	shalt  }
0x4a: {  	_ =	shalt  }
0x4b: {  	_ =	shalt  }
0x4c: {  	_ =	shalt  }
0x4d: {  	_ =	shalt  }
0x4e: {  	_ =	shalt  }
0x4f: {  	_ =	shalt  }
0x50: {  	_ =	shalt  }
0x51: {  	_ =	shalt  }
0x52: {  	_ =	shalt  }
0x53: {  	_ =	shalt  }
0x54: {  	_ =	shalt  }
0x55: {  	_ =	shalt  }
0x56: {  	_ =	shalt  }
0x57: {  	_ =	shalt  }
0x58: {  	_ =	shalt  }
0x59: {  	_ =	shalt  }
0x5a: {  	_ =	shalt  }
0x5b: {  	_ =	shalt  }
0x5c: {  	_ =	shalt  }
0x5d: {  	_ =	shalt  }
0x5e: {  	_ =	shalt  }
0x5f: {  	_ =	shalt  }
0x60: {  	_ =	shalt  }
0x61: {  	_ =	shalt  }
0x62: {  	_ =	shalt  }
0x63: {  	_ =	shalt  }
0x64: {  	_ =	shalt  }
0x65: {  	_ =	shalt  }
0x66: {  	_ =	shalt  }
0x67: {  	_ =	shalt  }
0x68: {  	_ =	shalt  }
0x69: {  	_ =	shalt  }
0x6a: {  	_ =	shalt  }
0x6b: {  	_ =	shalt  }
0x6c: {  	_ =	shalt  }
0x6d: {  	_ =	shalt  }
0x6e: {  	_ =	shalt  }
0x6f: {  	_ =	shalt  }
0x70: {  	_ =	shalt  }
0x71: {  	_ =	shalt  }
0x72: {  	_ =	shalt  }
0x73: {  	_ =	shalt  }
0x74: {  	_ =	shalt  }
0x75: {  	_ =	shalt  }
0x76: {  	_ =	shalt  }
0x77: {  	_ =	shalt  }
0x78: {  	_ =	shalt  }
0x79: {  	_ =	shalt  }
0x7a: {  	_ =	shalt  }
0x7b: {  	_ =	shalt  }
0x7c: {  	_ =	shalt  }
0x7d: {  	_ =	shalt  }
0x7e: {  	_ =	shalt  }
0x7f: {  	_ =	shalt  }
0x80: {  	_ =	shalt  }
0x81: {  	_ =	shalt  }
0x82: {  	_ =	shalt  }
0x83: {  	_ =	shalt  }
0x84: {  	_ =	shalt  }
0x85: {  	_ =	shalt  }
0x86: {  	_ =	shalt  }
0x87: {  	_ =	shalt  }
.Lfunc_end0:
.L_simem_size_0:
called_computation.7_lowered:
.L_overlay_start_0:
0x88: {  	s2 =	sld [smem:$0x3FD9]  }
0x89: {  	s3 =	sld [smem:$0x3FFE];
	_ =	sdelay $0x1  }
0x8a: {  	s1 =	srdreg.scid  }
0x8b: {  	s0 =	sand.u32 $0x1, s1  }
0x8c: {  	s17 =	sshll.u32 s0, $0xA;
	s2 =	sadd.s32 s3, s2  }
0x8d: {  	s2 =	sadd.s32 s2, s17  }
0x8e: {  	[smem:$0x3F89] =	sst s2  }
0x8f: {  	_ = 	snop  }
0x90: {  	(tm) =	ssettm $0x1  }
0x91: {  	s18 =	sld [smem:$0x3FFB];
	_ =	sdelay $0x3  }
0x92: {  	_ =	strace s18  }
0x93: {  	s2 =	sld [smem:$0x3FFC];
	_ =	sdelay $0x3  }
0x94: {  	_ =	strace s2  }
0x95: {  	s2 =	sld [smem:$0x3FFD];
	_ =	sdelay $0x3  }
0x96: {  	_ =	strace s2  }
0x97: {  	_ =	strace $0x8FFFFFFF  }
0x98: {  	s19 =	sld [smem:$0x3FDB];
	_ =	sdelay $0x1  }
0x99: {  	s20 =	simm.s32 $_scs_section_size  }
0x9a: {  	s4 =	simm.s32 $_size__tile_overlayer_lowered;
	s5 =	simm.s32 $_tile_overlayer_lowered  }
0x9b: {  	s6 =	simm.s32 $0x1BFF;
	s21 =	sshll.u32 s5, $0x1;
	s3 =	sadd.s32 s20, s19  }
0x9c: {  	s22 =	simm.s32 $0x0;
	s4 =	sshll.u32 s4, $0x1;
	s5 =	sadd.s32 s21, s3  }
0x9d: {  	[timem:s22], [sflag:s6] =	dma.local [hbm:s5], s4  }
0x9e: {  	_ =	swait.ge [sflag:s6], s4  }
0x9f: {  	s4 =	ssub.s32 $0x0, s4;
	[sflag:s6] =	ssyncset.done $0x0  }
0xa0: {  	[sflag:s6] =	ssyncadd.s32 s4;
	_ =	sdelay $0x1  }
0xa1: {  	s23 =	simm.s32 $0x1B8B  }
0xa2: {  	_ =	swait.ge [sflag:s23], $0x1  }
0xa3: {  	[sflag:s23] =	ssyncset.done $0x0  }
0xa4: {  	[sflag:s23] =	ssyncadd.s32 $0xFFFFFFFF  }
0xa5: {  	s4 =	sld [smem:$0x0]  }
0xa6: {  	s5 =	sand.u32 $0xFFFFFFFE, s1  }
0xa7: {  	p0 =	sne.s32 s1, s5  }
0xa8: {  	s5 =	sshll.u32 @p0 s5, $0xE  }
0xa9: {  	s5 =	sadd.s32 @p0 $0x11B8D, s5;
	s6 =	sshll.u32 @p0 s4, $0x11  }
0xaa: {  	s5 =	sor.u32 @p0 s6, s5  }
0xab: {  	[sflag:s5] =	ssyncadd.remote.s32 @p0 $0x1;
	_ =	sdelay $0x1  }
0xac: {  	s5 =	simm.s32 @p0 $0x1B8D  }
0xad: {  	_ =	swait.eq @p0 [sflag:s5], $0x1  }
0xae: {  	[sflag:s5] =	ssyncadd.s32 @p0 $0xFFFFFFFF  }
0xaf: {  	s6 =	sshll.u32 @!p0 s1, $0xE  }
0xb0: {  	s6 =	sor.u32 @!p0 $0x4000, s6;
	s5 =	simm.s32 @!p0 $0x1B8D  }
0xb1: {  	s4 =	sshll.u32 @!p0 s4, $0x11;
	s6 =	sadd.s32 @!p0 $0x11B8D, s6;
	_ =	swait.eq @!p0 [sflag:s5], $0x1  }
0xb2: {  	s4 =	sor.u32 @!p0 s4, s6;
	[sflag:s5] =	ssyncadd.s32 @!p0 $0xFFFFFFFF  }
0xb3: {  	s25 =	simm.s32 $0x1B8E;
	s24 =	sld [smem:$0x3FFE];
	[sflag:s4] =	ssyncadd.remote.s32 @!p0 $0x1  }
0xb4: {  	s26 =	simm.s32 $execute0_lowered;
	[smem:$0x3FD2] =	sst s25  }
0xb5: {  	s5 =	sshll.u32 s26, $0x1;
	_ =	strace $0x80000058;
	[dreg:$0x1] =	wrdreg $0xFFFFFFFF  }
0xb6: {  	s28 =	simm.s32 $_size_execute0_lowered;
	s3 =	sadd.s32 s3, s5;
	[dreg:$0x0] =	wrdreg $0x0  }
0xb7: {  	s5 =	sshll.u32 s28, $0x1;
	[dreg:$0x2] =	wrdreg s3  }
0xb8: {  	[dreg:$0x3] =	wrdreg s5  }
0xb9: {  	[dreg:$0x4] =	wrdreg $0xC0  }
0xba: {  	_ =	task [dreg:s22], $0x5FFFF  }
0xbb: {  	[dreg:$0x1] =	wrdreg $0xFFFFFFFF  }
0xbc: {  	[dreg:$0x0] =	wrdreg $0x60  }
0xbd: {  	[dreg:$0x2] =	wrdreg s24  }
0xbe: {  	[dreg:$0x3] =	wrdreg $0x0  }
0xbf: {  	[dreg:$0x4] =	wrdreg $0xC  }
0xc0: {  	_ =	task.clear_ibuf [dreg:s22], $0x5FFFF;
	_ =	strace $0x90000058  }
0xc1: {  	s29 =	simm.s32 $0xC;
	_ =	strace $0x8000005A  }
0xc2: {  	_ =	swait.ge [sflag:s29], $0x1  }
0xc3: {  	[sflag:s29] =	ssyncadd.s32 $0xFFFFFFFF  }
0xc4: {  	_ =	strace $0x9000005A  }
0xc5: {  	_ =	sfence  }
0xc6: {  	s30 =	sld [smem:$0x0];
	_ =	sdelay $0x2  }
0xc7: {  	s31 =	sshll.u32 s1, $0xD;
	s1 =	sshrl.u32 s1, $0x2  }
0xc8: {  	s4 =	sand.u32 $0x4000, s31;
	s1 =	sadd.s32 s1, s30  }
0xc9: {  	s0 =	sor.u32 s4, s0;
	s1 =	sshll.u32 s1, $0x11  }
0xca: {  	s0 =	sor.u32 s1, s0  }
0xcb: {  	s0 =	sadd.s32 $0x8F2B, s0  }
0xcc: {  	[sflag:s0] =	ssyncadd.remote.s32 $0x1  }
0xcd: {  	_ =	sfence.sel $0xFFFF  }
0xce: {  	[dreg:$0x0] =	wrdreg $0xFFFFFFFF;
	(pc) =	sbr.abs _section_cstart, $3  }
0xcf: {  	[dreg:$0x1] =	wrdreg $0xFFFFFFFF  }
0xd0: {  	_ =	task.clear_ibuf [dreg:s22], $0x2FFFF;
	_ =	strace $0x9FFFFFFF  }
0xd1: {  	(tm) =	ssettm $0x7FFFFFFF  }
tec
execute0_lowered:
.L_overlay_start_1:
0x0: {  	(tag) =	ssettag $0x1  }
0x1: {  	s6 =	rddreg [dreg:$0x0]  }
0x2: {  	s0 =	srdreg.scid;
	s2 =	rddreg [dreg:$0x1]  }
0x3: {  	s3 =	simm.s32 $0x0;
	s16 =	simm.s32 $0x1A400;
	s17 =	simm.s32 $0x1  }
0x4: {  	s18 =	simm.s32 $0x80;
	s19 =	simm.s32 $0x2;
	s5 =	sand.u32 $0x1, s0  }
0x5: {  	s20 =	simm.s32 $0x16300;
	s0 =	stileid.u32;
	s8 =	smul.u32 $0x13C000, s5  }
0x6: {  	s21 =	simm.s32 $0x16380;
	s22 =	simm.s32 $0x0;
	s9 =	smul.u32 $0x13C00, s0  }
0x7: {  	[smem:$0x7FF] =	sst s3;
	s10 =	sadd.s32 $0x699200, s6;
	s12 =	smul.u32 $0x4F000, s0  }
0x8: {  	s1 =	sshll.u32 s5, $0x4;
	s25 =	ssub.s32 $0x2, s5;
	s30 =	smul.u32 $0x280000, s5  }
0x9: {  	s29 =	sshll.u32 s0, $0x6;
	s15 =	smul.u32 $0x28000, s0;
	s7 =	sor.u32 s0, s1  }
0xa: {  	s1 =	rddreg [dreg:$0x2];
	_ =	strace $0x80000059;
	s26 =	sshrl.u32 s25, $0x1  }
0xb: {  	s5 =	sor.u32 $0x1C03, s29;
	s4 =	smul.u32 $0x2800, s7;
	s24 =	sadd.s32 s9, s8  }
0xc: {  	s14 =	ssub.s32 s25, s26;
	s28 =	sshrl.u32 s12, $0x2;
	s7 =	smul.u32 $0x28000, s7  }
0xd: {  	s31 =	sadd.s32 s30, s10;
	s8 =	sshrl.u32 s24, $0x3;
	s12 =	sadd.s32 s28, s2  }
0xe: {  	s4 =	sshrl.u32 s4, $0x3;
	s13 =	sadd.s32 s8, s6;
	s12 =	sshrl.u32 s12, $0x3  }
0xf: {  	s11 =	sadd.s32 s4, s6;
	s4 =	sadd.s32 $0xBF200, s6;
	s6 =	sadd.s32 s10, s7  }
0x10: {  	s9 =	sadd.s32 $0xB99200, s13;
	s10 =	smax.u32 s14, $0x1;
	s13 =	simm.s32 $0x3  }
0x11: {  	s14 =	simm.s32 $0x13C00;
	s7 =	sadd.s32 $0xF200, s11;
	s11 =	sadd.s32 s15, s31  }
0x12: {  	s8 =	sadd.s32 $0x800, s6;
	s15 =	simm.s32 $0x16400;
	s11 =	sadd.s32 $0x1800, s11  }
.LBB2_1:
0x13: {  	[spmem:s12], [sflag:s5] =	dma.local [hbm:s4], $0x2780  }
0x14: {  	_ =	swait.ge [sflag:s13], $0x2780  }
0x15: {  	[sflag:s13] =	ssyncset.done $0x0  }
0x16: {  	[sflag:s13] =	ssyncadd.s32 $0xFFFFD880  }
0x17: {  	[bflag:$0x0] =	sbarrier.arrive $0xFFFF  }
0x18: {  	[tilespmem:s14], [sflag:$0x3] =	stream.linear.gather [hbm4b:s7+s3], $0x2800, $0x38;
	[tilespmem:$0x1E400] =	vst v63  }
0x19: {  	_ =	swait.ge [sflag:s13], $0x2800  }
0x1a: {  	[sflag:s13] =	ssyncset.done $0x0  }
0x1b: {  	[sflag:s13] =	ssyncadd.s32 $0xFFFFD800  }
0x1c: {  	[tilespmem:s15], [sflag:$0x1] =	stream.linear.gather [hbm4b:s6+s3], $0x4000, $0x38;
	[tilespmem:$0x1E400] =	vst v63  }
0x1d: {  	_ = 	snop  }
0x1e: {  	[tilespmem:s16], [sflag:$0x2] =	stream.linear.gather [hbm4b:s8+s3], $0x4000, $0x38;
	[tilespmem:$0x1E400] =	vst v63  }
0x1f: {  	_ =	swait.ge [sflag:s17], $0x4000  }
0x20: {  	[sflag:s17] =	ssyncset.done $0x0  }
0x21: {  	s23 =	simm.s32 $0x13C00;
	[sflag:s17] =	ssyncadd.s32 $0xFFFFC000  }
0x22: {  	[spmem:s2] =	stream.indirect.scatter.add.f32 [tilespmem:s15], [sflag:$0x3], $0x80, s23, s18, $0xb8;
	[tilespmem:$0x1E400] =	vst v63  }
0x23: {  	_ =	swait.ge [sflag:s13], $0x4000  }
0x24: {  	[sflag:s13] =	ssyncset.done $0x0  }
0x25: {  	s30 =	sadd.s32 $0xFFFFF800, s11;
	[sflag:s13] =	ssyncadd.s32 $0xFFFFC000  }
0x26: {  	[tilespmem:s15], [sflag:$0x1] =	stream.linear.gather [hbm4b:s30+s3], $0x4000, $0x38;
	[tilespmem:$0x1E400] =	vst v63  }
0x27: {  	_ =	swait.ge [sflag:s19], $0x4000  }
0x28: {  	[sflag:s19] =	ssyncset.done $0x0  }
0x29: {  	s31 =	simm.s32 $0x13C80;
	[sflag:s19] =	ssyncadd.s32 $0xFFFFC000  }
0x2a: {  	[spmem:s2] =	stream.indirect.scatter.add.f32 [tilespmem:s16], [sflag:$0x3], $0x80, s31, s18, $0xb8;
	[tilespmem:$0x1E400] =	vst v63  }
0x2b: {  	_ =	swait.ge [sflag:s13], $0x4000  }
0x2c: {  	s24 =	sadd.s32 $0x1000, s11;
	[sflag:s13] =	ssyncset.done $0x0  }
0x2d: {  	s25 =	smov.u32 s11;
	s23 =	simm.s32 $0x400;
	[sflag:s13] =	ssyncadd.s32 $0xFFFFC000  }
.LBB2_2:
0x2e: {  	[tilespmem:s16], [sflag:$0x2] =	stream.linear.gather [hbm4b:s25+s3], $0x4000, $0x38;
	[tilespmem:$0x1E400] =	vst v63  }
0x2f: {  	s26 =	smov.u32 s23;
	s25 =	smov.u32 s24  }
0x30: {  	p0 =	sne.s32 s23, $0x9800;
	s23 =	sadd.s32 $0x400, s23;
	_ =	swait.ge [sflag:s17], $0x4000  }
0x31: {  	s26 =	sshra.s32 s26, $0x2;
	[sflag:s17] =	ssyncset.done $0x0  }
0x32: {  	s28 =	sadd.s32 $0x13C00, s26;
	[sflag:s17] =	ssyncadd.s32 $0xFFFFC000  }
0x33: {  	[spmem:s2] =	stream.indirect.scatter.add.f32 [tilespmem:s15], [sflag:$0x3], $0x80, s28, s18, $0xb8;
	[tilespmem:$0x1E400] =	vst v63  }
0x34: {  	_ =	swait.ge [sflag:s13], $0x4000  }
0x35: {  	[sflag:s13] =	ssyncset.done $0x0  }
0x36: {  	s28 =	sadd.s32 $0xFFFFF800, s24;
	[sflag:s13] =	ssyncadd.s32 $0xFFFFC000  }
0x37: {  	[tilespmem:s15], [sflag:$0x1] =	stream.linear.gather [hbm4b:s28+s3], $0x4000, $0x38;
	[tilespmem:$0x1E400] =	vst v63  }
0x38: {  	_ =	swait.ge [sflag:s19], $0x4000  }
0x39: {  	[sflag:s19] =	ssyncset.done $0x0  }
.Ltmp0:
0x3a: {  	s26 =	sadd.s32 $0x13C80, s26;
	[sflag:s19] =	ssyncadd.s32 $0xFFFFC000;
	(pc) =	sbr.rel @p0 .LBB2_2-.Ltmp0, $4  }
0x3b: {  	[spmem:s2] =	stream.indirect.scatter.add.f32 [tilespmem:s16], [sflag:$0x3], $0x80, s26, s18, $0xb8;
	[tilespmem:$0x1E400] =	vst v63  }
0x3c: {  	_ =	swait.ge [sflag:s13], $0x4000  }
0x3d: {  	[sflag:s13] =	ssyncset.done $0x0  }
0x3e: {  	s24 =	sadd.s32 $0x1000, s24;
	[sflag:s13] =	ssyncadd.s32 $0xFFFFC000  }
0x3f: {  	[tilespmem:s16], [sflag:$0x2] =	stream.linear.gather [hbm4b:s25+s3], $0x4000, $0x38;
	[tilespmem:$0x1E400] =	vst v63  }
0x40: {  	_ =	swait.ge [sflag:s17], $0x4000  }
0x41: {  	[sflag:s17] =	ssyncset.done $0x0  }
0x42: {  	[sflag:s17] =	ssyncadd.s32 $0xFFFFC000  }
0x43: {  	[spmem:s2] =	stream.indirect.scatter.add.f32 [tilespmem:s15], [sflag:$0x3], $0x80, s20, s18, $0xb8;
	[tilespmem:$0x1E400] =	vst v63  }
0x44: {  	_ =	swait.ge [sflag:s13], $0x4000  }
0x45: {  	[sflag:s13] =	ssyncset.done $0x0  }
0x46: {  	[sflag:s13] =	ssyncadd.s32 $0xFFFFC000  }
0x47: {  	_ =	swait.ge [sflag:s19], $0x4000  }
0x48: {  	[sflag:s19] =	ssyncset.done $0x0  }
0x49: {  	[sflag:s19] =	ssyncadd.s32 $0xFFFFC000  }
0x4a: {  	[spmem:s2] =	stream.indirect.scatter.add.f32 [tilespmem:s16], [sflag:$0x3], $0x80, s21, s18, $0xb8;
	[tilespmem:$0x1E400] =	vst v63  }
0x4b: {  	_ =	swait.ge [sflag:s13], $0x4000  }
0x4c: {  	s22 =	sadd.s32 $0x1, s22;
	[sflag:s13] =	ssyncset.done $0x0  }
0x4d: {  	p0 =	sne.s32 s22, s10;
	[sflag:s13] =	ssyncadd.s32 $0xFFFFC000  }
.Ltmp1:
0x4e: {  	[bflag:$0x0] =	sbarrier.arrive $0xFFFF;
	(pc) =	sbr.rel @p0 .LBB2_1-.Ltmp1, $4  }
0x4f: {  	[hbm:s9], [sflag:s5] =	dma.local [spmem:s12], $0x2780  }
0x50: {  	_ =	swait.ge [sflag:s13], $0x2780  }
0x51: {  	[sflag:s13] =	ssyncset.done $0x0  }
0x52: {  	[sflag:s13] =	ssyncadd.s32 $0xFFFFD880  }
0x53: {  	_ =	sfence.sel $0x180000  }
0x54: {  	[bflag:$0x0] =	sbarrier.arrive $0xFFFF  }
0x55: {  	p0 =	sne.s32 s0, $0x0;
	_ =	strace $0x90000059  }
0x56: {  	s0 =	sadd.s32 @!p0 $0x100000, s1;
	[bflag:$0x2] =	sbarrier.arrive $0xFFFF  }
0x57: {  	[sflag:s0] =	ssyncadd.tile.s32 @!p0 $0x1;
	_ =	shalt  }
.Lfunc_end2:
_tile_overlayer_lowered:
.L_overlay_start_2:
0x58: {  	(tag) =	ssettag $0x2  }
0x59: {  	s0 =	rddreg [dreg:$0x0];
	s2 =	stileid.u32  }
0x5a: {  	s1 =	rddreg [dreg:$0x1];
	p0 =	sne.s32 s2, $0x0  }
0x5b: {  	s3 =	rddreg [dreg:$0x2];
	[bflag:$0x3] =	sbarrier.arrive $0xFFFF;
	s2 =	simm.s32 @!p0 $0x1C03  }
0x5c: {  	[timem:s3], [sflag:s2] =	dma.local @!p0 [hbm:s0], s1  }
0x5d: {  	s0 =	simm.s32 @!p0 $0x3  }
0x5e: {  	_ =	swait.ge @!p0 [sflag:s0], s1  }
0x5f: {  	s1 =	ssub.s32 @!p0 $0x0, s1;
	[sflag:s0] =	ssyncset.done @!p0 $0x0  }
0x60: {  	[sflag:s0] =	ssyncadd.s32 @!p0 s1  }
0x61: {  	[bflag:$0x3] =	sbarrier.arrive $0xFFFF  }
0x62: {  	_ =	shalt  }

</sc_bundles>
